<compile_context>
chip_gen: v7x
topology: tpu7x:2x2x1
jax: 0.10.2.dev20260603
libtpu: 0.0.44.dev20260713+nightly
codegen_flags: <defaults>
</compile_context>

<pallas_src>
import functools
import jax
import jax.numpy as jnp
from jax import lax
from jax.experimental import pallas as pl
from jax.experimental.pallas import tpu as pltpu
from jax.experimental.pallas import tpu_sc as plsc

N = 10000
E = 320000
H = 128
G = 64
C = 10
EPS = 1e-5

NC = 2
NS = 16
NW = NC * NS
EPW = E // NW
KE = 80
NCE = 125
NPAIR = (NCE - 1) // 2
EPAD = NW * NCE * KE
KD = 2000
NCD = EPW // KD
NA = 10240
TR = NA // NS
NP = 10752
CH = 512


def _sc_mesh():
    return plsc.VectorSubcoreMesh(
        core_axis_name="c", subcore_axis_name="s",
        num_cores=NC, num_subcores=NS)


def _sc_deg_body(c_hbm, out_hbm, cidx, ones_v, acc):
    core = lax.axis_index("c")
    sid = lax.axis_index("s")
    w = core * NS + sid

    def zrow(i, _):
        ones_v[i, :] = jnp.zeros((16,), jnp.float32)
        return 0
    lax.fori_loop(0, TR, zrow, 0)
    pltpu.sync_copy(ones_v.at[pl.ds(0, TR)], acc.at[pl.ds(sid * TR, TR)])

    def orow(i, _):
        ones_v[i, :] = jnp.ones((16,), jnp.float32)
        return 0
    lax.fori_loop(0, KD, orow, 0)
    plsc.subcore_barrier()

    base = w * EPW

    def body(j, _):
        pltpu.sync_copy(c_hbm.at[pl.ds(base + j * KD, KD)], cidx)
        pltpu.sync_copy(ones_v, acc.at[cidx], add=True)
        return 0
    lax.fori_loop(0, NCD, body, 0)
    plsc.subcore_barrier()
    pltpu.sync_copy(acc.at[pl.ds(sid * TR, TR)],
                    out_hbm.at[core, pl.ds(sid * TR, TR)])


def _sc_edge_body(r_hbm, c_hbm, g_hbm, out_hbm, ridx, cidx,
                  rows0, rows1, acc, sem0, sem1):
    core = lax.axis_index("c")
    sid = lax.axis_index("s")
    w = core * NS + sid

    def zrow(i, _):
        for j in range(H // 16):
            rows0[i, pl.ds(j * 16, 16)] = jnp.zeros((16,), jnp.float32)
        return 0
    lax.fori_loop(0, KE, zrow, 0)
    off = 0
    while off < TR:
        step = min(KE, TR - off)
        pltpu.sync_copy(rows0.at[pl.ds(0, step)],
                        acc.at[pl.ds(sid * TR + off, step)])
        off += step
    plsc.subcore_barrier()

    pltpu.sync_copy(r_hbm.at[w, pl.ds(0, NCE)], ridx)
    pltpu.sync_copy(c_hbm.at[w, pl.ds(0, NCE)], cidx)

    def gather(j, buf, sem):
        pltpu.async_copy(g_hbm.at[ridx.at[j]], buf, sem)

    def gwait(buf, sem):
        pltpu.make_async_copy(g_hbm.at[ridx.at[0]], buf, sem).wait()

    gather(0, rows0, sem0)

    def body(p, _):
        j0 = 2 * p
        gwait(rows0, sem0)
        gather(j0 + 1, rows1, sem1)
        pltpu.sync_copy(rows0, acc.at[cidx.at[j0]], add=True)
        gwait(rows1, sem1)
        gather(j0 + 2, rows0, sem0)
        pltpu.sync_copy(rows1, acc.at[cidx.at[j0 + 1]], add=True)
        return 0
    lax.fori_loop(0, NPAIR, body, 0)
    gwait(rows0, sem0)
    pltpu.sync_copy(rows0, acc.at[cidx.at[NCE - 1]], add=True)
    plsc.subcore_barrier()
    pltpu.sync_copy(acc.at[pl.ds(sid * TR, TR)],
                    out_hbm.at[core, pl.ds(sid * TR, TR)])


@functools.cache
def _get_sc_deg():
    return pl.kernel(
        _sc_deg_body,
        out_type=jax.ShapeDtypeStruct((NC, NA, 16), jnp.float32),
        mesh=_sc_mesh(),
        compiler_params=pltpu.CompilerParams(use_tc_tiling_on_sc=False),
        scratch_types=[
            pltpu.VMEM((KD,), jnp.int32),
            pltpu.VMEM((KD, 16), jnp.float32),
            pltpu.VMEM_SHARED((NA, 16), jnp.float32),
        ],
    )


@functools.cache
def _get_sc_edge():
    return pl.kernel(
        _sc_edge_body,
        out_type=jax.ShapeDtypeStruct((NC, NA, H), jnp.float32),
        mesh=_sc_mesh(),
        compiler_params=pltpu.CompilerParams(use_tc_tiling_on_sc=False),
        scratch_types=[
            pltpu.VMEM((NCE, KE), jnp.int32),
            pltpu.VMEM((NCE, KE), jnp.int32),
            pltpu.VMEM((KE, H), jnp.float32),
            pltpu.VMEM((KE, H), jnp.float32),
            pltpu.VMEM_SHARED((NA, H), jnp.float32),
            pltpu.SemaphoreType.DMA,
            pltpu.SemaphoreType.DMA,
        ],
    )


def _sc_deg(c):
    return _get_sc_deg()(c)


def _sc_edge(r3, c3, g):
    return _get_sc_edge()(r3, c3, g)



_HI = lax.Precision.DEFAULT
_LO = lax.Precision.DEFAULT


def _dinv_from(dp_ref):
    d0 = dp_ref[0]
    d1 = dp_ref[1]
    return lax.rsqrt(1.0 + d0[:N, 0:1] + d1[:N, 0:1])


def _tc_mm_body(x_ref, w_ref, o_ref):
    o_ref[...] = lax.dot(x_ref[...], w_ref[...], precision=_HI)


def _tc_scale_body(hw_ref, dp_ref, g_ref):
    g_ref[...] = _dinv_from(dp_ref) * hw_ref[...]


def _mk_g1(interpret=False):
    mm = pl.pallas_call(
        _tc_mm_body,
        out_shape=jax.ShapeDtypeStruct((N, H), jnp.float32),
        interpret=interpret,
    )
    scale = pl.pallas_call(
        _tc_scale_body,
        out_shape=jax.ShapeDtypeStruct((N, H), jnp.float32),
        interpret=interpret,
    )

    def g1(x, w, dp):
        return scale(mm(x, w), dp)
    return g1


_tc_g1 = _mk_g1()


def _leaky(v):
    return jnp.where(v > 0, v, 0.01 * v)


RB = 1000
NRB = N // RB


def _ln_stats(dp_ref, accp_ref, g_ref, b_ref, batch_ref, hs_ref, blk_dinv, blk_oh):
    def blk1(i, carry):
        s1, s2, cnt = carry
        r0 = pl.multiple_of(i * RB, 8)
        a = accp_ref[0, pl.ds(r0, RB), :] + accp_ref[1, pl.ds(r0, RB), :]
        out = blk_dinv(i) * (a + g_ref[pl.ds(r0, RB), :]) + b_ref[...]
        hs_ref[pl.ds(r0, RB), :] = out
        oh = blk_oh(i)
        dn = (((0,), (0,)), ((), ()))
        s1 = s1 + lax.dot_general(oh, out, dn, precision=_LO)
        s2 = s2 + lax.dot_general(oh, out * out, dn, precision=_LO)
        cnt = cnt + lax.dot_general(oh, jnp.ones((RB, 1), jnp.float32), dn,
                                    precision=_LO)
        return s1, s2, cnt

    z = jnp.zeros((G, H), jnp.float32)
    s1, s2, cnt = lax.fori_loop(
        0, NRB, blk1, (z, z, jnp.zeros((G, 1), jnp.float32)))
    cntf = jnp.maximum(cnt * H, 1.0)
    mean = jnp.sum(s1, axis=1, keepdims=True) / cntf
    sq = jnp.sum(s2, axis=1, keepdims=True) / cntf
    var = jnp.maximum(sq - mean * mean, 0.0)
    rsig = lax.rsqrt(var + EPS)
    return jnp.concatenate([mean, rsig], axis=1), cnt


def _mk_blk_helpers(dp_ref, batch_ref):
    def blk_dinv(i):
        r0 = pl.multiple_of(i * RB, 8)
        d0 = dp_ref[0, pl.ds(r0, RB), :]
        d1 = dp_ref[1, pl.ds(r0, RB), :]
        return lax.rsqrt(1.0 + d0[:, 0:1] + d1[:, 0:1])

    def blk_oh(i):
        r0 = pl.multiple_of(i * RB, 8)
        bb = batch_ref[pl.ds(r0, RB), :]
        return (bb == lax.broadcasted_iota(jnp.int32, (RB, G), 1)
                ).astype(jnp.float32)
    return blk_dinv, blk_oh


def _gmp_from(hs_ref, gmp_ref, starts_ref):
    def graph_body(gi, _):
        start = starts_ref[gi]
        num = starts_ref[gi + 1] - start
        nch = (num + CH - 1) // CH

        def chunk_body(kk, m):
            astart = ((start + kk * CH) // 8) * 8
            astart = pl.multiple_of(astart, 8)
            win = hs_ref[pl.ds(astart, CH + 8), :]
            ridx = astart + lax.broadcasted_iota(jnp.int32, (CH + 8, 1), 0)
            lo = start + kk * CH
            hi = start + jnp.minimum((kk + 1) * CH, num)
            valid = (ridx >= lo) & (ridx < hi)
            vals = jnp.where(valid, win, -jnp.inf)
            return jnp.maximum(m, jnp.max(vals, axis=0, keepdims=True))

        m = lax.fori_loop(0, nch, chunk_body, jnp.full((1, H), -jnp.inf))
        m = jnp.where(num > 0, m, jnp.zeros((1, H), jnp.float32))
        gmp_ref[pl.ds(gi, 1), :] = m
        return 0
    lax.fori_loop(0, G, graph_body, 0)


def _post_mid_body(dp_ref, accp_ref, g_ref, b_ref, nw_ref, nb_ref,
                   batch_ref, wa_ref, o0_ref, o1_ref, hs_ref):
    blk_dinv, blk_oh = _mk_blk_helpers(dp_ref, batch_ref)
    stats, _ = _ln_stats(dp_ref, accp_ref, g_ref, b_ref, batch_ref, hs_ref,
                         blk_dinv, blk_oh)

    def blk2(i, _):
        r0 = pl.multiple_of(i * RB, 8)
        out = hs_ref[pl.ds(r0, RB), :]
        oh = blk_oh(i)
        nst = lax.dot_general(oh, stats, (((1,), (0,)), ((), ())),
                              precision=_LO)
        xn = (out - nst[:, 0:1]) * nst[:, 1:2] * nw_ref[...] + nb_ref[...]
        h = _leaky(xn)
        o1_ref[pl.ds(r0, RB), :] = h
        o0_ref[pl.ds(r0, RB), :] = blk_dinv(i) * lax.dot(
            h, wa_ref[...], precision=_HI)
        return 0
    lax.fori_loop(0, NRB, blk2, 0)


def _pool_body(h_ref, batch_ref, starts_ref, xr_ref, o_ref, hs_ref, gmp_ref):
    _, blk_oh = _mk_blk_helpers(None, batch_ref)

    def blk(i, carry):
        gs, cnt = carry
        r0 = pl.multiple_of(i * RB, 8)
        h = h_ref[pl.ds(r0, RB), :]
        hs_ref[pl.ds(r0, RB), :] = h
        oh = blk_oh(i)
        dn = (((0,), (0,)), ((), ()))
        gs = gs + lax.dot_general(oh, h, dn, precision=_LO)
        cnt = cnt + lax.dot_general(oh, jnp.ones((RB, 1), jnp.float32), dn,
                                    precision=_LO)
        return gs, cnt

    gs, cnt = lax.fori_loop(
        0, NRB, blk,
        (jnp.zeros((G, H), jnp.float32), jnp.zeros((G, 1), jnp.float32)))
    gap = gs / jnp.maximum(cnt, 1.0)
    _gmp_from(hs_ref, gmp_ref, starts_ref)
    o_ref[...] = jnp.concatenate([gmp_ref[...], gap], axis=1) + xr_ref[...]


def _post_last_body(dp_ref, accp_ref, g_ref, b_ref, nw_ref, nb_ref,
                    batch_ref, starts_ref, xr_ref, wa_ref, wb_ref, wc_ref,
                    ba_ref, bb_ref, bc_ref, o0_ref, hs_ref, gmp_ref):
    blk_dinv, blk_oh = _mk_blk_helpers(dp_ref, batch_ref)
    stats, cnt = _ln_stats(dp_ref, accp_ref, g_ref, b_ref, batch_ref, hs_ref,
                           blk_dinv, blk_oh)

    def blk2(i, gs):
        r0 = pl.multiple_of(i * RB, 8)
        out = hs_ref[pl.ds(r0, RB), :]
        oh = blk_oh(i)
        nst = lax.dot_general(oh, stats, (((1,), (0,)), ((), ())),
                              precision=_LO)
        xn = (out - nst[:, 0:1]) * nst[:, 1:2] * nw_ref[...] + nb_ref[...]
        h = _leaky(xn)
        hs_ref[pl.ds(r0, RB), :] = h
        return gs + lax.dot_general(oh, h, (((0,), (0,)), ((), ())),
                                    precision=_LO)

    gs = lax.fori_loop(0, NRB, blk2, jnp.zeros((G, H), jnp.float32))
    gap = gs / jnp.maximum(cnt, 1.0)
    _gmp_from(hs_ref, gmp_ref, starts_ref)
    xp = jnp.concatenate([gmp_ref[...], gap], axis=1) + xr_ref[...]

    z1 = _leaky(lax.dot(xp, wa_ref[...], precision=_HI) + ba_ref[...])
    z2 = _leaky(lax.dot(z1, wb_ref[...], precision=_HI) + bb_ref[...])
    logits = lax.dot(z2, wc_ref[...], precision=_HI) + bc_ref[...]
    colid = lax.broadcasted_iota(jnp.int32, (G, H), 1)
    lmask = colid < C
    lw = jnp.where(lmask, logits, -jnp.inf)
    mx = jnp.max(lw, axis=1, keepdims=True)
    ex = jnp.where(lmask, jnp.exp(lw - mx), 0.0)
    lse = jnp.log(jnp.sum(ex, axis=1, keepdims=True)) + mx
    o0_ref[...] = logits - lse


def _mk_post_mid(interpret=False):
    return pl.pallas_call(
        _post_mid_body,
        out_shape=[jax.ShapeDtypeStruct((N, H), jnp.float32),
                   jax.ShapeDtypeStruct((N, H), jnp.float32)],
        in_specs=[pl.BlockSpec(memory_space=pltpu.VMEM) for _ in range(8)],
        scratch_shapes=[pltpu.VMEM((NP, H), jnp.float32)],
        interpret=interpret,
    )


def _mk_pool(interpret=False):
    in_specs = [pl.BlockSpec(memory_space=pltpu.VMEM) for _ in range(4)]
    in_specs[2] = pl.BlockSpec(memory_space=pltpu.SMEM)
    return pl.pallas_call(
        _pool_body,
        out_shape=jax.ShapeDtypeStruct((G, 2 * H), jnp.float32),
        in_specs=in_specs,
        scratch_shapes=[pltpu.VMEM((NP, H), jnp.float32),
                        pltpu.VMEM((G, H), jnp.float32)],
        interpret=interpret,
    )


def _mk_post_last(interpret=False):
    in_specs = [pl.BlockSpec(memory_space=pltpu.VMEM) for _ in range(15)]
    in_specs[7] = pl.BlockSpec(memory_space=pltpu.SMEM)
    return pl.pallas_call(
        _post_last_body,
        out_shape=jax.ShapeDtypeStruct((G, H), jnp.float32),
        in_specs=in_specs,
        scratch_shapes=[pltpu.VMEM((NP, H), jnp.float32),
                        pltpu.VMEM((G, H), jnp.float32)],
        interpret=interpret,
    )


_post_mid = _mk_post_mid()
_pool = _mk_pool()
_post_last = _mk_post_last()


def kernel(x, edge_index, batch, conv1_W, conv1_b, conv2_W, conv2_b,
           conv3_W, conv3_b, n1_w, n1_b, n2_w, n2_b, n3_w, n3_b,
           lin1_W, lin1_b, lin2_W, lin2_b, lin3_W, lin3_b):
    r = edge_index[0]
    c = edge_index[1]
    rp = jnp.concatenate(
        [r, jnp.zeros((EPAD - E,), jnp.int32)])
    cp = jnp.concatenate(
        [c, jnp.full((EPAD - E,), NA - 1, jnp.int32)])
    r3 = rp.reshape(NW, NCE, KE)
    c3 = cp.reshape(NW, NCE, KE)
    batch2 = batch.astype(jnp.int32).reshape(N, 1)
    starts = jnp.searchsorted(
        batch, jnp.arange(G + 1, dtype=batch.dtype)).astype(jnp.int32)

    degp = _sc_deg(c)

    g1 = _tc_g1(x, conv1_W, degp)
    acc1 = _sc_edge(r3, c3, g1)

    xr0 = jnp.zeros((G, 2 * H), jnp.float32)
    g2, h1 = _post_mid(degp, acc1, g1, conv1_b.reshape(1, H),
                       n1_w.reshape(1, H), n1_b.reshape(1, H), batch2,
                       conv2_W)
    acc2 = _sc_edge(r3, c3, g2)
    xr1 = _pool(h1, batch2, starts, xr0)

    g3, h2 = _post_mid(degp, acc2, g2, conv2_b.reshape(1, H),
                       n2_w.reshape(1, H), n2_b.reshape(1, H), batch2,
                       conv3_W)
    acc3 = _sc_edge(r3, c3, g3)
    xr2 = _pool(h2, batch2, starts, xr1)

    lin3p = jnp.zeros((H // 2, H), jnp.float32).at[:, :C].set(lin3_W)
    lb3p = jnp.zeros((1, H), jnp.float32).at[:, :C].set(lin3_b.reshape(1, C))
    lb2p = lin2_b.reshape(1, H // 2)
    outp = _post_last(degp, acc3, g3, conv3_b.reshape(1, H),
                      n3_w.reshape(1, H), n3_b.reshape(1, H), batch2,
                      starts, xr2, lin1_W, lin2_W, lin3p,
                      lin1_b.reshape(1, H), lb2p, lb3p)
    return outp[:, :C]

# --- scband reference (transcript-rebuilt; emitter-appended) ---
"""Pipeline reference for scband-bench-gnn-hierarchical-49881750176017 (READ-ONLY COPY).

The authoritative reference and input builder live on the scoring server;
editing this copy changes nothing except your own understanding.
"""

import jax, jax.numpy as jnp
import numpy as np

N = 10000; E = 320000; D = 128; H = 128; C = 10; G = 64
EPS = 1e-5

def _gcn_conv(x, row, col, W, b, n):
    sl = jnp.arange(n, dtype=row.dtype)
    r = jnp.concatenate([row, sl]); c = jnp.concatenate([col, sl])
    h = x @ W
    deg = jax.ops.segment_sum(jnp.ones(r.shape[0], jnp.float32), c, num_segments=n)
    dinv = jnp.where(deg > 0, jax.lax.rsqrt(jnp.maximum(deg, 1e-12)), 0.0)
    norm = dinv[r] * dinv[c]
    out = jax.ops.segment_sum(h[r] * norm[:, None], c, num_segments=n)
    return out + b

def _graph_layernorm(x, batch, w, b):
    f = x.shape[1]
    cnt = jax.ops.segment_sum(jnp.ones(x.shape[0], jnp.float32), batch, num_segments=G) * f
    cnt = jnp.maximum(cnt, 1.0)
    mean = jax.ops.segment_sum(x.sum(axis=1), batch, num_segments=G) / cnt
    sq = jax.ops.segment_sum((x * x).sum(axis=1), batch, num_segments=G) / cnt
    var = jnp.maximum(sq - mean * mean, 0.0)
    xn = (x - mean[batch][:, None]) * jax.lax.rsqrt(var[batch][:, None] + EPS)
    return xn * w + b

def _gmp(x, batch):
    m = jax.ops.segment_max(x, batch, num_segments=G)
    return jnp.where(jnp.isfinite(m), m, 0.0)

def _gap(x, batch):
    s = jax.ops.segment_sum(x, batch, num_segments=G)
    cnt = jnp.maximum(jax.ops.segment_sum(jnp.ones(x.shape[0], jnp.float32), batch, num_segments=G), 1.0)
    return s / cnt[:, None]

def setup_inputs(seed: int = 0):
    key = jax.random.key(seed)
    ks = jax.random.split(key, 12)
    inp = {}
    inp['x'] = jax.random.normal(ks[0], (N, D), dtype=jnp.float32)
    inp['edge_index'] = jax.random.randint(ks[1], (2, E), 0, N, dtype=jnp.int32)
    inp['batch'] = jnp.sort(jax.random.randint(ks[2], (N,), 0, G, dtype=jnp.int32))
    inp['conv1_W'] = jax.random.normal(ks[3], (D, H), jnp.float32) * 0.05
    inp['conv1_b'] = jnp.zeros((H,), jnp.float32)
    inp['conv2_W'] = jax.random.normal(ks[4], (H, H), jnp.float32) * 0.05
    inp['conv2_b'] = jnp.zeros((H,), jnp.float32)
    inp['conv3_W'] = jax.random.normal(ks[5], (H, H), jnp.float32) * 0.05
    inp['conv3_b'] = jnp.zeros((H,), jnp.float32)
    inp['n1_w'] = jnp.ones((H,), jnp.float32); inp['n1_b'] = jnp.zeros((H,), jnp.float32)
    inp['n2_w'] = jnp.ones((H,), jnp.float32); inp['n2_b'] = jnp.zeros((H,), jnp.float32)
    inp['n3_w'] = jnp.ones((H,), jnp.float32); inp['n3_b'] = jnp.zeros((H,), jnp.float32)
    inp['lin1_W'] = jax.random.normal(ks[6], (2 * H, H), jnp.float32) * 0.05
    inp['lin1_b'] = jnp.zeros((H,), jnp.float32)
    inp['lin2_W'] = jax.random.normal(ks[7], (H, H // 2), jnp.float32) * 0.05
    inp['lin2_b'] = jnp.zeros((H // 2,), jnp.float32)
    inp['lin3_W'] = jax.random.normal(ks[8], (H // 2, C), jnp.float32) * 0.05
    inp['lin3_b'] = jnp.zeros((C,), jnp.float32)
    return inp

def _forward(x, edge_index, batch, conv1_W, conv1_b, conv2_W, conv2_b, conv3_W, conv3_b, n1_w, n1_b, n2_w, n2_b, n3_w, n3_b, lin1_W, lin1_b, lin2_W, lin2_b, lin3_W, lin3_b):
    row, col = edge_index[0], edge_index[1]
    n = x.shape[0]
    h = _gcn_conv(x, row, col, conv1_W, conv1_b, n)
    h = _graph_layernorm(h, batch, n1_w, n1_b)
    h = jax.nn.leaky_relu(h)
    x1 = jnp.concatenate([_gmp(h, batch), _gap(h, batch)], axis=1)
    h = _gcn_conv(h, row, col, conv2_W, conv2_b, n)
    h = _graph_layernorm(h, batch, n2_w, n2_b)
    h = jax.nn.leaky_relu(h)
    x2 = jnp.concatenate([_gmp(h, batch), _gap(h, batch)], axis=1)
    h = _gcn_conv(h, row, col, conv3_W, conv3_b, n)
    h = _graph_layernorm(h, batch, n3_w, n3_b)
    h = jax.nn.leaky_relu(h)
    x3 = jnp.concatenate([_gmp(h, batch), _gap(h, batch)], axis=1)
    xr = x1 + x2 + x3
    xr = jax.nn.leaky_relu(xr @ lin1_W + lin1_b)
    xr = jax.nn.leaky_relu(xr @ lin2_W + lin2_b)
    return jax.nn.log_softmax(xr @ lin3_W + lin3_b, axis=-1)

def reference(x, edge_index, batch, conv1_W, conv1_b, conv2_W, conv2_b, conv3_W, conv3_b, n1_w, n1_b, n2_w, n2_b, n3_w, n3_b, lin1_W, lin1_b, lin2_W, lin2_b, lin3_W, lin3_b):
    return _forward(x, edge_index, batch, conv1_W, conv1_b, conv2_W, conv2_b, conv3_W, conv3_b, n1_w, n1_b, n2_w, n2_b, n3_w, n3_b, lin1_W, lin1_b, lin2_W, lin2_b, lin3_W, lin3_b)

if __name__ == "__main__":
    import jax
    _d = setup_inputs()
    print(jax.jit(kernel)(*tuple(_d.values())))

</pallas_src>

<mosaic_0001>
#map = affine_map<(d0, d1) -> (0, 0, 0)>
#map1 = affine_map<(d0, d1) -> (0, 0)>
module attributes {stable_mosaic.version = 14 : i64} {
  func.func @_sc_edge_body(%arg0: i32, %arg1: i32, %arg2: memref<32x125x80xi32, #tpu.memory_space<hbm>>, %arg3: memref<32x125x80xi32, #tpu.memory_space<hbm>>, %arg4: memref<10000x128xf32, #tpu.memory_space<hbm>>, %arg5: memref<2x10240x128xf32, #tpu.memory_space<hbm>>, %arg6: memref<125x80xi32, #tpu.memory_space<vmem>>, %arg7: memref<125x80xi32, #tpu.memory_space<vmem>>, %arg8: memref<80x128xf32, #tpu.memory_space<vmem>>, %arg9: memref<80x128xf32, #tpu.memory_space<vmem>>, %arg10: memref<10240x128xf32, #tpu.memory_space<vmem_shared>>, %arg11: memref<!tpu.dma_semaphore, #tpu.memory_space<semaphore_mem>>, %arg12: memref<!tpu.dma_semaphore, #tpu.memory_space<semaphore_mem>>) attributes {dimension_semantics = [#tpu.dimension_semantics<core_parallel>, #tpu.dimension_semantics<subcore_parallel>], iteration_bounds = array<i64: 2, 16>, scalar_prefetch = 0 : i64, scratch_operands = 7 : i64, tpu.core_type = #tpu.core_type<sc_vector_subcore>, window_params = [{transform_indices = #map}, {transform_indices = #map}, {transform_indices = #map1}, {transform_indices = #map}]} {
    %mul3A = arith.constant 16 : i32
    %mul3A_0 = arith.muli %arg0, %mul3A : i32
    %add3A = arith.addi %mul3A_0, %arg1 : i32
    %scan3A = arith.constant 0 : i32
    %scan3A_1 = arith.constant 0 : i32
    %scan3A_2 = arith.constant 80 : i32
    %scan3A_3 = arith.addi %scan3A_1, %scan3A_2 : i32
    %scan3A_4 = arith.constant 1 : i32
    %scan3A_5 = scf.for %scan3A_63 = %scan3A_1 to %scan3A_3 step %scan3A_4 iter_args(%scan3A_64 = %scan3A) -> (i32)  : i32 {
      %broadcast_in_dim3A = arith.constant 0.000000e+00 : f32
      %broadcast_in_dim3A_65 = vector.broadcast %broadcast_in_dim3A : f32 to vector<16xf32>
      %swap3A = arith.index_cast %scan3A_63 : i32 to index
      %swap3A_66 = arith.constant 0 : index
      %swap3A_67 = tpu.vector_load %arg8[%swap3A, %swap3A_66] {strides = array<i32>} : memref<80x128xf32, #tpu.memory_space<vmem>>, vector<1x16xf32>,
      %swap3A_68 = vector.shape_cast %swap3A_67 : vector<1x16xf32> to vector<16xf32>
      %swap3A_69 = vector.shape_cast %broadcast_in_dim3A_65 : vector<16xf32> to vector<1x16xf32>
      tpu.vector_store %arg8[%swap3A, %swap3A_66], %swap3A_69 {strides = array<i32>} : memref<80x128xf32, #tpu.memory_space<vmem>>, vector<1x16xf32>,
      %broadcast_in_dim3A_70 = arith.constant 0.000000e+00 : f32
      %broadcast_in_dim3A_71 = vector.broadcast %broadcast_in_dim3A_70 : f32 to vector<16xf32>
      %swap3A_72 = arith.index_cast %scan3A_63 : i32 to index
      %swap3A_73 = arith.constant 16 : index
      %swap3A_74 = tpu.vector_load %arg8[%swap3A_72, %swap3A_73] {strides = array<i32>} : memref<80x128xf32, #tpu.memory_space<vmem>>, vector<1x16xf32>,
      %swap3A_75 = vector.shape_cast %swap3A_74 : vector<1x16xf32> to vector<16xf32>
      %swap3A_76 = vector.shape_cast %broadcast_in_dim3A_71 : vector<16xf32> to vector<1x16xf32>
      tpu.vector_store %arg8[%swap3A_72, %swap3A_73], %swap3A_76 {strides = array<i32>} : memref<80x128xf32, #tpu.memory_space<vmem>>, vector<1x16xf32>,
      %broadcast_in_dim3A_77 = arith.constant 0.000000e+00 : f32
      %broadcast_in_dim3A_78 = vector.broadcast %broadcast_in_dim3A_77 : f32 to vector<16xf32>
      %swap3A_79 = arith.index_cast %scan3A_63 : i32 to index
      %swap3A_80 = arith.constant 32 : index
      %swap3A_81 = tpu.vector_load %arg8[%swap3A_79, %swap3A_80] {strides = array<i32>} : memref<80x128xf32, #tpu.memory_space<vmem>>, vector<1x16xf32>,
      %swap3A_82 = vector.shape_cast %swap3A_81 : vector<1x16xf32> to vector<16xf32>
      %swap3A_83 = vector.shape_cast %broadcast_in_dim3A_78 : vector<16xf32> to vector<1x16xf32>
      tpu.vector_store %arg8[%swap3A_79, %swap3A_80], %swap3A_83 {strides = array<i32>} : memref<80x128xf32, #tpu.memory_space<vmem>>, vector<1x16xf32>,
      %broadcast_in_dim3A_84 = arith.constant 0.000000e+00 : f32
      %broadcast_in_dim3A_85 = vector.broadcast %broadcast_in_dim3A_84 : f32 to vector<16xf32>
      %swap3A_86 = arith.index_cast %scan3A_63 : i32 to index
      %swap3A_87 = arith.constant 48 : index
      %swap3A_88 = tpu.vector_load %arg8[%swap3A_86, %swap3A_87] {strides = array<i32>} : memref<80x128xf32, #tpu.memory_space<vmem>>, vector<1x16xf32>,
      %swap3A_89 = vector.shape_cast %swap3A_88 : vector<1x16xf32> to vector<16xf32>
      %swap3A_90 = vector.shape_cast %broadcast_in_dim3A_85 : vector<16xf32> to vector<1x16xf32>
      tpu.vector_store %arg8[%swap3A_86, %swap3A_87], %swap3A_90 {strides = array<i32>} : memref<80x128xf32, #tpu.memory_space<vmem>>, vector<1x16xf32>,
      %broadcast_in_dim3A_91 = arith.constant 0.000000e+00 : f32
      %broadcast_in_dim3A_92 = vector.broadcast %broadcast_in_dim3A_91 : f32 to vector<16xf32>
      %swap3A_93 = arith.index_cast %scan3A_63 : i32 to index
      %swap3A_94 = arith.constant 64 : index
      %swap3A_95 = tpu.vector_load %arg8[%swap3A_93, %swap3A_94] {strides = array<i32>} : memref<80x128xf32, #tpu.memory_space<vmem>>, vector<1x16xf32>,
      %swap3A_96 = vector.shape_cast %swap3A_95 : vector<1x16xf32> to vector<16xf32>
      %swap3A_97 = vector.shape_cast %broadcast_in_dim3A_92 : vector<16xf32> to vector<1x16xf32>
      tpu.vector_store %arg8[%swap3A_93, %swap3A_94], %swap3A_97 {strides = array<i32>} : memref<80x128xf32, #tpu.memory_space<vmem>>, vector<1x16xf32>,
      %broadcast_in_dim3A_98 = arith.constant 0.000000e+00 : f32
      %broadcast_in_dim3A_99 = vector.broadcast %broadcast_in_dim3A_98 : f32 to vector<16xf32>
      %swap3A_100 = arith.index_cast %scan3A_63 : i32 to index
      %swap3A_101 = arith.constant 80 : index
      %swap3A_102 = tpu.vector_load %arg8[%swap3A_100, %swap3A_101] {strides = array<i32>} : memref<80x128xf32, #tpu.memory_space<vmem>>, vector<1x16xf32>,
      %swap3A_103 = vector.shape_cast %swap3A_102 : vector<1x16xf32> to vector<16xf32>
      %swap3A_104 = vector.shape_cast %broadcast_in_dim3A_99 : vector<16xf32> to vector<1x16xf32>
      tpu.vector_store %arg8[%swap3A_100, %swap3A_101], %swap3A_104 {strides = array<i32>} : memref<80x128xf32, #tpu.memory_space<vmem>>, vector<1x16xf32>,
      %broadcast_in_dim3A_105 = arith.constant 0.000000e+00 : f32
      %broadcast_in_dim3A_106 = vector.broadcast %broadcast_in_dim3A_105 : f32 to vector<16xf32>
      %swap3A_107 = arith.index_cast %scan3A_63 : i32 to index
      %swap3A_108 = arith.constant 96 : index
      %swap3A_109 = tpu.vector_load %arg8[%swap3A_107, %swap3A_108] {strides = array<i32>} : memref<80x128xf32, #tpu.memory_space<vmem>>, vector<1x16xf32>,
      %swap3A_110 = vector.shape_cast %swap3A_109 : vector<1x16xf32> to vector<16xf32>
      %swap3A_111 = vector.shape_cast %broadcast_in_dim3A_106 : vector<16xf32> to vector<1x16xf32>
      tpu.vector_store %arg8[%swap3A_107, %swap3A_108], %swap3A_111 {strides = array<i32>} : memref<80x128xf32, #tpu.memory_space<vmem>>, vector<1x16xf32>,
      %broadcast_in_dim3A_112 = arith.constant 0.000000e+00 : f32
      %broadcast_in_dim3A_113 = vector.broadcast %broadcast_in_dim3A_112 : f32 to vector<16xf32>
      %swap3A_114 = arith.index_cast %scan3A_63 : i32 to index
      %swap3A_115 = arith.constant 112 : index
      %swap3A_116 = tpu.vector_load %arg8[%swap3A_114, %swap3A_115] {strides = array<i32>} : memref<80x128xf32, #tpu.memory_space<vmem>>, vector<1x16xf32>,
      %swap3A_117 = vector.shape_cast %swap3A_116 : vector<1x16xf32> to vector<16xf32>
      %swap3A_118 = vector.shape_cast %broadcast_in_dim3A_113 : vector<16xf32> to vector<1x16xf32>
      tpu.vector_store %arg8[%swap3A_114, %swap3A_115], %swap3A_118 {strides = array<i32>} : memref<80x128xf32, #tpu.memory_space<vmem>>, vector<1x16xf32>,
      %scan3A_119 = arith.constant 0 : i32
      scf.yield %scan3A_119 : i32
    }
    %scan3A_6 = arith.constant 80 : i32
    %mul3A_7 = arith.constant 640 : i32
    %mul3A_8 = arith.muli %arg1, %mul3A_7 : i32
    %add3A_9 = arith.constant 0 : i32
    %add3A_10 = arith.addi %mul3A_8, %add3A_9 : i32
    "tpu.region"() ({
      %run_scoped3A_63 = tpu.sem_alloc : memref<!tpu.dma_semaphore, #tpu.memory_space<semaphore_mem>>
      %dma_start3A_64 = arith.constant 0 : i32
      %dma_start3A_65 = arith.constant 0 : i32
      %dma_start3A_66 = tpu.memref_slice %arg8[%dma_start3A_64, %dma_start3A_65] : memref<80x128xf32, #tpu.memory_space<vmem>> -> memref<80x128xf32, #tpu.memory_space<vmem>>
      %dma_start3A_67 = arith.constant 0 : i32
      %dma_start3A_68 = tpu.memref_slice %arg10[%add3A_10, %dma_start3A_67] : memref<10240x128xf32, #tpu.memory_space<vmem_shared>> -> memref<80x128xf32, #tpu.memory_space<vmem_shared>>
      %dma_start3A_69 = arith.constant 0 : i32
      %dma_start3A_70 = tpu.memref_slice %arg10[%add3A_10, %dma_start3A_69] : memref<10240x128xf32, #tpu.memory_space<vmem_shared>> -> memref<80x128xf32, #tpu.memory_space<vmem_shared>>
      %dma_start3A_71 = arith.constant 0 : i32
      %dma_start3A_72 = arith.constant 0 : i32
      %dma_start3A_73 = tpu.memref_slice %arg8[%dma_start3A_71, %dma_start3A_72] : memref<80x128xf32, #tpu.memory_space<vmem>> -> memref<80x128xf32, #tpu.memory_space<vmem>>
      tpu.enqueue_dma source(%dma_start3A_73 : memref<80x128xf32, #tpu.memory_space<vmem>>) target(%dma_start3A_70 : memref<80x128xf32, #tpu.memory_space<vmem_shared>>) target_semaphore(%run_scoped3A_63 : memref<!tpu.dma_semaphore, #tpu.memory_space<semaphore_mem>>)
      %dma_wait3A_74 = arith.constant 0 : i32
      %dma_wait3A_75 = arith.constant 0 : i32
      %dma_wait3A_76 = tpu.memref_slice %arg8[%dma_wait3A_74, %dma_wait3A_75] : memref<80x128xf32, #tpu.memory_space<vmem>> -> memref<80x128xf32, #tpu.memory_space<vmem>>
      %dma_wait3A_77 = arith.constant 0 : i32
      %dma_wait3A_78 = tpu.memref_slice %arg10[%add3A_10, %dma_wait3A_77] : memref<10240x128xf32, #tpu.memory_space<vmem_shared>> -> memref<80x128xf32, #tpu.memory_space<vmem_shared>>
      %dma_wait3A_79 = arith.constant 0 : i32
      %dma_wait3A_80 = tpu.memref_slice %arg10[%add3A_10, %dma_wait3A_79] : memref<10240x128xf32, #tpu.memory_space<vmem_shared>> -> memref<80x128xf32, #tpu.memory_space<vmem_shared>>
      %dma_wait3A_81 = arith.constant 0 : i32
      %dma_wait3A_82 = arith.constant 0 : i32
      %dma_wait3A_83 = tpu.memref_slice %arg8[%dma_wait3A_81, %dma_wait3A_82] : memref<80x128xf32, #tpu.memory_space<vmem>> -> memref<80x128xf32, #tpu.memory_space<vmem>>
      tpu.wait_dma2 semaphore(%run_scoped3A_63 : memref<!tpu.dma_semaphore, #tpu.memory_space<semaphore_mem>>) src(%dma_wait3A_83 : memref<80x128xf32, #tpu.memory_space<vmem>>) dst(%dma_wait3A_80 : memref<80x128xf32, #tpu.memory_space<vmem_shared>>)
      tpu.yield
    }) : () -> ()
    %mul3A_11 = arith.constant 640 : i32
    %mul3A_12 = arith.muli %arg1, %mul3A_11 : i32
    %add3A_13 = arith.constant 80 : i32
    %add3A_14 = arith.addi %mul3A_12, %add3A_13 : i32
    "tpu.region"() ({
      %run_scoped3A_63 = tpu.sem_alloc : memref<!tpu.dma_semaphore, #tpu.memory_space<semaphore_mem>>
      %dma_start3A_64 = arith.constant 0 : i32
      %dma_start3A_65 = arith.constant 0 : i32
      %dma_start3A_66 = tpu.memref_slice %arg8[%dma_start3A_64, %dma_start3A_65] : memref<80x128xf32, #tpu.memory_space<vmem>> -> memref<80x128xf32, #tpu.memory_space<vmem>>
      %dma_start3A_67 = arith.constant 0 : i32
      %dma_start3A_68 = tpu.memref_slice %arg10[%add3A_14, %dma_start3A_67] : memref<10240x128xf32, #tpu.memory_space<vmem_shared>> -> memref<80x128xf32, #tpu.memory_space<vmem_shared>>
      %dma_start3A_69 = arith.constant 0 : i32
      %dma_start3A_70 = tpu.memref_slice %arg10[%add3A_14, %dma_start3A_69] : memref<10240x128xf32, #tpu.memory_space<vmem_shared>> -> memref<80x128xf32, #tpu.memory_space<vmem_shared>>
      %dma_start3A_71 = arith.constant 0 : i32
      %dma_start3A_72 = arith.constant 0 : i32
      %dma_start3A_73 = tpu.memref_slice %arg8[%dma_start3A_71, %dma_start3A_72] : memref<80x128xf32, #tpu.memory_space<vmem>> -> memref<80x128xf32, #tpu.memory_space<vmem>>
      tpu.enqueue_dma source(%dma_start3A_73 : memref<80x128xf32, #tpu.memory_space<vmem>>) target(%dma_start3A_70 : memref<80x128xf32, #tpu.memory_space<vmem_shared>>) target_semaphore(%run_scoped3A_63 : memref<!tpu.dma_semaphore, #tpu.memory_space<semaphore_mem>>)
      %dma_wait3A_74 = arith.constant 0 : i32
      %dma_wait3A_75 = arith.constant 0 : i32
      %dma_wait3A_76 = tpu.memref_slice %arg8[%dma_wait3A_74, %dma_wait3A_75] : memref<80x128xf32, #tpu.memory_space<vmem>> -> memref<80x128xf32, #tpu.memory_space<vmem>>
      %dma_wait3A_77 = arith.constant 0 : i32
      %dma_wait3A_78 = tpu.memref_slice %arg10[%add3A_14, %dma_wait3A_77] : memref<10240x128xf32, #tpu.memory_space<vmem_shared>> -> memref<80x128xf32, #tpu.memory_space<vmem_shared>>
      %dma_wait3A_79 = arith.constant 0 : i32
      %dma_wait3A_80 = tpu.memref_slice %arg10[%add3A_14, %dma_wait3A_79] : memref<10240x128xf32, #tpu.memory_space<vmem_shared>> -> memref<80x128xf32, #tpu.memory_space<vmem_shared>>
      %dma_wait3A_81 = arith.constant 0 : i32
      %dma_wait3A_82 = arith.constant 0 : i32
      %dma_wait3A_83 = tpu.memref_slice %arg8[%dma_wait3A_81, %dma_wait3A_82] : memref<80x128xf32, #tpu.memory_space<vmem>> -> memref<80x128xf32, #tpu.memory_space<vmem>>
      tpu.wait_dma2 semaphore(%run_scoped3A_63 : memref<!tpu.dma_semaphore, #tpu.memory_space<semaphore_mem>>) src(%dma_wait3A_83 : memref<80x128xf32, #tpu.memory_space<vmem>>) dst(%dma_wait3A_80 : memref<80x128xf32, #tpu.memory_space<vmem_shared>>)
      tpu.yield
    }) : () -> ()
    %mul3A_15 = arith.constant 640 : i32
    %mul3A_16 = arith.muli %arg1, %mul3A_15 : i32
    %add3A_17 = arith.constant 160 : i32
    %add3A_18 = arith.addi %mul3A_16, %add3A_17 : i32
    "tpu.region"() ({
      %run_scoped3A_63 = tpu.sem_alloc : memref<!tpu.dma_semaphore, #tpu.memory_space<semaphore_mem>>
      %dma_start3A_64 = arith.constant 0 : i32
      %dma_start3A_65 = arith.constant 0 : i32
      %dma_start3A_66 = tpu.memref_slice %arg8[%dma_start3A_64, %dma_start3A_65] : memref<80x128xf32, #tpu.memory_space<vmem>> -> memref<80x128xf32, #tpu.memory_space<vmem>>
      %dma_start3A_67 = arith.constant 0 : i32
      %dma_start3A_68 = tpu.memref_slice %arg10[%add3A_18, %dma_start3A_67] : memref<10240x128xf32, #tpu.memory_space<vmem_shared>> -> memref<80x128xf32, #tpu.memory_space<vmem_shared>>
      %dma_start3A_69 = arith.constant 0 : i32
      %dma_start3A_70 = tpu.memref_slice %arg10[%add3A_18, %dma_start3A_69] : memref<10240x128xf32, #tpu.memory_space<vmem_shared>> -> memref<80x128xf32, #tpu.memory_space<vmem_shared>>
      %dma_start3A_71 = arith.constant 0 : i32
      %dma_start3A_72 = arith.constant 0 : i32
      %dma_start3A_73 = tpu.memref_slice %arg8[%dma_start3A_71, %dma_start3A_72] : memref<80x128xf32, #tpu.memory_space<vmem>> -> memref<80x128xf32, #tpu.memory_space<vmem>>
      tpu.enqueue_dma source(%dma_start3A_73 : memref<80x128xf32, #tpu.memory_space<vmem>>) target(%dma_start3A_70 : memref<80x128xf32, #tpu.memory_space<vmem_shared>>) target_semaphore(%run_scoped3A_63 : memref<!tpu.dma_semaphore, #tpu.memory_space<semaphore_mem>>)
      %dma_wait3A_74 = arith.constant 0 : i32
      %dma_wait3A_75 = arith.constant 0 : i32
      %dma_wait3A_76 = tpu.memref_slice %arg8[%dma_wait3A_74, %dma_wait3A_75] : memref<80x128xf32, #tpu.memory_space<vmem>> -> memref<80x128xf32, #tpu.memory_space<vmem>>
      %dma_wait3A_77 = arith.constant 0 : i32
      %dma_wait3A_78 = tpu.memref_slice %arg10[%add3A_18, %dma_wait3A_77] : memref<10240x128xf32, #tpu.memory_space<vmem_shared>> -> memref<80x128xf32, #tpu.memory_space<vmem_shared>>
      %dma_wait3A_79 = arith.constant 0 : i32
      %dma_wait3A_80 = tpu.memref_slice %arg10[%add3A_18, %dma_wait3A_79] : memref<10240x128xf32, #tpu.memory_space<vmem_shared>> -> memref<80x128xf32, #tpu.memory_space<vmem_shared>>
      %dma_wait3A_81 = arith.constant 0 : i32
      %dma_wait3A_82 = arith.constant 0 : i32
      %dma_wait3A_83 = tpu.memref_slice %arg8[%dma_wait3A_81, %dma_wait3A_82] : memref<80x128xf32, #tpu.memory_space<vmem>> -> memref<80x128xf32, #tpu.memory_space<vmem>>
      tpu.wait_dma2 semaphore(%run_scoped3A_63 : memref<!tpu.dma_semaphore, #tpu.memory_space<semaphore_mem>>) src(%dma_wait3A_83 : memref<80x128xf32, #tpu.memory_space<vmem>>) dst(%dma_wait3A_80 : memref<80x128xf32, #tpu.memory_space<vmem_shared>>)
      tpu.yield
    }) : () -> ()
    %mul3A_19 = arith.constant 640 : i32
    %mul3A_20 = arith.muli %arg1, %mul3A_19 : i32
    %add3A_21 = arith.constant 240 : i32
    %add3A_22 = arith.addi %mul3A_20, %add3A_21 : i32
    "tpu.region"() ({
      %run_scoped3A_63 = tpu.sem_alloc : memref<!tpu.dma_semaphore, #tpu.memory_space<semaphore_mem>>
      %dma_start3A_64 = arith.constant 0 : i32
      %dma_start3A_65 = arith.constant 0 : i32
      %dma_start3A_66 = tpu.memref_slice %arg8[%dma_start3A_64, %dma_start3A_65] : memref<80x128xf32, #tpu.memory_space<vmem>> -> memref<80x128xf32, #tpu.memory_space<vmem>>
      %dma_start3A_67 = arith.constant 0 : i32
      %dma_start3A_68 = tpu.memref_slice %arg10[%add3A_22, %dma_start3A_67] : memref<10240x128xf32, #tpu.memory_space<vmem_shared>> -> memref<80x128xf32, #tpu.memory_space<vmem_shared>>
      %dma_start3A_69 = arith.constant 0 : i32
      %dma_start3A_70 = tpu.memref_slice %arg10[%add3A_22, %dma_start3A_69] : memref<10240x128xf32, #tpu.memory_space<vmem_shared>> -> memref<80x128xf32, #tpu.memory_space<vmem_shared>>
      %dma_start3A_71 = arith.constant 0 : i32
      %dma_start3A_72 = arith.constant 0 : i32
      %dma_start3A_73 = tpu.memref_slice %arg8[%dma_start3A_71, %dma_start3A_72] : memref<80x128xf32, #tpu.memory_space<vmem>> -> memref<80x128xf32, #tpu.memory_space<vmem>>
      tpu.enqueue_dma source(%dma_start3A_73 : memref<80x128xf32, #tpu.memory_space<vmem>>) target(%dma_start3A_70 : memref<80x128xf32, #tpu.memory_space<vmem_shared>>) target_semaphore(%run_scoped3A_63 : memref<!tpu.dma_semaphore, #tpu.memory_space<semaphore_mem>>)
      %dma_wait3A_74 = arith.constant 0 : i32
      %dma_wait3A_75 = arith.constant 0 : i32
      %dma_wait3A_76 = tpu.memref_slice %arg8[%dma_wait3A_74, %dma_wait3A_75] : memref<80x128xf32, #tpu.memory_space<vmem>> -> memref<80x128xf32, #tpu.memory_space<vmem>>
      %dma_wait3A_77 = arith.constant 0 : i32
      %dma_wait3A_78 = tpu.memref_slice %arg10[%add3A_22, %dma_wait3A_77] : memref<10240x128xf32, #tpu.memory_space<vmem_shared>> -> memref<80x128xf32, #tpu.memory_space<vmem_shared>>
      %dma_wait3A_79 = arith.constant 0 : i32
      %dma_wait3A_80 = tpu.memref_slice %arg10[%add3A_22, %dma_wait3A_79] : memref<10240x128xf32, #tpu.memory_space<vmem_shared>> -> memref<80x128xf32, #tpu.memory_space<vmem_shared>>
      %dma_wait3A_81 = arith.constant 0 : i32
      %dma_wait3A_82 = arith.constant 0 : i32
      %dma_wait3A_83 = tpu.memref_slice %arg8[%dma_wait3A_81, %dma_wait3A_82] : memref<80x128xf32, #tpu.memory_space<vmem>> -> memref<80x128xf32, #tpu.memory_space<vmem>>
      tpu.wait_dma2 semaphore(%run_scoped3A_63 : memref<!tpu.dma_semaphore, #tpu.memory_space<semaphore_mem>>) src(%dma_wait3A_83 : memref<80x128xf32, #tpu.memory_space<vmem>>) dst(%dma_wait3A_80 : memref<80x128xf32, #tpu.memory_space<vmem_shared>>)
      tpu.yield
    }) : () -> ()
    %mul3A_23 = arith.constant 640 : i32
    %mul3A_24 = arith.muli %arg1, %mul3A_23 : i32
    %add3A_25 = arith.constant 320 : i32
    %add3A_26 = arith.addi %mul3A_24, %add3A_25 : i32
    "tpu.region"() ({
      %run_scoped3A_63 = tpu.sem_alloc : memref<!tpu.dma_semaphore, #tpu.memory_space<semaphore_mem>>
      %dma_start3A_64 = arith.constant 0 : i32
      %dma_start3A_65 = arith.constant 0 : i32
      %dma_start3A_66 = tpu.memref_slice %arg8[%dma_start3A_64, %dma_start3A_65] : memref<80x128xf32, #tpu.memory_space<vmem>> -> memref<80x128xf32, #tpu.memory_space<vmem>>
      %dma_start3A_67 = arith.constant 0 : i32
      %dma_start3A_68 = tpu.memref_slice %arg10[%add3A_26, %dma_start3A_67] : memref<10240x128xf32, #tpu.memory_space<vmem_shared>> -> memref<80x128xf32, #tpu.memory_space<vmem_shared>>
      %dma_start3A_69 = arith.constant 0 : i32
      %dma_start3A_70 = tpu.memref_slice %arg10[%add3A_26, %dma_start3A_69] : memref<10240x128xf32, #tpu.memory_space<vmem_shared>> -> memref<80x128xf32, #tpu.memory_space<vmem_shared>>
      %dma_start3A_71 = arith.constant 0 : i32
      %dma_start3A_72 = arith.constant 0 : i32
      %dma_start3A_73 = tpu.memref_slice %arg8[%dma_start3A_71, %dma_start3A_72] : memref<80x128xf32, #tpu.memory_space<vmem>> -> memref<80x128xf32, #tpu.memory_space<vmem>>
      tpu.enqueue_dma source(%dma_start3A_73 : memref<80x128xf32, #tpu.memory_space<vmem>>) target(%dma_start3A_70 : memref<80x128xf32, #tpu.memory_space<vmem_shared>>) target_semaphore(%run_scoped3A_63 : memref<!tpu.dma_semaphore, #tpu.memory_space<semaphore_mem>>)
      %dma_wait3A_74 = arith.constant 0 : i32
      %dma_wait3A_75 = arith.constant 0 : i32
      %dma_wait3A_76 = tpu.memref_slice %arg8[%dma_wait3A_74, %dma_wait3A_75] : memref<80x128xf32, #tpu.memory_space<vmem>> -> memref<80x128xf32, #tpu.memory_space<vmem>>
      %dma_wait3A_77 = arith.constant 0 : i32
      %dma_wait3A_78 = tpu.memref_slice %arg10[%add3A_26, %dma_wait3A_77] : memref<10240x128xf32, #tpu.memory_space<vmem_shared>> -> memref<80x128xf32, #tpu.memory_space<vmem_shared>>
      %dma_wait3A_79 = arith.constant 0 : i32
      %dma_wait3A_80 = tpu.memref_slice %arg10[%add3A_26, %dma_wait3A_79] : memref<10240x128xf32, #tpu.memory_space<vmem_shared>> -> memref<80x128xf32, #tpu.memory_space<vmem_shared>>
      %dma_wait3A_81 = arith.constant 0 : i32
      %dma_wait3A_82 = arith.constant 0 : i32
      %dma_wait3A_83 = tpu.memref_slice %arg8[%dma_wait3A_81, %dma_wait3A_82] : memref<80x128xf32, #tpu.memory_space<vmem>> -> memref<80x128xf32, #tpu.memory_space<vmem>>
      tpu.wait_dma2 semaphore(%run_scoped3A_63 : memref<!tpu.dma_semaphore, #tpu.memory_space<semaphore_mem>>) src(%dma_wait3A_83 : memref<80x128xf32, #tpu.memory_space<vmem>>) dst(%dma_wait3A_80 : memref<80x128xf32, #tpu.memory_space<vmem_shared>>)
      tpu.yield
    }) : () -> ()
    %mul3A_27 = arith.constant 640 : i32
    %mul3A_28 = arith.muli %arg1, %mul3A_27 : i32
    %add3A_29 = arith.constant 400 : i32
    %add3A_30 = arith.addi %mul3A_28, %add3A_29 : i32
    "tpu.region"() ({
      %run_scoped3A_63 = tpu.sem_alloc : memref<!tpu.dma_semaphore, #tpu.memory_space<semaphore_mem>>
      %dma_start3A_64 = arith.constant 0 : i32
      %dma_start3A_65 = arith.constant 0 : i32
      %dma_start3A_66 = tpu.memref_slice %arg8[%dma_start3A_64, %dma_start3A_65] : memref<80x128xf32, #tpu.memory_space<vmem>> -> memref<80x128xf32, #tpu.memory_space<vmem>>
      %dma_start3A_67 = arith.constant 0 : i32
      %dma_start3A_68 = tpu.memref_slice %arg10[%add3A_30, %dma_start3A_67] : memref<10240x128xf32, #tpu.memory_space<vmem_shared>> -> memref<80x128xf32, #tpu.memory_space<vmem_shared>>
      %dma_start3A_69 = arith.constant 0 : i32
      %dma_start3A_70 = tpu.memref_slice %arg10[%add3A_30, %dma_start3A_69] : memref<10240x128xf32, #tpu.memory_space<vmem_shared>> -> memref<80x128xf32, #tpu.memory_space<vmem_shared>>
      %dma_start3A_71 = arith.constant 0 : i32
      %dma_start3A_72 = arith.constant 0 : i32
      %dma_start3A_73 = tpu.memref_slice %arg8[%dma_start3A_71, %dma_start3A_72] : memref<80x128xf32, #tpu.memory_space<vmem>> -> memref<80x128xf32, #tpu.memory_space<vmem>>
      tpu.enqueue_dma source(%dma_start3A_73 : memref<80x128xf32, #tpu.memory_space<vmem>>) target(%dma_start3A_70 : memref<80x128xf32, #tpu.memory_space<vmem_shared>>) target_semaphore(%run_scoped3A_63 : memref<!tpu.dma_semaphore, #tpu.memory_space<semaphore_mem>>)
      %dma_wait3A_74 = arith.constant 0 : i32
      %dma_wait3A_75 = arith.constant 0 : i32
      %dma_wait3A_76 = tpu.memref_slice %arg8[%dma_wait3A_74, %dma_wait3A_75] : memref<80x128xf32, #tpu.memory_space<vmem>> -> memref<80x128xf32, #tpu.memory_space<vmem>>
      %dma_wait3A_77 = arith.constant 0 : i32
      %dma_wait3A_78 = tpu.memref_slice %arg10[%add3A_30, %dma_wait3A_77] : memref<10240x128xf32, #tpu.memory_space<vmem_shared>> -> memref<80x128xf32, #tpu.memory_space<vmem_shared>>
      %dma_wait3A_79 = arith.constant 0 : i32
      %dma_wait3A_80 = tpu.memref_slice %arg10[%add3A_30, %dma_wait3A_79] : memref<10240x128xf32, #tpu.memory_space<vmem_shared>> -> memref<80x128xf32, #tpu.memory_space<vmem_shared>>
      %dma_wait3A_81 = arith.constant 0 : i32
      %dma_wait3A_82 = arith.constant 0 : i32
      %dma_wait3A_83 = tpu.memref_slice %arg8[%dma_wait3A_81, %dma_wait3A_82] : memref<80x128xf32, #tpu.memory_space<vmem>> -> memref<80x128xf32, #tpu.memory_space<vmem>>
      tpu.wait_dma2 semaphore(%run_scoped3A_63 : memref<!tpu.dma_semaphore, #tpu.memory_space<semaphore_mem>>) src(%dma_wait3A_83 : memref<80x128xf32, #tpu.memory_space<vmem>>) dst(%dma_wait3A_80 : memref<80x128xf32, #tpu.memory_space<vmem_shared>>)
      tpu.yield
    }) : () -> ()
    %mul3A_31 = arith.constant 640 : i32
    %mul3A_32 = arith.muli %arg1, %mul3A_31 : i32
    %add3A_33 = arith.constant 480 : i32
    %add3A_34 = arith.addi %mul3A_32, %add3A_33 : i32
    "tpu.region"() ({
      %run_scoped3A_63 = tpu.sem_alloc : memref<!tpu.dma_semaphore, #tpu.memory_space<semaphore_mem>>
      %dma_start3A_64 = arith.constant 0 : i32
      %dma_start3A_65 = arith.constant 0 : i32
      %dma_start3A_66 = tpu.memref_slice %arg8[%dma_start3A_64, %dma_start3A_65] : memref<80x128xf32, #tpu.memory_space<vmem>> -> memref<80x128xf32, #tpu.memory_space<vmem>>
      %dma_start3A_67 = arith.constant 0 : i32
      %dma_start3A_68 = tpu.memref_slice %arg10[%add3A_34, %dma_start3A_67] : memref<10240x128xf32, #tpu.memory_space<vmem_shared>> -> memref<80x128xf32, #tpu.memory_space<vmem_shared>>
      %dma_start3A_69 = arith.constant 0 : i32
      %dma_start3A_70 = tpu.memref_slice %arg10[%add3A_34, %dma_start3A_69] : memref<10240x128xf32, #tpu.memory_space<vmem_shared>> -> memref<80x128xf32, #tpu.memory_space<vmem_shared>>
      %dma_start3A_71 = arith.constant 0 : i32
      %dma_start3A_72 = arith.constant 0 : i32
      %dma_start3A_73 = tpu.memref_slice %arg8[%dma_start3A_71, %dma_start3A_72] : memref<80x128xf32, #tpu.memory_space<vmem>> -> memref<80x128xf32, #tpu.memory_space<vmem>>
      tpu.enqueue_dma source(%dma_start3A_73 : memref<80x128xf32, #tpu.memory_space<vmem>>) target(%dma_start3A_70 : memref<80x128xf32, #tpu.memory_space<vmem_shared>>) target_semaphore(%run_scoped3A_63 : memref<!tpu.dma_semaphore, #tpu.memory_space<semaphore_mem>>)
      %dma_wait3A_74 = arith.constant 0 : i32
      %dma_wait3A_75 = arith.constant 0 : i32
      %dma_wait3A_76 = tpu.memref_slice %arg8[%dma_wait3A_74, %dma_wait3A_75] : memref<80x128xf32, #tpu.memory_space<vmem>> -> memref<80x128xf32, #tpu.memory_space<vmem>>
      %dma_wait3A_77 = arith.constant 0 : i32
      %dma_wait3A_78 = tpu.memref_slice %arg10[%add3A_34, %dma_wait3A_77] : memref<10240x128xf32, #tpu.memory_space<vmem_shared>> -> memref<80x128xf32, #tpu.memory_space<vmem_shared>>
      %dma_wait3A_79 = arith.constant 0 : i32
      %dma_wait3A_80 = tpu.memref_slice %arg10[%add3A_34, %dma_wait3A_79] : memref<10240x128xf32, #tpu.memory_space<vmem_shared>> -> memref<80x128xf32, #tpu.memory_space<vmem_shared>>
      %dma_wait3A_81 = arith.constant 0 : i32
      %dma_wait3A_82 = arith.constant 0 : i32
      %dma_wait3A_83 = tpu.memref_slice %arg8[%dma_wait3A_81, %dma_wait3A_82] : memref<80x128xf32, #tpu.memory_space<vmem>> -> memref<80x128xf32, #tpu.memory_space<vmem>>
      tpu.wait_dma2 semaphore(%run_scoped3A_63 : memref<!tpu.dma_semaphore, #tpu.memory_space<semaphore_mem>>) src(%dma_wait3A_83 : memref<80x128xf32, #tpu.memory_space<vmem>>) dst(%dma_wait3A_80 : memref<80x128xf32, #tpu.memory_space<vmem_shared>>)
      tpu.yield
    }) : () -> ()
    %mul3A_35 = arith.constant 640 : i32
    %mul3A_36 = arith.muli %arg1, %mul3A_35 : i32
    %add3A_37 = arith.constant 560 : i32
    %add3A_38 = arith.addi %mul3A_36, %add3A_37 : i32
    "tpu.region"() ({
      %run_scoped3A_63 = tpu.sem_alloc : memref<!tpu.dma_semaphore, #tpu.memory_space<semaphore_mem>>
      %dma_start3A_64 = arith.constant 0 : i32
      %dma_start3A_65 = arith.constant 0 : i32
      %dma_start3A_66 = tpu.memref_slice %arg8[%dma_start3A_64, %dma_start3A_65] : memref<80x128xf32, #tpu.memory_space<vmem>> -> memref<80x128xf32, #tpu.memory_space<vmem>>
      %dma_start3A_67 = arith.constant 0 : i32
      %dma_start3A_68 = tpu.memref_slice %arg10[%add3A_38, %dma_start3A_67] : memref<10240x128xf32, #tpu.memory_space<vmem_shared>> -> memref<80x128xf32, #tpu.memory_space<vmem_shared>>
      %dma_start3A_69 = arith.constant 0 : i32
      %dma_start3A_70 = tpu.memref_slice %arg10[%add3A_38, %dma_start3A_69] : memref<10240x128xf32, #tpu.memory_space<vmem_shared>> -> memref<80x128xf32, #tpu.memory_space<vmem_shared>>
      %dma_start3A_71 = arith.constant 0 : i32
      %dma_start3A_72 = arith.constant 0 : i32
      %dma_start3A_73 = tpu.memref_slice %arg8[%dma_start3A_71, %dma_start3A_72] : memref<80x128xf32, #tpu.memory_space<vmem>> -> memref<80x128xf32, #tpu.memory_space<vmem>>
      tpu.enqueue_dma source(%dma_start3A_73 : memref<80x128xf32, #tpu.memory_space<vmem>>) target(%dma_start3A_70 : memref<80x128xf32, #tpu.memory_space<vmem_shared>>) target_semaphore(%run_scoped3A_63 : memref<!tpu.dma_semaphore, #tpu.memory_space<semaphore_mem>>)
      %dma_wait3A_74 = arith.constant 0 : i32
      %dma_wait3A_75 = arith.constant 0 : i32
      %dma_wait3A_76 = tpu.memref_slice %arg8[%dma_wait3A_74, %dma_wait3A_75] : memref<80x128xf32, #tpu.memory_space<vmem>> -> memref<80x128xf32, #tpu.memory_space<vmem>>
      %dma_wait3A_77 = arith.constant 0 : i32
      %dma_wait3A_78 = tpu.memref_slice %arg10[%add3A_38, %dma_wait3A_77] : memref<10240x128xf32, #tpu.memory_space<vmem_shared>> -> memref<80x128xf32, #tpu.memory_space<vmem_shared>>
      %dma_wait3A_79 = arith.constant 0 : i32
      %dma_wait3A_80 = tpu.memref_slice %arg10[%add3A_38, %dma_wait3A_79] : memref<10240x128xf32, #tpu.memory_space<vmem_shared>> -> memref<80x128xf32, #tpu.memory_space<vmem_shared>>
      %dma_wait3A_81 = arith.constant 0 : i32
      %dma_wait3A_82 = arith.constant 0 : i32
      %dma_wait3A_83 = tpu.memref_slice %arg8[%dma_wait3A_81, %dma_wait3A_82] : memref<80x128xf32, #tpu.memory_space<vmem>> -> memref<80x128xf32, #tpu.memory_space<vmem>>
      tpu.wait_dma2 semaphore(%run_scoped3A_63 : memref<!tpu.dma_semaphore, #tpu.memory_space<semaphore_mem>>) src(%dma_wait3A_83 : memref<80x128xf32, #tpu.memory_space<vmem>>) dst(%dma_wait3A_80 : memref<80x128xf32, #tpu.memory_space<vmem_shared>>)
      tpu.yield
    }) : () -> ()
    %barrier3A = arith.constant 0 : index
    tpu.barrier barrier_id(%barrier3A)
    "tpu.region"() ({
      %run_scoped3A_63 = tpu.sem_alloc : memref<!tpu.dma_semaphore, #tpu.memory_space<semaphore_mem>>
      %dma_start3A_64 = arith.constant 0 : i32
      %dma_start3A_65 = arith.constant 0 : i32
      %dma_start3A_66 = tpu.memref_slice %arg2[%add3A, %dma_start3A_64, %dma_start3A_65] : memref<32x125x80xi32, #tpu.memory_space<hbm>> -> memref<1x125x80xi32, #tpu.memory_space<hbm>>
      %dma_start3A_67 = tpu.memref_squeeze %dma_start3A_66 : memref<1x125x80xi32, #tpu.memory_space<hbm>> -> memref<125x80xi32, #tpu.memory_space<hbm>>
      %dma_start3A_68 = arith.constant 0 : i32
      %dma_start3A_69 = arith.constant 0 : i32
      %dma_start3A_70 = tpu.memref_slice %arg2[%add3A, %dma_start3A_68, %dma_start3A_69] : memref<32x125x80xi32, #tpu.memory_space<hbm>> -> memref<1x125x80xi32, #tpu.memory_space<hbm>>
      %dma_start3A_71 = tpu.memref_squeeze %dma_start3A_70 : memref<1x125x80xi32, #tpu.memory_space<hbm>> -> memref<125x80xi32, #tpu.memory_space<hbm>>
      tpu.enqueue_dma source(%dma_start3A_71 : memref<125x80xi32, #tpu.memory_space<hbm>>) target(%arg6 : memref<125x80xi32, #tpu.memory_space<vmem>>) target_semaphore(%run_scoped3A_63 : memref<!tpu.dma_semaphore, #tpu.memory_space<semaphore_mem>>)
      %dma_wait3A_72 = arith.constant 0 : i32
      %dma_wait3A_73 = arith.constant 0 : i32
      %dma_wait3A_74 = tpu.memref_slice %arg2[%add3A, %dma_wait3A_72, %dma_wait3A_73] : memref<32x125x80xi32, #tpu.memory_space<hbm>> -> memref<1x125x80xi32, #tpu.memory_space<hbm>>
      %dma_wait3A_75 = tpu.memref_squeeze %dma_wait3A_74 : memref<1x125x80xi32, #tpu.memory_space<hbm>> -> memref<125x80xi32, #tpu.memory_space<hbm>>
      %dma_wait3A_76 = arith.constant 0 : i32
      %dma_wait3A_77 = arith.constant 0 : i32
      %dma_wait3A_78 = tpu.memref_slice %arg2[%add3A, %dma_wait3A_76, %dma_wait3A_77] : memref<32x125x80xi32, #tpu.memory_space<hbm>> -> memref<1x125x80xi32, #tpu.memory_space<hbm>>
      %dma_wait3A_79 = tpu.memref_squeeze %dma_wait3A_78 : memref<1x125x80xi32, #tpu.memory_space<hbm>> -> memref<125x80xi32, #tpu.memory_space<hbm>>
      tpu.wait_dma2 semaphore(%run_scoped3A_63 : memref<!tpu.dma_semaphore, #tpu.memory_space<semaphore_mem>>) src(%dma_wait3A_79 : memref<125x80xi32, #tpu.memory_space<hbm>>) dst(%arg6 : memref<125x80xi32, #tpu.memory_space<vmem>>)
      tpu.yield
    }) : () -> ()
    "tpu.region"() ({
      %run_scoped3A_63 = tpu.sem_alloc : memref<!tpu.dma_semaphore, #tpu.memory_space<semaphore_mem>>
      %dma_start3A_64 = arith.constant 0 : i32
      %dma_start3A_65 = arith.constant 0 : i32
      %dma_start3A_66 = tpu.memref_slice %arg3[%add3A, %dma_start3A_64, %dma_start3A_65] : memref<32x125x80xi32, #tpu.memory_space<hbm>> -> memref<1x125x80xi32, #tpu.memory_space<hbm>>
      %dma_start3A_67 = tpu.memref_squeeze %dma_start3A_66 : memref<1x125x80xi32, #tpu.memory_space<hbm>> -> memref<125x80xi32, #tpu.memory_space<hbm>>
      %dma_start3A_68 = arith.constant 0 : i32
      %dma_start3A_69 = arith.constant 0 : i32
      %dma_start3A_70 = tpu.memref_slice %arg3[%add3A, %dma_start3A_68, %dma_start3A_69] : memref<32x125x80xi32, #tpu.memory_space<hbm>> -> memref<1x125x80xi32, #tpu.memory_space<hbm>>
      %dma_start3A_71 = tpu.memref_squeeze %dma_start3A_70 : memref<1x125x80xi32, #tpu.memory_space<hbm>> -> memref<125x80xi32, #tpu.memory_space<hbm>>
      tpu.enqueue_dma source(%dma_start3A_71 : memref<125x80xi32, #tpu.memory_space<hbm>>) target(%arg7 : memref<125x80xi32, #tpu.memory_space<vmem>>) target_semaphore(%run_scoped3A_63 : memref<!tpu.dma_semaphore, #tpu.memory_space<semaphore_mem>>)
      %dma_wait3A_72 = arith.constant 0 : i32
      %dma_wait3A_73 = arith.constant 0 : i32
      %dma_wait3A_74 = tpu.memref_slice %arg3[%add3A, %dma_wait3A_72, %dma_wait3A_73] : memref<32x125x80xi32, #tpu.memory_space<hbm>> -> memref<1x125x80xi32, #tpu.memory_space<hbm>>
      %dma_wait3A_75 = tpu.memref_squeeze %dma_wait3A_74 : memref<1x125x80xi32, #tpu.memory_space<hbm>> -> memref<125x80xi32, #tpu.memory_space<hbm>>
      %dma_wait3A_76 = arith.constant 0 : i32
      %dma_wait3A_77 = arith.constant 0 : i32
      %dma_wait3A_78 = tpu.memref_slice %arg3[%add3A, %dma_wait3A_76, %dma_wait3A_77] : memref<32x125x80xi32, #tpu.memory_space<hbm>> -> memref<1x125x80xi32, #tpu.memory_space<hbm>>
      %dma_wait3A_79 = tpu.memref_squeeze %dma_wait3A_78 : memref<1x125x80xi32, #tpu.memory_space<hbm>> -> memref<125x80xi32, #tpu.memory_space<hbm>>
      tpu.wait_dma2 semaphore(%run_scoped3A_63 : memref<!tpu.dma_semaphore, #tpu.memory_space<semaphore_mem>>) src(%dma_wait3A_79 : memref<125x80xi32, #tpu.memory_space<hbm>>) dst(%arg7 : memref<125x80xi32, #tpu.memory_space<vmem>>)
      tpu.yield
    }) : () -> ()
    %dma_start3A = arith.constant 0 : i32
    %dma_start3A_39 = arith.constant 0 : i32
    %dma_start3A_40 = tpu.memref_slice %arg6[%dma_start3A, %dma_start3A_39] : memref<125x80xi32, #tpu.memory_space<vmem>> -> memref<1x80xi32, #tpu.memory_space<vmem>>
    %dma_start3A_41 = tpu.memref_squeeze %dma_start3A_40 : memref<1x80xi32, #tpu.memory_space<vmem>> -> memref<80xi32, #tpu.memory_space<vmem>>
    %dma_start3A_42 = arith.constant 0 : i32
    %dma_start3A_43 = arith.constant 0 : i32
    %dma_start3A_44 = tpu.memref_slice %arg4[%dma_start3A_42, %dma_start3A_43] : memref<10000x128xf32, #tpu.memory_space<hbm>> -> memref<10000x128xf32, #tpu.memory_space<hbm>>
    tpu.enqueue_indirect_dma source(%dma_start3A_44 : memref<10000x128xf32, #tpu.memory_space<hbm>>) target(%arg8 : memref<80x128xf32, #tpu.memory_space<vmem>>) offsets(%dma_start3A_41 : memref<80xi32, #tpu.memory_space<vmem>>) semaphore(%arg11 : memref<!tpu.dma_semaphore, #tpu.memory_space<semaphore_mem>>)
    %scan3A_45 = arith.constant 0 : i32
    %scan3A_46 = arith.constant 0 : i32
    %scan3A_47 = arith.constant 62 : i32
    %scan3A_48 = arith.addi %scan3A_46, %scan3A_47 : i32
    %scan3A_49 = arith.constant 1 : i32
    %scan3A_50 = scf.for %scan3A_63 = %scan3A_46 to %scan3A_48 step %scan3A_49 iter_args(%scan3A_64 = %scan3A_45) -> (i32)  : i32 {
      %mul3A_65 = arith.constant 2 : i32
      %mul3A_66 = arith.muli %mul3A_65, %scan3A_63 : i32
      %dma_wait3A_67 = arith.constant 0 : i32
      %dma_wait3A_68 = arith.constant 0 : i32
      %dma_wait3A_69 = tpu.memref_slice %arg6[%dma_wait3A_67, %dma_wait3A_68] : memref<125x80xi32, #tpu.memory_space<vmem>> -> memref<1x80xi32, #tpu.memory_space<vmem>>
      %dma_wait3A_70 = tpu.memref_squeeze %dma_wait3A_69 : memref<1x80xi32, #tpu.memory_space<vmem>> -> memref<80xi32, #tpu.memory_space<vmem>>
      %dma_wait3A_71 = arith.constant 0 : i32
      %dma_wait3A_72 = arith.constant 0 : i32
      %dma_wait3A_73 = tpu.memref_slice %arg4[%dma_wait3A_71, %dma_wait3A_72] : memref<10000x128xf32, #tpu.memory_space<hbm>> -> memref<10000x128xf32, #tpu.memory_space<hbm>>
      tpu.wait_indirect_dma semaphore(%arg11 : memref<!tpu.dma_semaphore, #tpu.memory_space<semaphore_mem>>) src(%dma_wait3A_73 : memref<10000x128xf32, #tpu.memory_space<hbm>>) dst(%arg8 : memref<80x128xf32, #tpu.memory_space<vmem>>)
      %add3A_74 = arith.constant 1 : i32
      %add3A_75 = arith.addi %mul3A_66, %add3A_74 : i32
      %dma_start3A_76 = arith.constant 0 : i32
      %dma_start3A_77 = tpu.memref_slice %arg6[%add3A_75, %dma_start3A_76] : memref<125x80xi32, #tpu.memory_space<vmem>> -> memref<1x80xi32, #tpu.memory_space<vmem>>
      %dma_start3A_78 = tpu.memref_squeeze %dma_start3A_77 : memref<1x80xi32, #tpu.memory_space<vmem>> -> memref<80xi32, #tpu.memory_space<vmem>>
      %dma_start3A_79 = arith.constant 0 : i32
      %dma_start3A_80 = arith.constant 0 : i32
      %dma_start3A_81 = tpu.memref_slice %arg4[%dma_start3A_79, %dma_start3A_80] : memref<10000x128xf32, #tpu.memory_space<hbm>> -> memref<10000x128xf32, #tpu.memory_space<hbm>>
      tpu.enqueue_indirect_dma source(%dma_start3A_81 : memref<10000x128xf32, #tpu.memory_space<hbm>>) target(%arg9 : memref<80x128xf32, #tpu.memory_space<vmem>>) offsets(%dma_start3A_78 : memref<80xi32, #tpu.memory_space<vmem>>) semaphore(%arg12 : memref<!tpu.dma_semaphore, #tpu.memory_space<semaphore_mem>>)
      "tpu.region"() ({
        %run_scoped3A_100 = tpu.sem_alloc : memref<!tpu.dma_semaphore, #tpu.memory_space<semaphore_mem>>
        %dma_start3A_101 = arith.constant 0 : i32
        %dma_start3A_102 = tpu.memref_slice %arg7[%mul3A_66, %dma_start3A_101] : memref<125x80xi32, #tpu.memory_space<vmem>> -> memref<1x80xi32, #tpu.memory_space<vmem>>
        %dma_start3A_103 = tpu.memref_squeeze %dma_start3A_102 : memref<1x80xi32, #tpu.memory_space<vmem>> -> memref<80xi32, #tpu.memory_space<vmem>>
        %dma_start3A_104 = arith.constant 0 : i32
        %dma_start3A_105 = arith.constant 0 : i32
        %dma_start3A_106 = tpu.memref_slice %arg10[%dma_start3A_104, %dma_start3A_105] : memref<10240x128xf32, #tpu.memory_space<vmem_shared>> -> memref<10240x128xf32, #tpu.memory_space<vmem_shared>>
        tpu.enqueue_indirect_dma source(%arg8 : memref<80x128xf32, #tpu.memory_space<vmem>>) target(%dma_start3A_106 : memref<10240x128xf32, #tpu.memory_space<vmem_shared>>) offsets(%dma_start3A_103 : memref<80xi32, #tpu.memory_space<vmem>>) semaphore(%run_scoped3A_100 : memref<!tpu.dma_semaphore, #tpu.memory_space<semaphore_mem>>) {add = true}
        %dma_wait3A_107 = arith.constant 0 : i32
        %dma_wait3A_108 = tpu.memref_slice %arg7[%mul3A_66, %dma_wait3A_107] : memref<125x80xi32, #tpu.memory_space<vmem>> -> memref<1x80xi32, #tpu.memory_space<vmem>>
        %dma_wait3A_109 = tpu.memref_squeeze %dma_wait3A_108 : memref<1x80xi32, #tpu.memory_space<vmem>> -> memref<80xi32, #tpu.memory_space<vmem>>
        %dma_wait3A_110 = arith.constant 0 : i32
        %dma_wait3A_111 = arith.constant 0 : i32
        %dma_wait3A_112 = tpu.memref_slice %arg10[%dma_wait3A_110, %dma_wait3A_111] : memref<10240x128xf32, #tpu.memory_space<vmem_shared>> -> memref<10240x128xf32, #tpu.memory_space<vmem_shared>>
        tpu.wait_indirect_dma semaphore(%run_scoped3A_100 : memref<!tpu.dma_semaphore, #tpu.memory_space<semaphore_mem>>) src(%arg8 : memref<80x128xf32, #tpu.memory_space<vmem>>) dst(%dma_wait3A_112 : memref<10240x128xf32, #tpu.memory_space<vmem_shared>>)
        tpu.yield
      }) : () -> ()
      %dma_wait3A_82 = arith.constant 0 : i32
      %dma_wait3A_83 = arith.constant 0 : i32
      %dma_wait3A_84 = tpu.memref_slice %arg6[%dma_wait3A_82, %dma_wait3A_83] : memref<125x80xi32, #tpu.memory_space<vmem>> -> memref<1x80xi32, #tpu.memory_space<vmem>>
      %dma_wait3A_85 = tpu.memref_squeeze %dma_wait3A_84 : memref<1x80xi32, #tpu.memory_space<vmem>> -> memref<80xi32, #tpu.memory_space<vmem>>
      %dma_wait3A_86 = arith.constant 0 : i32
      %dma_wait3A_87 = arith.constant 0 : i32
      %dma_wait3A_88 = tpu.memref_slice %arg4[%dma_wait3A_86, %dma_wait3A_87] : memref<10000x128xf32, #tpu.memory_space<hbm>> -> memref<10000x128xf32, #tpu.memory_space<hbm>>
      tpu.wait_indirect_dma semaphore(%arg12 : memref<!tpu.dma_semaphore, #tpu.memory_space<semaphore_mem>>) src(%dma_wait3A_88 : memref<10000x128xf32, #tpu.memory_space<hbm>>) dst(%arg9 : memref<80x128xf32, #tpu.memory_space<vmem>>)
      %add3A_89 = arith.constant 2 : i32
      %add3A_90 = arith.addi %mul3A_66, %add3A_89 : i32
      %dma_start3A_91 = arith.constant 0 : i32
      %dma_start3A_92 = tpu.memref_slice %arg6[%add3A_90, %dma_start3A_91] : memref<125x80xi32, #tpu.memory_space<vmem>> -> memref<1x80xi32, #tpu.memory_space<vmem>>
      %dma_start3A_93 = tpu.memref_squeeze %dma_start3A_92 : memref<1x80xi32, #tpu.memory_space<vmem>> -> memref<80xi32, #tpu.memory_space<vmem>>
      %dma_start3A_94 = arith.constant 0 : i32
      %dma_start3A_95 = arith.constant 0 : i32
      %dma_start3A_96 = tpu.memref_slice %arg4[%dma_start3A_94, %dma_start3A_95] : memref<10000x128xf32, #tpu.memory_space<hbm>> -> memref<10000x128xf32, #tpu.memory_space<hbm>>
      tpu.enqueue_indirect_dma source(%dma_start3A_96 : memref<10000x128xf32, #tpu.memory_space<hbm>>) target(%arg8 : memref<80x128xf32, #tpu.memory_space<vmem>>) offsets(%dma_start3A_93 : memref<80xi32, #tpu.memory_space<vmem>>) semaphore(%arg11 : memref<!tpu.dma_semaphore, #tpu.memory_space<semaphore_mem>>)
      %add3A_97 = arith.constant 1 : i32
      %add3A_98 = arith.addi %mul3A_66, %add3A_97 : i32
      "tpu.region"() ({
        %run_scoped3A_100 = tpu.sem_alloc : memref<!tpu.dma_semaphore, #tpu.memory_space<semaphore_mem>>
        %dma_start3A_101 = arith.constant 0 : i32
        %dma_start3A_102 = tpu.memref_slice %arg7[%add3A_98, %dma_start3A_101] : memref<125x80xi32, #tpu.memory_space<vmem>> -> memref<1x80xi32, #tpu.memory_space<vmem>>
        %dma_start3A_103 = tpu.memref_squeeze %dma_start3A_102 : memref<1x80xi32, #tpu.memory_space<vmem>> -> memref<80xi32, #tpu.memory_space<vmem>>
        %dma_start3A_104 = arith.constant 0 : i32
        %dma_start3A_105 = arith.constant 0 : i32
        %dma_start3A_106 = tpu.memref_slice %arg10[%dma_start3A_104, %dma_start3A_105] : memref<10240x128xf32, #tpu.memory_space<vmem_shared>> -> memref<10240x128xf32, #tpu.memory_space<vmem_shared>>
        tpu.enqueue_indirect_dma source(%arg9 : memref<80x128xf32, #tpu.memory_space<vmem>>) target(%dma_start3A_106 : memref<10240x128xf32, #tpu.memory_space<vmem_shared>>) offsets(%dma_start3A_103 : memref<80xi32, #tpu.memory_space<vmem>>) semaphore(%run_scoped3A_100 : memref<!tpu.dma_semaphore, #tpu.memory_space<semaphore_mem>>) {add = true}
        %dma_wait3A_107 = arith.constant 0 : i32
        %dma_wait3A_108 = tpu.memref_slice %arg7[%add3A_98, %dma_wait3A_107] : memref<125x80xi32, #tpu.memory_space<vmem>> -> memref<1x80xi32, #tpu.memory_space<vmem>>
        %dma_wait3A_109 = tpu.memref_squeeze %dma_wait3A_108 : memref<1x80xi32, #tpu.memory_space<vmem>> -> memref<80xi32, #tpu.memory_space<vmem>>
        %dma_wait3A_110 = arith.constant 0 : i32
        %dma_wait3A_111 = arith.constant 0 : i32
        %dma_wait3A_112 = tpu.memref_slice %arg10[%dma_wait3A_110, %dma_wait3A_111] : memref<10240x128xf32, #tpu.memory_space<vmem_shared>> -> memref<10240x128xf32, #tpu.memory_space<vmem_shared>>
        tpu.wait_indirect_dma semaphore(%run_scoped3A_100 : memref<!tpu.dma_semaphore, #tpu.memory_space<semaphore_mem>>) src(%arg9 : memref<80x128xf32, #tpu.memory_space<vmem>>) dst(%dma_wait3A_112 : memref<10240x128xf32, #tpu.memory_space<vmem_shared>>)
        tpu.yield
      }) : () -> ()
      %scan3A_99 = arith.constant 0 : i32
      scf.yield %scan3A_99 : i32
    }
    %scan3A_51 = arith.constant 62 : i32
    %dma_wait3A = arith.constant 0 : i32
    %dma_wait3A_52 = arith.constant 0 : i32
    %dma_wait3A_53 = tpu.memref_slice %arg6[%dma_wait3A, %dma_wait3A_52] : memref<125x80xi32, #tpu.memory_space<vmem>> -> memref<1x80xi32, #tpu.memory_space<vmem>>
    %dma_wait3A_54 = tpu.memref_squeeze %dma_wait3A_53 : memref<1x80xi32, #tpu.memory_space<vmem>> -> memref<80xi32, #tpu.memory_space<vmem>>
    %dma_wait3A_55 = arith.constant 0 : i32
    %dma_wait3A_56 = arith.constant 0 : i32
    %dma_wait3A_57 = tpu.memref_slice %arg4[%dma_wait3A_55, %dma_wait3A_56] : memref<10000x128xf32, #tpu.memory_space<hbm>> -> memref<10000x128xf32, #tpu.memory_space<hbm>>
    tpu.wait_indirect_dma semaphore(%arg11 : memref<!tpu.dma_semaphore, #tpu.memory_space<semaphore_mem>>) src(%dma_wait3A_57 : memref<10000x128xf32, #tpu.memory_space<hbm>>) dst(%arg8 : memref<80x128xf32, #tpu.memory_space<vmem>>)
    %run_scoped3A = arith.constant 124 : i32
    "tpu.region"() ({
      %run_scoped3A_63 = tpu.sem_alloc : memref<!tpu.dma_semaphore, #tpu.memory_space<semaphore_mem>>
      %dma_start3A_64 = arith.constant 0 : i32
      %dma_start3A_65 = tpu.memref_slice %arg7[%run_scoped3A, %dma_start3A_64] : memref<125x80xi32, #tpu.memory_space<vmem>> -> memref<1x80xi32, #tpu.memory_space<vmem>>
      %dma_start3A_66 = tpu.memref_squeeze %dma_start3A_65 : memref<1x80xi32, #tpu.memory_space<vmem>> -> memref<80xi32, #tpu.memory_space<vmem>>
      %dma_start3A_67 = arith.constant 0 : i32
      %dma_start3A_68 = arith.constant 0 : i32
      %dma_start3A_69 = tpu.memref_slice %arg10[%dma_start3A_67, %dma_start3A_68] : memref<10240x128xf32, #tpu.memory_space<vmem_shared>> -> memref<10240x128xf32, #tpu.memory_space<vmem_shared>>
      tpu.enqueue_indirect_dma source(%arg8 : memref<80x128xf32, #tpu.memory_space<vmem>>) target(%dma_start3A_69 : memref<10240x128xf32, #tpu.memory_space<vmem_shared>>) offsets(%dma_start3A_66 : memref<80xi32, #tpu.memory_space<vmem>>) semaphore(%run_scoped3A_63 : memref<!tpu.dma_semaphore, #tpu.memory_space<semaphore_mem>>) {add = true}
      %dma_wait3A_70 = arith.constant 0 : i32
      %dma_wait3A_71 = tpu.memref_slice %arg7[%run_scoped3A, %dma_wait3A_70] : memref<125x80xi32, #tpu.memory_space<vmem>> -> memref<1x80xi32, #tpu.memory_space<vmem>>
      %dma_wait3A_72 = tpu.memref_squeeze %dma_wait3A_71 : memref<1x80xi32, #tpu.memory_space<vmem>> -> memref<80xi32, #tpu.memory_space<vmem>>
      %dma_wait3A_73 = arith.constant 0 : i32
      %dma_wait3A_74 = arith.constant 0 : i32
      %dma_wait3A_75 = tpu.memref_slice %arg10[%dma_wait3A_73, %dma_wait3A_74] : memref<10240x128xf32, #tpu.memory_space<vmem_shared>> -> memref<10240x128xf32, #tpu.memory_space<vmem_shared>>
      tpu.wait_indirect_dma semaphore(%run_scoped3A_63 : memref<!tpu.dma_semaphore, #tpu.memory_space<semaphore_mem>>) src(%arg8 : memref<80x128xf32, #tpu.memory_space<vmem>>) dst(%dma_wait3A_75 : memref<10240x128xf32, #tpu.memory_space<vmem_shared>>)
      tpu.yield
    }) : () -> ()
    %barrier3A_58 = arith.constant 0 : index
    tpu.barrier barrier_id(%barrier3A_58)
    %mul3A_59 = arith.constant 640 : i32
    %mul3A_60 = arith.muli %arg1, %mul3A_59 : i32
    %mul3A_61 = arith.constant 640 : i32
    %mul3A_62 = arith.muli %arg1, %mul3A_61 : i32
    "tpu.region"() ({
      %run_scoped3A_63 = tpu.sem_alloc : memref<!tpu.dma_semaphore, #tpu.memory_space<semaphore_mem>>
      %dma_start3A_64 = arith.constant 0 : i32
      %dma_start3A_65 = tpu.memref_slice %arg5[%arg0, %mul3A_62, %dma_start3A_64] : memref<2x10240x128xf32, #tpu.memory_space<hbm>> -> memref<1x640x128xf32, #tpu.memory_space<hbm>>
      %dma_start3A_66 = tpu.memref_squeeze %dma_start3A_65 : memref<1x640x128xf32, #tpu.memory_space<hbm>> -> memref<640x128xf32, #tpu.memory_space<hbm>>
      %dma_start3A_67 = arith.constant 0 : i32
      %dma_start3A_68 = tpu.memref_slice %arg10[%mul3A_60, %dma_start3A_67] : memref<10240x128xf32, #tpu.memory_space<vmem_shared>> -> memref<640x128xf32, #tpu.memory_space<vmem_shared>>
      tpu.enqueue_dma source(%dma_start3A_68 : memref<640x128xf32, #tpu.memory_space<vmem_shared>>) target(%dma_start3A_66 : memref<640x128xf32, #tpu.memory_space<hbm>>) target_semaphore(%run_scoped3A_63 : memref<!tpu.dma_semaphore, #tpu.memory_space<semaphore_mem>>)
      %dma_wait3A_69 = arith.constant 0 : i32
      %dma_wait3A_70 = tpu.memref_slice %arg5[%arg0, %mul3A_62, %dma_wait3A_69] : memref<2x10240x128xf32, #tpu.memory_space<hbm>> -> memref<1x640x128xf32, #tpu.memory_space<hbm>>
      %dma_wait3A_71 = tpu.memref_squeeze %dma_wait3A_70 : memref<1x640x128xf32, #tpu.memory_space<hbm>> -> memref<640x128xf32, #tpu.memory_space<hbm>>
      %dma_wait3A_72 = arith.constant 0 : i32
      %dma_wait3A_73 = tpu.memref_slice %arg10[%mul3A_60, %dma_wait3A_72] : memref<10240x128xf32, #tpu.memory_space<vmem_shared>> -> memref<640x128xf32, #tpu.memory_space<vmem_shared>>
      tpu.wait_dma2 semaphore(%run_scoped3A_63 : memref<!tpu.dma_semaphore, #tpu.memory_space<semaphore_mem>>) src(%dma_wait3A_73 : memref<640x128xf32, #tpu.memory_space<vmem_shared>>) dst(%dma_wait3A_71 : memref<640x128xf32, #tpu.memory_space<hbm>>)
      tpu.yield
    }) : () -> ()
    return
  }
}

#map = affine_map<(d0, d1) -> (0)>
#map1 = affine_map<(d0, d1) -> (0, 0, 0)>
module attributes {stable_mosaic.version = 14 : i64} {
  func.func @_sc_deg_body(%arg0: i32, %arg1: i32, %arg2: memref<320000xi32, #tpu.memory_space<hbm>>, %arg3: memref<2x10240x16xf32, #tpu.memory_space<hbm>>, %arg4: memref<2000xi32, #tpu.memory_space<vmem>>, %arg5: memref<2000x16xf32, #tpu.memory_space<vmem>>, %arg6: memref<10240x16xf32, #tpu.memory_space<vmem_shared>>) attributes {dimension_semantics = [#tpu.dimension_semantics<core_parallel>, #tpu.dimension_semantics<subcore_parallel>], iteration_bounds = array<i64: 2, 16>, scalar_prefetch = 0 : i64, scratch_operands = 3 : i64, tpu.core_type = #tpu.core_type<sc_vector_subcore>, window_params = [{transform_indices = #map}, {transform_indices = #map1}]} {
    %mul3A = arith.constant 16 : i32
    %mul3A_0 = arith.muli %arg0, %mul3A : i32
    %add3A = arith.addi %mul3A_0, %arg1 : i32
    %scan3A = arith.constant 0 : i32
    %scan3A_1 = arith.constant 0 : i32
    %scan3A_2 = arith.constant 640 : i32
    %scan3A_3 = arith.addi %scan3A_1, %scan3A_2 : i32
    %scan3A_4 = arith.constant 1 : i32
    %scan3A_5 = scf.for %scan3A_30 = %scan3A_1 to %scan3A_3 step %scan3A_4 iter_args(%scan3A_31 = %scan3A) -> (i32)  : i32 {
      %broadcast_in_dim3A = arith.constant 0.000000e+00 : f32
      %broadcast_in_dim3A_32 = vector.broadcast %broadcast_in_dim3A : f32 to vector<16xf32>
      %swap3A = arith.index_cast %scan3A_30 : i32 to index
      %swap3A_33 = arith.constant 0 : index
      %swap3A_34 = tpu.vector_load %arg5[%swap3A, %swap3A_33] {strides = array<i32>} : memref<2000x16xf32, #tpu.memory_space<vmem>>, vector<1x16xf32>,
      %swap3A_35 = vector.shape_cast %swap3A_34 : vector<1x16xf32> to vector<16xf32>
      %swap3A_36 = vector.shape_cast %broadcast_in_dim3A_32 : vector<16xf32> to vector<1x16xf32>
      tpu.vector_store %arg5[%swap3A, %swap3A_33], %swap3A_36 {strides = array<i32>} : memref<2000x16xf32, #tpu.memory_space<vmem>>, vector<1x16xf32>,
      %scan3A_37 = arith.constant 0 : i32
      scf.yield %scan3A_37 : i32
    }
    %scan3A_6 = arith.constant 640 : i32
    %mul3A_7 = arith.constant 640 : i32
    %mul3A_8 = arith.muli %arg1, %mul3A_7 : i32
    "tpu.region"() ({
      %run_scoped3A = tpu.sem_alloc : memref<!tpu.dma_semaphore, #tpu.memory_space<semaphore_mem>>
      %dma_start3A = arith.constant 0 : i32
      %dma_start3A_30 = arith.constant 0 : i32
      %dma_start3A_31 = tpu.memref_slice %arg5[%dma_start3A, %dma_start3A_30] : memref<2000x16xf32, #tpu.memory_space<vmem>> -> memref<640x16xf32, #tpu.memory_space<vmem>>
      %dma_start3A_32 = arith.constant 0 : i32
      %dma_start3A_33 = tpu.memref_slice %arg6[%mul3A_8, %dma_start3A_32] : memref<10240x16xf32, #tpu.memory_space<vmem_shared>> -> memref<640x16xf32, #tpu.memory_space<vmem_shared>>
      %dma_start3A_34 = arith.constant 0 : i32
      %dma_start3A_35 = tpu.memref_slice %arg6[%mul3A_8, %dma_start3A_34] : memref<10240x16xf32, #tpu.memory_space<vmem_shared>> -> memref<640x16xf32, #tpu.memory_space<vmem_shared>>
      %dma_start3A_36 = arith.constant 0 : i32
      %dma_start3A_37 = arith.constant 0 : i32
      %dma_start3A_38 = tpu.memref_slice %arg5[%dma_start3A_36, %dma_start3A_37] : memref<2000x16xf32, #tpu.memory_space<vmem>> -> memref<640x16xf32, #tpu.memory_space<vmem>>
      tpu.enqueue_dma source(%dma_start3A_38 : memref<640x16xf32, #tpu.memory_space<vmem>>) target(%dma_start3A_35 : memref<640x16xf32, #tpu.memory_space<vmem_shared>>) target_semaphore(%run_scoped3A : memref<!tpu.dma_semaphore, #tpu.memory_space<semaphore_mem>>)
      %dma_wait3A = arith.constant 0 : i32
      %dma_wait3A_39 = arith.constant 0 : i32
      %dma_wait3A_40 = tpu.memref_slice %arg5[%dma_wait3A, %dma_wait3A_39] : memref<2000x16xf32, #tpu.memory_space<vmem>> -> memref<640x16xf32, #tpu.memory_space<vmem>>
      %dma_wait3A_41 = arith.constant 0 : i32
      %dma_wait3A_42 = tpu.memref_slice %arg6[%mul3A_8, %dma_wait3A_41] : memref<10240x16xf32, #tpu.memory_space<vmem_shared>> -> memref<640x16xf32, #tpu.memory_space<vmem_shared>>
      %dma_wait3A_43 = arith.constant 0 : i32
      %dma_wait3A_44 = tpu.memref_slice %arg6[%mul3A_8, %dma_wait3A_43] : memref<10240x16xf32, #tpu.memory_space<vmem_shared>> -> memref<640x16xf32, #tpu.memory_space<vmem_shared>>
      %dma_wait3A_45 = arith.constant 0 : i32
      %dma_wait3A_46 = arith.constant 0 : i32
      %dma_wait3A_47 = tpu.memref_slice %arg5[%dma_wait3A_45, %dma_wait3A_46] : memref<2000x16xf32, #tpu.memory_space<vmem>> -> memref<640x16xf32, #tpu.memory_space<vmem>>
      tpu.wait_dma2 semaphore(%run_scoped3A : memref<!tpu.dma_semaphore, #tpu.memory_space<semaphore_mem>>) src(%dma_wait3A_47 : memref<640x16xf32, #tpu.memory_space<vmem>>) dst(%dma_wait3A_44 : memref<640x16xf32, #tpu.memory_space<vmem_shared>>)
      tpu.yield
    }) : () -> ()
    %scan3A_9 = arith.constant 0 : i32
    %scan3A_10 = arith.constant 0 : i32
    %scan3A_11 = arith.constant 2000 : i32
    %scan3A_12 = arith.addi %scan3A_10, %scan3A_11 : i32
    %scan3A_13 = arith.constant 1 : i32
    %scan3A_14 = scf.for %scan3A_30 = %scan3A_10 to %scan3A_12 step %scan3A_13 iter_args(%scan3A_31 = %scan3A_9) -> (i32)  : i32 {
      %broadcast_in_dim3A = arith.constant 1.000000e+00 : f32
      %broadcast_in_dim3A_32 = vector.broadcast %broadcast_in_dim3A : f32 to vector<16xf32>
      %swap3A = arith.index_cast %scan3A_30 : i32 to index
      %swap3A_33 = arith.constant 0 : index
      %swap3A_34 = tpu.vector_load %arg5[%swap3A, %swap3A_33] {strides = array<i32>} : memref<2000x16xf32, #tpu.memory_space<vmem>>, vector<1x16xf32>,
      %swap3A_35 = vector.shape_cast %swap3A_34 : vector<1x16xf32> to vector<16xf32>
      %swap3A_36 = vector.shape_cast %broadcast_in_dim3A_32 : vector<16xf32> to vector<1x16xf32>
      tpu.vector_store %arg5[%swap3A, %swap3A_33], %swap3A_36 {strides = array<i32>} : memref<2000x16xf32, #tpu.memory_space<vmem>>, vector<1x16xf32>,
      %scan3A_37 = arith.constant 0 : i32
      scf.yield %scan3A_37 : i32
    }
    %scan3A_15 = arith.constant 2000 : i32
    %barrier3A = arith.constant 0 : index
    tpu.barrier barrier_id(%barrier3A)
    %mul3A_16 = arith.constant 10000 : i32
    %mul3A_17 = arith.muli %add3A, %mul3A_16 : i32
    %scan3A_18 = arith.constant 0 : i32
    %scan3A_19 = arith.constant 0 : i32
    %scan3A_20 = arith.constant 5 : i32
    %scan3A_21 = arith.addi %scan3A_19, %scan3A_20 : i32
    %scan3A_22 = arith.constant 1 : i32
    %scan3A_23 = scf.for %scan3A_30 = %scan3A_19 to %scan3A_21 step %scan3A_22 iter_args(%scan3A_31 = %scan3A_18) -> (i32)  : i32 {
      %mul3A_32 = arith.constant 2000 : i32
      %mul3A_33 = arith.muli %scan3A_30, %mul3A_32 : i32
      %add3A_34 = arith.addi %mul3A_17, %mul3A_33 : i32
      "tpu.region"() ({
        %run_scoped3A = tpu.sem_alloc : memref<!tpu.dma_semaphore, #tpu.memory_space<semaphore_mem>>
        %dma_start3A = tpu.memref_slice %arg2[%add3A_34] : memref<320000xi32, #tpu.memory_space<hbm>> -> memref<2000xi32, #tpu.memory_space<hbm>>
        %dma_start3A_36 = tpu.memref_slice %arg2[%add3A_34] : memref<320000xi32, #tpu.memory_space<hbm>> -> memref<2000xi32, #tpu.memory_space<hbm>>
        tpu.enqueue_dma source(%dma_start3A_36 : memref<2000xi32, #tpu.memory_space<hbm>>) target(%arg4 : memref<2000xi32, #tpu.memory_space<vmem>>) target_semaphore(%run_scoped3A : memref<!tpu.dma_semaphore, #tpu.memory_space<semaphore_mem>>)
        %dma_wait3A = tpu.memref_slice %arg2[%add3A_34] : memref<320000xi32, #tpu.memory_space<hbm>> -> memref<2000xi32, #tpu.memory_space<hbm>>
        %dma_wait3A_37 = tpu.memref_slice %arg2[%add3A_34] : memref<320000xi32, #tpu.memory_space<hbm>> -> memref<2000xi32, #tpu.memory_space<hbm>>
        tpu.wait_dma2 semaphore(%run_scoped3A : memref<!tpu.dma_semaphore, #tpu.memory_space<semaphore_mem>>) src(%dma_wait3A_37 : memref<2000xi32, #tpu.memory_space<hbm>>) dst(%arg4 : memref<2000xi32, #tpu.memory_space<vmem>>)
        tpu.yield
      }) : () -> ()
      "tpu.region"() ({
        %run_scoped3A = tpu.sem_alloc : memref<!tpu.dma_semaphore, #tpu.memory_space<semaphore_mem>>
        %dma_start3A = arith.constant 0 : i32
        %dma_start3A_36 = arith.constant 0 : i32
        %dma_start3A_37 = tpu.memref_slice %arg6[%dma_start3A, %dma_start3A_36] : memref<10240x16xf32, #tpu.memory_space<vmem_shared>> -> memref<10240x16xf32, #tpu.memory_space<vmem_shared>>
        tpu.enqueue_indirect_dma source(%arg5 : memref<2000x16xf32, #tpu.memory_space<vmem>>) target(%dma_start3A_37 : memref<10240x16xf32, #tpu.memory_space<vmem_shared>>) offsets(%arg4 : memref<2000xi32, #tpu.memory_space<vmem>>) semaphore(%run_scoped3A : memref<!tpu.dma_semaphore, #tpu.memory_space<semaphore_mem>>) {add = true}
        %dma_wait3A = arith.constant 0 : i32
        %dma_wait3A_38 = arith.constant 0 : i32
        %dma_wait3A_39 = tpu.memref_slice %arg6[%dma_wait3A, %dma_wait3A_38] : memref<10240x16xf32, #tpu.memory_space<vmem_shared>> -> memref<10240x16xf32, #tpu.memory_space<vmem_shared>>
        tpu.wait_indirect_dma semaphore(%run_scoped3A : memref<!tpu.dma_semaphore, #tpu.memory_space<semaphore_mem>>) src(%arg5 : memref<2000x16xf32, #tpu.memory_space<vmem>>) dst(%dma_wait3A_39 : memref<10240x16xf32, #tpu.memory_space<vmem_shared>>)
        tpu.yield
      }) : () -> ()
      %scan3A_35 = arith.constant 0 : i32
      scf.yield %scan3A_35 : i32
    }
    %scan3A_24 = arith.constant 5 : i32
    %barrier3A_25 = arith.constant 0 : index
    tpu.barrier barrier_id(%barrier3A_25)
    %mul3A_26 = arith.constant 640 : i32
    %mul3A_27 = arith.muli %arg1, %mul3A_26 : i32
    %mul3A_28 = arith.constant 640 : i32
    %mul3A_29 = arith.muli %arg1, %mul3A_28 : i32
    "tpu.region"() ({
      %run_scoped3A = tpu.sem_alloc : memref<!tpu.dma_semaphore, #tpu.memory_space<semaphore_mem>>
      %dma_start3A = arith.constant 0 : i32
      %dma_start3A_30 = tpu.memref_slice %arg3[%arg0, %mul3A_29, %dma_start3A] : memref<2x10240x16xf32, #tpu.memory_space<hbm>> -> memref<1x640x16xf32, #tpu.memory_space<hbm>>
      %dma_start3A_31 = tpu.memref_squeeze %dma_start3A_30 : memref<1x640x16xf32, #tpu.memory_space<hbm>> -> memref<640x16xf32, #tpu.memory_space<hbm>>
      %dma_start3A_32 = arith.constant 0 : i32
      %dma_start3A_33 = tpu.memref_slice %arg6[%mul3A_27, %dma_start3A_32] : memref<10240x16xf32, #tpu.memory_space<vmem_shared>> -> memref<640x16xf32, #tpu.memory_space<vmem_shared>>
      tpu.enqueue_dma source(%dma_start3A_33 : memref<640x16xf32, #tpu.memory_space<vmem_shared>>) target(%dma_start3A_31 : memref<640x16xf32, #tpu.memory_space<hbm>>) target_semaphore(%run_scoped3A : memref<!tpu.dma_semaphore, #tpu.memory_space<semaphore_mem>>)
      %dma_wait3A = arith.constant 0 : i32
      %dma_wait3A_34 = tpu.memref_slice %arg3[%arg0, %mul3A_29, %dma_wait3A] : memref<2x10240x16xf32, #tpu.memory_space<hbm>> -> memref<1x640x16xf32, #tpu.memory_space<hbm>>
      %dma_wait3A_35 = tpu.memref_squeeze %dma_wait3A_34 : memref<1x640x16xf32, #tpu.memory_space<hbm>> -> memref<640x16xf32, #tpu.memory_space<hbm>>
      %dma_wait3A_36 = arith.constant 0 : i32
      %dma_wait3A_37 = tpu.memref_slice %arg6[%mul3A_27, %dma_wait3A_36] : memref<10240x16xf32, #tpu.memory_space<vmem_shared>> -> memref<640x16xf32, #tpu.memory_space<vmem_shared>>
      tpu.wait_dma2 semaphore(%run_scoped3A : memref<!tpu.dma_semaphore, #tpu.memory_space<semaphore_mem>>) src(%dma_wait3A_37 : memref<640x16xf32, #tpu.memory_space<vmem_shared>>) dst(%dma_wait3A_35 : memref<640x16xf32, #tpu.memory_space<hbm>>)
      tpu.yield
    }) : () -> ()
    return
  }
}

#map = affine_map<(d0, d1) -> (0, 0, 0)>
#map1 = affine_map<(d0, d1) -> (0, 0)>
module attributes {stable_mosaic.version = 14 : i64} {
  func.func @_sc_edge_body(%arg0: i32, %arg1: i32, %arg2: memref<32x125x80xi32, #tpu.memory_space<hbm>>, %arg3: memref<32x125x80xi32, #tpu.memory_space<hbm>>, %arg4: memref<10000x128xf32, #tpu.memory_space<hbm>>, %arg5: memref<2x10240x128xf32, #tpu.memory_space<hbm>>, %arg6: memref<125x80xi32, #tpu.memory_space<vmem>>, %arg7: memref<125x80xi32, #tpu.memory_space<vmem>>, %arg8: memref<80x128xf32, #tpu.memory_space<vmem>>, %arg9: memref<80x128xf32, #tpu.memory_space<vmem>>, %arg10: memref<10240x128xf32, #tpu.memory_space<vmem_shared>>, %arg11: memref<!tpu.dma_semaphore, #tpu.memory_space<semaphore_mem>>, %arg12: memref<!tpu.dma_semaphore, #tpu.memory_space<semaphore_mem>>) attributes {dimension_semantics = [#tpu.dimension_semantics<core_parallel>, #tpu.dimension_semantics<subcore_parallel>], iteration_bounds = array<i64: 2, 16>, scalar_prefetch = 0 : i64, scratch_operands = 7 : i64, tpu.core_type = #tpu.core_type<sc_vector_subcore>, window_params = [{transform_indices = #map}, {transform_indices = #map}, {transform_indices = #map1}, {transform_indices = #map}]} {
    %mul3A = arith.constant 16 : i32
    %mul3A_0 = arith.muli %arg0, %mul3A : i32
    %add3A = arith.addi %mul3A_0, %arg1 : i32
    %scan3A = arith.constant 0 : i32
    %scan3A_1 = arith.constant 0 : i32
    %scan3A_2 = arith.constant 80 : i32
    %scan3A_3 = arith.addi %scan3A_1, %scan3A_2 : i32
    %scan3A_4 = arith.constant 1 : i32
    %scan3A_5 = scf.for %scan3A_63 = %scan3A_1 to %scan3A_3 step %scan3A_4 iter_args(%scan3A_64 = %scan3A) -> (i32)  : i32 {
      %broadcast_in_dim3A = arith.constant 0.000000e+00 : f32
      %broadcast_in_dim3A_65 = vector.broadcast %broadcast_in_dim3A : f32 to vector<16xf32>
      %swap3A = arith.index_cast %scan3A_63 : i32 to index
      %swap3A_66 = arith.constant 0 : index
      %swap3A_67 = tpu.vector_load %arg8[%swap3A, %swap3A_66] {strides = array<i32>} : memref<80x128xf32, #tpu.memory_space<vmem>>, vector<1x16xf32>,
      %swap3A_68 = vector.shape_cast %swap3A_67 : vector<1x16xf32> to vector<16xf32>
      %swap3A_69 = vector.shape_cast %broadcast_in_dim3A_65 : vector<16xf32> to vector<1x16xf32>
      tpu.vector_store %arg8[%swap3A, %swap3A_66], %swap3A_69 {strides = array<i32>} : memref<80x128xf32, #tpu.memory_space<vmem>>, vector<1x16xf32>,
      %broadcast_in_dim3A_70 = arith.constant 0.000000e+00 : f32
      %broadcast_in_dim3A_71 = vector.broadcast %broadcast_in_dim3A_70 : f32 to vector<16xf32>
      %swap3A_72 = arith.index_cast %scan3A_63 : i32 to index
      %swap3A_73 = arith.constant 16 : index
      %swap3A_74 = tpu.vector_load %arg8[%swap3A_72, %swap3A_73] {strides = array<i32>} : memref<80x128xf32, #tpu.memory_space<vmem>>, vector<1x16xf32>,
      %swap3A_75 = vector.shape_cast %swap3A_74 : vector<1x16xf32> to vector<16xf32>
      %swap3A_76 = vector.shape_cast %broadcast_in_dim3A_71 : vector<16xf32> to vector<1x16xf32>
      tpu.vector_store %arg8[%swap3A_72, %swap3A_73], %swap3A_76 {strides = array<i32>} : memref<80x128xf32, #tpu.memory_space<vmem>>, vector<1x16xf32>,
      %broadcast_in_dim3A_77 = arith.constant 0.000000e+00 : f32
      %broadcast_in_dim3A_78 = vector.broadcast %broadcast_in_dim3A_77 : f32 to vector<16xf32>
      %swap3A_79 = arith.index_cast %scan3A_63 : i32 to index
      %swap3A_80 = arith.constant 32 : index
      %swap3A_81 = tpu.vector_load %arg8[%swap3A_79, %swap3A_80] {strides = array<i32>} : memref<80x128xf32, #tpu.memory_space<vmem>>, vector<1x16xf32>,
      %swap3A_82 = vector.shape_cast %swap3A_81 : vector<1x16xf32> to vector<16xf32>
      %swap3A_83 = vector.shape_cast %broadcast_in_dim3A_78 : vector<16xf32> to vector<1x16xf32>
      tpu.vector_store %arg8[%swap3A_79, %swap3A_80], %swap3A_83 {strides = array<i32>} : memref<80x128xf32, #tpu.memory_space<vmem>>, vector<1x16xf32>,
      %broadcast_in_dim3A_84 = arith.constant 0.000000e+00 : f32
      %broadcast_in_dim3A_85 = vector.broadcast %broadcast_in_dim3A_84 : f32 to vector<16xf32>
      %swap3A_86 = arith.index_cast %scan3A_63 : i32 to index
      %swap3A_87 = arith.constant 48 : index
      %swap3A_88 = tpu.vector_load %arg8[%swap3A_86, %swap3A_87] {strides = array<i32>} : memref<80x128xf32, #tpu.memory_space<vmem>>, vector<1x16xf32>,
      %swap3A_89 = vector.shape_cast %swap3A_88 : vector<1x16xf32> to vector<16xf32>
      %swap3A_90 = vector.shape_cast %broadcast_in_dim3A_85 : vector<16xf32> to vector<1x16xf32>
      tpu.vector_store %arg8[%swap3A_86, %swap3A_87], %swap3A_90 {strides = array<i32>} : memref<80x128xf32, #tpu.memory_space<vmem>>, vector<1x16xf32>,
      %broadcast_in_dim3A_91 = arith.constant 0.000000e+00 : f32
      %broadcast_in_dim3A_92 = vector.broadcast %broadcast_in_dim3A_91 : f32 to vector<16xf32>
      %swap3A_93 = arith.index_cast %scan3A_63 : i32 to index
      %swap3A_94 = arith.constant 64 : index
      %swap3A_95 = tpu.vector_load %arg8[%swap3A_93, %swap3A_94] {strides = array<i32>} : memref<80x128xf32, #tpu.memory_space<vmem>>, vector<1x16xf32>,
      %swap3A_96 = vector.shape_cast %swap3A_95 : vector<1x16xf32> to vector<16xf32>
      %swap3A_97 = vector.shape_cast %broadcast_in_dim3A_92 : vector<16xf32> to vector<1x16xf32>
      tpu.vector_store %arg8[%swap3A_93, %swap3A_94], %swap3A_97 {strides = array<i32>} : memref<80x128xf32, #tpu.memory_space<vmem>>, vector<1x16xf32>,
      %broadcast_in_dim3A_98 = arith.constant 0.000000e+00 : f32
      %broadcast_in_dim3A_99 = vector.broadcast %broadcast_in_dim3A_98 : f32 to vector<16xf32>
      %swap3A_100 = arith.index_cast %scan3A_63 : i32 to index
      %swap3A_101 = arith.constant 80 : index
      %swap3A_102 = tpu.vector_load %arg8[%swap3A_100, %swap3A_101] {strides = array<i32>} : memref<80x128xf32, #tpu.memory_space<vmem>>, vector<1x16xf32>,
      %swap3A_103 = vector.shape_cast %swap3A_102 : vector<1x16xf32> to vector<16xf32>
      %swap3A_104 = vector.shape_cast %broadcast_in_dim3A_99 : vector<16xf32> to vector<1x16xf32>
      tpu.vector_store %arg8[%swap3A_100, %swap3A_101], %swap3A_104 {strides = array<i32>} : memref<80x128xf32, #tpu.memory_space<vmem>>, vector<1x16xf32>,
      %broadcast_in_dim3A_105 = arith.constant 0.000000e+00 : f32
      %broadcast_in_dim3A_106 = vector.broadcast %broadcast_in_dim3A_105 : f32 to vector<16xf32>
      %swap3A_107 = arith.index_cast %scan3A_63 : i32 to index
      %swap3A_108 = arith.constant 96 : index
      %swap3A_109 = tpu.vector_load %arg8[%swap3A_107, %swap3A_108] {strides = array<i32>} : memref<80x128xf32, #tpu.memory_space<vmem>>, vector<1x16xf32>,
      %swap3A_110 = vector.shape_cast %swap3A_109 : vector<1x16xf32> to vector<16xf32>
      %swap3A_111 = vector.shape_cast %broadcast_in_dim3A_106 : vector<16xf32> to vector<1x16xf32>
      tpu.vector_store %arg8[%swap3A_107, %swap3A_108], %swap3A_111 {strides = array<i32>} : memref<80x128xf32, #tpu.memory_space<vmem>>, vector<1x16xf32>,
      %broadcast_in_dim3A_112 = arith.constant 0.000000e+00 : f32
      %broadcast_in_dim3A_113 = vector.broadcast %broadcast_in_dim3A_112 : f32 to vector<16xf32>
      %swap3A_114 = arith.index_cast %scan3A_63 : i32 to index
      %swap3A_115 = arith.constant 112 : index
      %swap3A_116 = tpu.vector_load %arg8[%swap3A_114, %swap3A_115] {strides = array<i32>} : memref<80x128xf32, #tpu.memory_space<vmem>>, vector<1x16xf32>,
      %swap3A_117 = vector.shape_cast %swap3A_116 : vector<1x16xf32> to vector<16xf32>
      %swap3A_118 = vector.shape_cast %broadcast_in_dim3A_113 : vector<16xf32> to vector<1x16xf32>
      tpu.vector_store %arg8[%swap3A_114, %swap3A_115], %swap3A_118 {strides = array<i32>} : memref<80x128xf32, #tpu.memory_space<vmem>>, vector<1x16xf32>,
      %scan3A_119 = arith.constant 0 : i32
      scf.yield %scan3A_119 : i32
    }
    %scan3A_6 = arith.constant 80 : i32
    %mul3A_7 = arith.constant 640 : i32
    %mul3A_8 = arith.muli %arg1, %mul3A_7 : i32
    %add3A_9 = arith.constant 0 : i32
    %add3A_10 = arith.addi %mul3A_8, %add3A_9 : i32
    "tpu.region"() ({
      %run_scoped3A_63 = tpu.sem_alloc : memref<!tpu.dma_semaphore, #tpu.memory_space<semaphore_mem>>
      %dma_start3A_64 = arith.constant 0 : i32
      %dma_start3A_65 = arith.constant 0 : i32
      %dma_start3A_66 = tpu.memref_slice %arg8[%dma_start3A_64, %dma_start3A_65] : memref<80x128xf32, #tpu.memory_space<vmem>> -> memref<80x128xf32, #tpu.memory_space<vmem>>
      %dma_start3A_67 = arith.constant 0 : i32
      %dma_start3A_68 = tpu.memref_slice %arg10[%add3A_10, %dma_start3A_67] : memref<10240x128xf32, #tpu.memory_space<vmem_shared>> -> memref<80x128xf32, #tpu.memory_space<vmem_shared>>
      %dma_start3A_69 = arith.constant 0 : i32
      %dma_start3A_70 = tpu.memref_slice %arg10[%add3A_10, %dma_start3A_69] : memref<10240x128xf32, #tpu.memory_space<vmem_shared>> -> memref<80x128xf32, #tpu.memory_space<vmem_shared>>
      %dma_start3A_71 = arith.constant 0 : i32
      %dma_start3A_72 = arith.constant 0 : i32
      %dma_start3A_73 = tpu.memref_slice %arg8[%dma_start3A_71, %dma_start3A_72] : memref<80x128xf32, #tpu.memory_space<vmem>> -> memref<80x128xf32, #tpu.memory_space<vmem>>
      tpu.enqueue_dma source(%dma_start3A_73 : memref<80x128xf32, #tpu.memory_space<vmem>>) target(%dma_start3A_70 : memref<80x128xf32, #tpu.memory_space<vmem_shared>>) target_semaphore(%run_scoped3A_63 : memref<!tpu.dma_semaphore, #tpu.memory_space<semaphore_mem>>)
      %dma_wait3A_74 = arith.constant 0 : i32
      %dma_wait3A_75 = arith.constant 0 : i32
      %dma_wait3A_76 = tpu.memref_slice %arg8[%dma_wait3A_74, %dma_wait3A_75] : memref<80x128xf32, #tpu.memory_space<vmem>> -> memref<80x128xf32, #tpu.memory_space<vmem>>
      %dma_wait3A_77 = arith.constant 0 : i32
      %dma_wait3A_78 = tpu.memref_slice %arg10[%add3A_10, %dma_wait3A_77] : memref<10240x128xf32, #tpu.memory_space<vmem_shared>> -> memref<80x128xf32, #tpu.memory_space<vmem_shared>>
      %dma_wait3A_79 = arith.constant 0 : i32
      %dma_wait3A_80 = tpu.memref_slice %arg10[%add3A_10, %dma_wait3A_79] : memref<10240x128xf32, #tpu.memory_space<vmem_shared>> -> memref<80x128xf32, #tpu.memory_space<vmem_shared>>
      %dma_wait3A_81 = arith.constant 0 : i32
      %dma_wait3A_82 = arith.constant 0 : i32
      %dma_wait3A_83 = tpu.memref_slice %arg8[%dma_wait3A_81, %dma_wait3A_82] : memref<80x128xf32, #tpu.memory_space<vmem>> -> memref<80x128xf32, #tpu.memory_space<vmem>>
      tpu.wait_dma2 semaphore(%run_scoped3A_63 : memref<!tpu.dma_semaphore, #tpu.memory_space<semaphore_mem>>) src(%dma_wait3A_83 : memref<80x128xf32, #tpu.memory_space<vmem>>) dst(%dma_wait3A_80 : memref<80x128xf32, #tpu.memory_space<vmem_shared>>)
      tpu.yield
    }) : () -> ()
    %mul3A_11 = arith.constant 640 : i32
    %mul3A_12 = arith.muli %arg1, %mul3A_11 : i32
    %add3A_13 = arith.constant 80 : i32
    %add3A_14 = arith.addi %mul3A_12, %add3A_13 : i32
    "tpu.region"() ({
      %run_scoped3A_63 = tpu.sem_alloc : memref<!tpu.dma_semaphore, #tpu.memory_space<semaphore_mem>>
      %dma_start3A_64 = arith.constant 0 : i32
      %dma_start3A_65 = arith.constant 0 : i32
      %dma_start3A_66 = tpu.memref_slice %arg8[%dma_start3A_64, %dma_start3A_65] : memref<80x128xf32, #tpu.memory_space<vmem>> -> memref<80x128xf32, #tpu.memory_space<vmem>>
      %dma_start3A_67 = arith.constant 0 : i32
      %dma_start3A_68 = tpu.memref_slice %arg10[%add3A_14, %dma_start3A_67] : memref<10240x128xf32, #tpu.memory_space<vmem_shared>> -> memref<80x128xf32, #tpu.memory_space<vmem_shared>>
      %dma_start3A_69 = arith.constant 0 : i32
      %dma_start3A_70 = tpu.memref_slice %arg10[%add3A_14, %dma_start3A_69] : memref<10240x128xf32, #tpu.memory_space<vmem_shared>> -> memref<80x128xf32, #tpu.memory_space<vmem_shared>>
      %dma_start3A_71 = arith.constant 0 : i32
      %dma_start3A_72 = arith.constant 0 : i32
      %dma_start3A_73 = tpu.memref_slice %arg8[%dma_start3A_71, %dma_start3A_72] : memref<80x128xf32, #tpu.memory_space<vmem>> -> memref<80x128xf32, #tpu.memory_space<vmem>>
      tpu.enqueue_dma source(%dma_start3A_73 : memref<80x128xf32, #tpu.memory_space<vmem>>) target(%dma_start3A_70 : memref<80x128xf32, #tpu.memory_space<vmem_shared>>) target_semaphore(%run_scoped3A_63 : memref<!tpu.dma_semaphore, #tpu.memory_space<semaphore_mem>>)
      %dma_wait3A_74 = arith.constant 0 : i32
      %dma_wait3A_75 = arith.constant 0 : i32
      %dma_wait3A_76 = tpu.memref_slice %arg8[%dma_wait3A_74, %dma_wait3A_75] : memref<80x128xf32, #tpu.memory_space<vmem>> -> memref<80x128xf32, #tpu.memory_space<vmem>>
      %dma_wait3A_77 = arith.constant 0 : i32
      %dma_wait3A_78 = tpu.memref_slice %arg10[%add3A_14, %dma_wait3A_77] : memref<10240x128xf32, #tpu.memory_space<vmem_shared>> -> memref<80x128xf32, #tpu.memory_space<vmem_shared>>
      %dma_wait3A_79 = arith.constant 0 : i32
      %dma_wait3A_80 = tpu.memref_slice %arg10[%add3A_14, %dma_wait3A_79] : memref<10240x128xf32, #tpu.memory_space<vmem_shared>> -> memref<80x128xf32, #tpu.memory_space<vmem_shared>>
      %dma_wait3A_81 = arith.constant 0 : i32
      %dma_wait3A_82 = arith.constant 0 : i32
      %dma_wait3A_83 = tpu.memref_slice %arg8[%dma_wait3A_81, %dma_wait3A_82] : memref<80x128xf32, #tpu.memory_space<vmem>> -> memref<80x128xf32, #tpu.memory_space<vmem>>
      tpu.wait_dma2 semaphore(%run_scoped3A_63 : memref<!tpu.dma_semaphore, #tpu.memory_space<semaphore_mem>>) src(%dma_wait3A_83 : memref<80x128xf32, #tpu.memory_space<vmem>>) dst(%dma_wait3A_80 : memref<80x128xf32, #tpu.memory_space<vmem_shared>>)
      tpu.yield
    }) : () -> ()
    %mul3A_15 = arith.constant 640 : i32
    %mul3A_16 = arith.muli %arg1, %mul3A_15 : i32
    %add3A_17 = arith.constant 160 : i32
    %add3A_18 = arith.addi %mul3A_16, %add3A_17 : i32
    "tpu.region"() ({
      %run_scoped3A_63 = tpu.sem_alloc : memref<!tpu.dma_semaphore, #tpu.memory_space<semaphore_mem>>
      %dma_start3A_64 = arith.constant 0 : i32
      %dma_start3A_65 = arith.constant 0 : i32
      %dma_start3A_66 = tpu.memref_slice %arg8[%dma_start3A_64, %dma_start3A_65] : memref<80x128xf32, #tpu.memory_space<vmem>> -> memref<80x128xf32, #tpu.memory_space<vmem>>
      %dma_start3A_67 = arith.constant 0 : i32
      %dma_start3A_68 = tpu.memref_slice %arg10[%add3A_18, %dma_start3A_67] : memref<10240x128xf32, #tpu.memory_space<vmem_shared>> -> memref<80x128xf32, #tpu.memory_space<vmem_shared>>
      %dma_start3A_69 = arith.constant 0 : i32
      %dma_start3A_70 = tpu.memref_slice %arg10[%add3A_18, %dma_start3A_69] : memref<10240x128xf32, #tpu.memory_space<vmem_shared>> -> memref<80x128xf32, #tpu.memory_space<vmem_shared>>
      %dma_start3A_71 = arith.constant 0 : i32
      %dma_start3A_72 = arith.constant 0 : i32
      %dma_start3A_73 = tpu.memref_slice %arg8[%dma_start3A_71, %dma_start3A_72] : memref<80x128xf32, #tpu.memory_space<vmem>> -> memref<80x128xf32, #tpu.memory_space<vmem>>
      tpu.enqueue_dma source(%dma_start3A_73 : memref<80x128xf32, #tpu.memory_space<vmem>>) target(%dma_start3A_70 : memref<80x128xf32, #tpu.memory_space<vmem_shared>>) target_semaphore(%run_scoped3A_63 : memref<!tpu.dma_semaphore, #tpu.memory_space<semaphore_mem>>)
      %dma_wait3A_74 = arith.constant 0 : i32
      %dma_wait3A_75 = arith.constant 0 : i32
      %dma_wait3A_76 = tpu.memref_slice %arg8[%dma_wait3A_74, %dma_wait3A_75] : memref<80x128xf32, #tpu.memory_space<vmem>> -> memref<80x128xf32, #tpu.memory_space<vmem>>
      %dma_wait3A_77 = arith.constant 0 : i32
      %dma_wait3A_78 = tpu.memref_slice %arg10[%add3A_18, %dma_wait3A_77] : memref<10240x128xf32, #tpu.memory_space<vmem_shared>> -> memref<80x128xf32, #tpu.memory_space<vmem_shared>>
      %dma_wait3A_79 = arith.constant 0 : i32
      %dma_wait3A_80 = tpu.memref_slice %arg10[%add3A_18, %dma_wait3A_79] : memref<10240x128xf32, #tpu.memory_space<vmem_shared>> -> memref<80x128xf32, #tpu.memory_space<vmem_shared>>
      %dma_wait3A_81 = arith.constant 0 : i32
      %dma_wait3A_82 = arith.constant 0 : i32
      %dma_wait3A_83 = tpu.memref_slice %arg8[%dma_wait3A_81, %dma_wait3A_82] : memref<80x128xf32, #tpu.memory_space<vmem>> -> memref<80x128xf32, #tpu.memory_space<vmem>>
      tpu.wait_dma2 semaphore(%run_scoped3A_63 : memref<!tpu.dma_semaphore, #tpu.memory_space<semaphore_mem>>) src(%dma_wait3A_83 : memref<80x128xf32, #tpu.memory_space<vmem>>) dst(%dma_wait3A_80 : memref<80x128xf32, #tpu.memory_space<vmem_shared>>)
      tpu.yield
    }) : () -> ()
    %mul3A_19 = arith.constant 640 : i32
    %mul3A_20 = arith.muli %arg1, %mul3A_19 : i32
    %add3A_21 = arith.constant 240 : i32
    %add3A_22 = arith.addi %mul3A_20, %add3A_21 : i32
    "tpu.region"() ({
      %run_scoped3A_63 = tpu.sem_alloc : memref<!tpu.dma_semaphore, #tpu.memory_space<semaphore_mem>>
      %dma_start3A_64 = arith.constant 0 : i32
      %dma_start3A_65 = arith.constant 0 : i32
      %dma_start3A_66 = tpu.memref_slice %arg8[%dma_start3A_64, %dma_start3A_65] : memref<80x128xf32, #tpu.memory_space<vmem>> -> memref<80x128xf32, #tpu.memory_space<vmem>>
      %dma_start3A_67 = arith.constant 0 : i32
      %dma_start3A_68 = tpu.memref_slice %arg10[%add3A_22, %dma_start3A_67] : memref<10240x128xf32, #tpu.memory_space<vmem_shared>> -> memref<80x128xf32, #tpu.memory_space<vmem_shared>>
      %dma_start3A_69 = arith.constant 0 : i32
      %dma_start3A_70 = tpu.memref_slice %arg10[%add3A_22, %dma_start3A_69] : memref<10240x128xf32, #tpu.memory_space<vmem_shared>> -> memref<80x128xf32, #tpu.memory_space<vmem_shared>>
      %dma_start3A_71 = arith.constant 0 : i32
      %dma_start3A_72 = arith.constant 0 : i32
      %dma_start3A_73 = tpu.memref_slice %arg8[%dma_start3A_71, %dma_start3A_72] : memref<80x128xf32, #tpu.memory_space<vmem>> -> memref<80x128xf32, #tpu.memory_space<vmem>>
      tpu.enqueue_dma source(%dma_start3A_73 : memref<80x128xf32, #tpu.memory_space<vmem>>) target(%dma_start3A_70 : memref<80x128xf32, #tpu.memory_space<vmem_shared>>) target_semaphore(%run_scoped3A_63 : memref<!tpu.dma_semaphore, #tpu.memory_space<semaphore_mem>>)
      %dma_wait3A_74 = arith.constant 0 : i32
      %dma_wait3A_75 = arith.constant 0 : i32
      %dma_wait3A_76 = tpu.memref_slice %arg8[%dma_wait3A_74, %dma_wait3A_75] : memref<80x128xf32, #tpu.memory_space<vmem>> -> memref<80x128xf32, #tpu.memory_space<vmem>>
      %dma_wait3A_77 = arith.constant 0 : i32
      %dma_wait3A_78 = tpu.memref_slice %arg10[%add3A_22, %dma_wait3A_77] : memref<10240x128xf32, #tpu.memory_space<vmem_shared>> -> memref<80x128xf32, #tpu.memory_space<vmem_shared>>
      %dma_wait3A_79 = arith.constant 0 : i32
      %dma_wait3A_80 = tpu.memref_slice %arg10[%add3A_22, %dma_wait3A_79] : memref<10240x128xf32, #tpu.memory_space<vmem_shared>> -> memref<80x128xf32, #tpu.memory_space<vmem_shared>>
      %dma_wait3A_81 = arith.constant 0 : i32
      %dma_wait3A_82 = arith.constant 0 : i32
      %dma_wait3A_83 = tpu.memref_slice %arg8[%dma_wait3A_81, %dma_wait3A_82] : memref<80x128xf32, #tpu.memory_space<vmem>> -> memref<80x128xf32, #tpu.memory_space<vmem>>
      tpu.wait_dma2 semaphore(%run_scoped3A_63 : memref<!tpu.dma_semaphore, #tpu.memory_space<semaphore_mem>>) src(%dma_wait3A_83 : memref<80x128xf32, #tpu.memory_space<vmem>>) dst(%dma_wait3A_80 : memref<80x128xf32, #tpu.memory_space<vmem_shared>>)
      tpu.yield
    }) : () -> ()
    %mul3A_23 = arith.constant 640 : i32
    %mul3A_24 = arith.muli %arg1, %mul3A_23 : i32
    %add3A_25 = arith.constant 320 : i32
    %add3A_26 = arith.addi %mul3A_24, %add3A_25 : i32
    "tpu.region"() ({
      %run_scoped3A_63 = tpu.sem_alloc : memref<!tpu.dma_semaphore, #tpu.memory_space<semaphore_mem>>
      %dma_start3A_64 = arith.constant 0 : i32
      %dma_start3A_65 = arith.constant 0 : i32
      %dma_start3A_66 = tpu.memref_slice %arg8[%dma_start3A_64, %dma_start3A_65] : memref<80x128xf32, #tpu.memory_space<vmem>> -> memref<80x128xf32, #tpu.memory_space<vmem>>
      %dma_start3A_67 = arith.constant 0 : i32
      %dma_start3A_68 = tpu.memref_slice %arg10[%add3A_26, %dma_start3A_67] : memref<10240x128xf32, #tpu.memory_space<vmem_shared>> -> memref<80x128xf32, #tpu.memory_space<vmem_shared>>
      %dma_start3A_69 = arith.constant 0 : i32
      %dma_start3A_70 = tpu.memref_slice %arg10[%add3A_26, %dma_start3A_69] : memref<10240x128xf32, #tpu.memory_space<vmem_shared>> -> memref<80x128xf32, #tpu.memory_space<vmem_shared>>
      %dma_start3A_71 = arith.constant 0 : i32
      %dma_start3A_72 = arith.constant 0 : i32
      %dma_start3A_73 = tpu.memref_slice %arg8[%dma_start3A_71, %dma_start3A_72] : memref<80x128xf32, #tpu.memory_space<vmem>> -> memref<80x128xf32, #tpu.memory_space<vmem>>
      tpu.enqueue_dma source(%dma_start3A_73 : memref<80x128xf32, #tpu.memory_space<vmem>>) target(%dma_start3A_70 : memref<80x128xf32, #tpu.memory_space<vmem_shared>>) target_semaphore(%run_scoped3A_63 : memref<!tpu.dma_semaphore, #tpu.memory_space<semaphore_mem>>)
      %dma_wait3A_74 = arith.constant 0 : i32
      %dma_wait3A_75 = arith.constant 0 : i32
      %dma_wait3A_76 = tpu.memref_slice %arg8[%dma_wait3A_74, %dma_wait3A_75] : memref<80x128xf32, #tpu.memory_space<vmem>> -> memref<80x128xf32, #tpu.memory_space<vmem>>
      %dma_wait3A_77 = arith.constant 0 : i32
      %dma_wait3A_78 = tpu.memref_slice %arg10[%add3A_26, %dma_wait3A_77] : memref<10240x128xf32, #tpu.memory_space<vmem_shared>> -> memref<80x128xf32, #tpu.memory_space<vmem_shared>>
      %dma_wait3A_79 = arith.constant 0 : i32
      %dma_wait3A_80 = tpu.memref_slice %arg10[%add3A_26, %dma_wait3A_79] : memref<10240x128xf32, #tpu.memory_space<vmem_shared>> -> memref<80x128xf32, #tpu.memory_space<vmem_shared>>
      %dma_wait3A_81 = arith.constant 0 : i32
      %dma_wait3A_82 = arith.constant 0 : i32
      %dma_wait3A_83 = tpu.memref_slice %arg8[%dma_wait3A_81, %dma_wait3A_82] : memref<80x128xf32, #tpu.memory_space<vmem>> -> memref<80x128xf32, #tpu.memory_space<vmem>>
      tpu.wait_dma2 semaphore(%run_scoped3A_63 : memref<!tpu.dma_semaphore, #tpu.memory_space<semaphore_mem>>) src(%dma_wait3A_83 : memref<80x128xf32, #tpu.memory_space<vmem>>) dst(%dma_wait3A_80 : memref<80x128xf32, #tpu.memory_space<vmem_shared>>)
      tpu.yield
    }) : () -> ()
    %mul3A_27 = arith.constant 640 : i32
    %mul3A_28 = arith.muli %arg1, %mul3A_27 : i32
    %add3A_29 = arith.constant 400 : i32
    %add3A_30 = arith.addi %mul3A_28, %add3A_29 : i32
    "tpu.region"() ({
      %run_scoped3A_63 = tpu.sem_alloc : memref<!tpu.dma_semaphore, #tpu.memory_space<semaphore_mem>>
      %dma_start3A_64 = arith.constant 0 : i32
      %dma_start3A_65 = arith.constant 0 : i32
      %dma_start3A_66 = tpu.memref_slice %arg8[%dma_start3A_64, %dma_start3A_65] : memref<80x128xf32, #tpu.memory_space<vmem>> -> memref<80x128xf32, #tpu.memory_space<vmem>>
      %dma_start3A_67 = arith.constant 0 : i32
      %dma_start3A_68 = tpu.memref_slice %arg10[%add3A_30, %dma_start3A_67] : memref<10240x128xf32, #tpu.memory_space<vmem_shared>> -> memref<80x128xf32, #tpu.memory_space<vmem_shared>>
      %dma_start3A_69 = arith.constant 0 : i32
      %dma_start3A_70 = tpu.memref_slice %arg10[%add3A_30, %dma_start3A_69] : memref<10240x128xf32, #tpu.memory_space<vmem_shared>> -> memref<80x128xf32, #tpu.memory_space<vmem_shared>>
      %dma_start3A_71 = arith.constant 0 : i32
      %dma_start3A_72 = arith.constant 0 : i32
      %dma_start3A_73 = tpu.memref_slice %arg8[%dma_start3A_71, %dma_start3A_72] : memref<80x128xf32, #tpu.memory_space<vmem>> -> memref<80x128xf32, #tpu.memory_space<vmem>>
      tpu.enqueue_dma source(%dma_start3A_73 : memref<80x128xf32, #tpu.memory_space<vmem>>) target(%dma_start3A_70 : memref<80x128xf32, #tpu.memory_space<vmem_shared>>) target_semaphore(%run_scoped3A_63 : memref<!tpu.dma_semaphore, #tpu.memory_space<semaphore_mem>>)
      %dma_wait3A_74 = arith.constant 0 : i32
      %dma_wait3A_75 = arith.constant 0 : i32
      %dma_wait3A_76 = tpu.memref_slice %arg8[%dma_wait3A_74, %dma_wait3A_75] : memref<80x128xf32, #tpu.memory_space<vmem>> -> memref<80x128xf32, #tpu.memory_space<vmem>>
      %dma_wait3A_77 = arith.constant 0 : i32
      %dma_wait3A_78 = tpu.memref_slice %arg10[%add3A_30, %dma_wait3A_77] : memref<10240x128xf32, #tpu.memory_space<vmem_shared>> -> memref<80x128xf32, #tpu.memory_space<vmem_shared>>
      %dma_wait3A_79 = arith.constant 0 : i32
      %dma_wait3A_80 = tpu.memref_slice %arg10[%add3A_30, %dma_wait3A_79] : memref<10240x128xf32, #tpu.memory_space<vmem_shared>> -> memref<80x128xf32, #tpu.memory_space<vmem_shared>>
      %dma_wait3A_81 = arith.constant 0 : i32
      %dma_wait3A_82 = arith.constant 0 : i32
      %dma_wait3A_83 = tpu.memref_slice %arg8[%dma_wait3A_81, %dma_wait3A_82] : memref<80x128xf32, #tpu.memory_space<vmem>> -> memref<80x128xf32, #tpu.memory_space<vmem>>
      tpu.wait_dma2 semaphore(%run_scoped3A_63 : memref<!tpu.dma_semaphore, #tpu.memory_space<semaphore_mem>>) src(%dma_wait3A_83 : memref<80x128xf32, #tpu.memory_space<vmem>>) dst(%dma_wait3A_80 : memref<80x128xf32, #tpu.memory_space<vmem_shared>>)
      tpu.yield
    }) : () -> ()
    %mul3A_31 = arith.constant 640 : i32
    %mul3A_32 = arith.muli %arg1, %mul3A_31 : i32
    %add3A_33 = arith.constant 480 : i32
    %add3A_34 = arith.addi %mul3A_32, %add3A_33 : i32
    "tpu.region"() ({
      %run_scoped3A_63 = tpu.sem_alloc : memref<!tpu.dma_semaphore, #tpu.memory_space<semaphore_mem>>
      %dma_start3A_64 = arith.constant 0 : i32
      %dma_start3A_65 = arith.constant 0 : i32
      %dma_start3A_66 = tpu.memref_slice %arg8[%dma_start3A_64, %dma_start3A_65] : memref<80x128xf32, #tpu.memory_space<vmem>> -> memref<80x128xf32, #tpu.memory_space<vmem>>
      %dma_start3A_67 = arith.constant 0 : i32
      %dma_start3A_68 = tpu.memref_slice %arg10[%add3A_34, %dma_start3A_67] : memref<10240x128xf32, #tpu.memory_space<vmem_shared>> -> memref<80x128xf32, #tpu.memory_space<vmem_shared>>
      %dma_start3A_69 = arith.constant 0 : i32
      %dma_start3A_70 = tpu.memref_slice %arg10[%add3A_34, %dma_start3A_69] : memref<10240x128xf32, #tpu.memory_space<vmem_shared>> -> memref<80x128xf32, #tpu.memory_space<vmem_shared>>
      %dma_start3A_71 = arith.constant 0 : i32
      %dma_start3A_72 = arith.constant 0 : i32
      %dma_start3A_73 = tpu.memref_slice %arg8[%dma_start3A_71, %dma_start3A_72] : memref<80x128xf32, #tpu.memory_space<vmem>> -> memref<80x128xf32, #tpu.memory_space<vmem>>
      tpu.enqueue_dma source(%dma_start3A_73 : memref<80x128xf32, #tpu.memory_space<vmem>>) target(%dma_start3A_70 : memref<80x128xf32, #tpu.memory_space<vmem_shared>>) target_semaphore(%run_scoped3A_63 : memref<!tpu.dma_semaphore, #tpu.memory_space<semaphore_mem>>)
      %dma_wait3A_74 = arith.constant 0 : i32
      %dma_wait3A_75 = arith.constant 0 : i32
      %dma_wait3A_76 = tpu.memref_slice %arg8[%dma_wait3A_74, %dma_wait3A_75] : memref<80x128xf32, #tpu.memory_space<vmem>> -> memref<80x128xf32, #tpu.memory_space<vmem>>
      %dma_wait3A_77 = arith.constant 0 : i32
      %dma_wait3A_78 = tpu.memref_slice %arg10[%add3A_34, %dma_wait3A_77] : memref<10240x128xf32, #tpu.memory_space<vmem_shared>> -> memref<80x128xf32, #tpu.memory_space<vmem_shared>>
      %dma_wait3A_79 = arith.constant 0 : i32
      %dma_wait3A_80 = tpu.memref_slice %arg10[%add3A_34, %dma_wait3A_79] : memref<10240x128xf32, #tpu.memory_space<vmem_shared>> -> memref<80x128xf32, #tpu.memory_space<vmem_shared>>
      %dma_wait3A_81 = arith.constant 0 : i32
      %dma_wait3A_82 = arith.constant 0 : i32
      %dma_wait3A_83 = tpu.memref_slice %arg8[%dma_wait3A_81, %dma_wait3A_82] : memref<80x128xf32, #tpu.memory_space<vmem>> -> memref<80x128xf32, #tpu.memory_space<vmem>>
      tpu.wait_dma2 semaphore(%run_scoped3A_63 : memref<!tpu.dma_semaphore, #tpu.memory_space<semaphore_mem>>) src(%dma_wait3A_83 : memref<80x128xf32, #tpu.memory_space<vmem>>) dst(%dma_wait3A_80 : memref<80x128xf32, #tpu.memory_space<vmem_shared>>)
      tpu.yield
    }) : () -> ()
    %mul3A_35 = arith.constant 640 : i32
    %mul3A_36 = arith.muli %arg1, %mul3A_35 : i32
    %add3A_37 = arith.constant 560 : i32
    %add3A_38 = arith.addi %mul3A_36, %add3A_37 : i32
    "tpu.region"() ({
      %run_scoped3A_63 = tpu.sem_alloc : memref<!tpu.dma_semaphore, #tpu.memory_space<semaphore_mem>>
      %dma_start3A_64 = arith.constant 0 : i32
      %dma_start3A_65 = arith.constant 0 : i32
      %dma_start3A_66 = tpu.memref_slice %arg8[%dma_start3A_64, %dma_start3A_65] : memref<80x128xf32, #tpu.memory_space<vmem>> -> memref<80x128xf32, #tpu.memory_space<vmem>>
      %dma_start3A_67 = arith.constant 0 : i32
      %dma_start3A_68 = tpu.memref_slice %arg10[%add3A_38, %dma_start3A_67] : memref<10240x128xf32, #tpu.memory_space<vmem_shared>> -> memref<80x128xf32, #tpu.memory_space<vmem_shared>>
      %dma_start3A_69 = arith.constant 0 : i32
      %dma_start3A_70 = tpu.memref_slice %arg10[%add3A_38, %dma_start3A_69] : memref<10240x128xf32, #tpu.memory_space<vmem_shared>> -> memref<80x128xf32, #tpu.memory_space<vmem_shared>>
      %dma_start3A_71 = arith.constant 0 : i32
      %dma_start3A_72 = arith.constant 0 : i32
      %dma_start3A_73 = tpu.memref_slice %arg8[%dma_start3A_71, %dma_start3A_72] : memref<80x128xf32, #tpu.memory_space<vmem>> -> memref<80x128xf32, #tpu.memory_space<vmem>>
      tpu.enqueue_dma source(%dma_start3A_73 : memref<80x128xf32, #tpu.memory_space<vmem>>) target(%dma_start3A_70 : memref<80x128xf32, #tpu.memory_space<vmem_shared>>) target_semaphore(%run_scoped3A_63 : memref<!tpu.dma_semaphore, #tpu.memory_space<semaphore_mem>>)
      %dma_wait3A_74 = arith.constant 0 : i32
      %dma_wait3A_75 = arith.constant 0 : i32
      %dma_wait3A_76 = tpu.memref_slice %arg8[%dma_wait3A_74, %dma_wait3A_75] : memref<80x128xf32, #tpu.memory_space<vmem>> -> memref<80x128xf32, #tpu.memory_space<vmem>>
      %dma_wait3A_77 = arith.constant 0 : i32
      %dma_wait3A_78 = tpu.memref_slice %arg10[%add3A_38, %dma_wait3A_77] : memref<10240x128xf32, #tpu.memory_space<vmem_shared>> -> memref<80x128xf32, #tpu.memory_space<vmem_shared>>
      %dma_wait3A_79 = arith.constant 0 : i32
      %dma_wait3A_80 = tpu.memref_slice %arg10[%add3A_38, %dma_wait3A_79] : memref<10240x128xf32, #tpu.memory_space<vmem_shared>> -> memref<80x128xf32, #tpu.memory_space<vmem_shared>>
      %dma_wait3A_81 = arith.constant 0 : i32
      %dma_wait3A_82 = arith.constant 0 : i32
      %dma_wait3A_83 = tpu.memref_slice %arg8[%dma_wait3A_81, %dma_wait3A_82] : memref<80x128xf32, #tpu.memory_space<vmem>> -> memref<80x128xf32, #tpu.memory_space<vmem>>
      tpu.wait_dma2 semaphore(%run_scoped3A_63 : memref<!tpu.dma_semaphore, #tpu.memory_space<semaphore_mem>>) src(%dma_wait3A_83 : memref<80x128xf32, #tpu.memory_space<vmem>>) dst(%dma_wait3A_80 : memref<80x128xf32, #tpu.memory_space<vmem_shared>>)
      tpu.yield
    }) : () -> ()
    %barrier3A = arith.constant 0 : index
    tpu.barrier barrier_id(%barrier3A)
    "tpu.region"() ({
      %run_scoped3A_63 = tpu.sem_alloc : memref<!tpu.dma_semaphore, #tpu.memory_space<semaphore_mem>>
      %dma_start3A_64 = arith.constant 0 : i32
      %dma_start3A_65 = arith.constant 0 : i32
      %dma_start3A_66 = tpu.memref_slice %arg2[%add3A, %dma_start3A_64, %dma_start3A_65] : memref<32x125x80xi32, #tpu.memory_space<hbm>> -> memref<1x125x80xi32, #tpu.memory_space<hbm>>
      %dma_start3A_67 = tpu.memref_squeeze %dma_start3A_66 : memref<1x125x80xi32, #tpu.memory_space<hbm>> -> memref<125x80xi32, #tpu.memory_space<hbm>>
      %dma_start3A_68 = arith.constant 0 : i32
      %dma_start3A_69 = arith.constant 0 : i32
      %dma_start3A_70 = tpu.memref_slice %arg2[%add3A, %dma_start3A_68, %dma_start3A_69] : memref<32x125x80xi32, #tpu.memory_space<hbm>> -> memref<1x125x80xi32, #tpu.memory_space<hbm>>
      %dma_start3A_71 = tpu.memref_squeeze %dma_start3A_70 : memref<1x125x80xi32, #tpu.memory_space<hbm>> -> memref<125x80xi32, #tpu.memory_space<hbm>>
      tpu.enqueue_dma source(%dma_start3A_71 : memref<125x80xi32, #tpu.memory_space<hbm>>) target(%arg6 : memref<125x80xi32, #tpu.memory_space<vmem>>) target_semaphore(%run_scoped3A_63 : memref<!tpu.dma_semaphore, #tpu.memory_space<semaphore_mem>>)
      %dma_wait3A_72 = arith.constant 0 : i32
      %dma_wait3A_73 = arith.constant 0 : i32
      %dma_wait3A_74 = tpu.memref_slice %arg2[%add3A, %dma_wait3A_72, %dma_wait3A_73] : memref<32x125x80xi32, #tpu.memory_space<hbm>> -> memref<1x125x80xi32, #tpu.memory_space<hbm>>
      %dma_wait3A_75 = tpu.memref_squeeze %dma_wait3A_74 : memref<1x125x80xi32, #tpu.memory_space<hbm>> -> memref<125x80xi32, #tpu.memory_space<hbm>>
      %dma_wait3A_76 = arith.constant 0 : i32
      %dma_wait3A_77 = arith.constant 0 : i32
      %dma_wait3A_78 = tpu.memref_slice %arg2[%add3A, %dma_wait3A_76, %dma_wait3A_77] : memref<32x125x80xi32, #tpu.memory_space<hbm>> -> memref<1x125x80xi32, #tpu.memory_space<hbm>>
      %dma_wait3A_79 = tpu.memref_squeeze %dma_wait3A_78 : memref<1x125x80xi32, #tpu.memory_space<hbm>> -> memref<125x80xi32, #tpu.memory_space<hbm>>
      tpu.wait_dma2 semaphore(%run_scoped3A_63 : memref<!tpu.dma_semaphore, #tpu.memory_space<semaphore_mem>>) src(%dma_wait3A_79 : memref<125x80xi32, #tpu.memory_space<hbm>>) dst(%arg6 : memref<125x80xi32, #tpu.memory_space<vmem>>)
      tpu.yield
    }) : () -> ()
    "tpu.region"() ({
      %run_scoped3A_63 = tpu.sem_alloc : memref<!tpu.dma_semaphore, #tpu.memory_space<semaphore_mem>>
      %dma_start3A_64 = arith.constant 0 : i32
      %dma_start3A_65 = arith.constant 0 : i32
      %dma_start3A_66 = tpu.memref_slice %arg3[%add3A, %dma_start3A_64, %dma_start3A_65] : memref<32x125x80xi32, #tpu.memory_space<hbm>> -> memref<1x125x80xi32, #tpu.memory_space<hbm>>
      %dma_start3A_67 = tpu.memref_squeeze %dma_start3A_66 : memref<1x125x80xi32, #tpu.memory_space<hbm>> -> memref<125x80xi32, #tpu.memory_space<hbm>>
      %dma_start3A_68 = arith.constant 0 : i32
      %dma_start3A_69 = arith.constant 0 : i32
      %dma_start3A_70 = tpu.memref_slice %arg3[%add3A, %dma_start3A_68, %dma_start3A_69] : memref<32x125x80xi32, #tpu.memory_space<hbm>> -> memref<1x125x80xi32, #tpu.memory_space<hbm>>
      %dma_start3A_71 = tpu.memref_squeeze %dma_start3A_70 : memref<1x125x80xi32, #tpu.memory_space<hbm>> -> memref<125x80xi32, #tpu.memory_space<hbm>>
      tpu.enqueue_dma source(%dma_start3A_71 : memref<125x80xi32, #tpu.memory_space<hbm>>) target(%arg7 : memref<125x80xi32, #tpu.memory_space<vmem>>) target_semaphore(%run_scoped3A_63 : memref<!tpu.dma_semaphore, #tpu.memory_space<semaphore_mem>>)
      %dma_wait3A_72 = arith.constant 0 : i32
      %dma_wait3A_73 = arith.constant 0 : i32
      %dma_wait3A_74 = tpu.memref_slice %arg3[%add3A, %dma_wait3A_72, %dma_wait3A_73] : memref<32x125x80xi32, #tpu.memory_space<hbm>> -> memref<1x125x80xi32, #tpu.memory_space<hbm>>
      %dma_wait3A_75 = tpu.memref_squeeze %dma_wait3A_74 : memref<1x125x80xi32, #tpu.memory_space<hbm>> -> memref<125x80xi32, #tpu.memory_space<hbm>>
      %dma_wait3A_76 = arith.constant 0 : i32
      %dma_wait3A_77 = arith.constant 0 : i32
      %dma_wait3A_78 = tpu.memref_slice %arg3[%add3A, %dma_wait3A_76, %dma_wait3A_77] : memref<32x125x80xi32, #tpu.memory_space<hbm>> -> memref<1x125x80xi32, #tpu.memory_space<hbm>>
      %dma_wait3A_79 = tpu.memref_squeeze %dma_wait3A_78 : memref<1x125x80xi32, #tpu.memory_space<hbm>> -> memref<125x80xi32, #tpu.memory_space<hbm>>
      tpu.wait_dma2 semaphore(%run_scoped3A_63 : memref<!tpu.dma_semaphore, #tpu.memory_space<semaphore_mem>>) src(%dma_wait3A_79 : memref<125x80xi32, #tpu.memory_space<hbm>>) dst(%arg7 : memref<125x80xi32, #tpu.memory_space<vmem>>)
      tpu.yield
    }) : () -> ()
    %dma_start3A = arith.constant 0 : i32
    %dma_start3A_39 = arith.constant 0 : i32
    %dma_start3A_40 = tpu.memref_slice %arg6[%dma_start3A, %dma_start3A_39] : memref<125x80xi32, #tpu.memory_space<vmem>> -> memref<1x80xi32, #tpu.memory_space<vmem>>
    %dma_start3A_41 = tpu.memref_squeeze %dma_start3A_40 : memref<1x80xi32, #tpu.memory_space<vmem>> -> memref<80xi32, #tpu.memory_space<vmem>>
    %dma_start3A_42 = arith.constant 0 : i32
    %dma_start3A_43 = arith.constant 0 : i32
    %dma_start3A_44 = tpu.memref_slice %arg4[%dma_start3A_42, %dma_start3A_43] : memref<10000x128xf32, #tpu.memory_space<hbm>> -> memref<10000x128xf32, #tpu.memory_space<hbm>>
    tpu.enqueue_indirect_dma source(%dma_start3A_44 : memref<10000x128xf32, #tpu.memory_space<hbm>>) target(%arg8 : memref<80x128xf32, #tpu.memory_space<vmem>>) offsets(%dma_start3A_41 : memref<80xi32, #tpu.memory_space<vmem>>) semaphore(%arg11 : memref<!tpu.dma_semaphore, #tpu.memory_space<semaphore_mem>>)
    %scan3A_45 = arith.constant 0 : i32
    %scan3A_46 = arith.constant 0 : i32
    %scan3A_47 = arith.constant 62 : i32
    %scan3A_48 = arith.addi %scan3A_46, %scan3A_47 : i32
    %scan3A_49 = arith.constant 1 : i32
    %scan3A_50 = scf.for %scan3A_63 = %scan3A_46 to %scan3A_48 step %scan3A_49 iter_args(%scan3A_64 = %scan3A_45) -> (i32)  : i32 {
      %mul3A_65 = arith.constant 2 : i32
      %mul3A_66 = arith.muli %mul3A_65, %scan3A_63 : i32
      %dma_wait3A_67 = arith.constant 0 : i32
      %dma_wait3A_68 = arith.constant 0 : i32
      %dma_wait3A_69 = tpu.memref_slice %arg6[%dma_wait3A_67, %dma_wait3A_68] : memref<125x80xi32, #tpu.memory_space<vmem>> -> memref<1x80xi32, #tpu.memory_space<vmem>>
      %dma_wait3A_70 = tpu.memref_squeeze %dma_wait3A_69 : memref<1x80xi32, #tpu.memory_space<vmem>> -> memref<80xi32, #tpu.memory_space<vmem>>
      %dma_wait3A_71 = arith.constant 0 : i32
      %dma_wait3A_72 = arith.constant 0 : i32
      %dma_wait3A_73 = tpu.memref_slice %arg4[%dma_wait3A_71, %dma_wait3A_72] : memref<10000x128xf32, #tpu.memory_space<hbm>> -> memref<10000x128xf32, #tpu.memory_space<hbm>>
      tpu.wait_indirect_dma semaphore(%arg11 : memref<!tpu.dma_semaphore, #tpu.memory_space<semaphore_mem>>) src(%dma_wait3A_73 : memref<10000x128xf32, #tpu.memory_space<hbm>>) dst(%arg8 : memref<80x128xf32, #tpu.memory_space<vmem>>)
      %add3A_74 = arith.constant 1 : i32
      %add3A_75 = arith.addi %mul3A_66, %add3A_74 : i32
      %dma_start3A_76 = arith.constant 0 : i32
      %dma_start3A_77 = tpu.memref_slice %arg6[%add3A_75, %dma_start3A_76] : memref<125x80xi32, #tpu.memory_space<vmem>> -> memref<1x80xi32, #tpu.memory_space<vmem>>
      %dma_start3A_78 = tpu.memref_squeeze %dma_start3A_77 : memref<1x80xi32, #tpu.memory_space<vmem>> -> memref<80xi32, #tpu.memory_space<vmem>>
      %dma_start3A_79 = arith.constant 0 : i32
      %dma_start3A_80 = arith.constant 0 : i32
      %dma_start3A_81 = tpu.memref_slice %arg4[%dma_start3A_79, %dma_start3A_80] : memref<10000x128xf32, #tpu.memory_space<hbm>> -> memref<10000x128xf32, #tpu.memory_space<hbm>>
      tpu.enqueue_indirect_dma source(%dma_start3A_81 : memref<10000x128xf32, #tpu.memory_space<hbm>>) target(%arg9 : memref<80x128xf32, #tpu.memory_space<vmem>>) offsets(%dma_start3A_78 : memref<80xi32, #tpu.memory_space<vmem>>) semaphore(%arg12 : memref<!tpu.dma_semaphore, #tpu.memory_space<semaphore_mem>>)
      "tpu.region"() ({
        %run_scoped3A_100 = tpu.sem_alloc : memref<!tpu.dma_semaphore, #tpu.memory_space<semaphore_mem>>
        %dma_start3A_101 = arith.constant 0 : i32
        %dma_start3A_102 = tpu.memref_slice %arg7[%mul3A_66, %dma_start3A_101] : memref<125x80xi32, #tpu.memory_space<vmem>> -> memref<1x80xi32, #tpu.memory_space<vmem>>
        %dma_start3A_103 = tpu.memref_squeeze %dma_start3A_102 : memref<1x80xi32, #tpu.memory_space<vmem>> -> memref<80xi32, #tpu.memory_space<vmem>>
        %dma_start3A_104 = arith.constant 0 : i32
        %dma_start3A_105 = arith.constant 0 : i32
        %dma_start3A_106 = tpu.memref_slice %arg10[%dma_start3A_104, %dma_start3A_105] : memref<10240x128xf32, #tpu.memory_space<vmem_shared>> -> memref<10240x128xf32, #tpu.memory_space<vmem_shared>>
        tpu.enqueue_indirect_dma source(%arg8 : memref<80x128xf32, #tpu.memory_space<vmem>>) target(%dma_start3A_106 : memref<10240x128xf32, #tpu.memory_space<vmem_shared>>) offsets(%dma_start3A_103 : memref<80xi32, #tpu.memory_space<vmem>>) semaphore(%run_scoped3A_100 : memref<!tpu.dma_semaphore, #tpu.memory_space<semaphore_mem>>) {add = true}
        %dma_wait3A_107 = arith.constant 0 : i32
        %dma_wait3A_108 = tpu.memref_slice %arg7[%mul3A_66, %dma_wait3A_107] : memref<125x80xi32, #tpu.memory_space<vmem>> -> memref<1x80xi32, #tpu.memory_space<vmem>>
        %dma_wait3A_109 = tpu.memref_squeeze %dma_wait3A_108 : memref<1x80xi32, #tpu.memory_space<vmem>> -> memref<80xi32, #tpu.memory_space<vmem>>
        %dma_wait3A_110 = arith.constant 0 : i32
        %dma_wait3A_111 = arith.constant 0 : i32
        %dma_wait3A_112 = tpu.memref_slice %arg10[%dma_wait3A_110, %dma_wait3A_111] : memref<10240x128xf32, #tpu.memory_space<vmem_shared>> -> memref<10240x128xf32, #tpu.memory_space<vmem_shared>>
        tpu.wait_indirect_dma semaphore(%run_scoped3A_100 : memref<!tpu.dma_semaphore, #tpu.memory_space<semaphore_mem>>) src(%arg8 : memref<80x128xf32, #tpu.memory_space<vmem>>) dst(%dma_wait3A_112 : memref<10240x128xf32, #tpu.memory_space<vmem_shared>>)
        tpu.yield
      }) : () -> ()
      %dma_wait3A_82 = arith.constant 0 : i32
      %dma_wait3A_83 = arith.constant 0 : i32
      %dma_wait3A_84 = tpu.memref_slice %arg6[%dma_wait3A_82, %dma_wait3A_83] : memref<125x80xi32, #tpu.memory_space<vmem>> -> memref<1x80xi32, #tpu.memory_space<vmem>>
      %dma_wait3A_85 = tpu.memref_squeeze %dma_wait3A_84 : memref<1x80xi32, #tpu.memory_space<vmem>> -> memref<80xi32, #tpu.memory_space<vmem>>
      %dma_wait3A_86 = arith.constant 0 : i32
      %dma_wait3A_87 = arith.constant 0 : i32
      %dma_wait3A_88 = tpu.memref_slice %arg4[%dma_wait3A_86, %dma_wait3A_87] : memref<10000x128xf32, #tpu.memory_space<hbm>> -> memref<10000x128xf32, #tpu.memory_space<hbm>>
      tpu.wait_indirect_dma semaphore(%arg12 : memref<!tpu.dma_semaphore, #tpu.memory_space<semaphore_mem>>) src(%dma_wait3A_88 : memref<10000x128xf32, #tpu.memory_space<hbm>>) dst(%arg9 : memref<80x128xf32, #tpu.memory_space<vmem>>)
      %add3A_89 = arith.constant 2 : i32
      %add3A_90 = arith.addi %mul3A_66, %add3A_89 : i32
      %dma_start3A_91 = arith.constant 0 : i32
      %dma_start3A_92 = tpu.memref_slice %arg6[%add3A_90, %dma_start3A_91] : memref<125x80xi32, #tpu.memory_space<vmem>> -> memref<1x80xi32, #tpu.memory_space<vmem>>
      %dma_start3A_93 = tpu.memref_squeeze %dma_start3A_92 : memref<1x80xi32, #tpu.memory_space<vmem>> -> memref<80xi32, #tpu.memory_space<vmem>>
      %dma_start3A_94 = arith.constant 0 : i32
      %dma_start3A_95 = arith.constant 0 : i32
      %dma_start3A_96 = tpu.memref_slice %arg4[%dma_start3A_94, %dma_start3A_95] : memref<10000x128xf32, #tpu.memory_space<hbm>> -> memref<10000x128xf32, #tpu.memory_space<hbm>>
      tpu.enqueue_indirect_dma source(%dma_start3A_96 : memref<10000x128xf32, #tpu.memory_space<hbm>>) target(%arg8 : memref<80x128xf32, #tpu.memory_space<vmem>>) offsets(%dma_start3A_93 : memref<80xi32, #tpu.memory_space<vmem>>) semaphore(%arg11 : memref<!tpu.dma_semaphore, #tpu.memory_space<semaphore_mem>>)
      %add3A_97 = arith.constant 1 : i32
      %add3A_98 = arith.addi %mul3A_66, %add3A_97 : i32
      "tpu.region"() ({
        %run_scoped3A_100 = tpu.sem_alloc : memref<!tpu.dma_semaphore, #tpu.memory_space<semaphore_mem>>
        %dma_start3A_101 = arith.constant 0 : i32
        %dma_start3A_102 = tpu.memref_slice %arg7[%add3A_98, %dma_start3A_101] : memref<125x80xi32, #tpu.memory_space<vmem>> -> memref<1x80xi32, #tpu.memory_space<vmem>>
        %dma_start3A_103 = tpu.memref_squeeze %dma_start3A_102 : memref<1x80xi32, #tpu.memory_space<vmem>> -> memref<80xi32, #tpu.memory_space<vmem>>
        %dma_start3A_104 = arith.constant 0 : i32
        %dma_start3A_105 = arith.constant 0 : i32
        %dma_start3A_106 = tpu.memref_slice %arg10[%dma_start3A_104, %dma_start3A_105] : memref<10240x128xf32, #tpu.memory_space<vmem_shared>> -> memref<10240x128xf32, #tpu.memory_space<vmem_shared>>
        tpu.enqueue_indirect_dma source(%arg9 : memref<80x128xf32, #tpu.memory_space<vmem>>) target(%dma_start3A_106 : memref<10240x128xf32, #tpu.memory_space<vmem_shared>>) offsets(%dma_start3A_103 : memref<80xi32, #tpu.memory_space<vmem>>) semaphore(%run_scoped3A_100 : memref<!tpu.dma_semaphore, #tpu.memory_space<semaphore_mem>>) {add = true}
        %dma_wait3A_107 = arith.constant 0 : i32
        %dma_wait3A_108 = tpu.memref_slice %arg7[%add3A_98, %dma_wait3A_107] : memref<125x80xi32, #tpu.memory_space<vmem>> -> memref<1x80xi32, #tpu.memory_space<vmem>>
        %dma_wait3A_109 = tpu.memref_squeeze %dma_wait3A_108 : memref<1x80xi32, #tpu.memory_space<vmem>> -> memref<80xi32, #tpu.memory_space<vmem>>
        %dma_wait3A_110 = arith.constant 0 : i32
        %dma_wait3A_111 = arith.constant 0 : i32
        %dma_wait3A_112 = tpu.memref_slice %arg10[%dma_wait3A_110, %dma_wait3A_111] : memref<10240x128xf32, #tpu.memory_space<vmem_shared>> -> memref<10240x128xf32, #tpu.memory_space<vmem_shared>>
        tpu.wait_indirect_dma semaphore(%run_scoped3A_100 : memref<!tpu.dma_semaphore, #tpu.memory_space<semaphore_mem>>) src(%arg9 : memref<80x128xf32, #tpu.memory_space<vmem>>) dst(%dma_wait3A_112 : memref<10240x128xf32, #tpu.memory_space<vmem_shared>>)
        tpu.yield
      }) : () -> ()
      %scan3A_99 = arith.constant 0 : i32
      scf.yield %scan3A_99 : i32
    }
    %scan3A_51 = arith.constant 62 : i32
    %dma_wait3A = arith.constant 0 : i32
    %dma_wait3A_52 = arith.constant 0 : i32
    %dma_wait3A_53 = tpu.memref_slice %arg6[%dma_wait3A, %dma_wait3A_52] : memref<125x80xi32, #tpu.memory_space<vmem>> -> memref<1x80xi32, #tpu.memory_space<vmem>>
    %dma_wait3A_54 = tpu.memref_squeeze %dma_wait3A_53 : memref<1x80xi32, #tpu.memory_space<vmem>> -> memref<80xi32, #tpu.memory_space<vmem>>
    %dma_wait3A_55 = arith.constant 0 : i32
    %dma_wait3A_56 = arith.constant 0 : i32
    %dma_wait3A_57 = tpu.memref_slice %arg4[%dma_wait3A_55, %dma_wait3A_56] : memref<10000x128xf32, #tpu.memory_space<hbm>> -> memref<10000x128xf32, #tpu.memory_space<hbm>>
    tpu.wait_indirect_dma semaphore(%arg11 : memref<!tpu.dma_semaphore, #tpu.memory_space<semaphore_mem>>) src(%dma_wait3A_57 : memref<10000x128xf32, #tpu.memory_space<hbm>>) dst(%arg8 : memref<80x128xf32, #tpu.memory_space<vmem>>)
    %run_scoped3A = arith.constant 124 : i32
    "tpu.region"() ({
      %run_scoped3A_63 = tpu.sem_alloc : memref<!tpu.dma_semaphore, #tpu.memory_space<semaphore_mem>>
      %dma_start3A_64 = arith.constant 0 : i32
      %dma_start3A_65 = tpu.memref_slice %arg7[%run_scoped3A, %dma_start3A_64] : memref<125x80xi32, #tpu.memory_space<vmem>> -> memref<1x80xi32, #tpu.memory_space<vmem>>
      %dma_start3A_66 = tpu.memref_squeeze %dma_start3A_65 : memref<1x80xi32, #tpu.memory_space<vmem>> -> memref<80xi32, #tpu.memory_space<vmem>>
      %dma_start3A_67 = arith.constant 0 : i32
      %dma_start3A_68 = arith.constant 0 : i32
      %dma_start3A_69 = tpu.memref_slice %arg10[%dma_start3A_67, %dma_start3A_68] : memref<10240x128xf32, #tpu.memory_space<vmem_shared>> -> memref<10240x128xf32, #tpu.memory_space<vmem_shared>>
      tpu.enqueue_indirect_dma source(%arg8 : memref<80x128xf32, #tpu.memory_space<vmem>>) target(%dma_start3A_69 : memref<10240x128xf32, #tpu.memory_space<vmem_shared>>) offsets(%dma_start3A_66 : memref<80xi32, #tpu.memory_space<vmem>>) semaphore(%run_scoped3A_63 : memref<!tpu.dma_semaphore, #tpu.memory_space<semaphore_mem>>) {add = true}
      %dma_wait3A_70 = arith.constant 0 : i32
      %dma_wait3A_71 = tpu.memref_slice %arg7[%run_scoped3A, %dma_wait3A_70] : memref<125x80xi32, #tpu.memory_space<vmem>> -> memref<1x80xi32, #tpu.memory_space<vmem>>
      %dma_wait3A_72 = tpu.memref_squeeze %dma_wait3A_71 : memref<1x80xi32, #tpu.memory_space<vmem>> -> memref<80xi32, #tpu.memory_space<vmem>>
      %dma_wait3A_73 = arith.constant 0 : i32
      %dma_wait3A_74 = arith.constant 0 : i32
      %dma_wait3A_75 = tpu.memref_slice %arg10[%dma_wait3A_73, %dma_wait3A_74] : memref<10240x128xf32, #tpu.memory_space<vmem_shared>> -> memref<10240x128xf32, #tpu.memory_space<vmem_shared>>
      tpu.wait_indirect_dma semaphore(%run_scoped3A_63 : memref<!tpu.dma_semaphore, #tpu.memory_space<semaphore_mem>>) src(%arg8 : memref<80x128xf32, #tpu.memory_space<vmem>>) dst(%dma_wait3A_75 : memref<10240x128xf32, #tpu.memory_space<vmem_shared>>)
      tpu.yield
    }) : () -> ()
    %barrier3A_58 = arith.constant 0 : index
    tpu.barrier barrier_id(%barrier3A_58)
    %mul3A_59 = arith.constant 640 : i32
    %mul3A_60 = arith.muli %arg1, %mul3A_59 : i32
    %mul3A_61 = arith.constant 640 : i32
    %mul3A_62 = arith.muli %arg1, %mul3A_61 : i32
    "tpu.region"() ({
      %run_scoped3A_63 = tpu.sem_alloc : memref<!tpu.dma_semaphore, #tpu.memory_space<semaphore_mem>>
      %dma_start3A_64 = arith.constant 0 : i32
      %dma_start3A_65 = tpu.memref_slice %arg5[%arg0, %mul3A_62, %dma_start3A_64] : memref<2x10240x128xf32, #tpu.memory_space<hbm>> -> memref<1x640x128xf32, #tpu.memory_space<hbm>>
      %dma_start3A_66 = tpu.memref_squeeze %dma_start3A_65 : memref<1x640x128xf32, #tpu.memory_space<hbm>> -> memref<640x128xf32, #tpu.memory_space<hbm>>
      %dma_start3A_67 = arith.constant 0 : i32
      %dma_start3A_68 = tpu.memref_slice %arg10[%mul3A_60, %dma_start3A_67] : memref<10240x128xf32, #tpu.memory_space<vmem_shared>> -> memref<640x128xf32, #tpu.memory_space<vmem_shared>>
      tpu.enqueue_dma source(%dma_start3A_68 : memref<640x128xf32, #tpu.memory_space<vmem_shared>>) target(%dma_start3A_66 : memref<640x128xf32, #tpu.memory_space<hbm>>) target_semaphore(%run_scoped3A_63 : memref<!tpu.dma_semaphore, #tpu.memory_space<semaphore_mem>>)
      %dma_wait3A_69 = arith.constant 0 : i32
      %dma_wait3A_70 = tpu.memref_slice %arg5[%arg0, %mul3A_62, %dma_wait3A_69] : memref<2x10240x128xf32, #tpu.memory_space<hbm>> -> memref<1x640x128xf32, #tpu.memory_space<hbm>>
      %dma_wait3A_71 = tpu.memref_squeeze %dma_wait3A_70 : memref<1x640x128xf32, #tpu.memory_space<hbm>> -> memref<640x128xf32, #tpu.memory_space<hbm>>
      %dma_wait3A_72 = arith.constant 0 : i32
      %dma_wait3A_73 = tpu.memref_slice %arg10[%mul3A_60, %dma_wait3A_72] : memref<10240x128xf32, #tpu.memory_space<vmem_shared>> -> memref<640x128xf32, #tpu.memory_space<vmem_shared>>
      tpu.wait_dma2 semaphore(%run_scoped3A_63 : memref<!tpu.dma_semaphore, #tpu.memory_space<semaphore_mem>>) src(%dma_wait3A_73 : memref<640x128xf32, #tpu.memory_space<vmem_shared>>) dst(%dma_wait3A_71 : memref<640x128xf32, #tpu.memory_space<hbm>>)
      tpu.yield
    }) : () -> ()
    return
  }
}

#map = affine_map<(d0, d1) -> (0, 0, 0)>
#map1 = affine_map<(d0, d1) -> (0, 0)>
module attributes {stable_mosaic.version = 14 : i64} {
  func.func @_sc_edge_body(%arg0: i32, %arg1: i32, %arg2: memref<32x125x80xi32, #tpu.memory_space<hbm>>, %arg3: memref<32x125x80xi32, #tpu.memory_space<hbm>>, %arg4: memref<10000x128xf32, #tpu.memory_space<hbm>>, %arg5: memref<2x10240x128xf32, #tpu.memory_space<hbm>>, %arg6: memref<125x80xi32, #tpu.memory_space<vmem>>, %arg7: memref<125x80xi32, #tpu.memory_space<vmem>>, %arg8: memref<80x128xf32, #tpu.memory_space<vmem>>, %arg9: memref<80x128xf32, #tpu.memory_space<vmem>>, %arg10: memref<10240x128xf32, #tpu.memory_space<vmem_shared>>, %arg11: memref<!tpu.dma_semaphore, #tpu.memory_space<semaphore_mem>>, %arg12: memref<!tpu.dma_semaphore, #tpu.memory_space<semaphore_mem>>) attributes {dimension_semantics = [#tpu.dimension_semantics<core_parallel>, #tpu.dimension_semantics<subcore_parallel>], iteration_bounds = array<i64: 2, 16>, scalar_prefetch = 0 : i64, scratch_operands = 7 : i64, tpu.core_type = #tpu.core_type<sc_vector_subcore>, window_params = [{transform_indices = #map}, {transform_indices = #map}, {transform_indices = #map1}, {transform_indices = #map}]} {
    %mul3A = arith.constant 16 : i32
    %mul3A_0 = arith.muli %arg0, %mul3A : i32
    %add3A = arith.addi %mul3A_0, %arg1 : i32
    %scan3A = arith.constant 0 : i32
    %scan3A_1 = arith.constant 0 : i32
    %scan3A_2 = arith.constant 80 : i32
    %scan3A_3 = arith.addi %scan3A_1, %scan3A_2 : i32
    %scan3A_4 = arith.constant 1 : i32
    %scan3A_5 = scf.for %scan3A_63 = %scan3A_1 to %scan3A_3 step %scan3A_4 iter_args(%scan3A_64 = %scan3A) -> (i32)  : i32 {
      %broadcast_in_dim3A = arith.constant 0.000000e+00 : f32
      %broadcast_in_dim3A_65 = vector.broadcast %broadcast_in_dim3A : f32 to vector<16xf32>
      %swap3A = arith.index_cast %scan3A_63 : i32 to index
      %swap3A_66 = arith.constant 0 : index
      %swap3A_67 = tpu.vector_load %arg8[%swap3A, %swap3A_66] {strides = array<i32>} : memref<80x128xf32, #tpu.memory_space<vmem>>, vector<1x16xf32>,
      %swap3A_68 = vector.shape_cast %swap3A_67 : vector<1x16xf32> to vector<16xf32>
      %swap3A_69 = vector.shape_cast %broadcast_in_dim3A_65 : vector<16xf32> to vector<1x16xf32>
      tpu.vector_store %arg8[%swap3A, %swap3A_66], %swap3A_69 {strides = array<i32>} : memref<80x128xf32, #tpu.memory_space<vmem>>, vector<1x16xf32>,
      %broadcast_in_dim3A_70 = arith.constant 0.000000e+00 : f32
      %broadcast_in_dim3A_71 = vector.broadcast %broadcast_in_dim3A_70 : f32 to vector<16xf32>
      %swap3A_72 = arith.index_cast %scan3A_63 : i32 to index
      %swap3A_73 = arith.constant 16 : index
      %swap3A_74 = tpu.vector_load %arg8[%swap3A_72, %swap3A_73] {strides = array<i32>} : memref<80x128xf32, #tpu.memory_space<vmem>>, vector<1x16xf32>,
      %swap3A_75 = vector.shape_cast %swap3A_74 : vector<1x16xf32> to vector<16xf32>
      %swap3A_76 = vector.shape_cast %broadcast_in_dim3A_71 : vector<16xf32> to vector<1x16xf32>
      tpu.vector_store %arg8[%swap3A_72, %swap3A_73], %swap3A_76 {strides = array<i32>} : memref<80x128xf32, #tpu.memory_space<vmem>>, vector<1x16xf32>,
      %broadcast_in_dim3A_77 = arith.constant 0.000000e+00 : f32
      %broadcast_in_dim3A_78 = vector.broadcast %broadcast_in_dim3A_77 : f32 to vector<16xf32>
      %swap3A_79 = arith.index_cast %scan3A_63 : i32 to index
      %swap3A_80 = arith.constant 32 : index
      %swap3A_81 = tpu.vector_load %arg8[%swap3A_79, %swap3A_80] {strides = array<i32>} : memref<80x128xf32, #tpu.memory_space<vmem>>, vector<1x16xf32>,
      %swap3A_82 = vector.shape_cast %swap3A_81 : vector<1x16xf32> to vector<16xf32>
      %swap3A_83 = vector.shape_cast %broadcast_in_dim3A_78 : vector<16xf32> to vector<1x16xf32>
      tpu.vector_store %arg8[%swap3A_79, %swap3A_80], %swap3A_83 {strides = array<i32>} : memref<80x128xf32, #tpu.memory_space<vmem>>, vector<1x16xf32>,
      %broadcast_in_dim3A_84 = arith.constant 0.000000e+00 : f32
      %broadcast_in_dim3A_85 = vector.broadcast %broadcast_in_dim3A_84 : f32 to vector<16xf32>
      %swap3A_86 = arith.index_cast %scan3A_63 : i32 to index
      %swap3A_87 = arith.constant 48 : index
      %swap3A_88 = tpu.vector_load %arg8[%swap3A_86, %swap3A_87] {strides = array<i32>} : memref<80x128xf32, #tpu.memory_space<vmem>>, vector<1x16xf32>,
      %swap3A_89 = vector.shape_cast %swap3A_88 : vector<1x16xf32> to vector<16xf32>
      %swap3A_90 = vector.shape_cast %broadcast_in_dim3A_85 : vector<16xf32> to vector<1x16xf32>
      tpu.vector_store %arg8[%swap3A_86, %swap3A_87], %swap3A_90 {strides = array<i32>} : memref<80x128xf32, #tpu.memory_space<vmem>>, vector<1x16xf32>,
      %broadcast_in_dim3A_91 = arith.constant 0.000000e+00 : f32
      %broadcast_in_dim3A_92 = vector.broadcast %broadcast_in_dim3A_91 : f32 to vector<16xf32>
      %swap3A_93 = arith.index_cast %scan3A_63 : i32 to index
      %swap3A_94 = arith.constant 64 : index
      %swap3A_95 = tpu.vector_load %arg8[%swap3A_93, %swap3A_94] {strides = array<i32>} : memref<80x128xf32, #tpu.memory_space<vmem>>, vector<1x16xf32>,
      %swap3A_96 = vector.shape_cast %swap3A_95 : vector<1x16xf32> to vector<16xf32>
      %swap3A_97 = vector.shape_cast %broadcast_in_dim3A_92 : vector<16xf32> to vector<1x16xf32>
      tpu.vector_store %arg8[%swap3A_93, %swap3A_94], %swap3A_97 {strides = array<i32>} : memref<80x128xf32, #tpu.memory_space<vmem>>, vector<1x16xf32>,
      %broadcast_in_dim3A_98 = arith.constant 0.000000e+00 : f32
      %broadcast_in_dim3A_99 = vector.broadcast %broadcast_in_dim3A_98 : f32 to vector<16xf32>
      %swap3A_100 = arith.index_cast %scan3A_63 : i32 to index
      %swap3A_101 = arith.constant 80 : index
      %swap3A_102 = tpu.vector_load %arg8[%swap3A_100, %swap3A_101] {strides = array<i32>} : memref<80x128xf32, #tpu.memory_space<vmem>>, vector<1x16xf32>,
      %swap3A_103 = vector.shape_cast %swap3A_102 : vector<1x16xf32> to vector<16xf32>
      %swap3A_104 = vector.shape_cast %broadcast_in_dim3A_99 : vector<16xf32> to vector<1x16xf32>
      tpu.vector_store %arg8[%swap3A_100, %swap3A_101], %swap3A_104 {strides = array<i32>} : memref<80x128xf32, #tpu.memory_space<vmem>>, vector<1x16xf32>,
      %broadcast_in_dim3A_105 = arith.constant 0.000000e+00 : f32
      %broadcast_in_dim3A_106 = vector.broadcast %broadcast_in_dim3A_105 : f32 to vector<16xf32>
      %swap3A_107 = arith.index_cast %scan3A_63 : i32 to index
      %swap3A_108 = arith.constant 96 : index
      %swap3A_109 = tpu.vector_load %arg8[%swap3A_107, %swap3A_108] {strides = array<i32>} : memref<80x128xf32, #tpu.memory_space<vmem>>, vector<1x16xf32>,
      %swap3A_110 = vector.shape_cast %swap3A_109 : vector<1x16xf32> to vector<16xf32>
      %swap3A_111 = vector.shape_cast %broadcast_in_dim3A_106 : vector<16xf32> to vector<1x16xf32>
      tpu.vector_store %arg8[%swap3A_107, %swap3A_108], %swap3A_111 {strides = array<i32>} : memref<80x128xf32, #tpu.memory_space<vmem>>, vector<1x16xf32>,
      %broadcast_in_dim3A_112 = arith.constant 0.000000e+00 : f32
      %broadcast_in_dim3A_113 = vector.broadcast %broadcast_in_dim3A_112 : f32 to vector<16xf32>
      %swap3A_114 = arith.index_cast %scan3A_63 : i32 to index
      %swap3A_115 = arith.constant 112 : index
      %swap3A_116 = tpu.vector_load %arg8[%swap3A_114, %swap3A_115] {strides = array<i32>} : memref<80x128xf32, #tpu.memory_space<vmem>>, vector<1x16xf32>,
      %swap3A_117 = vector.shape_cast %swap3A_116 : vector<1x16xf32> to vector<16xf32>
      %swap3A_118 = vector.shape_cast %broadcast_in_dim3A_113 : vector<16xf32> to vector<1x16xf32>
      tpu.vector_store %arg8[%swap3A_114, %swap3A_115], %swap3A_118 {strides = array<i32>} : memref<80x128xf32, #tpu.memory_space<vmem>>, vector<1x16xf32>,
      %scan3A_119 = arith.constant 0 : i32
      scf.yield %scan3A_119 : i32
    }
    %scan3A_6 = arith.constant 80 : i32
    %mul3A_7 = arith.constant 640 : i32
    %mul3A_8 = arith.muli %arg1, %mul3A_7 : i32
    %add3A_9 = arith.constant 0 : i32
    %add3A_10 = arith.addi %mul3A_8, %add3A_9 : i32
    "tpu.region"() ({
      %run_scoped3A_63 = tpu.sem_alloc : memref<!tpu.dma_semaphore, #tpu.memory_space<semaphore_mem>>
      %dma_start3A_64 = arith.constant 0 : i32
      %dma_start3A_65 = arith.constant 0 : i32
      %dma_start3A_66 = tpu.memref_slice %arg8[%dma_start3A_64, %dma_start3A_65] : memref<80x128xf32, #tpu.memory_space<vmem>> -> memref<80x128xf32, #tpu.memory_space<vmem>>
      %dma_start3A_67 = arith.constant 0 : i32
      %dma_start3A_68 = tpu.memref_slice %arg10[%add3A_10, %dma_start3A_67] : memref<10240x128xf32, #tpu.memory_space<vmem_shared>> -> memref<80x128xf32, #tpu.memory_space<vmem_shared>>
      %dma_start3A_69 = arith.constant 0 : i32
      %dma_start3A_70 = tpu.memref_slice %arg10[%add3A_10, %dma_start3A_69] : memref<10240x128xf32, #tpu.memory_space<vmem_shared>> -> memref<80x128xf32, #tpu.memory_space<vmem_shared>>
      %dma_start3A_71 = arith.constant 0 : i32
      %dma_start3A_72 = arith.constant 0 : i32
      %dma_start3A_73 = tpu.memref_slice %arg8[%dma_start3A_71, %dma_start3A_72] : memref<80x128xf32, #tpu.memory_space<vmem>> -> memref<80x128xf32, #tpu.memory_space<vmem>>
      tpu.enqueue_dma source(%dma_start3A_73 : memref<80x128xf32, #tpu.memory_space<vmem>>) target(%dma_start3A_70 : memref<80x128xf32, #tpu.memory_space<vmem_shared>>) target_semaphore(%run_scoped3A_63 : memref<!tpu.dma_semaphore, #tpu.memory_space<semaphore_mem>>)
      %dma_wait3A_74 = arith.constant 0 : i32
      %dma_wait3A_75 = arith.constant 0 : i32
      %dma_wait3A_76 = tpu.memref_slice %arg8[%dma_wait3A_74, %dma_wait3A_75] : memref<80x128xf32, #tpu.memory_space<vmem>> -> memref<80x128xf32, #tpu.memory_space<vmem>>
      %dma_wait3A_77 = arith.constant 0 : i32
      %dma_wait3A_78 = tpu.memref_slice %arg10[%add3A_10, %dma_wait3A_77] : memref<10240x128xf32, #tpu.memory_space<vmem_shared>> -> memref<80x128xf32, #tpu.memory_space<vmem_shared>>
      %dma_wait3A_79 = arith.constant 0 : i32
      %dma_wait3A_80 = tpu.memref_slice %arg10[%add3A_10, %dma_wait3A_79] : memref<10240x128xf32, #tpu.memory_space<vmem_shared>> -> memref<80x128xf32, #tpu.memory_space<vmem_shared>>
      %dma_wait3A_81 = arith.constant 0 : i32
      %dma_wait3A_82 = arith.constant 0 : i32
      %dma_wait3A_83 = tpu.memref_slice %arg8[%dma_wait3A_81, %dma_wait3A_82] : memref<80x128xf32, #tpu.memory_space<vmem>> -> memref<80x128xf32, #tpu.memory_space<vmem>>
      tpu.wait_dma2 semaphore(%run_scoped3A_63 : memref<!tpu.dma_semaphore, #tpu.memory_space<semaphore_mem>>) src(%dma_wait3A_83 : memref<80x128xf32, #tpu.memory_space<vmem>>) dst(%dma_wait3A_80 : memref<80x128xf32, #tpu.memory_space<vmem_shared>>)
      tpu.yield
    }) : () -> ()
    %mul3A_11 = arith.constant 640 : i32
    %mul3A_12 = arith.muli %arg1, %mul3A_11 : i32
    %add3A_13 = arith.constant 80 : i32
    %add3A_14 = arith.addi %mul3A_12, %add3A_13 : i32
    "tpu.region"() ({
      %run_scoped3A_63 = tpu.sem_alloc : memref<!tpu.dma_semaphore, #tpu.memory_space<semaphore_mem>>
      %dma_start3A_64 = arith.constant 0 : i32
      %dma_start3A_65 = arith.constant 0 : i32
      %dma_start3A_66 = tpu.memref_slice %arg8[%dma_start3A_64, %dma_start3A_65] : memref<80x128xf32, #tpu.memory_space<vmem>> -> memref<80x128xf32, #tpu.memory_space<vmem>>
      %dma_start3A_67 = arith.constant 0 : i32
      %dma_start3A_68 = tpu.memref_slice %arg10[%add3A_14, %dma_start3A_67] : memref<10240x128xf32, #tpu.memory_space<vmem_shared>> -> memref<80x128xf32, #tpu.memory_space<vmem_shared>>
      %dma_start3A_69 = arith.constant 0 : i32
      %dma_start3A_70 = tpu.memref_slice %arg10[%add3A_14, %dma_start3A_69] : memref<10240x128xf32, #tpu.memory_space<vmem_shared>> -> memref<80x128xf32, #tpu.memory_space<vmem_shared>>
      %dma_start3A_71 = arith.constant 0 : i32
      %dma_start3A_72 = arith.constant 0 : i32
      %dma_start3A_73 = tpu.memref_slice %arg8[%dma_start3A_71, %dma_start3A_72] : memref<80x128xf32, #tpu.memory_space<vmem>> -> memref<80x128xf32, #tpu.memory_space<vmem>>
      tpu.enqueue_dma source(%dma_start3A_73 : memref<80x128xf32, #tpu.memory_space<vmem>>) target(%dma_start3A_70 : memref<80x128xf32, #tpu.memory_space<vmem_shared>>) target_semaphore(%run_scoped3A_63 : memref<!tpu.dma_semaphore, #tpu.memory_space<semaphore_mem>>)
      %dma_wait3A_74 = arith.constant 0 : i32
      %dma_wait3A_75 = arith.constant 0 : i32
      %dma_wait3A_76 = tpu.memref_slice %arg8[%dma_wait3A_74, %dma_wait3A_75] : memref<80x128xf32, #tpu.memory_space<vmem>> -> memref<80x128xf32, #tpu.memory_space<vmem>>
      %dma_wait3A_77 = arith.constant 0 : i32
      %dma_wait3A_78 = tpu.memref_slice %arg10[%add3A_14, %dma_wait3A_77] : memref<10240x128xf32, #tpu.memory_space<vmem_shared>> -> memref<80x128xf32, #tpu.memory_space<vmem_shared>>
      %dma_wait3A_79 = arith.constant 0 : i32
      %dma_wait3A_80 = tpu.memref_slice %arg10[%add3A_14, %dma_wait3A_79] : memref<10240x128xf32, #tpu.memory_space<vmem_shared>> -> memref<80x128xf32, #tpu.memory_space<vmem_shared>>
      %dma_wait3A_81 = arith.constant 0 : i32
      %dma_wait3A_82 = arith.constant 0 : i32
      %dma_wait3A_83 = tpu.memref_slice %arg8[%dma_wait3A_81, %dma_wait3A_82] : memref<80x128xf32, #tpu.memory_space<vmem>> -> memref<80x128xf32, #tpu.memory_space<vmem>>
      tpu.wait_dma2 semaphore(%run_scoped3A_63 : memref<!tpu.dma_semaphore, #tpu.memory_space<semaphore_mem>>) src(%dma_wait3A_83 : memref<80x128xf32, #tpu.memory_space<vmem>>) dst(%dma_wait3A_80 : memref<80x128xf32, #tpu.memory_space<vmem_shared>>)
      tpu.yield
    }) : () -> ()
    %mul3A_15 = arith.constant 640 : i32
    %mul3A_16 = arith.muli %arg1, %mul3A_15 : i32
    %add3A_17 = arith.constant 160 : i32
    %add3A_18 = arith.addi %mul3A_16, %add3A_17 : i32
    "tpu.region"() ({
      %run_scoped3A_63 = tpu.sem_alloc : memref<!tpu.dma_semaphore, #tpu.memory_space<semaphore_mem>>
      %dma_start3A_64 = arith.constant 0 : i32
      %dma_start3A_65 = arith.constant 0 : i32
      %dma_start3A_66 = tpu.memref_slice %arg8[%dma_start3A_64, %dma_start3A_65] : memref<80x128xf32, #tpu.memory_space<vmem>> -> memref<80x128xf32, #tpu.memory_space<vmem>>
      %dma_start3A_67 = arith.constant 0 : i32
      %dma_start3A_68 = tpu.memref_slice %arg10[%add3A_18, %dma_start3A_67] : memref<10240x128xf32, #tpu.memory_space<vmem_shared>> -> memref<80x128xf32, #tpu.memory_space<vmem_shared>>
      %dma_start3A_69 = arith.constant 0 : i32
      %dma_start3A_70 = tpu.memref_slice %arg10[%add3A_18, %dma_start3A_69] : memref<10240x128xf32, #tpu.memory_space<vmem_shared>> -> memref<80x128xf32, #tpu.memory_space<vmem_shared>>
      %dma_start3A_71 = arith.constant 0 : i32
      %dma_start3A_72 = arith.constant 0 : i32
      %dma_start3A_73 = tpu.memref_slice %arg8[%dma_start3A_71, %dma_start3A_72] : memref<80x128xf32, #tpu.memory_space<vmem>> -> memref<80x128xf32, #tpu.memory_space<vmem>>
      tpu.enqueue_dma source(%dma_start3A_73 : memref<80x128xf32, #tpu.memory_space<vmem>>) target(%dma_start3A_70 : memref<80x128xf32, #tpu.memory_space<vmem_shared>>) target_semaphore(%run_scoped3A_63 : memref<!tpu.dma_semaphore, #tpu.memory_space<semaphore_mem>>)
      %dma_wait3A_74 = arith.constant 0 : i32
      %dma_wait3A_75 = arith.constant 0 : i32
      %dma_wait3A_76 = tpu.memref_slice %arg8[%dma_wait3A_74, %dma_wait3A_75] : memref<80x128xf32, #tpu.memory_space<vmem>> -> memref<80x128xf32, #tpu.memory_space<vmem>>
      %dma_wait3A_77 = arith.constant 0 : i32
      %dma_wait3A_78 = tpu.memref_slice %arg10[%add3A_18, %dma_wait3A_77] : memref<10240x128xf32, #tpu.memory_space<vmem_shared>> -> memref<80x128xf32, #tpu.memory_space<vmem_shared>>
      %dma_wait3A_79 = arith.constant 0 : i32
      %dma_wait3A_80 = tpu.memref_slice %arg10[%add3A_18, %dma_wait3A_79] : memref<10240x128xf32, #tpu.memory_space<vmem_shared>> -> memref<80x128xf32, #tpu.memory_space<vmem_shared>>
      %dma_wait3A_81 = arith.constant 0 : i32
      %dma_wait3A_82 = arith.constant 0 : i32
      %dma_wait3A_83 = tpu.memref_slice %arg8[%dma_wait3A_81, %dma_wait3A_82] : memref<80x128xf32, #tpu.memory_space<vmem>> -> memref<80x128xf32, #tpu.memory_space<vmem>>
      tpu.wait_dma2 semaphore(%run_scoped3A_63 : memref<!tpu.dma_semaphore, #tpu.memory_space<semaphore_mem>>) src(%dma_wait3A_83 : memref<80x128xf32, #tpu.memory_space<vmem>>) dst(%dma_wait3A_80 : memref<80x128xf32, #tpu.memory_space<vmem_shared>>)
      tpu.yield
    }) : () -> ()
    %mul3A_19 = arith.constant 640 : i32
    %mul3A_20 = arith.muli %arg1, %mul3A_19 : i32
    %add3A_21 = arith.constant 240 : i32
    %add3A_22 = arith.addi %mul3A_20, %add3A_21 : i32
    "tpu.region"() ({
      %run_scoped3A_63 = tpu.sem_alloc : memref<!tpu.dma_semaphore, #tpu.memory_space<semaphore_mem>>
      %dma_start3A_64 = arith.constant 0 : i32
      %dma_start3A_65 = arith.constant 0 : i32
      %dma_start3A_66 = tpu.memref_slice %arg8[%dma_start3A_64, %dma_start3A_65] : memref<80x128xf32, #tpu.memory_space<vmem>> -> memref<80x128xf32, #tpu.memory_space<vmem>>
      %dma_start3A_67 = arith.constant 0 : i32
      %dma_start3A_68 = tpu.memref_slice %arg10[%add3A_22, %dma_start3A_67] : memref<10240x128xf32, #tpu.memory_space<vmem_shared>> -> memref<80x128xf32, #tpu.memory_space<vmem_shared>>
      %dma_start3A_69 = arith.constant 0 : i32
      %dma_start3A_70 = tpu.memref_slice %arg10[%add3A_22, %dma_start3A_69] : memref<10240x128xf32, #tpu.memory_space<vmem_shared>> -> memref<80x128xf32, #tpu.memory_space<vmem_shared>>
      %dma_start3A_71 = arith.constant 0 : i32
      %dma_start3A_72 = arith.constant 0 : i32
      %dma_start3A_73 = tpu.memref_slice %arg8[%dma_start3A_71, %dma_start3A_72] : memref<80x128xf32, #tpu.memory_space<vmem>> -> memref<80x128xf32, #tpu.memory_space<vmem>>
      tpu.enqueue_dma source(%dma_start3A_73 : memref<80x128xf32, #tpu.memory_space<vmem>>) target(%dma_start3A_70 : memref<80x128xf32, #tpu.memory_space<vmem_shared>>) target_semaphore(%run_scoped3A_63 : memref<!tpu.dma_semaphore, #tpu.memory_space<semaphore_mem>>)
      %dma_wait3A_74 = arith.constant 0 : i32
      %dma_wait3A_75 = arith.constant 0 : i32
      %dma_wait3A_76 = tpu.memref_slice %arg8[%dma_wait3A_74, %dma_wait3A_75] : memref<80x128xf32, #tpu.memory_space<vmem>> -> memref<80x128xf32, #tpu.memory_space<vmem>>
      %dma_wait3A_77 = arith.constant 0 : i32
      %dma_wait3A_78 = tpu.memref_slice %arg10[%add3A_22, %dma_wait3A_77] : memref<10240x128xf32, #tpu.memory_space<vmem_shared>> -> memref<80x128xf32, #tpu.memory_space<vmem_shared>>
      %dma_wait3A_79 = arith.constant 0 : i32
      %dma_wait3A_80 = tpu.memref_slice %arg10[%add3A_22, %dma_wait3A_79] : memref<10240x128xf32, #tpu.memory_space<vmem_shared>> -> memref<80x128xf32, #tpu.memory_space<vmem_shared>>
      %dma_wait3A_81 = arith.constant 0 : i32
      %dma_wait3A_82 = arith.constant 0 : i32
      %dma_wait3A_83 = tpu.memref_slice %arg8[%dma_wait3A_81, %dma_wait3A_82] : memref<80x128xf32, #tpu.memory_space<vmem>> -> memref<80x128xf32, #tpu.memory_space<vmem>>
      tpu.wait_dma2 semaphore(%run_scoped3A_63 : memref<!tpu.dma_semaphore, #tpu.memory_space<semaphore_mem>>) src(%dma_wait3A_83 : memref<80x128xf32, #tpu.memory_space<vmem>>) dst(%dma_wait3A_80 : memref<80x128xf32, #tpu.memory_space<vmem_shared>>)
      tpu.yield
    }) : () -> ()
    %mul3A_23 = arith.constant 640 : i32
    %mul3A_24 = arith.muli %arg1, %mul3A_23 : i32
    %add3A_25 = arith.constant 320 : i32
    %add3A_26 = arith.addi %mul3A_24, %add3A_25 : i32
    "tpu.region"() ({
      %run_scoped3A_63 = tpu.sem_alloc : memref<!tpu.dma_semaphore, #tpu.memory_space<semaphore_mem>>
      %dma_start3A_64 = arith.constant 0 : i32
      %dma_start3A_65 = arith.constant 0 : i32
      %dma_start3A_66 = tpu.memref_slice %arg8[%dma_start3A_64, %dma_start3A_65] : memref<80x128xf32, #tpu.memory_space<vmem>> -> memref<80x128xf32, #tpu.memory_space<vmem>>
      %dma_start3A_67 = arith.constant 0 : i32
      %dma_start3A_68 = tpu.memref_slice %arg10[%add3A_26, %dma_start3A_67] : memref<10240x128xf32, #tpu.memory_space<vmem_shared>> -> memref<80x128xf32, #tpu.memory_space<vmem_shared>>
      %dma_start3A_69 = arith.constant 0 : i32
      %dma_start3A_70 = tpu.memref_slice %arg10[%add3A_26, %dma_start3A_69] : memref<10240x128xf32, #tpu.memory_space<vmem_shared>> -> memref<80x128xf32, #tpu.memory_space<vmem_shared>>
      %dma_start3A_71 = arith.constant 0 : i32
      %dma_start3A_72 = arith.constant 0 : i32
      %dma_start3A_73 = tpu.memref_slice %arg8[%dma_start3A_71, %dma_start3A_72] : memref<80x128xf32, #tpu.memory_space<vmem>> -> memref<80x128xf32, #tpu.memory_space<vmem>>
      tpu.enqueue_dma source(%dma_start3A_73 : memref<80x128xf32, #tpu.memory_space<vmem>>) target(%dma_start3A_70 : memref<80x128xf32, #tpu.memory_space<vmem_shared>>) target_semaphore(%run_scoped3A_63 : memref<!tpu.dma_semaphore, #tpu.memory_space<semaphore_mem>>)
      %dma_wait3A_74 = arith.constant 0 : i32
      %dma_wait3A_75 = arith.constant 0 : i32
      %dma_wait3A_76 = tpu.memref_slice %arg8[%dma_wait3A_74, %dma_wait3A_75] : memref<80x128xf32, #tpu.memory_space<vmem>> -> memref<80x128xf32, #tpu.memory_space<vmem>>
      %dma_wait3A_77 = arith.constant 0 : i32
      %dma_wait3A_78 = tpu.memref_slice %arg10[%add3A_26, %dma_wait3A_77] : memref<10240x128xf32, #tpu.memory_space<vmem_shared>> -> memref<80x128xf32, #tpu.memory_space<vmem_shared>>
      %dma_wait3A_79 = arith.constant 0 : i32
      %dma_wait3A_80 = tpu.memref_slice %arg10[%add3A_26, %dma_wait3A_79] : memref<10240x128xf32, #tpu.memory_space<vmem_shared>> -> memref<80x128xf32, #tpu.memory_space<vmem_shared>>
      %dma_wait3A_81 = arith.constant 0 : i32
      %dma_wait3A_82 = arith.constant 0 : i32
      %dma_wait3A_83 = tpu.memref_slice %arg8[%dma_wait3A_81, %dma_wait3A_82] : memref<80x128xf32, #tpu.memory_space<vmem>> -> memref<80x128xf32, #tpu.memory_space<vmem>>
      tpu.wait_dma2 semaphore(%run_scoped3A_63 : memref<!tpu.dma_semaphore, #tpu.memory_space<semaphore_mem>>) src(%dma_wait3A_83 : memref<80x128xf32, #tpu.memory_space<vmem>>) dst(%dma_wait3A_80 : memref<80x128xf32, #tpu.memory_space<vmem_shared>>)
      tpu.yield
    }) : () -> ()
    %mul3A_27 = arith.constant 640 : i32
    %mul3A_28 = arith.muli %arg1, %mul3A_27 : i32
    %add3A_29 = arith.constant 400 : i32
    %add3A_30 = arith.addi %mul3A_28, %add3A_29 : i32
    "tpu.region"() ({
      %run_scoped3A_63 = tpu.sem_alloc : memref<!tpu.dma_semaphore, #tpu.memory_space<semaphore_mem>>
      %dma_start3A_64 = arith.constant 0 : i32
      %dma_start3A_65 = arith.constant 0 : i32
      %dma_start3A_66 = tpu.memref_slice %arg8[%dma_start3A_64, %dma_start3A_65] : memref<80x128xf32, #tpu.memory_space<vmem>> -> memref<80x128xf32, #tpu.memory_space<vmem>>
      %dma_start3A_67 = arith.constant 0 : i32
      %dma_start3A_68 = tpu.memref_slice %arg10[%add3A_30, %dma_start3A_67] : memref<10240x128xf32, #tpu.memory_space<vmem_shared>> -> memref<80x128xf32, #tpu.memory_space<vmem_shared>>
      %dma_start3A_69 = arith.constant 0 : i32
      %dma_start3A_70 = tpu.memref_slice %arg10[%add3A_30, %dma_start3A_69] : memref<10240x128xf32, #tpu.memory_space<vmem_shared>> -> memref<80x128xf32, #tpu.memory_space<vmem_shared>>
      %dma_start3A_71 = arith.constant 0 : i32
      %dma_start3A_72 = arith.constant 0 : i32
      %dma_start3A_73 = tpu.memref_slice %arg8[%dma_start3A_71, %dma_start3A_72] : memref<80x128xf32, #tpu.memory_space<vmem>> -> memref<80x128xf32, #tpu.memory_space<vmem>>
      tpu.enqueue_dma source(%dma_start3A_73 : memref<80x128xf32, #tpu.memory_space<vmem>>) target(%dma_start3A_70 : memref<80x128xf32, #tpu.memory_space<vmem_shared>>) target_semaphore(%run_scoped3A_63 : memref<!tpu.dma_semaphore, #tpu.memory_space<semaphore_mem>>)
      %dma_wait3A_74 = arith.constant 0 : i32
      %dma_wait3A_75 = arith.constant 0 : i32
      %dma_wait3A_76 = tpu.memref_slice %arg8[%dma_wait3A_74, %dma_wait3A_75] : memref<80x128xf32, #tpu.memory_space<vmem>> -> memref<80x128xf32, #tpu.memory_space<vmem>>
      %dma_wait3A_77 = arith.constant 0 : i32
      %dma_wait3A_78 = tpu.memref_slice %arg10[%add3A_30, %dma_wait3A_77] : memref<10240x128xf32, #tpu.memory_space<vmem_shared>> -> memref<80x128xf32, #tpu.memory_space<vmem_shared>>
      %dma_wait3A_79 = arith.constant 0 : i32
      %dma_wait3A_80 = tpu.memref_slice %arg10[%add3A_30, %dma_wait3A_79] : memref<10240x128xf32, #tpu.memory_space<vmem_shared>> -> memref<80x128xf32, #tpu.memory_space<vmem_shared>>
      %dma_wait3A_81 = arith.constant 0 : i32
      %dma_wait3A_82 = arith.constant 0 : i32
      %dma_wait3A_83 = tpu.memref_slice %arg8[%dma_wait3A_81, %dma_wait3A_82] : memref<80x128xf32, #tpu.memory_space<vmem>> -> memref<80x128xf32, #tpu.memory_space<vmem>>
      tpu.wait_dma2 semaphore(%run_scoped3A_63 : memref<!tpu.dma_semaphore, #tpu.memory_space<semaphore_mem>>) src(%dma_wait3A_83 : memref<80x128xf32, #tpu.memory_space<vmem>>) dst(%dma_wait3A_80 : memref<80x128xf32, #tpu.memory_space<vmem_shared>>)
      tpu.yield
    }) : () -> ()
    %mul3A_31 = arith.constant 640 : i32
    %mul3A_32 = arith.muli %arg1, %mul3A_31 : i32
    %add3A_33 = arith.constant 480 : i32
    %add3A_34 = arith.addi %mul3A_32, %add3A_33 : i32
    "tpu.region"() ({
      %run_scoped3A_63 = tpu.sem_alloc : memref<!tpu.dma_semaphore, #tpu.memory_space<semaphore_mem>>
      %dma_start3A_64 = arith.constant 0 : i32
      %dma_start3A_65 = arith.constant 0 : i32
      %dma_start3A_66 = tpu.memref_slice %arg8[%dma_start3A_64, %dma_start3A_65] : memref<80x128xf32, #tpu.memory_space<vmem>> -> memref<80x128xf32, #tpu.memory_space<vmem>>
      %dma_start3A_67 = arith.constant 0 : i32
      %dma_start3A_68 = tpu.memref_slice %arg10[%add3A_34, %dma_start3A_67] : memref<10240x128xf32, #tpu.memory_space<vmem_shared>> -> memref<80x128xf32, #tpu.memory_space<vmem_shared>>
      %dma_start3A_69 = arith.constant 0 : i32
      %dma_start3A_70 = tpu.memref_slice %arg10[%add3A_34, %dma_start3A_69] : memref<10240x128xf32, #tpu.memory_space<vmem_shared>> -> memref<80x128xf32, #tpu.memory_space<vmem_shared>>
      %dma_start3A_71 = arith.constant 0 : i32
      %dma_start3A_72 = arith.constant 0 : i32
      %dma_start3A_73 = tpu.memref_slice %arg8[%dma_start3A_71, %dma_start3A_72] : memref<80x128xf32, #tpu.memory_space<vmem>> -> memref<80x128xf32, #tpu.memory_space<vmem>>
      tpu.enqueue_dma source(%dma_start3A_73 : memref<80x128xf32, #tpu.memory_space<vmem>>) target(%dma_start3A_70 : memref<80x128xf32, #tpu.memory_space<vmem_shared>>) target_semaphore(%run_scoped3A_63 : memref<!tpu.dma_semaphore, #tpu.memory_space<semaphore_mem>>)
      %dma_wait3A_74 = arith.constant 0 : i32
      %dma_wait3A_75 = arith.constant 0 : i32
      %dma_wait3A_76 = tpu.memref_slice %arg8[%dma_wait3A_74, %dma_wait3A_75] : memref<80x128xf32, #tpu.memory_space<vmem>> -> memref<80x128xf32, #tpu.memory_space<vmem>>
      %dma_wait3A_77 = arith.constant 0 : i32
      %dma_wait3A_78 = tpu.memref_slice %arg10[%add3A_34, %dma_wait3A_77] : memref<10240x128xf32, #tpu.memory_space<vmem_shared>> -> memref<80x128xf32, #tpu.memory_space<vmem_shared>>
      %dma_wait3A_79 = arith.constant 0 : i32
      %dma_wait3A_80 = tpu.memref_slice %arg10[%add3A_34, %dma_wait3A_79] : memref<10240x128xf32, #tpu.memory_space<vmem_shared>> -> memref<80x128xf32, #tpu.memory_space<vmem_shared>>
      %dma_wait3A_81 = arith.constant 0 : i32
      %dma_wait3A_82 = arith.constant 0 : i32
      %dma_wait3A_83 = tpu.memref_slice %arg8[%dma_wait3A_81, %dma_wait3A_82] : memref<80x128xf32, #tpu.memory_space<vmem>> -> memref<80x128xf32, #tpu.memory_space<vmem>>
      tpu.wait_dma2 semaphore(%run_scoped3A_63 : memref<!tpu.dma_semaphore, #tpu.memory_space<semaphore_mem>>) src(%dma_wait3A_83 : memref<80x128xf32, #tpu.memory_space<vmem>>) dst(%dma_wait3A_80 : memref<80x128xf32, #tpu.memory_space<vmem_shared>>)
      tpu.yield
    }) : () -> ()
    %mul3A_35 = arith.constant 640 : i32
    %mul3A_36 = arith.muli %arg1, %mul3A_35 : i32
    %add3A_37 = arith.constant 560 : i32
    %add3A_38 = arith.addi %mul3A_36, %add3A_37 : i32
    "tpu.region"() ({
      %run_scoped3A_63 = tpu.sem_alloc : memref<!tpu.dma_semaphore, #tpu.memory_space<semaphore_mem>>
      %dma_start3A_64 = arith.constant 0 : i32
      %dma_start3A_65 = arith.constant 0 : i32
      %dma_start3A_66 = tpu.memref_slice %arg8[%dma_start3A_64, %dma_start3A_65] : memref<80x128xf32, #tpu.memory_space<vmem>> -> memref<80x128xf32, #tpu.memory_space<vmem>>
      %dma_start3A_67 = arith.constant 0 : i32
      %dma_start3A_68 = tpu.memref_slice %arg10[%add3A_38, %dma_start3A_67] : memref<10240x128xf32, #tpu.memory_space<vmem_shared>> -> memref<80x128xf32, #tpu.memory_space<vmem_shared>>
      %dma_start3A_69 = arith.constant 0 : i32
      %dma_start3A_70 = tpu.memref_slice %arg10[%add3A_38, %dma_start3A_69] : memref<10240x128xf32, #tpu.memory_space<vmem_shared>> -> memref<80x128xf32, #tpu.memory_space<vmem_shared>>
      %dma_start3A_71 = arith.constant 0 : i32
      %dma_start3A_72 = arith.constant 0 : i32
      %dma_start3A_73 = tpu.memref_slice %arg8[%dma_start3A_71, %dma_start3A_72] : memref<80x128xf32, #tpu.memory_space<vmem>> -> memref<80x128xf32, #tpu.memory_space<vmem>>
      tpu.enqueue_dma source(%dma_start3A_73 : memref<80x128xf32, #tpu.memory_space<vmem>>) target(%dma_start3A_70 : memref<80x128xf32, #tpu.memory_space<vmem_shared>>) target_semaphore(%run_scoped3A_63 : memref<!tpu.dma_semaphore, #tpu.memory_space<semaphore_mem>>)
      %dma_wait3A_74 = arith.constant 0 : i32
      %dma_wait3A_75 = arith.constant 0 : i32
      %dma_wait3A_76 = tpu.memref_slice %arg8[%dma_wait3A_74, %dma_wait3A_75] : memref<80x128xf32, #tpu.memory_space<vmem>> -> memref<80x128xf32, #tpu.memory_space<vmem>>
      %dma_wait3A_77 = arith.constant 0 : i32
      %dma_wait3A_78 = tpu.memref_slice %arg10[%add3A_38, %dma_wait3A_77] : memref<10240x128xf32, #tpu.memory_space<vmem_shared>> -> memref<80x128xf32, #tpu.memory_space<vmem_shared>>
      %dma_wait3A_79 = arith.constant 0 : i32
      %dma_wait3A_80 = tpu.memref_slice %arg10[%add3A_38, %dma_wait3A_79] : memref<10240x128xf32, #tpu.memory_space<vmem_shared>> -> memref<80x128xf32, #tpu.memory_space<vmem_shared>>
      %dma_wait3A_81 = arith.constant 0 : i32
      %dma_wait3A_82 = arith.constant 0 : i32
      %dma_wait3A_83 = tpu.memref_slice %arg8[%dma_wait3A_81, %dma_wait3A_82] : memref<80x128xf32, #tpu.memory_space<vmem>> -> memref<80x128xf32, #tpu.memory_space<vmem>>
      tpu.wait_dma2 semaphore(%run_scoped3A_63 : memref<!tpu.dma_semaphore, #tpu.memory_space<semaphore_mem>>) src(%dma_wait3A_83 : memref<80x128xf32, #tpu.memory_space<vmem>>) dst(%dma_wait3A_80 : memref<80x128xf32, #tpu.memory_space<vmem_shared>>)
      tpu.yield
    }) : () -> ()
    %barrier3A = arith.constant 0 : index
    tpu.barrier barrier_id(%barrier3A)
    "tpu.region"() ({
      %run_scoped3A_63 = tpu.sem_alloc : memref<!tpu.dma_semaphore, #tpu.memory_space<semaphore_mem>>
      %dma_start3A_64 = arith.constant 0 : i32
      %dma_start3A_65 = arith.constant 0 : i32
      %dma_start3A_66 = tpu.memref_slice %arg2[%add3A, %dma_start3A_64, %dma_start3A_65] : memref<32x125x80xi32, #tpu.memory_space<hbm>> -> memref<1x125x80xi32, #tpu.memory_space<hbm>>
      %dma_start3A_67 = tpu.memref_squeeze %dma_start3A_66 : memref<1x125x80xi32, #tpu.memory_space<hbm>> -> memref<125x80xi32, #tpu.memory_space<hbm>>
      %dma_start3A_68 = arith.constant 0 : i32
      %dma_start3A_69 = arith.constant 0 : i32
      %dma_start3A_70 = tpu.memref_slice %arg2[%add3A, %dma_start3A_68, %dma_start3A_69] : memref<32x125x80xi32, #tpu.memory_space<hbm>> -> memref<1x125x80xi32, #tpu.memory_space<hbm>>
      %dma_start3A_71 = tpu.memref_squeeze %dma_start3A_70 : memref<1x125x80xi32, #tpu.memory_space<hbm>> -> memref<125x80xi32, #tpu.memory_space<hbm>>
      tpu.enqueue_dma source(%dma_start3A_71 : memref<125x80xi32, #tpu.memory_space<hbm>>) target(%arg6 : memref<125x80xi32, #tpu.memory_space<vmem>>) target_semaphore(%run_scoped3A_63 : memref<!tpu.dma_semaphore, #tpu.memory_space<semaphore_mem>>)
      %dma_wait3A_72 = arith.constant 0 : i32
      %dma_wait3A_73 = arith.constant 0 : i32
      %dma_wait3A_74 = tpu.memref_slice %arg2[%add3A, %dma_wait3A_72, %dma_wait3A_73] : memref<32x125x80xi32, #tpu.memory_space<hbm>> -> memref<1x125x80xi32, #tpu.memory_space<hbm>>
      %dma_wait3A_75 = tpu.memref_squeeze %dma_wait3A_74 : memref<1x125x80xi32, #tpu.memory_space<hbm>> -> memref<125x80xi32, #tpu.memory_space<hbm>>
      %dma_wait3A_76 = arith.constant 0 : i32
      %dma_wait3A_77 = arith.constant 0 : i32
      %dma_wait3A_78 = tpu.memref_slice %arg2[%add3A, %dma_wait3A_76, %dma_wait3A_77] : memref<32x125x80xi32, #tpu.memory_space<hbm>> -> memref<1x125x80xi32, #tpu.memory_space<hbm>>
      %dma_wait3A_79 = tpu.memref_squeeze %dma_wait3A_78 : memref<1x125x80xi32, #tpu.memory_space<hbm>> -> memref<125x80xi32, #tpu.memory_space<hbm>>
      tpu.wait_dma2 semaphore(%run_scoped3A_63 : memref<!tpu.dma_semaphore, #tpu.memory_space<semaphore_mem>>) src(%dma_wait3A_79 : memref<125x80xi32, #tpu.memory_space<hbm>>) dst(%arg6 : memref<125x80xi32, #tpu.memory_space<vmem>>)
      tpu.yield
    }) : () -> ()
    "tpu.region"() ({
      %run_scoped3A_63 = tpu.sem_alloc : memref<!tpu.dma_semaphore, #tpu.memory_space<semaphore_mem>>
      %dma_start3A_64 = arith.constant 0 : i32
      %dma_start3A_65 = arith.constant 0 : i32
      %dma_start3A_66 = tpu.memref_slice %arg3[%add3A, %dma_start3A_64, %dma_start3A_65] : memref<32x125x80xi32, #tpu.memory_space<hbm>> -> memref<1x125x80xi32, #tpu.memory_space<hbm>>
      %dma_start3A_67 = tpu.memref_squeeze %dma_start3A_66 : memref<1x125x80xi32, #tpu.memory_space<hbm>> -> memref<125x80xi32, #tpu.memory_space<hbm>>
      %dma_start3A_68 = arith.constant 0 : i32
      %dma_start3A_69 = arith.constant 0 : i32
      %dma_start3A_70 = tpu.memref_slice %arg3[%add3A, %dma_start3A_68, %dma_start3A_69] : memref<32x125x80xi32, #tpu.memory_space<hbm>> -> memref<1x125x80xi32, #tpu.memory_space<hbm>>
      %dma_start3A_71 = tpu.memref_squeeze %dma_start3A_70 : memref<1x125x80xi32, #tpu.memory_space<hbm>> -> memref<125x80xi32, #tpu.memory_space<hbm>>
      tpu.enqueue_dma source(%dma_start3A_71 : memref<125x80xi32, #tpu.memory_space<hbm>>) target(%arg7 : memref<125x80xi32, #tpu.memory_space<vmem>>) target_semaphore(%run_scoped3A_63 : memref<!tpu.dma_semaphore, #tpu.memory_space<semaphore_mem>>)
      %dma_wait3A_72 = arith.constant 0 : i32
      %dma_wait3A_73 = arith.constant 0 : i32
      %dma_wait3A_74 = tpu.memref_slice %arg3[%add3A, %dma_wait3A_72, %dma_wait3A_73] : memref<32x125x80xi32, #tpu.memory_space<hbm>> -> memref<1x125x80xi32, #tpu.memory_space<hbm>>
      %dma_wait3A_75 = tpu.memref_squeeze %dma_wait3A_74 : memref<1x125x80xi32, #tpu.memory_space<hbm>> -> memref<125x80xi32, #tpu.memory_space<hbm>>
      %dma_wait3A_76 = arith.constant 0 : i32
      %dma_wait3A_77 = arith.constant 0 : i32
      %dma_wait3A_78 = tpu.memref_slice %arg3[%add3A, %dma_wait3A_76, %dma_wait3A_77] : memref<32x125x80xi32, #tpu.memory_space<hbm>> -> memref<1x125x80xi32, #tpu.memory_space<hbm>>
      %dma_wait3A_79 = tpu.memref_squeeze %dma_wait3A_78 : memref<1x125x80xi32, #tpu.memory_space<hbm>> -> memref<125x80xi32, #tpu.memory_space<hbm>>
      tpu.wait_dma2 semaphore(%run_scoped3A_63 : memref<!tpu.dma_semaphore, #tpu.memory_space<semaphore_mem>>) src(%dma_wait3A_79 : memref<125x80xi32, #tpu.memory_space<hbm>>) dst(%arg7 : memref<125x80xi32, #tpu.memory_space<vmem>>)
      tpu.yield
    }) : () -> ()
    %dma_start3A = arith.constant 0 : i32
    %dma_start3A_39 = arith.constant 0 : i32
    %dma_start3A_40 = tpu.memref_slice %arg6[%dma_start3A, %dma_start3A_39] : memref<125x80xi32, #tpu.memory_space<vmem>> -> memref<1x80xi32, #tpu.memory_space<vmem>>
    %dma_start3A_41 = tpu.memref_squeeze %dma_start3A_40 : memref<1x80xi32, #tpu.memory_space<vmem>> -> memref<80xi32, #tpu.memory_space<vmem>>
    %dma_start3A_42 = arith.constant 0 : i32
    %dma_start3A_43 = arith.constant 0 : i32
    %dma_start3A_44 = tpu.memref_slice %arg4[%dma_start3A_42, %dma_start3A_43] : memref<10000x128xf32, #tpu.memory_space<hbm>> -> memref<10000x128xf32, #tpu.memory_space<hbm>>
    tpu.enqueue_indirect_dma source(%dma_start3A_44 : memref<10000x128xf32, #tpu.memory_space<hbm>>) target(%arg8 : memref<80x128xf32, #tpu.memory_space<vmem>>) offsets(%dma_start3A_41 : memref<80xi32, #tpu.memory_space<vmem>>) semaphore(%arg11 : memref<!tpu.dma_semaphore, #tpu.memory_space<semaphore_mem>>)
    %scan3A_45 = arith.constant 0 : i32
    %scan3A_46 = arith.constant 0 : i32
    %scan3A_47 = arith.constant 62 : i32
    %scan3A_48 = arith.addi %scan3A_46, %scan3A_47 : i32
    %scan3A_49 = arith.constant 1 : i32
    %scan3A_50 = scf.for %scan3A_63 = %scan3A_46 to %scan3A_48 step %scan3A_49 iter_args(%scan3A_64 = %scan3A_45) -> (i32)  : i32 {
      %mul3A_65 = arith.constant 2 : i32
      %mul3A_66 = arith.muli %mul3A_65, %scan3A_63 : i32
      %dma_wait3A_67 = arith.constant 0 : i32
      %dma_wait3A_68 = arith.constant 0 : i32
      %dma_wait3A_69 = tpu.memref_slice %arg6[%dma_wait3A_67, %dma_wait3A_68] : memref<125x80xi32, #tpu.memory_space<vmem>> -> memref<1x80xi32, #tpu.memory_space<vmem>>
      %dma_wait3A_70 = tpu.memref_squeeze %dma_wait3A_69 : memref<1x80xi32, #tpu.memory_space<vmem>> -> memref<80xi32, #tpu.memory_space<vmem>>
      %dma_wait3A_71 = arith.constant 0 : i32
      %dma_wait3A_72 = arith.constant 0 : i32
      %dma_wait3A_73 = tpu.memref_slice %arg4[%dma_wait3A_71, %dma_wait3A_72] : memref<10000x128xf32, #tpu.memory_space<hbm>> -> memref<10000x128xf32, #tpu.memory_space<hbm>>
      tpu.wait_indirect_dma semaphore(%arg11 : memref<!tpu.dma_semaphore, #tpu.memory_space<semaphore_mem>>) src(%dma_wait3A_73 : memref<10000x128xf32, #tpu.memory_space<hbm>>) dst(%arg8 : memref<80x128xf32, #tpu.memory_space<vmem>>)
      %add3A_74 = arith.constant 1 : i32
      %add3A_75 = arith.addi %mul3A_66, %add3A_74 : i32
      %dma_start3A_76 = arith.constant 0 : i32
      %dma_start3A_77 = tpu.memref_slice %arg6[%add3A_75, %dma_start3A_76] : memref<125x80xi32, #tpu.memory_space<vmem>> -> memref<1x80xi32, #tpu.memory_space<vmem>>
      %dma_start3A_78 = tpu.memref_squeeze %dma_start3A_77 : memref<1x80xi32, #tpu.memory_space<vmem>> -> memref<80xi32, #tpu.memory_space<vmem>>
      %dma_start3A_79 = arith.constant 0 : i32
      %dma_start3A_80 = arith.constant 0 : i32
      %dma_start3A_81 = tpu.memref_slice %arg4[%dma_start3A_79, %dma_start3A_80] : memref<10000x128xf32, #tpu.memory_space<hbm>> -> memref<10000x128xf32, #tpu.memory_space<hbm>>
      tpu.enqueue_indirect_dma source(%dma_start3A_81 : memref<10000x128xf32, #tpu.memory_space<hbm>>) target(%arg9 : memref<80x128xf32, #tpu.memory_space<vmem>>) offsets(%dma_start3A_78 : memref<80xi32, #tpu.memory_space<vmem>>) semaphore(%arg12 : memref<!tpu.dma_semaphore, #tpu.memory_space<semaphore_mem>>)
      "tpu.region"() ({
        %run_scoped3A_100 = tpu.sem_alloc : memref<!tpu.dma_semaphore, #tpu.memory_space<semaphore_mem>>
        %dma_start3A_101 = arith.constant 0 : i32
        %dma_start3A_102 = tpu.memref_slice %arg7[%mul3A_66, %dma_start3A_101] : memref<125x80xi32, #tpu.memory_space<vmem>> -> memref<1x80xi32, #tpu.memory_space<vmem>>
        %dma_start3A_103 = tpu.memref_squeeze %dma_start3A_102 : memref<1x80xi32, #tpu.memory_space<vmem>> -> memref<80xi32, #tpu.memory_space<vmem>>
        %dma_start3A_104 = arith.constant 0 : i32
        %dma_start3A_105 = arith.constant 0 : i32
        %dma_start3A_106 = tpu.memref_slice %arg10[%dma_start3A_104, %dma_start3A_105] : memref<10240x128xf32, #tpu.memory_space<vmem_shared>> -> memref<10240x128xf32, #tpu.memory_space<vmem_shared>>
        tpu.enqueue_indirect_dma source(%arg8 : memref<80x128xf32, #tpu.memory_space<vmem>>) target(%dma_start3A_106 : memref<10240x128xf32, #tpu.memory_space<vmem_shared>>) offsets(%dma_start3A_103 : memref<80xi32, #tpu.memory_space<vmem>>) semaphore(%run_scoped3A_100 : memref<!tpu.dma_semaphore, #tpu.memory_space<semaphore_mem>>) {add = true}
        %dma_wait3A_107 = arith.constant 0 : i32
        %dma_wait3A_108 = tpu.memref_slice %arg7[%mul3A_66, %dma_wait3A_107] : memref<125x80xi32, #tpu.memory_space<vmem>> -> memref<1x80xi32, #tpu.memory_space<vmem>>
        %dma_wait3A_109 = tpu.memref_squeeze %dma_wait3A_108 : memref<1x80xi32, #tpu.memory_space<vmem>> -> memref<80xi32, #tpu.memory_space<vmem>>
        %dma_wait3A_110 = arith.constant 0 : i32
        %dma_wait3A_111 = arith.constant 0 : i32
        %dma_wait3A_112 = tpu.memref_slice %arg10[%dma_wait3A_110, %dma_wait3A_111] : memref<10240x128xf32, #tpu.memory_space<vmem_shared>> -> memref<10240x128xf32, #tpu.memory_space<vmem_shared>>
        tpu.wait_indirect_dma semaphore(%run_scoped3A_100 : memref<!tpu.dma_semaphore, #tpu.memory_space<semaphore_mem>>) src(%arg8 : memref<80x128xf32, #tpu.memory_space<vmem>>) dst(%dma_wait3A_112 : memref<10240x128xf32, #tpu.memory_space<vmem_shared>>)
        tpu.yield
      }) : () -> ()
      %dma_wait3A_82 = arith.constant 0 : i32
      %dma_wait3A_83 = arith.constant 0 : i32
      %dma_wait3A_84 = tpu.memref_slice %arg6[%dma_wait3A_82, %dma_wait3A_83] : memref<125x80xi32, #tpu.memory_space<vmem>> -> memref<1x80xi32, #tpu.memory_space<vmem>>
      %dma_wait3A_85 = tpu.memref_squeeze %dma_wait3A_84 : memref<1x80xi32, #tpu.memory_space<vmem>> -> memref<80xi32, #tpu.memory_space<vmem>>
      %dma_wait3A_86 = arith.constant 0 : i32
      %dma_wait3A_87 = arith.constant 0 : i32
      %dma_wait3A_88 = tpu.memref_slice %arg4[%dma_wait3A_86, %dma_wait3A_87] : memref<10000x128xf32, #tpu.memory_space<hbm>> -> memref<10000x128xf32, #tpu.memory_space<hbm>>
      tpu.wait_indirect_dma semaphore(%arg12 : memref<!tpu.dma_semaphore, #tpu.memory_space<semaphore_mem>>) src(%dma_wait3A_88 : memref<10000x128xf32, #tpu.memory_space<hbm>>) dst(%arg9 : memref<80x128xf32, #tpu.memory_space<vmem>>)
      %add3A_89 = arith.constant 2 : i32
      %add3A_90 = arith.addi %mul3A_66, %add3A_89 : i32
      %dma_start3A_91 = arith.constant 0 : i32
      %dma_start3A_92 = tpu.memref_slice %arg6[%add3A_90, %dma_start3A_91] : memref<125x80xi32, #tpu.memory_space<vmem>> -> memref<1x80xi32, #tpu.memory_space<vmem>>
      %dma_start3A_93 = tpu.memref_squeeze %dma_start3A_92 : memref<1x80xi32, #tpu.memory_space<vmem>> -> memref<80xi32, #tpu.memory_space<vmem>>
      %dma_start3A_94 = arith.constant 0 : i32
      %dma_start3A_95 = arith.constant 0 : i32
      %dma_start3A_96 = tpu.memref_slice %arg4[%dma_start3A_94, %dma_start3A_95] : memref<10000x128xf32, #tpu.memory_space<hbm>> -> memref<10000x128xf32, #tpu.memory_space<hbm>>
      tpu.enqueue_indirect_dma source(%dma_start3A_96 : memref<10000x128xf32, #tpu.memory_space<hbm>>) target(%arg8 : memref<80x128xf32, #tpu.memory_space<vmem>>) offsets(%dma_start3A_93 : memref<80xi32, #tpu.memory_space<vmem>>) semaphore(%arg11 : memref<!tpu.dma_semaphore, #tpu.memory_space<semaphore_mem>>)
      %add3A_97 = arith.constant 1 : i32
      %add3A_98 = arith.addi %mul3A_66, %add3A_97 : i32
      "tpu.region"() ({
        %run_scoped3A_100 = tpu.sem_alloc : memref<!tpu.dma_semaphore, #tpu.memory_space<semaphore_mem>>
        %dma_start3A_101 = arith.constant 0 : i32
        %dma_start3A_102 = tpu.memref_slice %arg7[%add3A_98, %dma_start3A_101] : memref<125x80xi32, #tpu.memory_space<vmem>> -> memref<1x80xi32, #tpu.memory_space<vmem>>
        %dma_start3A_103 = tpu.memref_squeeze %dma_start3A_102 : memref<1x80xi32, #tpu.memory_space<vmem>> -> memref<80xi32, #tpu.memory_space<vmem>>
        %dma_start3A_104 = arith.constant 0 : i32
        %dma_start3A_105 = arith.constant 0 : i32
        %dma_start3A_106 = tpu.memref_slice %arg10[%dma_start3A_104, %dma_start3A_105] : memref<10240x128xf32, #tpu.memory_space<vmem_shared>> -> memref<10240x128xf32, #tpu.memory_space<vmem_shared>>
        tpu.enqueue_indirect_dma source(%arg9 : memref<80x128xf32, #tpu.memory_space<vmem>>) target(%dma_start3A_106 : memref<10240x128xf32, #tpu.memory_space<vmem_shared>>) offsets(%dma_start3A_103 : memref<80xi32, #tpu.memory_space<vmem>>) semaphore(%run_scoped3A_100 : memref<!tpu.dma_semaphore, #tpu.memory_space<semaphore_mem>>) {add = true}
        %dma_wait3A_107 = arith.constant 0 : i32
        %dma_wait3A_108 = tpu.memref_slice %arg7[%add3A_98, %dma_wait3A_107] : memref<125x80xi32, #tpu.memory_space<vmem>> -> memref<1x80xi32, #tpu.memory_space<vmem>>
        %dma_wait3A_109 = tpu.memref_squeeze %dma_wait3A_108 : memref<1x80xi32, #tpu.memory_space<vmem>> -> memref<80xi32, #tpu.memory_space<vmem>>
        %dma_wait3A_110 = arith.constant 0 : i32
        %dma_wait3A_111 = arith.constant 0 : i32
        %dma_wait3A_112 = tpu.memref_slice %arg10[%dma_wait3A_110, %dma_wait3A_111] : memref<10240x128xf32, #tpu.memory_space<vmem_shared>> -> memref<10240x128xf32, #tpu.memory_space<vmem_shared>>
        tpu.wait_indirect_dma semaphore(%run_scoped3A_100 : memref<!tpu.dma_semaphore, #tpu.memory_space<semaphore_mem>>) src(%arg9 : memref<80x128xf32, #tpu.memory_space<vmem>>) dst(%dma_wait3A_112 : memref<10240x128xf32, #tpu.memory_space<vmem_shared>>)
        tpu.yield
      }) : () -> ()
      %scan3A_99 = arith.constant 0 : i32
      scf.yield %scan3A_99 : i32
    }
    %scan3A_51 = arith.constant 62 : i32
    %dma_wait3A = arith.constant 0 : i32
    %dma_wait3A_52 = arith.constant 0 : i32
    %dma_wait3A_53 = tpu.memref_slice %arg6[%dma_wait3A, %dma_wait3A_52] : memref<125x80xi32, #tpu.memory_space<vmem>> -> memref<1x80xi32, #tpu.memory_space<vmem>>
    %dma_wait3A_54 = tpu.memref_squeeze %dma_wait3A_53 : memref<1x80xi32, #tpu.memory_space<vmem>> -> memref<80xi32, #tpu.memory_space<vmem>>
    %dma_wait3A_55 = arith.constant 0 : i32
    %dma_wait3A_56 = arith.constant 0 : i32
    %dma_wait3A_57 = tpu.memref_slice %arg4[%dma_wait3A_55, %dma_wait3A_56] : memref<10000x128xf32, #tpu.memory_space<hbm>> -> memref<10000x128xf32, #tpu.memory_space<hbm>>
    tpu.wait_indirect_dma semaphore(%arg11 : memref<!tpu.dma_semaphore, #tpu.memory_space<semaphore_mem>>) src(%dma_wait3A_57 : memref<10000x128xf32, #tpu.memory_space<hbm>>) dst(%arg8 : memref<80x128xf32, #tpu.memory_space<vmem>>)
    %run_scoped3A = arith.constant 124 : i32
    "tpu.region"() ({
      %run_scoped3A_63 = tpu.sem_alloc : memref<!tpu.dma_semaphore, #tpu.memory_space<semaphore_mem>>
      %dma_start3A_64 = arith.constant 0 : i32
      %dma_start3A_65 = tpu.memref_slice %arg7[%run_scoped3A, %dma_start3A_64] : memref<125x80xi32, #tpu.memory_space<vmem>> -> memref<1x80xi32, #tpu.memory_space<vmem>>
      %dma_start3A_66 = tpu.memref_squeeze %dma_start3A_65 : memref<1x80xi32, #tpu.memory_space<vmem>> -> memref<80xi32, #tpu.memory_space<vmem>>
      %dma_start3A_67 = arith.constant 0 : i32
      %dma_start3A_68 = arith.constant 0 : i32
      %dma_start3A_69 = tpu.memref_slice %arg10[%dma_start3A_67, %dma_start3A_68] : memref<10240x128xf32, #tpu.memory_space<vmem_shared>> -> memref<10240x128xf32, #tpu.memory_space<vmem_shared>>
      tpu.enqueue_indirect_dma source(%arg8 : memref<80x128xf32, #tpu.memory_space<vmem>>) target(%dma_start3A_69 : memref<10240x128xf32, #tpu.memory_space<vmem_shared>>) offsets(%dma_start3A_66 : memref<80xi32, #tpu.memory_space<vmem>>) semaphore(%run_scoped3A_63 : memref<!tpu.dma_semaphore, #tpu.memory_space<semaphore_mem>>) {add = true}
      %dma_wait3A_70 = arith.constant 0 : i32
      %dma_wait3A_71 = tpu.memref_slice %arg7[%run_scoped3A, %dma_wait3A_70] : memref<125x80xi32, #tpu.memory_space<vmem>> -> memref<1x80xi32, #tpu.memory_space<vmem>>
      %dma_wait3A_72 = tpu.memref_squeeze %dma_wait3A_71 : memref<1x80xi32, #tpu.memory_space<vmem>> -> memref<80xi32, #tpu.memory_space<vmem>>
      %dma_wait3A_73 = arith.constant 0 : i32
      %dma_wait3A_74 = arith.constant 0 : i32
      %dma_wait3A_75 = tpu.memref_slice %arg10[%dma_wait3A_73, %dma_wait3A_74] : memref<10240x128xf32, #tpu.memory_space<vmem_shared>> -> memref<10240x128xf32, #tpu.memory_space<vmem_shared>>
      tpu.wait_indirect_dma semaphore(%run_scoped3A_63 : memref<!tpu.dma_semaphore, #tpu.memory_space<semaphore_mem>>) src(%arg8 : memref<80x128xf32, #tpu.memory_space<vmem>>) dst(%dma_wait3A_75 : memref<10240x128xf32, #tpu.memory_space<vmem_shared>>)
      tpu.yield
    }) : () -> ()
    %barrier3A_58 = arith.constant 0 : index
    tpu.barrier barrier_id(%barrier3A_58)
    %mul3A_59 = arith.constant 640 : i32
    %mul3A_60 = arith.muli %arg1, %mul3A_59 : i32
    %mul3A_61 = arith.constant 640 : i32
    %mul3A_62 = arith.muli %arg1, %mul3A_61 : i32
    "tpu.region"() ({
      %run_scoped3A_63 = tpu.sem_alloc : memref<!tpu.dma_semaphore, #tpu.memory_space<semaphore_mem>>
      %dma_start3A_64 = arith.constant 0 : i32
      %dma_start3A_65 = tpu.memref_slice %arg5[%arg0, %mul3A_62, %dma_start3A_64] : memref<2x10240x128xf32, #tpu.memory_space<hbm>> -> memref<1x640x128xf32, #tpu.memory_space<hbm>>
      %dma_start3A_66 = tpu.memref_squeeze %dma_start3A_65 : memref<1x640x128xf32, #tpu.memory_space<hbm>> -> memref<640x128xf32, #tpu.memory_space<hbm>>
      %dma_start3A_67 = arith.constant 0 : i32
      %dma_start3A_68 = tpu.memref_slice %arg10[%mul3A_60, %dma_start3A_67] : memref<10240x128xf32, #tpu.memory_space<vmem_shared>> -> memref<640x128xf32, #tpu.memory_space<vmem_shared>>
      tpu.enqueue_dma source(%dma_start3A_68 : memref<640x128xf32, #tpu.memory_space<vmem_shared>>) target(%dma_start3A_66 : memref<640x128xf32, #tpu.memory_space<hbm>>) target_semaphore(%run_scoped3A_63 : memref<!tpu.dma_semaphore, #tpu.memory_space<semaphore_mem>>)
      %dma_wait3A_69 = arith.constant 0 : i32
      %dma_wait3A_70 = tpu.memref_slice %arg5[%arg0, %mul3A_62, %dma_wait3A_69] : memref<2x10240x128xf32, #tpu.memory_space<hbm>> -> memref<1x640x128xf32, #tpu.memory_space<hbm>>
      %dma_wait3A_71 = tpu.memref_squeeze %dma_wait3A_70 : memref<1x640x128xf32, #tpu.memory_space<hbm>> -> memref<640x128xf32, #tpu.memory_space<hbm>>
      %dma_wait3A_72 = arith.constant 0 : i32
      %dma_wait3A_73 = tpu.memref_slice %arg10[%mul3A_60, %dma_wait3A_72] : memref<10240x128xf32, #tpu.memory_space<vmem_shared>> -> memref<640x128xf32, #tpu.memory_space<vmem_shared>>
      tpu.wait_dma2 semaphore(%run_scoped3A_63 : memref<!tpu.dma_semaphore, #tpu.memory_space<semaphore_mem>>) src(%dma_wait3A_73 : memref<640x128xf32, #tpu.memory_space<vmem_shared>>) dst(%dma_wait3A_71 : memref<640x128xf32, #tpu.memory_space<hbm>>)
      tpu.yield
    }) : () -> ()
    return
  }
}

module attributes {stable_mosaic.version = 14 : i64} {
  func.func @_tc_mm_body(%arg0: memref<10000x128xf32, #tpu.memory_space<vmem>>, %arg1: memref<128x128xf32, #tpu.memory_space<vmem>>, %arg2: memref<10000x128xf32, #tpu.memory_space<vmem>>) attributes {dimension_semantics = [], scalar_prefetch = 0 : i64, scratch_operands = 0 : i64, tpu.core_type = #tpu.core_type<tc>} {
    %get3A = arith.constant 0 : index
    %get3A_0 = arith.constant 0 : index
    %get3A_1 = vector.load %arg0[%get3A, %get3A_0] : memref<10000x128xf32, #tpu.memory_space<vmem>>, vector<10000x128xf32>
    %get3A_2 = arith.constant 0 : index
    %get3A_3 = arith.constant 0 : index
    %get3A_4 = vector.load %arg1[%get3A_2, %get3A_3] : memref<128x128xf32, #tpu.memory_space<vmem>>, vector<128x128xf32>
    %dot_general3A = arith.constant dense<0.000000e+00> : vector<10000x128xf32>
    %dot_general3A_5 = tpu.matmul %get3A_1, %get3A_4, %dot_general3A {dimension_numbers = #tpu.dot_dimension_numbers<[1], [0], [0], [1], [0, 0, 1, 1], [], []>, transpose_lhs_hint = false} : vector<10000x128xf32>, vector<128x128xf32>, vector<10000x128xf32> -> vector<10000x128xf32>
    %swap3A = arith.constant 0 : index
    %swap3A_6 = arith.constant 0 : index
    %swap3A_7 = vector.load %arg2[%swap3A, %swap3A_6] : memref<10000x128xf32, #tpu.memory_space<vmem>>, vector<10000x128xf32>
    tpu.vector_store %arg2[%swap3A, %swap3A_6], %dot_general3A_5 {strides = array<i32>} : memref<10000x128xf32, #tpu.memory_space<vmem>>, vector<10000x128xf32>,
    return
  }
}

module attributes {stable_mosaic.version = 14 : i64} {
  func.func @_tc_scale_body(%arg0: memref<10000x128xf32, #tpu.memory_space<vmem>>, %arg1: memref<2x10240x16xf32, #tpu.memory_space<vmem>>, %arg2: memref<10000x128xf32, #tpu.memory_space<vmem>>) attributes {dimension_semantics = [], scalar_prefetch = 0 : i64, scratch_operands = 0 : i64, tpu.core_type = #tpu.core_type<tc>} {
    %get3A = arith.constant 0 : index
    %get3A_0 = arith.constant 0 : index
    %get3A_1 = arith.constant 0 : index
    %get3A_2 = vector.load %arg1[%get3A, %get3A_0, %get3A_1] : memref<2x10240x16xf32, #tpu.memory_space<vmem>>, vector<1x10240x16xf32>
    %get3A_3 = vector.shape_cast %get3A_2 : vector<1x10240x16xf32> to vector<10240x16xf32>
    %get3A_4 = arith.constant 1 : index
    %get3A_5 = arith.constant 0 : index
    %get3A_6 = arith.constant 0 : index
    %get3A_7 = vector.load %arg1[%get3A_4, %get3A_5, %get3A_6] : memref<2x10240x16xf32, #tpu.memory_space<vmem>>, vector<1x10240x16xf32>
    %get3A_8 = vector.shape_cast %get3A_7 : vector<1x10240x16xf32> to vector<10240x16xf32>
    %slice3A = vector.extract_strided_slice %get3A_3 {offsets = [0, 0], sizes = [10000, 1], strides = [1, 1]} : vector<10240x16xf32> to vector<10000x1xf32>
    %add3A = arith.constant 1.000000e+00 : f32
    %add3A_9 = vector.broadcast %add3A : f32 to vector<10000x1xf32>
    %add3A_10 = arith.addf %add3A_9, %slice3A : vector<10000x1xf32>
    %slice3A_11 = vector.extract_strided_slice %get3A_8 {offsets = [0, 0], sizes = [10000, 1], strides = [1, 1]} : vector<10240x16xf32> to vector<10000x1xf32>
    %add3A_12 = arith.addf %add3A_10, %slice3A_11 : vector<10000x1xf32>
    %rsqrt3A = math.rsqrt %add3A_12 : vector<10000x1xf32>
    %get3A_13 = arith.constant 0 : index
    %get3A_14 = arith.constant 0 : index
    %get3A_15 = vector.load %arg0[%get3A_13, %get3A_14] : memref<10000x128xf32, #tpu.memory_space<vmem>>, vector<10000x128xf32>
    %mul3A = vector.broadcast %rsqrt3A : vector<10000x1xf32> to vector<10000x128xf32>
    %mul3A_16 = arith.mulf %mul3A, %get3A_15 : vector<10000x128xf32>
    %swap3A = arith.constant 0 : index
    %swap3A_17 = arith.constant 0 : index
    %swap3A_18 = vector.load %arg2[%swap3A, %swap3A_17] : memref<10000x128xf32, #tpu.memory_space<vmem>>, vector<10000x128xf32>
    tpu.vector_store %arg2[%swap3A, %swap3A_17], %mul3A_16 {strides = array<i32>} : memref<10000x128xf32, #tpu.memory_space<vmem>>, vector<10000x128xf32>,
    return
  }
}

module attributes {stable_mosaic.version = 14 : i64} {
  func.func @_post_mid_body(%arg0: memref<2x10240x16xf32, #tpu.memory_space<vmem>>, %arg1: memref<2x10240x128xf32, #tpu.memory_space<vmem>>, %arg2: memref<10000x128xf32, #tpu.memory_space<vmem>>, %arg3: memref<1x128xf32, #tpu.memory_space<vmem>>, %arg4: memref<1x128xf32, #tpu.memory_space<vmem>>, %arg5: memref<1x128xf32, #tpu.memory_space<vmem>>, %arg6: memref<10000x1xi32, #tpu.memory_space<vmem>>, %arg7: memref<128x128xf32, #tpu.memory_space<vmem>>, %arg8: memref<10000x128xf32, #tpu.memory_space<vmem>>, %arg9: memref<10000x128xf32, #tpu.memory_space<vmem>>, %arg10: memref<10752x128xf32, #tpu.memory_space<vmem>>) attributes {dimension_semantics = [], scalar_prefetch = 0 : i64, scratch_operands = 1 : i64, tpu.core_type = #tpu.core_type<tc>} {
    %broadcast_in_dim3A = arith.constant 0.000000e+00 : f32
    %broadcast_in_dim3A_0 = vector.broadcast %broadcast_in_dim3A : f32 to vector<64x128xf32>
    %broadcast_in_dim3A_1 = arith.constant 0.000000e+00 : f32
    %broadcast_in_dim3A_2 = vector.broadcast %broadcast_in_dim3A_1 : f32 to vector<64x1xf32>
    %scan3A = arith.constant 0 : i32
    %scan3A_3 = arith.constant 10 : i32
    %scan3A_4 = arith.addi %scan3A, %scan3A_3 : i32
    %scan3A_5 = arith.constant 1 : i32
    %scan3A_6:3 = scf.for %scan3A_29 = %scan3A to %scan3A_4 step %scan3A_5 iter_args(%scan3A_30 = %broadcast_in_dim3A_0, %scan3A_31 = %broadcast_in_dim3A_0, %scan3A_32 = %broadcast_in_dim3A_2) -> (vector<64x128xf32>, vector<64x128xf32>, vector<64x1xf32>)  : i32 {
      %mul3A_33 = arith.constant 1000 : i32
      %mul3A_34 = arith.muli %scan3A_29, %mul3A_33 : i32
      %multiple_of3A = tpu.assume_multiple %mul3A_34, 8 : i32
      %get3A = arith.constant 0 : index
      %get3A_35 = arith.index_cast %multiple_of3A : i32 to index
      %get3A_36 = arith.constant 0 : index
      %get3A_37 = vector.load %arg1[%get3A, %get3A_35, %get3A_36] : memref<2x10240x128xf32, #tpu.memory_space<vmem>>, vector<1x1000x128xf32>
      %get3A_38 = vector.shape_cast %get3A_37 : vector<1x1000x128xf32> to vector<1000x128xf32>
      %get3A_39 = arith.constant 1 : index
      %get3A_40 = arith.index_cast %multiple_of3A : i32 to index
      %get3A_41 = arith.constant 0 : index
      %get3A_42 = vector.load %arg1[%get3A_39, %get3A_40, %get3A_41] : memref<2x10240x128xf32, #tpu.memory_space<vmem>>, vector<1x1000x128xf32>
      %get3A_43 = vector.shape_cast %get3A_42 : vector<1x1000x128xf32> to vector<1000x128xf32>
      %add3A_44 = arith.addf %get3A_38, %get3A_43 : vector<1000x128xf32>
      %mul3A_45 = arith.constant 1000 : i32
      %mul3A_46 = arith.muli %scan3A_29, %mul3A_45 : i32
      %multiple_of3A_47 = tpu.assume_multiple %mul3A_46, 8 : i32
      %get3A_48 = arith.constant 0 : index
      %get3A_49 = arith.index_cast %multiple_of3A_47 : i32 to index
      %get3A_50 = arith.constant 0 : index
      %get3A_51 = vector.load %arg0[%get3A_48, %get3A_49, %get3A_50] : memref<2x10240x16xf32, #tpu.memory_space<vmem>>, vector<1x1000x16xf32>
      %get3A_52 = vector.shape_cast %get3A_51 : vector<1x1000x16xf32> to vector<1000x16xf32>
      %get3A_53 = arith.constant 1 : index
      %get3A_54 = arith.index_cast %multiple_of3A_47 : i32 to index
      %get3A_55 = arith.constant 0 : index
      %get3A_56 = vector.load %arg0[%get3A_53, %get3A_54, %get3A_55] : memref<2x10240x16xf32, #tpu.memory_space<vmem>>, vector<1x1000x16xf32>
      %get3A_57 = vector.shape_cast %get3A_56 : vector<1x1000x16xf32> to vector<1000x16xf32>
      %slice3A = vector.extract_strided_slice %get3A_52 {offsets = [0, 0], sizes = [1000, 1], strides = [1, 1]} : vector<1000x16xf32> to vector<1000x1xf32>
      %add3A_58 = arith.constant 1.000000e+00 : f32
      %add3A_59 = vector.broadcast %add3A_58 : f32 to vector<1000x1xf32>
      %add3A_60 = arith.addf %add3A_59, %slice3A : vector<1000x1xf32>
      %slice3A_61 = vector.extract_strided_slice %get3A_57 {offsets = [0, 0], sizes = [1000, 1], strides = [1, 1]} : vector<1000x16xf32> to vector<1000x1xf32>
      %add3A_62 = arith.addf %add3A_60, %slice3A_61 : vector<1000x1xf32>
      %rsqrt3A_63 = math.rsqrt %add3A_62 : vector<1000x1xf32>
      %get3A_64 = arith.index_cast %multiple_of3A : i32 to index
      %get3A_65 = arith.constant 0 : index
      %get3A_66 = vector.load %arg2[%get3A_64, %get3A_65] : memref<10000x128xf32, #tpu.memory_space<vmem>>, vector<1000x128xf32>
      %add3A_67 = arith.addf %add3A_44, %get3A_66 : vector<1000x128xf32>
      %mul3A_68 = vector.broadcast %rsqrt3A_63 : vector<1000x1xf32> to vector<1000x128xf32>
      %mul3A_69 = arith.mulf %mul3A_68, %add3A_67 : vector<1000x128xf32>
      %get3A_70 = arith.constant 0 : index
      %get3A_71 = arith.constant 0 : index
      %get3A_72 = vector.load %arg3[%get3A_70, %get3A_71] : memref<1x128xf32, #tpu.memory_space<vmem>>, vector<1x128xf32>
      %add3A_73 = vector.broadcast %get3A_72 : vector<1x128xf32> to vector<1000x128xf32>
      %add3A_74 = arith.addf %mul3A_69, %add3A_73 : vector<1000x128xf32>
      %swap3A = arith.index_cast %multiple_of3A : i32 to index
      %swap3A_75 = arith.constant 0 : index
      %swap3A_76 = vector.load %arg10[%swap3A, %swap3A_75] : memref<10752x128xf32, #tpu.memory_space<vmem>>, vector<1000x128xf32>
      tpu.vector_store %arg10[%swap3A, %swap3A_75], %add3A_74 {strides = array<i32>} : memref<10752x128xf32, #tpu.memory_space<vmem>>, vector<1000x128xf32>,
      %mul3A_77 = arith.constant 1000 : i32
      %mul3A_78 = arith.muli %scan3A_29, %mul3A_77 : i32
      %multiple_of3A_79 = tpu.assume_multiple %mul3A_78, 8 : i32
      %get3A_80 = arith.index_cast %multiple_of3A_79 : i32 to index
      %get3A_81 = arith.constant 0 : index
      %get3A_82 = vector.load %arg6[%get3A_80, %get3A_81] : memref<10000x1xi32, #tpu.memory_space<vmem>>, vector<1000x1xi32>
      %iota3A = tpu.iota {dimensions = array<i32: 1>} : vector<1000x64xi32>
      %eq3A = vector.broadcast %get3A_82 : vector<1000x1xi32> to vector<1000x64xi32>
      %eq3A_83 = arith.cmpi eq, %eq3A, %iota3A : vector<1000x64xi32>
      %convert_element_type3A = arith.extui %eq3A_83 : vector<1000x64xi1> to vector<1000x64xi32>
      %convert_element_type3A_84 = arith.sitofp %convert_element_type3A : vector<1000x64xi32> to vector<1000x64xf32>
      %dot_general3A = arith.constant dense<0.000000e+00> : vector<64x128xf32>
      %dot_general3A_85 = tpu.matmul %convert_element_type3A_84, %add3A_74, %dot_general3A {dimension_numbers = #tpu.dot_dimension_numbers<[0], [0], [1], [1], [0, 1, 1, 1], [], []>, transpose_lhs_hint = false} : vector<1000x64xf32>, vector<1000x128xf32>, vector<64x128xf32> -> vector<64x128xf32>
      %add3A_86 = arith.addf %scan3A_30, %dot_general3A_85 : vector<64x128xf32>
      %mul3A_87 = arith.mulf %add3A_74, %add3A_74 : vector<1000x128xf32>
      %dot_general3A_88 = arith.constant dense<0.000000e+00> : vector<64x128xf32>
      %dot_general3A_89 = tpu.matmul %convert_element_type3A_84, %mul3A_87, %dot_general3A_88 {dimension_numbers = #tpu.dot_dimension_numbers<[0], [0], [1], [1], [0, 1, 1, 1], [], []>, transpose_lhs_hint = false} : vector<1000x64xf32>, vector<1000x128xf32>, vector<64x128xf32> -> vector<64x128xf32>
      %add3A_90 = arith.addf %scan3A_31, %dot_general3A_89 : vector<64x128xf32>
      %broadcast_in_dim3A_91 = arith.constant 1.000000e+00 : f32
      %broadcast_in_dim3A_92 = vector.broadcast %broadcast_in_dim3A_91 : f32 to vector<1000x1xf32>
      %dot_general3A_93 = arith.constant dense<0.000000e+00> : vector<64x1xf32>
      %dot_general3A_94 = tpu.matmul %convert_element_type3A_84, %broadcast_in_dim3A_92, %dot_general3A_93 {dimension_numbers = #tpu.dot_dimension_numbers<[0], [0], [1], [1], [0, 1, 1, 1], [], []>, transpose_lhs_hint = false} : vector<1000x64xf32>, vector<1000x1xf32>, vector<64x1xf32> -> vector<64x1xf32>
      %add3A_95 = arith.addf %scan3A_32, %dot_general3A_94 : vector<64x1xf32>
      scf.yield %add3A_86, %add3A_90, %add3A_95 : vector<64x128xf32>, vector<64x128xf32>, vector<64x1xf32>
    }
    %scan3A_7 = arith.constant 10 : i32
    %mul3A = arith.constant 1.280000e+02 : f32
    %mul3A_8 = vector.broadcast %mul3A : f32 to vector<64x1xf32>
    %mul3A_9 = arith.mulf %scan3A_6#2, %mul3A_8 : vector<64x1xf32>
    %max3A = arith.constant 1.000000e+00 : f32
    %max3A_10 = vector.broadcast %max3A : f32 to vector<64x1xf32>
    %max3A_11 = arith.maximumf %mul3A_9, %max3A_10 : vector<64x1xf32>
    %reduce_sum3A = arith.constant dense<0.000000e+00> : vector<64xf32>
    %reduce_sum3A_12 = vector.multi_reduction <add>, %scan3A_6#0, %reduce_sum3A [1] : vector<64x128xf32> to vector<64xf32>
    %broadcast_in_dim3A_13 = vector.shape_cast %reduce_sum3A_12 : vector<64xf32> to vector<64x1xf32>
    %div3A = arith.divf %broadcast_in_dim3A_13, %max3A_11 : vector<64x1xf32>
    %reduce_sum3A_14 = arith.constant dense<0.000000e+00> : vector<64xf32>
    %reduce_sum3A_15 = vector.multi_reduction <add>, %scan3A_6#1, %reduce_sum3A_14 [1] : vector<64x128xf32> to vector<64xf32>
    %broadcast_in_dim3A_16 = vector.shape_cast %reduce_sum3A_15 : vector<64xf32> to vector<64x1xf32>
    %div3A_17 = arith.divf %broadcast_in_dim3A_16, %max3A_11 : vector<64x1xf32>
    %mul3A_18 = arith.mulf %div3A, %div3A : vector<64x1xf32>
    %sub3A = arith.subf %div3A_17, %mul3A_18 : vector<64x1xf32>
    %max3A_19 = arith.constant 0.000000e+00 : f32
    %max3A_20 = vector.broadcast %max3A_19 : f32 to vector<64x1xf32>
    %max3A_21 = arith.maximumf %sub3A, %max3A_20 : vector<64x1xf32>
    %add3A = arith.constant 9.99999974E-6 : f32
    %add3A_22 = vector.broadcast %add3A : f32 to vector<64x1xf32>
    %add3A_23 = arith.addf %max3A_21, %add3A_22 : vector<64x1xf32>
    %rsqrt3A = math.rsqrt %add3A_23 : vector<64x1xf32>
    %concatenate3A = tpu.concatenate %div3A, %rsqrt3A in 1 : vector<64x1xf32>, vector<64x1xf32> -> vector<64x2xf32>
    %scan3A_24 = arith.constant 0 : i32
    %scan3A_25 = arith.constant 10 : i32
    %scan3A_26 = arith.addi %scan3A_24, %scan3A_25 : i32
    %scan3A_27 = arith.constant 1 : i32
    scf.for %scan3A_29 = %scan3A_24 to %scan3A_26 step %scan3A_27  : i32 {
      %mul3A_30 = arith.constant 1000 : i32
      %mul3A_31 = arith.muli %scan3A_29, %mul3A_30 : i32
      %multiple_of3A = tpu.assume_multiple %mul3A_31, 8 : i32
      %get3A = arith.index_cast %multiple_of3A : i32 to index
      %get3A_32 = arith.constant 0 : index
      %get3A_33 = vector.load %arg10[%get3A, %get3A_32] : memref<10752x128xf32, #tpu.memory_space<vmem>>, vector<1000x128xf32>
      %mul3A_34 = arith.constant 1000 : i32
      %mul3A_35 = arith.muli %scan3A_29, %mul3A_34 : i32
      %multiple_of3A_36 = tpu.assume_multiple %mul3A_35, 8 : i32
      %get3A_37 = arith.index_cast %multiple_of3A_36 : i32 to index
      %get3A_38 = arith.constant 0 : index
      %get3A_39 = vector.load %arg6[%get3A_37, %get3A_38] : memref<10000x1xi32, #tpu.memory_space<vmem>>, vector<1000x1xi32>
      %iota3A = tpu.iota {dimensions = array<i32: 1>} : vector<1000x64xi32>
      %eq3A = vector.broadcast %get3A_39 : vector<1000x1xi32> to vector<1000x64xi32>
      %eq3A_40 = arith.cmpi eq, %eq3A, %iota3A : vector<1000x64xi32>
      %convert_element_type3A = arith.extui %eq3A_40 : vector<1000x64xi1> to vector<1000x64xi32>
      %convert_element_type3A_41 = arith.sitofp %convert_element_type3A : vector<1000x64xi32> to vector<1000x64xf32>
      %dot_general3A = arith.constant dense<0.000000e+00> : vector<1000x2xf32>
      %dot_general3A_42 = tpu.matmul %convert_element_type3A_41, %concatenate3A, %dot_general3A {dimension_numbers = #tpu.dot_dimension_numbers<[1], [0], [0], [1], [0, 0, 1, 1], [], []>, transpose_lhs_hint = false} : vector<1000x64xf32>, vector<64x2xf32>, vector<1000x2xf32> -> vector<1000x2xf32>
      %slice3A = vector.extract_strided_slice %dot_general3A_42 {offsets = [0, 0], sizes = [1000, 1], strides = [1, 1]} : vector<1000x2xf32> to vector<1000x1xf32>
      %sub3A_43 = vector.broadcast %slice3A : vector<1000x1xf32> to vector<1000x128xf32>
      %sub3A_44 = arith.subf %get3A_33, %sub3A_43 : vector<1000x128xf32>
      %slice3A_45 = vector.extract_strided_slice %dot_general3A_42 {offsets = [0, 1], sizes = [1000, 1], strides = [1, 1]} : vector<1000x2xf32> to vector<1000x1xf32>
      %mul3A_46 = vector.broadcast %slice3A_45 : vector<1000x1xf32> to vector<1000x128xf32>
      %mul3A_47 = arith.mulf %sub3A_44, %mul3A_46 : vector<1000x128xf32>
      %get3A_48 = arith.constant 0 : index
      %get3A_49 = arith.constant 0 : index
      %get3A_50 = vector.load %arg4[%get3A_48, %get3A_49] : memref<1x128xf32, #tpu.memory_space<vmem>>, vector<1x128xf32>
      %mul3A_51 = vector.broadcast %get3A_50 : vector<1x128xf32> to vector<1000x128xf32>
      %mul3A_52 = arith.mulf %mul3A_47, %mul3A_51 : vector<1000x128xf32>
      %get3A_53 = arith.constant 0 : index
      %get3A_54 = arith.constant 0 : index
      %get3A_55 = vector.load %arg5[%get3A_53, %get3A_54] : memref<1x128xf32, #tpu.memory_space<vmem>>, vector<1x128xf32>
      %add3A_56 = vector.broadcast %get3A_55 : vector<1x128xf32> to vector<1000x128xf32>
      %add3A_57 = arith.addf %mul3A_52, %add3A_56 : vector<1000x128xf32>
      %gt3A = arith.constant 0.000000e+00 : f32
      %gt3A_58 = vector.broadcast %gt3A : f32 to vector<1000x128xf32>
      %gt3A_59 = arith.cmpf ogt, %add3A_57, %gt3A_58 : vector<1000x128xf32>
      %mul3A_60 = arith.constant 0.00999999977 : f32
      %mul3A_61 = vector.broadcast %mul3A_60 : f32 to vector<1000x128xf32>
      %mul3A_62 = arith.mulf %mul3A_61, %add3A_57 : vector<1000x128xf32>
      %select_n3A = arith.select %gt3A_59, %add3A_57, %mul3A_62 : vector<1000x128xi1>, vector<1000x128xf32>
      %swap3A = arith.index_cast %multiple_of3A : i32 to index
      %swap3A_63 = arith.constant 0 : index
      %swap3A_64 = vector.load %arg9[%swap3A, %swap3A_63] : memref<10000x128xf32, #tpu.memory_space<vmem>>, vector<1000x128xf32>
      tpu.vector_store %arg9[%swap3A, %swap3A_63], %select_n3A {strides = array<i32>} : memref<10000x128xf32, #tpu.memory_space<vmem>>, vector<1000x128xf32>,
      %mul3A_65 = arith.constant 1000 : i32
      %mul3A_66 = arith.muli %scan3A_29, %mul3A_65 : i32
      %multiple_of3A_67 = tpu.assume_multiple %mul3A_66, 8 : i32
      %get3A_68 = arith.constant 0 : index
      %get3A_69 = arith.index_cast %multiple_of3A_67 : i32 to index
      %get3A_70 = arith.constant 0 : index
      %get3A_71 = vector.load %arg0[%get3A_68, %get3A_69, %get3A_70] : memref<2x10240x16xf32, #tpu.memory_space<vmem>>, vector<1x1000x16xf32>
      %get3A_72 = vector.shape_cast %get3A_71 : vector<1x1000x16xf32> to vector<1000x16xf32>
      %get3A_73 = arith.constant 1 : index
      %get3A_74 = arith.index_cast %multiple_of3A_67 : i32 to index
      %get3A_75 = arith.constant 0 : index
      %get3A_76 = vector.load %arg0[%get3A_73, %get3A_74, %get3A_75] : memref<2x10240x16xf32, #tpu.memory_space<vmem>>, vector<1x1000x16xf32>
      %get3A_77 = vector.shape_cast %get3A_76 : vector<1x1000x16xf32> to vector<1000x16xf32>
      %slice3A_78 = vector.extract_strided_slice %get3A_72 {offsets = [0, 0], sizes = [1000, 1], strides = [1, 1]} : vector<1000x16xf32> to vector<1000x1xf32>
      %add3A_79 = arith.constant 1.000000e+00 : f32
      %add3A_80 = vector.broadcast %add3A_79 : f32 to vector<1000x1xf32>
      %add3A_81 = arith.addf %add3A_80, %slice3A_78 : vector<1000x1xf32>
      %slice3A_82 = vector.extract_strided_slice %get3A_77 {offsets = [0, 0], sizes = [1000, 1], strides = [1, 1]} : vector<1000x16xf32> to vector<1000x1xf32>
      %add3A_83 = arith.addf %add3A_81, %slice3A_82 : vector<1000x1xf32>
      %rsqrt3A_84 = math.rsqrt %add3A_83 : vector<1000x1xf32>
      %get3A_85 = arith.constant 0 : index
      %get3A_86 = arith.constant 0 : index
      %get3A_87 = vector.load %arg7[%get3A_85, %get3A_86] : memref<128x128xf32, #tpu.memory_space<vmem>>, vector<128x128xf32>
      %dot_general3A_88 = arith.constant dense<0.000000e+00> : vector<1000x128xf32>
      %dot_general3A_89 = tpu.matmul %select_n3A, %get3A_87, %dot_general3A_88 {dimension_numbers = #tpu.dot_dimension_numbers<[1], [0], [0], [1], [0, 0, 1, 1], [], []>, transpose_lhs_hint = false} : vector<1000x128xf32>, vector<128x128xf32>, vector<1000x128xf32> -> vector<1000x128xf32>
      %mul3A_90 = vector.broadcast %rsqrt3A_84 : vector<1000x1xf32> to vector<1000x128xf32>
      %mul3A_91 = arith.mulf %mul3A_90, %dot_general3A_89 : vector<1000x128xf32>
      %swap3A_92 = arith.index_cast %multiple_of3A : i32 to index
      %swap3A_93 = arith.constant 0 : index
      %swap3A_94 = vector.load %arg8[%swap3A_92, %swap3A_93] : memref<10000x128xf32, #tpu.memory_space<vmem>>, vector<1000x128xf32>
      tpu.vector_store %arg8[%swap3A_92, %swap3A_93], %mul3A_91 {strides = array<i32>} : memref<10000x128xf32, #tpu.memory_space<vmem>>, vector<1000x128xf32>,
    }
    %scan3A_28 = arith.constant 10 : i32
    return
  }
}

module attributes {stable_mosaic.version = 14 : i64} {
  func.func @_pool_body(%arg0: memref<10000x128xf32, #tpu.memory_space<vmem>>, %arg1: memref<10000x1xi32, #tpu.memory_space<vmem>>, %arg2: memref<65xi32, #tpu.memory_space<smem>>, %arg3: memref<64x256xf32, #tpu.memory_space<vmem>>, %arg4: memref<64x256xf32, #tpu.memory_space<vmem>>, %arg5: memref<10752x128xf32, #tpu.memory_space<vmem>>, %arg6: memref<64x128xf32, #tpu.memory_space<vmem>>) attributes {dimension_semantics = [], scalar_prefetch = 0 : i64, scratch_operands = 2 : i64, tpu.core_type = #tpu.core_type<tc>} {
    %broadcast_in_dim3A = arith.constant 0.000000e+00 : f32
    %broadcast_in_dim3A_0 = vector.broadcast %broadcast_in_dim3A : f32 to vector<64x128xf32>
    %broadcast_in_dim3A_1 = arith.constant 0.000000e+00 : f32
    %broadcast_in_dim3A_2 = vector.broadcast %broadcast_in_dim3A_1 : f32 to vector<64x1xf32>
    %scan3A = arith.constant 0 : i32
    %scan3A_3 = arith.constant 10 : i32
    %scan3A_4 = arith.addi %scan3A, %scan3A_3 : i32
    %scan3A_5 = arith.constant 1 : i32
    %scan3A_6:2 = scf.for %scan3A_23 = %scan3A to %scan3A_4 step %scan3A_5 iter_args(%scan3A_24 = %broadcast_in_dim3A_0, %scan3A_25 = %broadcast_in_dim3A_2) -> (vector<64x128xf32>, vector<64x1xf32>)  : i32 {
      %mul3A = arith.constant 1000 : i32
      %mul3A_26 = arith.muli %scan3A_23, %mul3A : i32
      %multiple_of3A = tpu.assume_multiple %mul3A_26, 8 : i32
      %get3A_27 = arith.index_cast %multiple_of3A : i32 to index
      %get3A_28 = arith.constant 0 : index
      %get3A_29 = vector.load %arg0[%get3A_27, %get3A_28] : memref<10000x128xf32, #tpu.memory_space<vmem>>, vector<1000x128xf32>
      %swap3A_30 = arith.index_cast %multiple_of3A : i32 to index
      %swap3A_31 = arith.constant 0 : index
      %swap3A_32 = vector.load %arg5[%swap3A_30, %swap3A_31] : memref<10752x128xf32, #tpu.memory_space<vmem>>, vector<1000x128xf32>
      tpu.vector_store %arg5[%swap3A_30, %swap3A_31], %get3A_29 {strides = array<i32>} : memref<10752x128xf32, #tpu.memory_space<vmem>>, vector<1000x128xf32>,
      %mul3A_33 = arith.constant 1000 : i32
      %mul3A_34 = arith.muli %scan3A_23, %mul3A_33 : i32
      %multiple_of3A_35 = tpu.assume_multiple %mul3A_34, 8 : i32
      %get3A_36 = arith.index_cast %multiple_of3A_35 : i32 to index
      %get3A_37 = arith.constant 0 : index
      %get3A_38 = vector.load %arg1[%get3A_36, %get3A_37] : memref<10000x1xi32, #tpu.memory_space<vmem>>, vector<1000x1xi32>
      %iota3A = tpu.iota {dimensions = array<i32: 1>} : vector<1000x64xi32>
      %eq3A = vector.broadcast %get3A_38 : vector<1000x1xi32> to vector<1000x64xi32>
      %eq3A_39 = arith.cmpi eq, %eq3A, %iota3A : vector<1000x64xi32>
      %convert_element_type3A = arith.extui %eq3A_39 : vector<1000x64xi1> to vector<1000x64xi32>
      %convert_element_type3A_40 = arith.sitofp %convert_element_type3A : vector<1000x64xi32> to vector<1000x64xf32>
      %dot_general3A = arith.constant dense<0.000000e+00> : vector<64x128xf32>
      %dot_general3A_41 = tpu.matmul %convert_element_type3A_40, %get3A_29, %dot_general3A {dimension_numbers = #tpu.dot_dimension_numbers<[0], [0], [1], [1], [0, 1, 1, 1], [], []>, transpose_lhs_hint = false} : vector<1000x64xf32>, vector<1000x128xf32>, vector<64x128xf32> -> vector<64x128xf32>
      %add3A_42 = arith.addf %scan3A_24, %dot_general3A_41 : vector<64x128xf32>
      %broadcast_in_dim3A_43 = arith.constant 1.000000e+00 : f32
      %broadcast_in_dim3A_44 = vector.broadcast %broadcast_in_dim3A_43 : f32 to vector<1000x1xf32>
      %dot_general3A_45 = arith.constant dense<0.000000e+00> : vector<64x1xf32>
      %dot_general3A_46 = tpu.matmul %convert_element_type3A_40, %broadcast_in_dim3A_44, %dot_general3A_45 {dimension_numbers = #tpu.dot_dimension_numbers<[0], [0], [1], [1], [0, 1, 1, 1], [], []>, transpose_lhs_hint = false} : vector<1000x64xf32>, vector<1000x1xf32>, vector<64x1xf32> -> vector<64x1xf32>
      %add3A_47 = arith.addf %scan3A_25, %dot_general3A_46 : vector<64x1xf32>
      scf.yield %add3A_42, %add3A_47 : vector<64x128xf32>, vector<64x1xf32>
    }
    %scan3A_7 = arith.constant 10 : i32
    %max3A = arith.constant 1.000000e+00 : f32
    %max3A_8 = vector.broadcast %max3A : f32 to vector<64x1xf32>
    %max3A_9 = arith.maximumf %scan3A_6#1, %max3A_8 : vector<64x1xf32>
    %div3A = vector.broadcast %max3A_9 : vector<64x1xf32> to vector<64x128xf32>
    %div3A_10 = arith.divf %scan3A_6#0, %div3A : vector<64x128xf32>
    %scan3A_11 = arith.constant 0 : i32
    %scan3A_12 = arith.constant 64 : i32
    %scan3A_13 = arith.addi %scan3A_11, %scan3A_12 : i32
    %scan3A_14 = arith.constant 1 : i32
    scf.for %scan3A_23 = %scan3A_11 to %scan3A_13 step %scan3A_14  : i32 {
      %get3A_24 = arith.index_cast %scan3A_23 : i32 to index
      %get3A_25 = memref.load %arg2[%get3A_24] : memref<65xi32, #tpu.memory_space<smem>>
      %add3A_26 = arith.constant 1 : i32
      %add3A_27 = arith.addi %scan3A_23, %add3A_26 : i32
      %get3A_28 = arith.index_cast %add3A_27 : i32 to index
      %get3A_29 = memref.load %arg2[%get3A_28] : memref<65xi32, #tpu.memory_space<smem>>
      %sub3A = arith.subi %get3A_29, %get3A_25 : i32
      %add3A_30 = arith.constant 512 : i32
      %add3A_31 = arith.addi %sub3A, %add3A_30 : i32
      %sub3A_32 = arith.constant 1 : i32
      %sub3A_33 = arith.subi %add3A_31, %sub3A_32 : i32
      %jit3A = arith.constant 512 : i32
      %div3A_34 = arith.divsi %sub3A_33, %jit3A : i32
      %sign3A = arith.constant 0 : i32
      %sign3A_35 = arith.cmpi sgt, %sub3A_33, %sign3A : i32
      %sign3A_36 = arith.extui %sign3A_35 : i1 to i32
      %sign3A_37 = arith.constant 0 : i32
      %sign3A_38 = arith.cmpi slt, %sub3A_33, %sign3A_37 : i32
      %sign3A_39 = arith.extui %sign3A_38 : i1 to i32
      %sign3A_40 = arith.subi %sign3A_36, %sign3A_39 : i32
      %sign3A_41 = arith.constant 0 : i32
      %sign3A_42 = arith.cmpi sgt, %jit3A, %sign3A_41 : i32
      %sign3A_43 = arith.extui %sign3A_42 : i1 to i32
      %sign3A_44 = arith.constant 0 : i32
      %sign3A_45 = arith.cmpi slt, %jit3A, %sign3A_44 : i32
      %sign3A_46 = arith.extui %sign3A_45 : i1 to i32
      %sign3A_47 = arith.subi %sign3A_43, %sign3A_46 : i32
      %ne3A = arith.cmpi ne, %sign3A_40, %sign3A_47 : i32
      %rem3A = arith.remsi %sub3A_33, %jit3A : i32
      %ne3A_48 = arith.constant 0 : i32
      %ne3A_49 = arith.cmpi ne, %rem3A, %ne3A_48 : i32
      %and3A = arith.andi %ne3A, %ne3A_49 : i1
      %sub3A_50 = arith.constant 1 : i32
      %sub3A_51 = arith.subi %div3A_34, %sub3A_50 : i32
      %select_n3A = arith.select %and3A, %sub3A_51, %div3A_34 : i32
      %broadcast_in_dim3A_52 = arith.constant 0xFF800000 : f32
      %broadcast_in_dim3A_53 = vector.broadcast %broadcast_in_dim3A_52 : f32 to vector<1x128xf32>
      %while3A = arith.constant 0 : i32
      %while3A_54 = arith.subi %select_n3A, %while3A : i32
      %while3A_55 = arith.addi %while3A, %while3A_54 : i32
      %while3A_56 = arith.constant 1 : i32
      %while3A_57 = arith.divsi %while3A_54, %while3A_56 : i32
      %while3A_58 = arith.muli %while3A_57, %while3A_56 : i32
      %while3A_59 = arith.addi %while3A, %while3A_58 : i32
      %while3A_60 = arith.constant 1 : i32
      %while3A_61 = scf.for %while3A_71 = %while3A to %while3A_59 step %while3A_60 iter_args(%while3A_72 = %broadcast_in_dim3A_53) -> (vector<1x128xf32>)  : i32 {
        %mul3A = arith.constant 512 : i32
        %mul3A_73 = arith.muli %while3A_71, %mul3A : i32
        %add3A_74 = arith.addi %get3A_25, %mul3A_73 : i32
        %jit3A_75 = arith.constant 8 : i32
        %div3A_76 = arith.divsi %add3A_74, %jit3A_75 : i32
        %sign3A_77 = arith.constant 0 : i32
        %sign3A_78 = arith.cmpi sgt, %add3A_74, %sign3A_77 : i32
        %sign3A_79 = arith.extui %sign3A_78 : i1 to i32
        %sign3A_80 = arith.constant 0 : i32
        %sign3A_81 = arith.cmpi slt, %add3A_74, %sign3A_80 : i32
        %sign3A_82 = arith.extui %sign3A_81 : i1 to i32
        %sign3A_83 = arith.subi %sign3A_79, %sign3A_82 : i32
        %sign3A_84 = arith.constant 0 : i32
        %sign3A_85 = arith.cmpi sgt, %jit3A_75, %sign3A_84 : i32
        %sign3A_86 = arith.extui %sign3A_85 : i1 to i32
        %sign3A_87 = arith.constant 0 : i32
        %sign3A_88 = arith.cmpi slt, %jit3A_75, %sign3A_87 : i32
        %sign3A_89 = arith.extui %sign3A_88 : i1 to i32
        %sign3A_90 = arith.subi %sign3A_86, %sign3A_89 : i32
        %ne3A_91 = arith.cmpi ne, %sign3A_83, %sign3A_90 : i32
        %rem3A_92 = arith.remsi %add3A_74, %jit3A_75 : i32
        %ne3A_93 = arith.constant 0 : i32
        %ne3A_94 = arith.cmpi ne, %rem3A_92, %ne3A_93 : i32
        %and3A_95 = arith.andi %ne3A_91, %ne3A_94 : i1
        %sub3A_96 = arith.constant 1 : i32
        %sub3A_97 = arith.subi %div3A_76, %sub3A_96 : i32
        %select_n3A_98 = arith.select %and3A_95, %sub3A_97, %div3A_76 : i32
        %mul3A_99 = arith.constant 8 : i32
        %mul3A_100 = arith.muli %select_n3A_98, %mul3A_99 : i32
        %multiple_of3A = tpu.assume_multiple %mul3A_100, 8 : i32
        %get3A_101 = arith.index_cast %multiple_of3A : i32 to index
        %get3A_102 = arith.constant 0 : index
        %get3A_103 = vector.load %arg5[%get3A_101, %get3A_102] : memref<10752x128xf32, #tpu.memory_space<vmem>>, vector<520x128xf32>
        %iota3A = tpu.iota {dimensions = array<i32: 0>} : vector<520x1xi32>
        %add3A_104 = vector.broadcast %multiple_of3A : i32 to vector<520x1xi32>
        %add3A_105 = arith.addi %add3A_104, %iota3A : vector<520x1xi32>
        %mul3A_106 = arith.constant 512 : i32
        %mul3A_107 = arith.muli %while3A_71, %mul3A_106 : i32
        %add3A_108 = arith.addi %get3A_25, %mul3A_107 : i32
        %add3A_109 = arith.constant 1 : i32
        %add3A_110 = arith.addi %while3A_71, %add3A_109 : i32
        %mul3A_111 = arith.constant 512 : i32
        %mul3A_112 = arith.muli %add3A_110, %mul3A_111 : i32
        %min3A = arith.minsi %mul3A_112, %sub3A : i32
        %add3A_113 = arith.addi %get3A_25, %min3A : i32
        %ge3A = vector.broadcast %add3A_108 : i32 to vector<520x1xi32>
        %ge3A_114 = arith.cmpi sge, %add3A_105, %ge3A : vector<520x1xi32>
        %lt3A = vector.broadcast %add3A_113 : i32 to vector<520x1xi32>
        %lt3A_115 = arith.cmpi slt, %add3A_105, %lt3A : vector<520x1xi32>
        %and3A_116 = arith.andi %ge3A_114, %lt3A_115 : vector<520x1xi1>
        %jit3A_117 = arith.constant 0xFF800000 : f32
        %broadcast_in_dim3A_118 = vector.shape_cast %and3A_116 : vector<520x1xi1> to vector<520x1xi1>
        %broadcast_in_dim3A_119 = vector.broadcast %broadcast_in_dim3A_118 : vector<520x1xi1> to vector<520x128xi1>
        %broadcast_in_dim3A_120 = vector.broadcast %jit3A_117 : f32 to vector<520x128xf32>
        %select_n3A_121 = arith.select %broadcast_in_dim3A_119, %get3A_103, %broadcast_in_dim3A_120 : vector<520x128xi1>, vector<520x128xf32>
        %reduce_max3A = arith.constant dense<0xFF800000> : vector<128xf32>
        %reduce_max3A_122 = vector.multi_reduction <maximumf>, %select_n3A_121, %reduce_max3A [0] : vector<520x128xf32> to vector<128xf32>
        %broadcast_in_dim3A_123 = vector.shape_cast %reduce_max3A_122 : vector<128xf32> to vector<1x128xf32>
        %max3A_124 = arith.maximumf %while3A_72, %broadcast_in_dim3A_123 : vector<1x128xf32>
        scf.yield %max3A_124 : vector<1x128xf32>
      }
      %while3A_62 = arith.constant 1 : i32
      %while3A_63 = scf.for %while3A_71 = %while3A_59 to %while3A_55 step %while3A_62 iter_args(%while3A_72 = %while3A_61) -> (vector<1x128xf32>)  : i32 {
        %mul3A = arith.constant 512 : i32
        %mul3A_73 = arith.muli %while3A_71, %mul3A : i32
        %add3A_74 = arith.addi %get3A_25, %mul3A_73 : i32
        %jit3A_75 = arith.constant 8 : i32
        %div3A_76 = arith.divsi %add3A_74, %jit3A_75 : i32
        %sign3A_77 = arith.constant 0 : i32
        %sign3A_78 = arith.cmpi sgt, %add3A_74, %sign3A_77 : i32
        %sign3A_79 = arith.extui %sign3A_78 : i1 to i32
        %sign3A_80 = arith.constant 0 : i32
        %sign3A_81 = arith.cmpi slt, %add3A_74, %sign3A_80 : i32
        %sign3A_82 = arith.extui %sign3A_81 : i1 to i32
        %sign3A_83 = arith.subi %sign3A_79, %sign3A_82 : i32
        %sign3A_84 = arith.constant 0 : i32
        %sign3A_85 = arith.cmpi sgt, %jit3A_75, %sign3A_84 : i32
        %sign3A_86 = arith.extui %sign3A_85 : i1 to i32
        %sign3A_87 = arith.constant 0 : i32
        %sign3A_88 = arith.cmpi slt, %jit3A_75, %sign3A_87 : i32
        %sign3A_89 = arith.extui %sign3A_88 : i1 to i32
        %sign3A_90 = arith.subi %sign3A_86, %sign3A_89 : i32
        %ne3A_91 = arith.cmpi ne, %sign3A_83, %sign3A_90 : i32
        %rem3A_92 = arith.remsi %add3A_74, %jit3A_75 : i32
        %ne3A_93 = arith.constant 0 : i32
        %ne3A_94 = arith.cmpi ne, %rem3A_92, %ne3A_93 : i32
        %and3A_95 = arith.andi %ne3A_91, %ne3A_94 : i1
        %sub3A_96 = arith.constant 1 : i32
        %sub3A_97 = arith.subi %div3A_76, %sub3A_96 : i32
        %select_n3A_98 = arith.select %and3A_95, %sub3A_97, %div3A_76 : i32
        %mul3A_99 = arith.constant 8 : i32
        %mul3A_100 = arith.muli %select_n3A_98, %mul3A_99 : i32
        %multiple_of3A = tpu.assume_multiple %mul3A_100, 8 : i32
        %get3A_101 = arith.index_cast %multiple_of3A : i32 to index
        %get3A_102 = arith.constant 0 : index
        %get3A_103 = vector.load %arg5[%get3A_101, %get3A_102] : memref<10752x128xf32, #tpu.memory_space<vmem>>, vector<520x128xf32>
        %iota3A = tpu.iota {dimensions = array<i32: 0>} : vector<520x1xi32>
        %add3A_104 = vector.broadcast %multiple_of3A : i32 to vector<520x1xi32>
        %add3A_105 = arith.addi %add3A_104, %iota3A : vector<520x1xi32>
        %mul3A_106 = arith.constant 512 : i32
        %mul3A_107 = arith.muli %while3A_71, %mul3A_106 : i32
        %add3A_108 = arith.addi %get3A_25, %mul3A_107 : i32
        %add3A_109 = arith.constant 1 : i32
        %add3A_110 = arith.addi %while3A_71, %add3A_109 : i32
        %mul3A_111 = arith.constant 512 : i32
        %mul3A_112 = arith.muli %add3A_110, %mul3A_111 : i32
        %min3A = arith.minsi %mul3A_112, %sub3A : i32
        %add3A_113 = arith.addi %get3A_25, %min3A : i32
        %ge3A = vector.broadcast %add3A_108 : i32 to vector<520x1xi32>
        %ge3A_114 = arith.cmpi sge, %add3A_105, %ge3A : vector<520x1xi32>
        %lt3A = vector.broadcast %add3A_113 : i32 to vector<520x1xi32>
        %lt3A_115 = arith.cmpi slt, %add3A_105, %lt3A : vector<520x1xi32>
        %and3A_116 = arith.andi %ge3A_114, %lt3A_115 : vector<520x1xi1>
        %jit3A_117 = arith.constant 0xFF800000 : f32
        %broadcast_in_dim3A_118 = vector.shape_cast %and3A_116 : vector<520x1xi1> to vector<520x1xi1>
        %broadcast_in_dim3A_119 = vector.broadcast %broadcast_in_dim3A_118 : vector<520x1xi1> to vector<520x128xi1>
        %broadcast_in_dim3A_120 = vector.broadcast %jit3A_117 : f32 to vector<520x128xf32>
        %select_n3A_121 = arith.select %broadcast_in_dim3A_119, %get3A_103, %broadcast_in_dim3A_120 : vector<520x128xi1>, vector<520x128xf32>
        %reduce_max3A = arith.constant dense<0xFF800000> : vector<128xf32>
        %reduce_max3A_122 = vector.multi_reduction <maximumf>, %select_n3A_121, %reduce_max3A [0] : vector<520x128xf32> to vector<128xf32>
        %broadcast_in_dim3A_123 = vector.shape_cast %reduce_max3A_122 : vector<128xf32> to vector<1x128xf32>
        %max3A_124 = arith.maximumf %while3A_72, %broadcast_in_dim3A_123 : vector<1x128xf32>
        scf.yield %max3A_124 : vector<1x128xf32>
      }
      %gt3A = arith.constant 0 : i32
      %gt3A_64 = arith.cmpi sgt, %sub3A, %gt3A : i32
      %broadcast_in_dim3A_65 = arith.constant 0.000000e+00 : f32
      %broadcast_in_dim3A_66 = vector.broadcast %broadcast_in_dim3A_65 : f32 to vector<1x128xf32>
      %select_n3A_67 = arith.select %gt3A_64, %while3A_63, %broadcast_in_dim3A_66 : vector<1x128xf32>
      %swap3A_68 = arith.index_cast %scan3A_23 : i32 to index
      %swap3A_69 = arith.constant 0 : index
      %swap3A_70 = vector.load %arg6[%swap3A_68, %swap3A_69] : memref<64x128xf32, #tpu.memory_space<vmem>>, vector<1x128xf32>
      tpu.vector_store %arg6[%swap3A_68, %swap3A_69], %select_n3A_67 {strides = array<i32>} : memref<64x128xf32, #tpu.memory_space<vmem>>, vector<1x128xf32>,
    }
    %scan3A_15 = arith.constant 64 : i32
    %get3A = arith.constant 0 : index
    %get3A_16 = arith.constant 0 : index
    %get3A_17 = vector.load %arg6[%get3A, %get3A_16] : memref<64x128xf32, #tpu.memory_space<vmem>>, vector<64x128xf32>
    %concatenate3A = tpu.concatenate %get3A_17, %div3A_10 in 1 : vector<64x128xf32>, vector<64x128xf32> -> vector<64x256xf32>
    %get3A_18 = arith.constant 0 : index
    %get3A_19 = arith.constant 0 : index
    %get3A_20 = vector.load %arg3[%get3A_18, %get3A_19] : memref<64x256xf32, #tpu.memory_space<vmem>>, vector<64x256xf32>
    %add3A = arith.addf %concatenate3A, %get3A_20 : vector<64x256xf32>
    %swap3A = arith.constant 0 : index
    %swap3A_21 = arith.constant 0 : index
    %swap3A_22 = vector.load %arg4[%swap3A, %swap3A_21] : memref<64x256xf32, #tpu.memory_space<vmem>>, vector<64x256xf32>
    tpu.vector_store %arg4[%swap3A, %swap3A_21], %add3A {strides = array<i32>} : memref<64x256xf32, #tpu.memory_space<vmem>>, vector<64x256xf32>,
    return
  }
}

module attributes {stable_mosaic.version = 14 : i64} {
  func.func @_post_last_body(%arg0: memref<2x10240x16xf32, #tpu.memory_space<vmem>>, %arg1: memref<2x10240x128xf32, #tpu.memory_space<vmem>>, %arg2: memref<10000x128xf32, #tpu.memory_space<vmem>>, %arg3: memref<1x128xf32, #tpu.memory_space<vmem>>, %arg4: memref<1x128xf32, #tpu.memory_space<vmem>>, %arg5: memref<1x128xf32, #tpu.memory_space<vmem>>, %arg6: memref<10000x1xi32, #tpu.memory_space<vmem>>, %arg7: memref<65xi32, #tpu.memory_space<smem>>, %arg8: memref<64x256xf32, #tpu.memory_space<vmem>>, %arg9: memref<256x128xf32, #tpu.memory_space<vmem>>, %arg10: memref<128x64xf32, #tpu.memory_space<vmem>>, %arg11: memref<64x128xf32, #tpu.memory_space<vmem>>, %arg12: memref<1x128xf32, #tpu.memory_space<vmem>>, %arg13: memref<1x64xf32, #tpu.memory_space<vmem>>, %arg14: memref<1x128xf32, #tpu.memory_space<vmem>>, %arg15: memref<64x128xf32, #tpu.memory_space<vmem>>, %arg16: memref<10752x128xf32, #tpu.memory_space<vmem>>, %arg17: memref<64x128xf32, #tpu.memory_space<vmem>>) attributes {dimension_semantics = [], scalar_prefetch = 0 : i64, scratch_operands = 2 : i64, tpu.core_type = #tpu.core_type<tc>} {
    %broadcast_in_dim3A = arith.constant 0.000000e+00 : f32
    %broadcast_in_dim3A_0 = vector.broadcast %broadcast_in_dim3A : f32 to vector<64x128xf32>
    %broadcast_in_dim3A_1 = arith.constant 0.000000e+00 : f32
    %broadcast_in_dim3A_2 = vector.broadcast %broadcast_in_dim3A_1 : f32 to vector<64x1xf32>
    %scan3A = arith.constant 0 : i32
    %scan3A_3 = arith.constant 10 : i32
    %scan3A_4 = arith.addi %scan3A, %scan3A_3 : i32
    %scan3A_5 = arith.constant 1 : i32
    %scan3A_6:3 = scf.for %scan3A_109 = %scan3A to %scan3A_4 step %scan3A_5 iter_args(%scan3A_110 = %broadcast_in_dim3A_0, %scan3A_111 = %broadcast_in_dim3A_0, %scan3A_112 = %broadcast_in_dim3A_2) -> (vector<64x128xf32>, vector<64x128xf32>, vector<64x1xf32>)  : i32 {
      %mul3A_113 = arith.constant 1000 : i32
      %mul3A_114 = arith.muli %scan3A_109, %mul3A_113 : i32
      %multiple_of3A = tpu.assume_multiple %mul3A_114, 8 : i32
      %get3A_115 = arith.constant 0 : index
      %get3A_116 = arith.index_cast %multiple_of3A : i32 to index
      %get3A_117 = arith.constant 0 : index
      %get3A_118 = vector.load %arg1[%get3A_115, %get3A_116, %get3A_117] : memref<2x10240x128xf32, #tpu.memory_space<vmem>>, vector<1x1000x128xf32>
      %get3A_119 = vector.shape_cast %get3A_118 : vector<1x1000x128xf32> to vector<1000x128xf32>
      %get3A_120 = arith.constant 1 : index
      %get3A_121 = arith.index_cast %multiple_of3A : i32 to index
      %get3A_122 = arith.constant 0 : index
      %get3A_123 = vector.load %arg1[%get3A_120, %get3A_121, %get3A_122] : memref<2x10240x128xf32, #tpu.memory_space<vmem>>, vector<1x1000x128xf32>
      %get3A_124 = vector.shape_cast %get3A_123 : vector<1x1000x128xf32> to vector<1000x128xf32>
      %add3A_125 = arith.addf %get3A_119, %get3A_124 : vector<1000x128xf32>
      %mul3A_126 = arith.constant 1000 : i32
      %mul3A_127 = arith.muli %scan3A_109, %mul3A_126 : i32
      %multiple_of3A_128 = tpu.assume_multiple %mul3A_127, 8 : i32
      %get3A_129 = arith.constant 0 : index
      %get3A_130 = arith.index_cast %multiple_of3A_128 : i32 to index
      %get3A_131 = arith.constant 0 : index
      %get3A_132 = vector.load %arg0[%get3A_129, %get3A_130, %get3A_131] : memref<2x10240x16xf32, #tpu.memory_space<vmem>>, vector<1x1000x16xf32>
      %get3A_133 = vector.shape_cast %get3A_132 : vector<1x1000x16xf32> to vector<1000x16xf32>
      %get3A_134 = arith.constant 1 : index
      %get3A_135 = arith.index_cast %multiple_of3A_128 : i32 to index
      %get3A_136 = arith.constant 0 : index
      %get3A_137 = vector.load %arg0[%get3A_134, %get3A_135, %get3A_136] : memref<2x10240x16xf32, #tpu.memory_space<vmem>>, vector<1x1000x16xf32>
      %get3A_138 = vector.shape_cast %get3A_137 : vector<1x1000x16xf32> to vector<1000x16xf32>
      %slice3A = vector.extract_strided_slice %get3A_133 {offsets = [0, 0], sizes = [1000, 1], strides = [1, 1]} : vector<1000x16xf32> to vector<1000x1xf32>
      %add3A_139 = arith.constant 1.000000e+00 : f32
      %add3A_140 = vector.broadcast %add3A_139 : f32 to vector<1000x1xf32>
      %add3A_141 = arith.addf %add3A_140, %slice3A : vector<1000x1xf32>
      %slice3A_142 = vector.extract_strided_slice %get3A_138 {offsets = [0, 0], sizes = [1000, 1], strides = [1, 1]} : vector<1000x16xf32> to vector<1000x1xf32>
      %add3A_143 = arith.addf %add3A_141, %slice3A_142 : vector<1000x1xf32>
      %rsqrt3A_144 = math.rsqrt %add3A_143 : vector<1000x1xf32>
      %get3A_145 = arith.index_cast %multiple_of3A : i32 to index
      %get3A_146 = arith.constant 0 : index
      %get3A_147 = vector.load %arg2[%get3A_145, %get3A_146] : memref<10000x128xf32, #tpu.memory_space<vmem>>, vector<1000x128xf32>
      %add3A_148 = arith.addf %add3A_125, %get3A_147 : vector<1000x128xf32>
      %mul3A_149 = vector.broadcast %rsqrt3A_144 : vector<1000x1xf32> to vector<1000x128xf32>
      %mul3A_150 = arith.mulf %mul3A_149, %add3A_148 : vector<1000x128xf32>
      %get3A_151 = arith.constant 0 : index
      %get3A_152 = arith.constant 0 : index
      %get3A_153 = vector.load %arg3[%get3A_151, %get3A_152] : memref<1x128xf32, #tpu.memory_space<vmem>>, vector<1x128xf32>
      %add3A_154 = vector.broadcast %get3A_153 : vector<1x128xf32> to vector<1000x128xf32>
      %add3A_155 = arith.addf %mul3A_150, %add3A_154 : vector<1000x128xf32>
      %swap3A_156 = arith.index_cast %multiple_of3A : i32 to index
      %swap3A_157 = arith.constant 0 : index
      %swap3A_158 = vector.load %arg16[%swap3A_156, %swap3A_157] : memref<10752x128xf32, #tpu.memory_space<vmem>>, vector<1000x128xf32>
      tpu.vector_store %arg16[%swap3A_156, %swap3A_157], %add3A_155 {strides = array<i32>} : memref<10752x128xf32, #tpu.memory_space<vmem>>, vector<1000x128xf32>,
      %mul3A_159 = arith.constant 1000 : i32
      %mul3A_160 = arith.muli %scan3A_109, %mul3A_159 : i32
      %multiple_of3A_161 = tpu.assume_multiple %mul3A_160, 8 : i32
      %get3A_162 = arith.index_cast %multiple_of3A_161 : i32 to index
      %get3A_163 = arith.constant 0 : index
      %get3A_164 = vector.load %arg6[%get3A_162, %get3A_163] : memref<10000x1xi32, #tpu.memory_space<vmem>>, vector<1000x1xi32>
      %iota3A_165 = tpu.iota {dimensions = array<i32: 1>} : vector<1000x64xi32>
      %eq3A = vector.broadcast %get3A_164 : vector<1000x1xi32> to vector<1000x64xi32>
      %eq3A_166 = arith.cmpi eq, %eq3A, %iota3A_165 : vector<1000x64xi32>
      %convert_element_type3A = arith.extui %eq3A_166 : vector<1000x64xi1> to vector<1000x64xi32>
      %convert_element_type3A_167 = arith.sitofp %convert_element_type3A : vector<1000x64xi32> to vector<1000x64xf32>
      %dot_general3A_168 = arith.constant dense<0.000000e+00> : vector<64x128xf32>
      %dot_general3A_169 = tpu.matmul %convert_element_type3A_167, %add3A_155, %dot_general3A_168 {dimension_numbers = #tpu.dot_dimension_numbers<[0], [0], [1], [1], [0, 1, 1, 1], [], []>, transpose_lhs_hint = false} : vector<1000x64xf32>, vector<1000x128xf32>, vector<64x128xf32> -> vector<64x128xf32>
      %add3A_170 = arith.addf %scan3A_110, %dot_general3A_169 : vector<64x128xf32>
      %mul3A_171 = arith.mulf %add3A_155, %add3A_155 : vector<1000x128xf32>
      %dot_general3A_172 = arith.constant dense<0.000000e+00> : vector<64x128xf32>
      %dot_general3A_173 = tpu.matmul %convert_element_type3A_167, %mul3A_171, %dot_general3A_172 {dimension_numbers = #tpu.dot_dimension_numbers<[0], [0], [1], [1], [0, 1, 1, 1], [], []>, transpose_lhs_hint = false} : vector<1000x64xf32>, vector<1000x128xf32>, vector<64x128xf32> -> vector<64x128xf32>
      %add3A_174 = arith.addf %scan3A_111, %dot_general3A_173 : vector<64x128xf32>
      %broadcast_in_dim3A_175 = arith.constant 1.000000e+00 : f32
      %broadcast_in_dim3A_176 = vector.broadcast %broadcast_in_dim3A_175 : f32 to vector<1000x1xf32>
      %dot_general3A_177 = arith.constant dense<0.000000e+00> : vector<64x1xf32>
      %dot_general3A_178 = tpu.matmul %convert_element_type3A_167, %broadcast_in_dim3A_176, %dot_general3A_177 {dimension_numbers = #tpu.dot_dimension_numbers<[0], [0], [1], [1], [0, 1, 1, 1], [], []>, transpose_lhs_hint = false} : vector<1000x64xf32>, vector<1000x1xf32>, vector<64x1xf32> -> vector<64x1xf32>
      %add3A_179 = arith.addf %scan3A_112, %dot_general3A_178 : vector<64x1xf32>
      scf.yield %add3A_170, %add3A_174, %add3A_179 : vector<64x128xf32>, vector<64x128xf32>, vector<64x1xf32>
    }
    %scan3A_7 = arith.constant 10 : i32
    %mul3A = arith.constant 1.280000e+02 : f32
    %mul3A_8 = vector.broadcast %mul3A : f32 to vector<64x1xf32>
    %mul3A_9 = arith.mulf %scan3A_6#2, %mul3A_8 : vector<64x1xf32>
    %max3A = arith.constant 1.000000e+00 : f32
    %max3A_10 = vector.broadcast %max3A : f32 to vector<64x1xf32>
    %max3A_11 = arith.maximumf %mul3A_9, %max3A_10 : vector<64x1xf32>
    %reduce_sum3A = arith.constant dense<0.000000e+00> : vector<64xf32>
    %reduce_sum3A_12 = vector.multi_reduction <add>, %scan3A_6#0, %reduce_sum3A [1] : vector<64x128xf32> to vector<64xf32>
    %broadcast_in_dim3A_13 = vector.shape_cast %reduce_sum3A_12 : vector<64xf32> to vector<64x1xf32>
    %div3A = arith.divf %broadcast_in_dim3A_13, %max3A_11 : vector<64x1xf32>
    %reduce_sum3A_14 = arith.constant dense<0.000000e+00> : vector<64xf32>
    %reduce_sum3A_15 = vector.multi_reduction <add>, %scan3A_6#1, %reduce_sum3A_14 [1] : vector<64x128xf32> to vector<64xf32>
    %broadcast_in_dim3A_16 = vector.shape_cast %reduce_sum3A_15 : vector<64xf32> to vector<64x1xf32>
    %div3A_17 = arith.divf %broadcast_in_dim3A_16, %max3A_11 : vector<64x1xf32>
    %mul3A_18 = arith.mulf %div3A, %div3A : vector<64x1xf32>
    %sub3A = arith.subf %div3A_17, %mul3A_18 : vector<64x1xf32>
    %max3A_19 = arith.constant 0.000000e+00 : f32
    %max3A_20 = vector.broadcast %max3A_19 : f32 to vector<64x1xf32>
    %max3A_21 = arith.maximumf %sub3A, %max3A_20 : vector<64x1xf32>
    %add3A = arith.constant 9.99999974E-6 : f32
    %add3A_22 = vector.broadcast %add3A : f32 to vector<64x1xf32>
    %add3A_23 = arith.addf %max3A_21, %add3A_22 : vector<64x1xf32>
    %rsqrt3A = math.rsqrt %add3A_23 : vector<64x1xf32>
    %concatenate3A = tpu.concatenate %div3A, %rsqrt3A in 1 : vector<64x1xf32>, vector<64x1xf32> -> vector<64x2xf32>
    %broadcast_in_dim3A_24 = arith.constant 0.000000e+00 : f32
    %broadcast_in_dim3A_25 = vector.broadcast %broadcast_in_dim3A_24 : f32 to vector<64x128xf32>
    %scan3A_26 = arith.constant 0 : i32
    %scan3A_27 = arith.constant 10 : i32
    %scan3A_28 = arith.addi %scan3A_26, %scan3A_27 : i32
    %scan3A_29 = arith.constant 1 : i32
    %scan3A_30 = scf.for %scan3A_109 = %scan3A_26 to %scan3A_28 step %scan3A_29 iter_args(%scan3A_110 = %broadcast_in_dim3A_25) -> (vector<64x128xf32>)  : i32 {
      %mul3A_111 = arith.constant 1000 : i32
      %mul3A_112 = arith.muli %scan3A_109, %mul3A_111 : i32
      %multiple_of3A = tpu.assume_multiple %mul3A_112, 8 : i32
      %get3A_113 = arith.index_cast %multiple_of3A : i32 to index
      %get3A_114 = arith.constant 0 : index
      %get3A_115 = vector.load %arg16[%get3A_113, %get3A_114] : memref<10752x128xf32, #tpu.memory_space<vmem>>, vector<1000x128xf32>
      %mul3A_116 = arith.constant 1000 : i32
      %mul3A_117 = arith.muli %scan3A_109, %mul3A_116 : i32
      %multiple_of3A_118 = tpu.assume_multiple %mul3A_117, 8 : i32
      %get3A_119 = arith.index_cast %multiple_of3A_118 : i32 to index
      %get3A_120 = arith.constant 0 : index
      %get3A_121 = vector.load %arg6[%get3A_119, %get3A_120] : memref<10000x1xi32, #tpu.memory_space<vmem>>, vector<1000x1xi32>
      %iota3A_122 = tpu.iota {dimensions = array<i32: 1>} : vector<1000x64xi32>
      %eq3A = vector.broadcast %get3A_121 : vector<1000x1xi32> to vector<1000x64xi32>
      %eq3A_123 = arith.cmpi eq, %eq3A, %iota3A_122 : vector<1000x64xi32>
      %convert_element_type3A = arith.extui %eq3A_123 : vector<1000x64xi1> to vector<1000x64xi32>
      %convert_element_type3A_124 = arith.sitofp %convert_element_type3A : vector<1000x64xi32> to vector<1000x64xf32>
      %dot_general3A_125 = arith.constant dense<0.000000e+00> : vector<1000x2xf32>
      %dot_general3A_126 = tpu.matmul %convert_element_type3A_124, %concatenate3A, %dot_general3A_125 {dimension_numbers = #tpu.dot_dimension_numbers<[1], [0], [0], [1], [0, 0, 1, 1], [], []>, transpose_lhs_hint = false} : vector<1000x64xf32>, vector<64x2xf32>, vector<1000x2xf32> -> vector<1000x2xf32>
      %slice3A = vector.extract_strided_slice %dot_general3A_126 {offsets = [0, 0], sizes = [1000, 1], strides = [1, 1]} : vector<1000x2xf32> to vector<1000x1xf32>
      %sub3A_127 = vector.broadcast %slice3A : vector<1000x1xf32> to vector<1000x128xf32>
      %sub3A_128 = arith.subf %get3A_115, %sub3A_127 : vector<1000x128xf32>
      %slice3A_129 = vector.extract_strided_slice %dot_general3A_126 {offsets = [0, 1], sizes = [1000, 1], strides = [1, 1]} : vector<1000x2xf32> to vector<1000x1xf32>
      %mul3A_130 = vector.broadcast %slice3A_129 : vector<1000x1xf32> to vector<1000x128xf32>
      %mul3A_131 = arith.mulf %sub3A_128, %mul3A_130 : vector<1000x128xf32>
      %get3A_132 = arith.constant 0 : index
      %get3A_133 = arith.constant 0 : index
      %get3A_134 = vector.load %arg4[%get3A_132, %get3A_133] : memref<1x128xf32, #tpu.memory_space<vmem>>, vector<1x128xf32>
      %mul3A_135 = vector.broadcast %get3A_134 : vector<1x128xf32> to vector<1000x128xf32>
      %mul3A_136 = arith.mulf %mul3A_131, %mul3A_135 : vector<1000x128xf32>
      %get3A_137 = arith.constant 0 : index
      %get3A_138 = arith.constant 0 : index
      %get3A_139 = vector.load %arg5[%get3A_137, %get3A_138] : memref<1x128xf32, #tpu.memory_space<vmem>>, vector<1x128xf32>
      %add3A_140 = vector.broadcast %get3A_139 : vector<1x128xf32> to vector<1000x128xf32>
      %add3A_141 = arith.addf %mul3A_136, %add3A_140 : vector<1000x128xf32>
      %gt3A_142 = arith.constant 0.000000e+00 : f32
      %gt3A_143 = vector.broadcast %gt3A_142 : f32 to vector<1000x128xf32>
      %gt3A_144 = arith.cmpf ogt, %add3A_141, %gt3A_143 : vector<1000x128xf32>
      %mul3A_145 = arith.constant 0.00999999977 : f32
      %mul3A_146 = vector.broadcast %mul3A_145 : f32 to vector<1000x128xf32>
      %mul3A_147 = arith.mulf %mul3A_146, %add3A_141 : vector<1000x128xf32>
      %select_n3A_148 = arith.select %gt3A_144, %add3A_141, %mul3A_147 : vector<1000x128xi1>, vector<1000x128xf32>
      %swap3A_149 = arith.index_cast %multiple_of3A : i32 to index
      %swap3A_150 = arith.constant 0 : index
      %swap3A_151 = vector.load %arg16[%swap3A_149, %swap3A_150] : memref<10752x128xf32, #tpu.memory_space<vmem>>, vector<1000x128xf32>
      tpu.vector_store %arg16[%swap3A_149, %swap3A_150], %select_n3A_148 {strides = array<i32>} : memref<10752x128xf32, #tpu.memory_space<vmem>>, vector<1000x128xf32>,
      %dot_general3A_152 = arith.constant dense<0.000000e+00> : vector<64x128xf32>
      %dot_general3A_153 = tpu.matmul %convert_element_type3A_124, %select_n3A_148, %dot_general3A_152 {dimension_numbers = #tpu.dot_dimension_numbers<[0], [0], [1], [1], [0, 1, 1, 1], [], []>, transpose_lhs_hint = false} : vector<1000x64xf32>, vector<1000x128xf32>, vector<64x128xf32> -> vector<64x128xf32>
      %add3A_154 = arith.addf %scan3A_110, %dot_general3A_153 : vector<64x128xf32>
      scf.yield %add3A_154 : vector<64x128xf32>
    }
    %scan3A_31 = arith.constant 10 : i32
    %max3A_32 = arith.constant 1.000000e+00 : f32
    %max3A_33 = vector.broadcast %max3A_32 : f32 to vector<64x1xf32>
    %max3A_34 = arith.maximumf %scan3A_6#2, %max3A_33 : vector<64x1xf32>
    %div3A_35 = vector.broadcast %max3A_34 : vector<64x1xf32> to vector<64x128xf32>
    %div3A_36 = arith.divf %scan3A_30, %div3A_35 : vector<64x128xf32>
    %scan3A_37 = arith.constant 0 : i32
    %scan3A_38 = arith.constant 64 : i32
    %scan3A_39 = arith.addi %scan3A_37, %scan3A_38 : i32
    %scan3A_40 = arith.constant 1 : i32
    scf.for %scan3A_109 = %scan3A_37 to %scan3A_39 step %scan3A_40  : i32 {
      %get3A_110 = arith.index_cast %scan3A_109 : i32 to index
      %get3A_111 = memref.load %arg7[%get3A_110] : memref<65xi32, #tpu.memory_space<smem>>
      %add3A_112 = arith.constant 1 : i32
      %add3A_113 = arith.addi %scan3A_109, %add3A_112 : i32
      %get3A_114 = arith.index_cast %add3A_113 : i32 to index
      %get3A_115 = memref.load %arg7[%get3A_114] : memref<65xi32, #tpu.memory_space<smem>>
      %sub3A_116 = arith.subi %get3A_115, %get3A_111 : i32
      %add3A_117 = arith.constant 512 : i32
      %add3A_118 = arith.addi %sub3A_116, %add3A_117 : i32
      %sub3A_119 = arith.constant 1 : i32
      %sub3A_120 = arith.subi %add3A_118, %sub3A_119 : i32
      %jit3A_121 = arith.constant 512 : i32
      %div3A_122 = arith.divsi %sub3A_120, %jit3A_121 : i32
      %sign3A = arith.constant 0 : i32
      %sign3A_123 = arith.cmpi sgt, %sub3A_120, %sign3A : i32
      %sign3A_124 = arith.extui %sign3A_123 : i1 to i32
      %sign3A_125 = arith.constant 0 : i32
      %sign3A_126 = arith.cmpi slt, %sub3A_120, %sign3A_125 : i32
      %sign3A_127 = arith.extui %sign3A_126 : i1 to i32
      %sign3A_128 = arith.subi %sign3A_124, %sign3A_127 : i32
      %sign3A_129 = arith.constant 0 : i32
      %sign3A_130 = arith.cmpi sgt, %jit3A_121, %sign3A_129 : i32
      %sign3A_131 = arith.extui %sign3A_130 : i1 to i32
      %sign3A_132 = arith.constant 0 : i32
      %sign3A_133 = arith.cmpi slt, %jit3A_121, %sign3A_132 : i32
      %sign3A_134 = arith.extui %sign3A_133 : i1 to i32
      %sign3A_135 = arith.subi %sign3A_131, %sign3A_134 : i32
      %ne3A = arith.cmpi ne, %sign3A_128, %sign3A_135 : i32
      %rem3A = arith.remsi %sub3A_120, %jit3A_121 : i32
      %ne3A_136 = arith.constant 0 : i32
      %ne3A_137 = arith.cmpi ne, %rem3A, %ne3A_136 : i32
      %and3A = arith.andi %ne3A, %ne3A_137 : i1
      %sub3A_138 = arith.constant 1 : i32
      %sub3A_139 = arith.subi %div3A_122, %sub3A_138 : i32
      %select_n3A_140 = arith.select %and3A, %sub3A_139, %div3A_122 : i32
      %broadcast_in_dim3A_141 = arith.constant 0xFF800000 : f32
      %broadcast_in_dim3A_142 = vector.broadcast %broadcast_in_dim3A_141 : f32 to vector<1x128xf32>
      %while3A = arith.constant 0 : i32
      %while3A_143 = arith.subi %select_n3A_140, %while3A : i32
      %while3A_144 = arith.addi %while3A, %while3A_143 : i32
      %while3A_145 = arith.constant 1 : i32
      %while3A_146 = arith.divsi %while3A_143, %while3A_145 : i32
      %while3A_147 = arith.muli %while3A_146, %while3A_145 : i32
      %while3A_148 = arith.addi %while3A, %while3A_147 : i32
      %while3A_149 = arith.constant 1 : i32
      %while3A_150 = scf.for %while3A_161 = %while3A to %while3A_148 step %while3A_149 iter_args(%while3A_162 = %broadcast_in_dim3A_142) -> (vector<1x128xf32>)  : i32 {
        %mul3A_163 = arith.constant 512 : i32
        %mul3A_164 = arith.muli %while3A_161, %mul3A_163 : i32
        %add3A_165 = arith.addi %get3A_111, %mul3A_164 : i32
        %jit3A_166 = arith.constant 8 : i32
        %div3A_167 = arith.divsi %add3A_165, %jit3A_166 : i32
        %sign3A_168 = arith.constant 0 : i32
        %sign3A_169 = arith.cmpi sgt, %add3A_165, %sign3A_168 : i32
        %sign3A_170 = arith.extui %sign3A_169 : i1 to i32
        %sign3A_171 = arith.constant 0 : i32
        %sign3A_172 = arith.cmpi slt, %add3A_165, %sign3A_171 : i32
        %sign3A_173 = arith.extui %sign3A_172 : i1 to i32
        %sign3A_174 = arith.subi %sign3A_170, %sign3A_173 : i32
        %sign3A_175 = arith.constant 0 : i32
        %sign3A_176 = arith.cmpi sgt, %jit3A_166, %sign3A_175 : i32
        %sign3A_177 = arith.extui %sign3A_176 : i1 to i32
        %sign3A_178 = arith.constant 0 : i32
        %sign3A_179 = arith.cmpi slt, %jit3A_166, %sign3A_178 : i32
        %sign3A_180 = arith.extui %sign3A_179 : i1 to i32
        %sign3A_181 = arith.subi %sign3A_177, %sign3A_180 : i32
        %ne3A_182 = arith.cmpi ne, %sign3A_174, %sign3A_181 : i32
        %rem3A_183 = arith.remsi %add3A_165, %jit3A_166 : i32
        %ne3A_184 = arith.constant 0 : i32
        %ne3A_185 = arith.cmpi ne, %rem3A_183, %ne3A_184 : i32
        %and3A_186 = arith.andi %ne3A_182, %ne3A_185 : i1
        %sub3A_187 = arith.constant 1 : i32
        %sub3A_188 = arith.subi %div3A_167, %sub3A_187 : i32
        %select_n3A_189 = arith.select %and3A_186, %sub3A_188, %div3A_167 : i32
        %mul3A_190 = arith.constant 8 : i32
        %mul3A_191 = arith.muli %select_n3A_189, %mul3A_190 : i32
        %multiple_of3A = tpu.assume_multiple %mul3A_191, 8 : i32
        %get3A_192 = arith.index_cast %multiple_of3A : i32 to index
        %get3A_193 = arith.constant 0 : index
        %get3A_194 = vector.load %arg16[%get3A_192, %get3A_193] : memref<10752x128xf32, #tpu.memory_space<vmem>>, vector<520x128xf32>
        %iota3A_195 = tpu.iota {dimensions = array<i32: 0>} : vector<520x1xi32>
        %add3A_196 = vector.broadcast %multiple_of3A : i32 to vector<520x1xi32>
        %add3A_197 = arith.addi %add3A_196, %iota3A_195 : vector<520x1xi32>
        %mul3A_198 = arith.constant 512 : i32
        %mul3A_199 = arith.muli %while3A_161, %mul3A_198 : i32
        %add3A_200 = arith.addi %get3A_111, %mul3A_199 : i32
        %add3A_201 = arith.constant 1 : i32
        %add3A_202 = arith.addi %while3A_161, %add3A_201 : i32
        %mul3A_203 = arith.constant 512 : i32
        %mul3A_204 = arith.muli %add3A_202, %mul3A_203 : i32
        %min3A = arith.minsi %mul3A_204, %sub3A_116 : i32
        %add3A_205 = arith.addi %get3A_111, %min3A : i32
        %ge3A = vector.broadcast %add3A_200 : i32 to vector<520x1xi32>
        %ge3A_206 = arith.cmpi sge, %add3A_197, %ge3A : vector<520x1xi32>
        %lt3A_207 = vector.broadcast %add3A_205 : i32 to vector<520x1xi32>
        %lt3A_208 = arith.cmpi slt, %add3A_197, %lt3A_207 : vector<520x1xi32>
        %and3A_209 = arith.andi %ge3A_206, %lt3A_208 : vector<520x1xi1>
        %jit3A_210 = arith.constant 0xFF800000 : f32
        %broadcast_in_dim3A_211 = vector.shape_cast %and3A_209 : vector<520x1xi1> to vector<520x1xi1>
        %broadcast_in_dim3A_212 = vector.broadcast %broadcast_in_dim3A_211 : vector<520x1xi1> to vector<520x128xi1>
        %broadcast_in_dim3A_213 = vector.broadcast %jit3A_210 : f32 to vector<520x128xf32>
        %select_n3A_214 = arith.select %broadcast_in_dim3A_212, %get3A_194, %broadcast_in_dim3A_213 : vector<520x128xi1>, vector<520x128xf32>
        %reduce_max3A_215 = arith.constant dense<0xFF800000> : vector<128xf32>
        %reduce_max3A_216 = vector.multi_reduction <maximumf>, %select_n3A_214, %reduce_max3A_215 [0] : vector<520x128xf32> to vector<128xf32>
        %broadcast_in_dim3A_217 = vector.shape_cast %reduce_max3A_216 : vector<128xf32> to vector<1x128xf32>
        %max3A_218 = arith.maximumf %while3A_162, %broadcast_in_dim3A_217 : vector<1x128xf32>
        scf.yield %max3A_218 : vector<1x128xf32>
      }
      %while3A_151 = arith.constant 1 : i32
      %while3A_152 = scf.for %while3A_161 = %while3A_148 to %while3A_144 step %while3A_151 iter_args(%while3A_162 = %while3A_150) -> (vector<1x128xf32>)  : i32 {
        %mul3A_163 = arith.constant 512 : i32
        %mul3A_164 = arith.muli %while3A_161, %mul3A_163 : i32
        %add3A_165 = arith.addi %get3A_111, %mul3A_164 : i32
        %jit3A_166 = arith.constant 8 : i32
        %div3A_167 = arith.divsi %add3A_165, %jit3A_166 : i32
        %sign3A_168 = arith.constant 0 : i32
        %sign3A_169 = arith.cmpi sgt, %add3A_165, %sign3A_168 : i32
        %sign3A_170 = arith.extui %sign3A_169 : i1 to i32
        %sign3A_171 = arith.constant 0 : i32
        %sign3A_172 = arith.cmpi slt, %add3A_165, %sign3A_171 : i32
        %sign3A_173 = arith.extui %sign3A_172 : i1 to i32
        %sign3A_174 = arith.subi %sign3A_170, %sign3A_173 : i32
        %sign3A_175 = arith.constant 0 : i32
        %sign3A_176 = arith.cmpi sgt, %jit3A_166, %sign3A_175 : i32
        %sign3A_177 = arith.extui %sign3A_176 : i1 to i32
        %sign3A_178 = arith.constant 0 : i32
        %sign3A_179 = arith.cmpi slt, %jit3A_166, %sign3A_178 : i32
        %sign3A_180 = arith.extui %sign3A_179 : i1 to i32
        %sign3A_181 = arith.subi %sign3A_177, %sign3A_180 : i32
        %ne3A_182 = arith.cmpi ne, %sign3A_174, %sign3A_181 : i32
        %rem3A_183 = arith.remsi %add3A_165, %jit3A_166 : i32
        %ne3A_184 = arith.constant 0 : i32
        %ne3A_185 = arith.cmpi ne, %rem3A_183, %ne3A_184 : i32
        %and3A_186 = arith.andi %ne3A_182, %ne3A_185 : i1
        %sub3A_187 = arith.constant 1 : i32
        %sub3A_188 = arith.subi %div3A_167, %sub3A_187 : i32
        %select_n3A_189 = arith.select %and3A_186, %sub3A_188, %div3A_167 : i32
        %mul3A_190 = arith.constant 8 : i32
        %mul3A_191 = arith.muli %select_n3A_189, %mul3A_190 : i32
        %multiple_of3A = tpu.assume_multiple %mul3A_191, 8 : i32
        %get3A_192 = arith.index_cast %multiple_of3A : i32 to index
        %get3A_193 = arith.constant 0 : index
        %get3A_194 = vector.load %arg16[%get3A_192, %get3A_193] : memref<10752x128xf32, #tpu.memory_space<vmem>>, vector<520x128xf32>
        %iota3A_195 = tpu.iota {dimensions = array<i32: 0>} : vector<520x1xi32>
        %add3A_196 = vector.broadcast %multiple_of3A : i32 to vector<520x1xi32>
        %add3A_197 = arith.addi %add3A_196, %iota3A_195 : vector<520x1xi32>
        %mul3A_198 = arith.constant 512 : i32
        %mul3A_199 = arith.muli %while3A_161, %mul3A_198 : i32
        %add3A_200 = arith.addi %get3A_111, %mul3A_199 : i32
        %add3A_201 = arith.constant 1 : i32
        %add3A_202 = arith.addi %while3A_161, %add3A_201 : i32
        %mul3A_203 = arith.constant 512 : i32
        %mul3A_204 = arith.muli %add3A_202, %mul3A_203 : i32
        %min3A = arith.minsi %mul3A_204, %sub3A_116 : i32
        %add3A_205 = arith.addi %get3A_111, %min3A : i32
        %ge3A = vector.broadcast %add3A_200 : i32 to vector<520x1xi32>
        %ge3A_206 = arith.cmpi sge, %add3A_197, %ge3A : vector<520x1xi32>
        %lt3A_207 = vector.broadcast %add3A_205 : i32 to vector<520x1xi32>
        %lt3A_208 = arith.cmpi slt, %add3A_197, %lt3A_207 : vector<520x1xi32>
        %and3A_209 = arith.andi %ge3A_206, %lt3A_208 : vector<520x1xi1>
        %jit3A_210 = arith.constant 0xFF800000 : f32
        %broadcast_in_dim3A_211 = vector.shape_cast %and3A_209 : vector<520x1xi1> to vector<520x1xi1>
        %broadcast_in_dim3A_212 = vector.broadcast %broadcast_in_dim3A_211 : vector<520x1xi1> to vector<520x128xi1>
        %broadcast_in_dim3A_213 = vector.broadcast %jit3A_210 : f32 to vector<520x128xf32>
        %select_n3A_214 = arith.select %broadcast_in_dim3A_212, %get3A_194, %broadcast_in_dim3A_213 : vector<520x128xi1>, vector<520x128xf32>
        %reduce_max3A_215 = arith.constant dense<0xFF800000> : vector<128xf32>
        %reduce_max3A_216 = vector.multi_reduction <maximumf>, %select_n3A_214, %reduce_max3A_215 [0] : vector<520x128xf32> to vector<128xf32>
        %broadcast_in_dim3A_217 = vector.shape_cast %reduce_max3A_216 : vector<128xf32> to vector<1x128xf32>
        %max3A_218 = arith.maximumf %while3A_162, %broadcast_in_dim3A_217 : vector<1x128xf32>
        scf.yield %max3A_218 : vector<1x128xf32>
      }
      %gt3A_153 = arith.constant 0 : i32
      %gt3A_154 = arith.cmpi sgt, %sub3A_116, %gt3A_153 : i32
      %broadcast_in_dim3A_155 = arith.constant 0.000000e+00 : f32
      %broadcast_in_dim3A_156 = vector.broadcast %broadcast_in_dim3A_155 : f32 to vector<1x128xf32>
      %select_n3A_157 = arith.select %gt3A_154, %while3A_152, %broadcast_in_dim3A_156 : vector<1x128xf32>
      %swap3A_158 = arith.index_cast %scan3A_109 : i32 to index
      %swap3A_159 = arith.constant 0 : index
      %swap3A_160 = vector.load %arg17[%swap3A_158, %swap3A_159] : memref<64x128xf32, #tpu.memory_space<vmem>>, vector<1x128xf32>
      tpu.vector_store %arg17[%swap3A_158, %swap3A_159], %select_n3A_157 {strides = array<i32>} : memref<64x128xf32, #tpu.memory_space<vmem>>, vector<1x128xf32>,
    }
    %scan3A_41 = arith.constant 64 : i32
    %get3A = arith.constant 0 : index
    %get3A_42 = arith.constant 0 : index
    %get3A_43 = vector.load %arg17[%get3A, %get3A_42] : memref<64x128xf32, #tpu.memory_space<vmem>>, vector<64x128xf32>
    %concatenate3A_44 = tpu.concatenate %get3A_43, %div3A_36 in 1 : vector<64x128xf32>, vector<64x128xf32> -> vector<64x256xf32>
    %get3A_45 = arith.constant 0 : index
    %get3A_46 = arith.constant 0 : index
    %get3A_47 = vector.load %arg8[%get3A_45, %get3A_46] : memref<64x256xf32, #tpu.memory_space<vmem>>, vector<64x256xf32>
    %add3A_48 = arith.addf %concatenate3A_44, %get3A_47 : vector<64x256xf32>
    %get3A_49 = arith.constant 0 : index
    %get3A_50 = arith.constant 0 : index
    %get3A_51 = vector.load %arg9[%get3A_49, %get3A_50] : memref<256x128xf32, #tpu.memory_space<vmem>>, vector<256x128xf32>
    %dot_general3A = arith.constant dense<0.000000e+00> : vector<64x128xf32>
    %dot_general3A_52 = tpu.matmul %add3A_48, %get3A_51, %dot_general3A {dimension_numbers = #tpu.dot_dimension_numbers<[1], [0], [0], [1], [0, 0, 1, 1], [], []>, transpose_lhs_hint = false} : vector<64x256xf32>, vector<256x128xf32>, vector<64x128xf32> -> vector<64x128xf32>
    %get3A_53 = arith.constant 0 : index
    %get3A_54 = arith.constant 0 : index
    %get3A_55 = vector.load %arg12[%get3A_53, %get3A_54] : memref<1x128xf32, #tpu.memory_space<vmem>>, vector<1x128xf32>
    %add3A_56 = vector.broadcast %get3A_55 : vector<1x128xf32> to vector<64x128xf32>
    %add3A_57 = arith.addf %dot_general3A_52, %add3A_56 : vector<64x128xf32>
    %gt3A = arith.constant 0.000000e+00 : f32
    %gt3A_58 = vector.broadcast %gt3A : f32 to vector<64x128xf32>
    %gt3A_59 = arith.cmpf ogt, %add3A_57, %gt3A_58 : vector<64x128xf32>
    %mul3A_60 = arith.constant 0.00999999977 : f32
    %mul3A_61 = vector.broadcast %mul3A_60 : f32 to vector<64x128xf32>
    %mul3A_62 = arith.mulf %mul3A_61, %add3A_57 : vector<64x128xf32>
    %select_n3A = arith.select %gt3A_59, %add3A_57, %mul3A_62 : vector<64x128xi1>, vector<64x128xf32>
    %get3A_63 = arith.constant 0 : index
    %get3A_64 = arith.constant 0 : index
    %get3A_65 = vector.load %arg10[%get3A_63, %get3A_64] : memref<128x64xf32, #tpu.memory_space<vmem>>, vector<128x64xf32>
    %dot_general3A_66 = arith.constant dense<0.000000e+00> : vector<64x64xf32>
    %dot_general3A_67 = tpu.matmul %select_n3A, %get3A_65, %dot_general3A_66 {dimension_numbers = #tpu.dot_dimension_numbers<[1], [0], [0], [1], [0, 0, 1, 1], [], []>, transpose_lhs_hint = false} : vector<64x128xf32>, vector<128x64xf32>, vector<64x64xf32> -> vector<64x64xf32>
    %get3A_68 = arith.constant 0 : index
    %get3A_69 = arith.constant 0 : index
    %get3A_70 = vector.load %arg13[%get3A_68, %get3A_69] : memref<1x64xf32, #tpu.memory_space<vmem>>, vector<1x64xf32>
    %add3A_71 = vector.broadcast %get3A_70 : vector<1x64xf32> to vector<64x64xf32>
    %add3A_72 = arith.addf %dot_general3A_67, %add3A_71 : vector<64x64xf32>
    %gt3A_73 = arith.constant 0.000000e+00 : f32
    %gt3A_74 = vector.broadcast %gt3A_73 : f32 to vector<64x64xf32>
    %gt3A_75 = arith.cmpf ogt, %add3A_72, %gt3A_74 : vector<64x64xf32>
    %mul3A_76 = arith.constant 0.00999999977 : f32
    %mul3A_77 = vector.broadcast %mul3A_76 : f32 to vector<64x64xf32>
    %mul3A_78 = arith.mulf %mul3A_77, %add3A_72 : vector<64x64xf32>
    %select_n3A_79 = arith.select %gt3A_75, %add3A_72, %mul3A_78 : vector<64x64xi1>, vector<64x64xf32>
    %get3A_80 = arith.constant 0 : index
    %get3A_81 = arith.constant 0 : index
    %get3A_82 = vector.load %arg11[%get3A_80, %get3A_81] : memref<64x128xf32, #tpu.memory_space<vmem>>, vector<64x128xf32>
    %dot_general3A_83 = arith.constant dense<0.000000e+00> : vector<64x128xf32>
    %dot_general3A_84 = tpu.matmul %select_n3A_79, %get3A_82, %dot_general3A_83 {dimension_numbers = #tpu.dot_dimension_numbers<[1], [0], [0], [1], [0, 0, 1, 1], [], []>, transpose_lhs_hint = false} : vector<64x64xf32>, vector<64x128xf32>, vector<64x128xf32> -> vector<64x128xf32>
    %get3A_85 = arith.constant 0 : index
    %get3A_86 = arith.constant 0 : index
    %get3A_87 = vector.load %arg14[%get3A_85, %get3A_86] : memref<1x128xf32, #tpu.memory_space<vmem>>, vector<1x128xf32>
    %add3A_88 = vector.broadcast %get3A_87 : vector<1x128xf32> to vector<64x128xf32>
    %add3A_89 = arith.addf %dot_general3A_84, %add3A_88 : vector<64x128xf32>
    %iota3A = tpu.iota {dimensions = array<i32: 1>} : vector<64x128xi32>
    %lt3A = arith.constant 10 : i32
    %lt3A_90 = vector.broadcast %lt3A : i32 to vector<64x128xi32>
    %lt3A_91 = arith.cmpi slt, %iota3A, %lt3A_90 : vector<64x128xi32>
    %jit3A = arith.constant 0xFF800000 : f32
    %broadcast_in_dim3A_92 = vector.broadcast %jit3A : f32 to vector<64x128xf32>
    %select_n3A_93 = arith.select %lt3A_91, %add3A_89, %broadcast_in_dim3A_92 : vector<64x128xi1>, vector<64x128xf32>
    %reduce_max3A = arith.constant dense<0xFF800000> : vector<64xf32>
    %reduce_max3A_94 = vector.multi_reduction <maximumf>, %select_n3A_93, %reduce_max3A [1] : vector<64x128xf32> to vector<64xf32>
    %broadcast_in_dim3A_95 = vector.shape_cast %reduce_max3A_94 : vector<64xf32> to vector<64x1xf32>
    %sub3A_96 = vector.broadcast %broadcast_in_dim3A_95 : vector<64x1xf32> to vector<64x128xf32>
    %sub3A_97 = arith.subf %select_n3A_93, %sub3A_96 : vector<64x128xf32>
    %exp3A = math.exp %sub3A_97 : vector<64x128xf32>
    %jit3A_98 = arith.constant 0.000000e+00 : f32
    %broadcast_in_dim3A_99 = vector.broadcast %jit3A_98 : f32 to vector<64x128xf32>
    %select_n3A_100 = arith.select %lt3A_91, %exp3A, %broadcast_in_dim3A_99 : vector<64x128xi1>, vector<64x128xf32>
    %reduce_sum3A_101 = arith.constant dense<0.000000e+00> : vector<64xf32>
    %reduce_sum3A_102 = vector.multi_reduction <add>, %select_n3A_100, %reduce_sum3A_101 [1] : vector<64x128xf32> to vector<64xf32>
    %broadcast_in_dim3A_103 = vector.shape_cast %reduce_sum3A_102 : vector<64xf32> to vector<64x1xf32>
    %log3A = math.log %broadcast_in_dim3A_103 : vector<64x1xf32>
    %add3A_104 = arith.addf %log3A, %broadcast_in_dim3A_95 : vector<64x1xf32>
    %sub3A_105 = vector.broadcast %add3A_104 : vector<64x1xf32> to vector<64x128xf32>
    %sub3A_106 = arith.subf %add3A_89, %sub3A_105 : vector<64x128xf32>
    %swap3A = arith.constant 0 : index
    %swap3A_107 = arith.constant 0 : index
    %swap3A_108 = vector.load %arg15[%swap3A, %swap3A_107] : memref<64x128xf32, #tpu.memory_space<vmem>>, vector<64x128xf32>
    tpu.vector_store %arg15[%swap3A, %swap3A_107], %sub3A_106 {strides = array<i32>} : memref<64x128xf32, #tpu.memory_space<vmem>>, vector<64x128xf32>,
    return
  }
}

</mosaic_0001>

<sc_bundles>
// kernel: kernel.13.cloned.1.call-start
scs
__scs_entry_jumppad:
0x0: {  	(pc) =	sbr.rel $0x88, $3  }
0x1: {  	(tag) =	ssettag $0x0;
	lr =	simm.s32 $0x1  }
0x2: {  	[smem:$0x3F8C] =	sst lr;
	_ =	strace $0xD0000000  }
0x3: {  	_ = 	snop  }
0x4: {  	_ = 	snop  }
0x5: {  	_ = 	snop  }
0x6: {  	_ = 	snop  }
0x7: {  	_ = 	snop  }
__scs_overlays_trampoline_lowered:
0x8: {  	[smem:$0x3F9B] =	sst s0  }
0x9: {  	[smem:$0x3F9C] =	sst s1  }
0xa: {  	[smem:$0x3F9D] =	sst s2  }
0xb: {  	[smem:$0x3F9E] =	sst s3  }
0xc: {  	[smem:$0x3F9F] =	sst s4  }
0xd: {  	[smem:$0x3FA0] =	sst s5  }
0xe: {  	[smem:$0x3FA1] =	sst s6  }
0xf: {  	[smem:$0x3FA2] =	sst s7  }
0x10: {  	[smem:$0x3FA3] =	sst s8  }
0x11: {  	[smem:$0x3FA4] =	sst s9;
	s0 =	simm.s32 @!p0 $0x0  }
0x12: {  	s1 =	sld [smem:$0x3F8A];
	s0 =	simm.s32 @p0 $0x1  }
0x13: {  	[smem:$0x3FA5] =	sst s0;
	s0 =	simm.s32 @!p1 $0x0  }
0x14: {  	s2 =	sld [smem:$0x3F89];
	s0 =	simm.s32 @p1 $0x1  }
0x15: {  	[smem:$0x3FA6] =	sst s0;
	s0 =	simm.s32 @!p2 $0x0  }
0x16: {  	s3 =	sld [smem:$0x3FDB];
	s0 =	simm.s32 @p2 $0x1  }
0x17: {  	s4 =	simm.s32 $0x1BF5;
	[smem:$0x3FA8] =	sst s0  }
0x18: {  	s0 =	sld [smem:$0x3F8B];
	_ =	swait.ge [sflag:s4], $0x0  }
0x19: {  	s7 =	sld [smem:$0x3F8C]  }
0x1a: {  	s8 =	sadd.s32 $0xFFFFE003, lr  }
0x1b: {  	s9 =	sadd.s32 $0xFFFFFEF7, lr;
	s5 =	simm.s32 $0xFFFFFFFF;
	p2 =	slt.u32 s8, $0xFFFFF086  }
0x1c: {  	p1 =	slt.u32 s9, $0xF7A;
	s5 =	simm.s32 @!p2 $0x0  }
0x1d: {  	s5 =	simm.s32 @p1 $0x1;
	p0 =	seq.s32 s7, s2  }
0x1e: {  	s7 =	smul.u32 @!p0 $0xF7A, s2;
	p2 =	seq.s32 @!p0 s5, $0x0  }
0x1f: {  	s9 =	smul.u32 $0xF7A, s1;
	s8 =	simm.s32 @!p0 $0x1BF5;
	p2 =	por !p2, p0  }
0x20: {  	[sflag:s8] =	ssyncset.s32 @!p0 $0xFFFFF086;
	s6 =	sadd.s32 @!p0 s3, s7;
	s7 =	simm.s32 @!p0 $0x108  }
0x21: {  	s3 =	sadd.s32 s3, s9;
	s6 =	sadd.s32 @!p0 $0x88, s6;
	s7 =	simm.s32 @p2 $0x1082  }
0x22: {  	[simem:s7], [sflag:s8] =	dma.local @!p0 [hbm:s6], $0xF7A  }
0x23: {  	s9 =	sor.u32 $0xD0000000, s2;
	s6 =	simm.s32 $0x108;
	_ =	swait.ge @!p0 [sflag:s8], $0x0  }
0x24: {  	s3 =	sadd.s32 $0x88, s3;
	s6 =	simm.s32 @!p1 $0x1082;
	[sflag:s4] =	ssyncset.s32 $0xFFFFF086  }
0x25: {  	[simem:s6], [sflag:s4] =	dma.local [hbm:s3], $0xF7A  }
0x26: {  	[smem:$0x3F8C] =	sst s1;
	(tag) =	ssettag s2;
	_ =	strace s9  }
0x27: {  	s1 =	sld [smem:$0x3F9C]  }
0x28: {  	s2 =	sld [smem:$0x3F9D]  }
0x29: {  	s4 =	sld [smem:$0x3F9F]  }
0x2a: {  	p0 =	seq.s32 s5, $0x0;
	s5 =	sld [smem:$0x3FA0]  }
0x2b: {  	s6 =	sld [smem:$0x3FA1]  }
0x2c: {  	s7 =	sld [smem:$0x3FA2]  }
0x2d: {  	s3 =	simm.s32 $0x108;
	s8 =	sld [smem:$0x3FA3]  }
0x2e: {  	s3 =	simm.s32 @!p0 $0x1082;
	s9 =	sld [smem:$0x3FA4]  }
0x2f: {  	lr =	sadd.s32 s0, s3;
	s0 =	sld [smem:$0x3F9B]  }
0x30: {  	s3 =	sld [smem:$0x3F9E]  }
0x31: {  	[smem:$0x3FA7] =	sst s10  }
0x32: {  	s10 =	sld [smem:$0x3FA5];
	_ =	sdelay $0x3  }
0x33: {  	p0 =	seq.s32 s10, $0x1;
	s10 =	sld [smem:$0x3FA7];
	_ =	sdelay $0x3  }
0x34: {  	[smem:$0x3FA7] =	sst s10  }
0x35: {  	s10 =	sld [smem:$0x3FA6];
	_ =	sdelay $0x3  }
0x36: {  	p1 =	seq.s32 s10, $0x1;
	s10 =	sld [smem:$0x3FA7];
	_ =	sdelay $0x3  }
0x37: {  	[smem:$0x3FA7] =	sst s10  }
0x38: {  	s10 =	sld [smem:$0x3FA8]  }
0x39: {  	_ = 	snop;
	(pc) =	sbr.ind lr, $3  }
0x3a: {  	_ = 	snop  }
0x3b: {  	_ = 	snop  }
0x3c: {  	p2 =	seq.s32 s10, $0x1;
	s10 =	sld [smem:$0x3FA7]  }
0x3d: {  	_ =	shalt  }
0x3e: {  	_ =	shalt  }
0x3f: {  	_ =	shalt  }
0x40: {  	_ =	shalt  }
0x41: {  	_ =	shalt  }
0x42: {  	_ =	shalt  }
0x43: {  	_ =	shalt  }
0x44: {  	_ =	shalt  }
0x45: {  	_ =	shalt  }
0x46: {  	_ =	shalt  }
0x47: {  	_ =	shalt  }
0x48: {  	_ =	shalt  }
0x49: {  	_ =	shalt  }
0x4a: {  	_ =	shalt  }
0x4b: {  	_ =	shalt  }
0x4c: {  	_ =	shalt  }
0x4d: {  	_ =	shalt  }
0x4e: {  	_ =	shalt  }
0x4f: {  	_ =	shalt  }
0x50: {  	_ =	shalt  }
0x51: {  	_ =	shalt  }
0x52: {  	_ =	shalt  }
0x53: {  	_ =	shalt  }
0x54: {  	_ =	shalt  }
0x55: {  	_ =	shalt  }
0x56: {  	_ =	shalt  }
0x57: {  	_ =	shalt  }
0x58: {  	_ =	shalt  }
0x59: {  	_ =	shalt  }
0x5a: {  	_ =	shalt  }
0x5b: {  	_ =	shalt  }
0x5c: {  	_ =	shalt  }
0x5d: {  	_ =	shalt  }
0x5e: {  	_ =	shalt  }
0x5f: {  	_ =	shalt  }
0x60: {  	_ =	shalt  }
0x61: {  	_ =	shalt  }
0x62: {  	_ =	shalt  }
0x63: {  	_ =	shalt  }
0x64: {  	_ =	shalt  }
0x65: {  	_ =	shalt  }
0x66: {  	_ =	shalt  }
0x67: {  	_ =	shalt  }
0x68: {  	_ =	shalt  }
0x69: {  	_ =	shalt  }
0x6a: {  	_ =	shalt  }
0x6b: {  	_ =	shalt  }
0x6c: {  	_ =	shalt  }
0x6d: {  	_ =	shalt  }
0x6e: {  	_ =	shalt  }
0x6f: {  	_ =	shalt  }
0x70: {  	_ =	shalt  }
0x71: {  	_ =	shalt  }
0x72: {  	_ =	shalt  }
0x73: {  	_ =	shalt  }
0x74: {  	_ =	shalt  }
0x75: {  	_ =	shalt  }
0x76: {  	_ =	shalt  }
0x77: {  	_ =	shalt  }
0x78: {  	_ =	shalt  }
0x79: {  	_ =	shalt  }
0x7a: {  	_ =	shalt  }
0x7b: {  	_ =	shalt  }
0x7c: {  	_ =	shalt  }
0x7d: {  	_ =	shalt  }
0x7e: {  	_ =	shalt  }
0x7f: {  	_ =	shalt  }
0x80: {  	_ =	shalt  }
0x81: {  	_ =	shalt  }
0x82: {  	_ =	shalt  }
0x83: {  	_ =	shalt  }
0x84: {  	_ =	shalt  }
0x85: {  	_ =	shalt  }
0x86: {  	_ =	shalt  }
0x87: {  	_ =	shalt  }
.Lfunc_end0:
.L_simem_size_0:
called_computation_lowered:
.L_overlay_start_0:
0x88: {  	s2 =	sld [smem:$0x3FD9]  }
0x89: {  	s3 =	sld [smem:$0x3FFE];
	_ =	sdelay $0x1  }
0x8a: {  	s1 =	srdreg.scid  }
0x8b: {  	s0 =	sand.u32 $0x1, s1  }
0x8c: {  	s16 =	sshll.u32 s0, $0xA;
	s2 =	sadd.s32 s3, s2  }
0x8d: {  	s2 =	sadd.s32 s2, s16  }
0x8e: {  	[smem:$0x3FB3] =	sst s2  }
0x8f: {  	_ = 	snop  }
0x90: {  	(tm) =	ssettm $0x1  }
0x91: {  	s17 =	sld [smem:$0x3FFB];
	_ =	sdelay $0x3  }
0x92: {  	_ =	strace s17  }
0x93: {  	s2 =	sld [smem:$0x3FFC];
	_ =	sdelay $0x3  }
0x94: {  	_ =	strace s2  }
0x95: {  	s2 =	sld [smem:$0x3FFD];
	_ =	sdelay $0x3  }
0x96: {  	_ =	strace s2  }
0x97: {  	_ =	strace $0x8FFFFFFF  }
0x98: {  	s18 =	sld [smem:$0x3FDB];
	_ =	sdelay $0x1  }
0x99: {  	s19 =	simm.s32 $_scs_section_size  }
0x9a: {  	s4 =	simm.s32 $_size__tile_overlayer_lowered;
	s5 =	simm.s32 $_tile_overlayer_lowered  }
0x9b: {  	s22 =	simm.s32 $0x1BFF;
	s21 =	sshll.u32 s5, $0x1;
	s2 =	sadd.s32 s19, s18  }
0x9c: {  	s6 =	simm.s32 $0x0;
	s20 =	sshll.u32 s4, $0x1;
	s4 =	sadd.s32 s21, s2  }
0x9d: {  	[timem:s6], [sflag:s22] =	dma.local [hbm:s4], s20  }
0x9e: {  	_ =	swait.ge [sflag:s22], s20  }
0x9f: {  	s3 =	ssub.s32 $0x0, s20;
	[sflag:s22] =	ssyncset.done $0x0  }
0xa0: {  	[sflag:s22] =	ssyncadd.s32 s3;
	_ =	sdelay $0x1  }
0xa1: {  	s23 =	simm.s32 $0x1B8B  }
0xa2: {  	_ =	swait.ge [sflag:s23], $0x1  }
0xa3: {  	[sflag:s23] =	ssyncset.done $0x0  }
0xa4: {  	s25 =	simm.s32 $0x1B8E;
	s24 =	sld [smem:$0x3FFE];
	[sflag:s23] =	ssyncadd.s32 $0xFFFFFFFF  }
0xa5: {  	s26 =	simm.s32 $execute0_lowered;
	[smem:$0x3FD2] =	sst s25  }
0xa6: {  	s4 =	sshll.u32 s26, $0x1;
	_ =	strace $0x80000046;
	[dreg:$0x1] =	wrdreg $0xFFFFFFFF  }
0xa7: {  	s28 =	simm.s32 $_size_execute0_lowered;
	s2 =	sadd.s32 s2, s4;
	[dreg:$0x0] =	wrdreg $0x0  }
0xa8: {  	s4 =	sshll.u32 s28, $0x1;
	[dreg:$0x2] =	wrdreg s2  }
0xa9: {  	[dreg:$0x3] =	wrdreg s4  }
0xaa: {  	[dreg:$0x4] =	wrdreg $0xC0  }
0xab: {  	_ =	task [dreg:s6], $0x5FFFF  }
0xac: {  	[dreg:$0x1] =	wrdreg $0xFFFFFFFF  }
0xad: {  	[dreg:$0x0] =	wrdreg $0x60  }
0xae: {  	[dreg:$0x2] =	wrdreg s24  }
0xaf: {  	[dreg:$0x3] =	wrdreg $0x84D00  }
0xb0: {  	[dreg:$0x4] =	wrdreg $0x9  }
0xb1: {  	_ =	task.clear_ibuf [dreg:s6], $0x5FFFF;
	_ =	strace $0x90000046  }
0xb2: {  	s29 =	simm.s32 $0x9;
	_ =	strace $0x80000048  }
0xb3: {  	_ =	swait.ge [sflag:s29], $0x1  }
0xb4: {  	[sflag:s29] =	ssyncadd.s32 $0xFFFFFFFF  }
0xb5: {  	_ =	strace $0x90000048  }
0xb6: {  	_ =	sfence  }
0xb7: {  	s30 =	sld [smem:$0x0];
	_ =	sdelay $0x2  }
0xb8: {  	s31 =	sshll.u32 s1, $0xD;
	s1 =	sshrl.u32 s1, $0x2  }
0xb9: {  	s3 =	sand.u32 $0x4000, s31;
	s1 =	sadd.s32 s1, s30  }
0xba: {  	s0 =	sor.u32 s3, s0;
	s1 =	sshll.u32 s1, $0x11  }
0xbb: {  	s0 =	sor.u32 s1, s0  }
0xbc: {  	s0 =	sadd.s32 $0x8F2B, s0  }
0xbd: {  	[sflag:s0] =	ssyncadd.remote.s32 $0x1  }
0xbe: {  	_ =	sfence.sel $0xFFFF  }
0xbf: {  	[dreg:$0x0] =	wrdreg $0xFFFFFFFF;
	(pc) =	sbr.abs _section_cstart, $3  }
0xc0: {  	[dreg:$0x1] =	wrdreg $0xFFFFFFFF  }
0xc1: {  	_ =	task.clear_ibuf [dreg:s6], $0x2FFFF;
	_ =	strace $0x9FFFFFFF  }
0xc2: {  	(tm) =	ssettm $0x7FFFFFFF  }
0xc3: {  	_ =	shalt  }
tec
execute0_lowered:
.L_overlay_start_1:
0x0: {  	(tag) =	ssettag $0x1  }
0x1: {  	s4 =	rddreg [dreg:$0x0]  }
0x2: {  	s0 =	srdreg.scid;
	s2 =	rddreg [dreg:$0x1]  }
0x3: {  	s1 =	stileid.u32;
	s3 =	simm.s32 $0x0;
	s12 =	simm.s32 $0x7D0  }
0x4: {  	s13 =	simm.s32 $0x1;
	s16 =	simm.s32 $0x0;
	s5 =	sand.u32 $0x1, s0  }
0x5: {  	s0 =	rddreg [dreg:$0x2];
	s7 =	smul.u32 $0x2800, s1;
	s6 =	sshll.u32 s5, $0x4  }
0x6: {  	[smem:$0x7FF] =	sst s3;
	s8 =	smul.u32 $0x28000, s5;
	s6 =	sor.u32 s1, s6  }
0x7: {  	s14 =	sshll.u32 s1, $0x6;
	_ =	strace $0x80000047;
	s6 =	smul.u32 $0x2710, s6  }
0x8: {  	s5 =	ssub.s32 $0x2, s5;
	s14 =	sor.u32 $0x1C01, s14;
	s8 =	sadd.s32 s7, s8  }
0x9: {  	s30 =	sshrl.u32 s5, $0x1;
	s8 =	sshrl.u32 s8, $0x3;
	s6 =	sshrl.u32 s6, $0x3  }
0xa: {  	s31 =	ssub.s32 s5, s30;
	s29 =	sadd.s32 s8, s4;
	s11 =	sadd.s32 s6, s4  }
0xb: {  	s4 =	sadd.s32 s7, s2;
	s5 =	sadd.s32 $0x1AC00, s29;
	s7 =	smax.u32 s31, $0x1  }
0xc: {  	s6 =	sadd.s32 $0x10E00, s11;
	s8 =	sadd.s32 $0x10EFA, s11;
	s9 =	sadd.s32 $0x10FF4, s11  }
0xd: {  	v0 =	vimm.f32 $0.0e+00;
	v1 =	vimm.f32 $1.000000000e+00;
	s10 =	sadd.s32 $0x110EE, s11;
	s11 =	sadd.s32 $0x111E8, s11;
	s15 =	sshrl.u32 s4, $0x3  }
.LBB2_1:
0xe: {  	s17 =	simm.s32 $0x40;
	s18 =	simm.s32 $0x0  }
.LBB2_2:
0xf: {  	p0 =	sne.s32 s17, $0x9FC0;
	[tilespmem:s18+$0x7D0] =	vst v0;
	s18 =	smov.u32 s17;
	s17 =	sadd.s32 $0x40, s17  }
.Ltmp0:
0x10: {  	(pc) =	sbr.rel @p0 .LBB2_2-.Ltmp0, $2  }
0x11: {  	_ =	sdelay $0x2  }
0x12: {  	s18 =	sshra.s32 s18, $0x2  }
0x13: {  	[tilespmem:s18+$0x7D0] =	vst v0  }
0x14: {  	[spmem:s4] =	stream.linear.scatter [tilespmem:s12], [sflag:$0x1], $0x2800, $0x38;
	[tilespmem:$0xACD0] =	vst v63  }
0x15: {  	_ =	swait.ge [sflag:s13], $0x2800  }
0x16: {  	[sflag:s13] =	ssyncset.done $0x0  }
0x17: {  	s17 =	simm.s32 $0x40;
	s18 =	simm.s32 $0x0;
	[sflag:s13] =	ssyncadd.s32 $0xFFFFD800  }
.LBB2_4:
0x18: {  	p0 =	sne.s32 s17, $0x1F3C0;
	[tilespmem:s18+$0x7D0] =	vst v1;
	s18 =	smov.u32 s17;
	s17 =	sadd.s32 $0x40, s17  }
.Ltmp1:
0x19: {  	(pc) =	sbr.rel @p0 .LBB2_4-.Ltmp1, $2  }
0x1a: {  	_ =	sdelay $0x2  }
0x1b: {  	s18 =	sshra.s32 s18, $0x2  }
0x1c: {  	[tilespmem:s18+$0x7D0] =	vst v1  }
0x1d: {  	[bflag:$0x0] =	sbarrier.arrive $0xFFFF  }
0x1e: {  	[tilespmem:s3], [sflag:$0x1] =	stream.linear.gather [hbm4b:s6+s3], $0x7D0, $0x38;
	[tilespmem:$0xACD0] =	vst v63  }
0x1f: {  	_ =	swait.ge [sflag:s13], $0x7D0  }
0x20: {  	[sflag:s13] =	ssyncset.done $0x0  }
0x21: {  	[sflag:s13] =	ssyncadd.s32 $0xFFFFF830  }
0x22: {  	[spmem:s2] =	stream.indirect.scatter.add.f32 [tilespmem:s12], [sflag:$0x1], $0x10, s3, s12, $0xb8;
	[tilespmem:$0xACD0] =	vst v63  }
0x23: {  	_ =	swait.ge [sflag:s13], $0x7D00  }
0x24: {  	[sflag:s13] =	ssyncset.done $0x0  }
0x25: {  	[sflag:s13] =	ssyncadd.s32 $0xFFFF8300  }
0x26: {  	[tilespmem:s3], [sflag:$0x1] =	stream.linear.gather [hbm4b:s8+s3], $0x7D0, $0x38;
	[tilespmem:$0xACD0] =	vst v63  }
0x27: {  	_ =	swait.ge [sflag:s13], $0x7D0  }
0x28: {  	[sflag:s13] =	ssyncset.done $0x0  }
0x29: {  	[sflag:s13] =	ssyncadd.s32 $0xFFFFF830  }
0x2a: {  	[spmem:s2] =	stream.indirect.scatter.add.f32 [tilespmem:s12], [sflag:$0x1], $0x10, s3, s12, $0xb8;
	[tilespmem:$0xACD0] =	vst v63  }
0x2b: {  	_ =	swait.ge [sflag:s13], $0x7D00  }
0x2c: {  	[sflag:s13] =	ssyncset.done $0x0  }
0x2d: {  	[sflag:s13] =	ssyncadd.s32 $0xFFFF8300  }
0x2e: {  	[tilespmem:s3], [sflag:$0x1] =	stream.linear.gather [hbm4b:s9+s3], $0x7D0, $0x38;
	[tilespmem:$0xACD0] =	vst v63  }
0x2f: {  	_ =	swait.ge [sflag:s13], $0x7D0  }
0x30: {  	[sflag:s13] =	ssyncset.done $0x0  }
0x31: {  	[sflag:s13] =	ssyncadd.s32 $0xFFFFF830  }
0x32: {  	[spmem:s2] =	stream.indirect.scatter.add.f32 [tilespmem:s12], [sflag:$0x1], $0x10, s3, s12, $0xb8;
	[tilespmem:$0xACD0] =	vst v63  }
0x33: {  	_ =	swait.ge [sflag:s13], $0x7D00  }
0x34: {  	[sflag:s13] =	ssyncset.done $0x0  }
0x35: {  	[sflag:s13] =	ssyncadd.s32 $0xFFFF8300  }
0x36: {  	[tilespmem:s3], [sflag:$0x1] =	stream.linear.gather [hbm4b:s10+s3], $0x7D0, $0x38;
	[tilespmem:$0xACD0] =	vst v63  }
0x37: {  	_ =	swait.ge [sflag:s13], $0x7D0  }
0x38: {  	[sflag:s13] =	ssyncset.done $0x0  }
0x39: {  	[sflag:s13] =	ssyncadd.s32 $0xFFFFF830  }
0x3a: {  	[spmem:s2] =	stream.indirect.scatter.add.f32 [tilespmem:s12], [sflag:$0x1], $0x10, s3, s12, $0xb8;
	[tilespmem:$0xACD0] =	vst v63  }
0x3b: {  	_ =	swait.ge [sflag:s13], $0x7D00  }
0x3c: {  	[sflag:s13] =	ssyncset.done $0x0  }
0x3d: {  	[sflag:s13] =	ssyncadd.s32 $0xFFFF8300  }
0x3e: {  	[tilespmem:s3], [sflag:$0x1] =	stream.linear.gather [hbm4b:s11+s3], $0x7D0, $0x38;
	[tilespmem:$0xACD0] =	vst v63  }
0x3f: {  	_ =	swait.ge [sflag:s13], $0x7D0  }
0x40: {  	[sflag:s13] =	ssyncset.done $0x0  }
0x41: {  	[sflag:s13] =	ssyncadd.s32 $0xFFFFF830  }
0x42: {  	[spmem:s2] =	stream.indirect.scatter.add.f32 [tilespmem:s12], [sflag:$0x1], $0x10, s3, s12, $0xb8;
	[tilespmem:$0xACD0] =	vst v63  }
0x43: {  	_ =	swait.ge [sflag:s13], $0x7D00  }
0x44: {  	s16 =	sadd.s32 $0x1, s16;
	[sflag:s13] =	ssyncset.done $0x0  }
0x45: {  	p0 =	sne.s32 s16, s7;
	[sflag:s13] =	ssyncadd.s32 $0xFFFF8300  }
.Ltmp2:
0x46: {  	[bflag:$0x0] =	sbarrier.arrive $0xFFFF;
	(pc) =	sbr.rel @p0 .LBB2_1-.Ltmp2, $4  }
0x47: {  	[hbm:s5], [sflag:s14] =	dma.local [spmem:s15], $0x500  }
0x48: {  	_ =	swait.ge [sflag:s13], $0x500  }
0x49: {  	[sflag:s13] =	ssyncset.done $0x0  }
0x4a: {  	[sflag:s13] =	ssyncadd.s32 $0xFFFFFB00  }
0x4b: {  	_ =	sfence.sel $0x180000  }
0x4c: {  	[bflag:$0x0] =	sbarrier.arrive $0xFFFF  }
0x4d: {  	p0 =	sne.s32 s1, $0x0;
	_ =	strace $0x90000047  }
0x4e: {  	s0 =	sadd.s32 @!p0 $0x100000, s0;
	[bflag:$0x2] =	sbarrier.arrive $0xFFFF  }
0x4f: {  	[sflag:s0] =	ssyncadd.tile.s32 @!p0 $0x1;
	_ =	shalt  }
.Lfunc_end2:
_tile_overlayer_lowered:
.L_overlay_start_2:
0x50: {  	(tag) =	ssettag $0x2  }
0x51: {  	s0 =	rddreg [dreg:$0x0];
	s2 =	stileid.u32  }
0x52: {  	s1 =	rddreg [dreg:$0x1];
	p0 =	sne.s32 s2, $0x0  }
0x53: {  	s3 =	rddreg [dreg:$0x2];
	[bflag:$0x3] =	sbarrier.arrive $0xFFFF;
	s2 =	simm.s32 @!p0 $0x1C01  }
0x54: {  	[timem:s3], [sflag:s2] =	dma.local @!p0 [hbm:s0], s1  }
0x55: {  	s0 =	simm.s32 @!p0 $0x1  }
0x56: {  	_ =	swait.ge @!p0 [sflag:s0], s1  }
0x57: {  	s1 =	ssub.s32 @!p0 $0x0, s1;
	[sflag:s0] =	ssyncset.done @!p0 $0x0  }
0x58: {  	[sflag:s0] =	ssyncadd.s32 @!p0 s1  }
0x59: {  	[bflag:$0x3] =	sbarrier.arrive $0xFFFF  }
0x5a: {  	_ =	shalt  }

// kernel: kernel.16.cloned.1.call-start
scs
__scs_entry_jumppad:
0x0: {  	(pc) =	sbr.rel $0x88, $3  }
0x1: {  	(tag) =	ssettag $0x0;
	lr =	simm.s32 $0x1  }
0x2: {  	[smem:$0x3F8C] =	sst lr;
	_ =	strace $0xD0000000  }
0x3: {  	_ = 	snop  }
0x4: {  	_ = 	snop  }
0x5: {  	_ = 	snop  }
0x6: {  	_ = 	snop  }
0x7: {  	_ = 	snop  }
__scs_overlays_trampoline_lowered:
0x8: {  	[smem:$0x3F9B] =	sst s0  }
0x9: {  	[smem:$0x3F9C] =	sst s1  }
0xa: {  	[smem:$0x3F9D] =	sst s2  }
0xb: {  	[smem:$0x3F9E] =	sst s3  }
0xc: {  	[smem:$0x3F9F] =	sst s4  }
0xd: {  	[smem:$0x3FA0] =	sst s5  }
0xe: {  	[smem:$0x3FA1] =	sst s6  }
0xf: {  	[smem:$0x3FA2] =	sst s7  }
0x10: {  	[smem:$0x3FA3] =	sst s8  }
0x11: {  	[smem:$0x3FA4] =	sst s9;
	s0 =	simm.s32 @!p0 $0x0  }
0x12: {  	s1 =	sld [smem:$0x3F8A];
	s0 =	simm.s32 @p0 $0x1  }
0x13: {  	[smem:$0x3FA5] =	sst s0;
	s0 =	simm.s32 @!p1 $0x0  }
0x14: {  	s2 =	sld [smem:$0x3F89];
	s0 =	simm.s32 @p1 $0x1  }
0x15: {  	[smem:$0x3FA6] =	sst s0;
	s0 =	simm.s32 @!p2 $0x0  }
0x16: {  	s3 =	sld [smem:$0x3FDB];
	s0 =	simm.s32 @p2 $0x1  }
0x17: {  	s4 =	simm.s32 $0x1BF5;
	[smem:$0x3FA8] =	sst s0  }
0x18: {  	s0 =	sld [smem:$0x3F8B];
	_ =	swait.ge [sflag:s4], $0x0  }
0x19: {  	s7 =	sld [smem:$0x3F8C]  }
0x1a: {  	s8 =	sadd.s32 $0xFFFFE003, lr  }
0x1b: {  	s9 =	sadd.s32 $0xFFFFFEF7, lr;
	s5 =	simm.s32 $0xFFFFFFFF;
	p2 =	slt.u32 s8, $0xFFFFF086  }
0x1c: {  	p1 =	slt.u32 s9, $0xF7A;
	s5 =	simm.s32 @!p2 $0x0  }
0x1d: {  	s5 =	simm.s32 @p1 $0x1;
	p0 =	seq.s32 s7, s2  }
0x1e: {  	s7 =	smul.u32 @!p0 $0xF7A, s2;
	p2 =	seq.s32 @!p0 s5, $0x0  }
0x1f: {  	s9 =	smul.u32 $0xF7A, s1;
	s8 =	simm.s32 @!p0 $0x1BF5;
	p2 =	por !p2, p0  }
0x20: {  	[sflag:s8] =	ssyncset.s32 @!p0 $0xFFFFF086;
	s6 =	sadd.s32 @!p0 s3, s7;
	s7 =	simm.s32 @!p0 $0x108  }
0x21: {  	s3 =	sadd.s32 s3, s9;
	s6 =	sadd.s32 @!p0 $0x88, s6;
	s7 =	simm.s32 @p2 $0x1082  }
0x22: {  	[simem:s7], [sflag:s8] =	dma.local @!p0 [hbm:s6], $0xF7A  }
0x23: {  	s9 =	sor.u32 $0xD0000000, s2;
	s6 =	simm.s32 $0x108;
	_ =	swait.ge @!p0 [sflag:s8], $0x0  }
0x24: {  	s3 =	sadd.s32 $0x88, s3;
	s6 =	simm.s32 @!p1 $0x1082;
	[sflag:s4] =	ssyncset.s32 $0xFFFFF086  }
0x25: {  	[simem:s6], [sflag:s4] =	dma.local [hbm:s3], $0xF7A  }
0x26: {  	[smem:$0x3F8C] =	sst s1;
	(tag) =	ssettag s2;
	_ =	strace s9  }
0x27: {  	s1 =	sld [smem:$0x3F9C]  }
0x28: {  	s2 =	sld [smem:$0x3F9D]  }
0x29: {  	s4 =	sld [smem:$0x3F9F]  }
0x2a: {  	p0 =	seq.s32 s5, $0x0;
	s5 =	sld [smem:$0x3FA0]  }
0x2b: {  	s6 =	sld [smem:$0x3FA1]  }
0x2c: {  	s7 =	sld [smem:$0x3FA2]  }
0x2d: {  	s3 =	simm.s32 $0x108;
	s8 =	sld [smem:$0x3FA3]  }
0x2e: {  	s3 =	simm.s32 @!p0 $0x1082;
	s9 =	sld [smem:$0x3FA4]  }
0x2f: {  	lr =	sadd.s32 s0, s3;
	s0 =	sld [smem:$0x3F9B]  }
0x30: {  	s3 =	sld [smem:$0x3F9E]  }
0x31: {  	[smem:$0x3FA7] =	sst s10  }
0x32: {  	s10 =	sld [smem:$0x3FA5];
	_ =	sdelay $0x3  }
0x33: {  	p0 =	seq.s32 s10, $0x1;
	s10 =	sld [smem:$0x3FA7];
	_ =	sdelay $0x3  }
0x34: {  	[smem:$0x3FA7] =	sst s10  }
0x35: {  	s10 =	sld [smem:$0x3FA6];
	_ =	sdelay $0x3  }
0x36: {  	p1 =	seq.s32 s10, $0x1;
	s10 =	sld [smem:$0x3FA7];
	_ =	sdelay $0x3  }
0x37: {  	[smem:$0x3FA7] =	sst s10  }
0x38: {  	s10 =	sld [smem:$0x3FA8]  }
0x39: {  	_ = 	snop;
	(pc) =	sbr.ind lr, $3  }
0x3a: {  	_ = 	snop  }
0x3b: {  	_ = 	snop  }
0x3c: {  	p2 =	seq.s32 s10, $0x1;
	s10 =	sld [smem:$0x3FA7]  }
0x3d: {  	_ =	shalt  }
0x3e: {  	_ =	shalt  }
0x3f: {  	_ =	shalt  }
0x40: {  	_ =	shalt  }
0x41: {  	_ =	shalt  }
0x42: {  	_ =	shalt  }
0x43: {  	_ =	shalt  }
0x44: {  	_ =	shalt  }
0x45: {  	_ =	shalt  }
0x46: {  	_ =	shalt  }
0x47: {  	_ =	shalt  }
0x48: {  	_ =	shalt  }
0x49: {  	_ =	shalt  }
0x4a: {  	_ =	shalt  }
0x4b: {  	_ =	shalt  }
0x4c: {  	_ =	shalt  }
0x4d: {  	_ =	shalt  }
0x4e: {  	_ =	shalt  }
0x4f: {  	_ =	shalt  }
0x50: {  	_ =	shalt  }
0x51: {  	_ =	shalt  }
0x52: {  	_ =	shalt  }
0x53: {  	_ =	shalt  }
0x54: {  	_ =	shalt  }
0x55: {  	_ =	shalt  }
0x56: {  	_ =	shalt  }
0x57: {  	_ =	shalt  }
0x58: {  	_ =	shalt  }
0x59: {  	_ =	shalt  }
0x5a: {  	_ =	shalt  }
0x5b: {  	_ =	shalt  }
0x5c: {  	_ =	shalt  }
0x5d: {  	_ =	shalt  }
0x5e: {  	_ =	shalt  }
0x5f: {  	_ =	shalt  }
0x60: {  	_ =	shalt  }
0x61: {  	_ =	shalt  }
0x62: {  	_ =	shalt  }
0x63: {  	_ =	shalt  }
0x64: {  	_ =	shalt  }
0x65: {  	_ =	shalt  }
0x66: {  	_ =	shalt  }
0x67: {  	_ =	shalt  }
0x68: {  	_ =	shalt  }
0x69: {  	_ =	shalt  }
0x6a: {  	_ =	shalt  }
0x6b: {  	_ =	shalt  }
0x6c: {  	_ =	shalt  }
0x6d: {  	_ =	shalt  }
0x6e: {  	_ =	shalt  }
0x6f: {  	_ =	shalt  }
0x70: {  	_ =	shalt  }
0x71: {  	_ =	shalt  }
0x72: {  	_ =	shalt  }
0x73: {  	_ =	shalt  }
0x74: {  	_ =	shalt  }
0x75: {  	_ =	shalt  }
0x76: {  	_ =	shalt  }
0x77: {  	_ =	shalt  }
0x78: {  	_ =	shalt  }
0x79: {  	_ =	shalt  }
0x7a: {  	_ =	shalt  }
0x7b: {  	_ =	shalt  }
0x7c: {  	_ =	shalt  }
0x7d: {  	_ =	shalt  }
0x7e: {  	_ =	shalt  }
0x7f: {  	_ =	shalt  }
0x80: {  	_ =	shalt  }
0x81: {  	_ =	shalt  }
0x82: {  	_ =	shalt  }
0x83: {  	_ =	shalt  }
0x84: {  	_ =	shalt  }
0x85: {  	_ =	shalt  }
0x86: {  	_ =	shalt  }
0x87: {  	_ =	shalt  }
.Lfunc_end0:
.L_simem_size_0:
called_computation.1_lowered:
.L_overlay_start_0:
0x88: {  	s2 =	sld [smem:$0x3FD9]  }
0x89: {  	s3 =	sld [smem:$0x3FFE];
	_ =	sdelay $0x1  }
0x8a: {  	s1 =	srdreg.scid  }
0x8b: {  	s0 =	sand.u32 $0x1, s1  }
0x8c: {  	s16 =	sshll.u32 s0, $0xA;
	s2 =	sadd.s32 s3, s2  }
0x8d: {  	s2 =	sadd.s32 s2, s16  }
0x8e: {  	[smem:$0x3FB3] =	sst s2  }
0x8f: {  	_ = 	snop  }
0x90: {  	(tm) =	ssettm $0x1  }
0x91: {  	s17 =	sld [smem:$0x3FFB];
	_ =	sdelay $0x3  }
0x92: {  	_ =	strace s17  }
0x93: {  	s2 =	sld [smem:$0x3FFC];
	_ =	sdelay $0x3  }
0x94: {  	_ =	strace s2  }
0x95: {  	s2 =	sld [smem:$0x3FFD];
	_ =	sdelay $0x3  }
0x96: {  	_ =	strace s2  }
0x97: {  	_ =	strace $0x8FFFFFFF  }
0x98: {  	s18 =	sld [smem:$0x3FDB];
	_ =	sdelay $0x1  }
0x99: {  	s19 =	simm.s32 $_scs_section_size  }
0x9a: {  	s4 =	simm.s32 $_size__tile_overlayer_lowered;
	s5 =	simm.s32 $_tile_overlayer_lowered  }
0x9b: {  	s22 =	simm.s32 $0x1BFF;
	s21 =	sshll.u32 s5, $0x1;
	s2 =	sadd.s32 s19, s18  }
0x9c: {  	s6 =	simm.s32 $0x0;
	s20 =	sshll.u32 s4, $0x1;
	s4 =	sadd.s32 s21, s2  }
0x9d: {  	[timem:s6], [sflag:s22] =	dma.local [hbm:s4], s20  }
0x9e: {  	_ =	swait.ge [sflag:s22], s20  }
0x9f: {  	s3 =	ssub.s32 $0x0, s20;
	[sflag:s22] =	ssyncset.done $0x0  }
0xa0: {  	[sflag:s22] =	ssyncadd.s32 s3;
	_ =	sdelay $0x1  }
0xa1: {  	s23 =	simm.s32 $0x1B8B  }
0xa2: {  	_ =	swait.ge [sflag:s23], $0x1  }
0xa3: {  	[sflag:s23] =	ssyncset.done $0x0  }
0xa4: {  	s25 =	simm.s32 $0x1B8E;
	s24 =	sld [smem:$0x3FFE];
	[sflag:s23] =	ssyncadd.s32 $0xFFFFFFFF  }
0xa5: {  	s26 =	simm.s32 $execute0_lowered;
	[smem:$0x3FD2] =	sst s25  }
0xa6: {  	s4 =	sshll.u32 s26, $0x1;
	_ =	strace $0x80000049;
	[dreg:$0x1] =	wrdreg $0xFFFFFFFF  }
0xa7: {  	s28 =	simm.s32 $_size_execute0_lowered;
	s2 =	sadd.s32 s2, s4;
	[dreg:$0x0] =	wrdreg $0x0  }
0xa8: {  	s4 =	sshll.u32 s28, $0x1;
	[dreg:$0x2] =	wrdreg s2  }
0xa9: {  	[dreg:$0x3] =	wrdreg s4  }
0xaa: {  	[dreg:$0x4] =	wrdreg $0xC0  }
0xab: {  	_ =	task [dreg:s6], $0x5FFFF  }
0xac: {  	[dreg:$0x1] =	wrdreg $0xFFFFFFFF  }
0xad: {  	[dreg:$0x0] =	wrdreg $0x60  }
0xae: {  	[dreg:$0x2] =	wrdreg s24  }
0xaf: {  	[dreg:$0x3] =	wrdreg $0x9E200  }
0xb0: {  	[dreg:$0x4] =	wrdreg $0x9  }
0xb1: {  	_ =	task.clear_ibuf [dreg:s6], $0x5FFFF;
	_ =	strace $0x90000049  }
0xb2: {  	s29 =	simm.s32 $0x9;
	_ =	strace $0x8000004B  }
0xb3: {  	_ =	swait.ge [sflag:s29], $0x1  }
0xb4: {  	[sflag:s29] =	ssyncadd.s32 $0xFFFFFFFF  }
0xb5: {  	_ =	strace $0x9000004B  }
0xb6: {  	_ =	sfence  }
0xb7: {  	s30 =	sld [smem:$0x0];
	_ =	sdelay $0x2  }
0xb8: {  	s31 =	sshll.u32 s1, $0xD;
	s1 =	sshrl.u32 s1, $0x2  }
0xb9: {  	s3 =	sand.u32 $0x4000, s31;
	s1 =	sadd.s32 s1, s30  }
0xba: {  	s0 =	sor.u32 s3, s0;
	s1 =	sshll.u32 s1, $0x11  }
0xbb: {  	s0 =	sor.u32 s1, s0  }
0xbc: {  	s0 =	sadd.s32 $0x8F2B, s0  }
0xbd: {  	[sflag:s0] =	ssyncadd.remote.s32 $0x1  }
0xbe: {  	_ =	sfence.sel $0xFFFF  }
0xbf: {  	[dreg:$0x0] =	wrdreg $0xFFFFFFFF;
	(pc) =	sbr.abs _section_cstart, $3  }
0xc0: {  	[dreg:$0x1] =	wrdreg $0xFFFFFFFF  }
0xc1: {  	_ =	task.clear_ibuf [dreg:s6], $0x2FFFF;
	_ =	strace $0x9FFFFFFF  }
0xc2: {  	(tm) =	ssettm $0x7FFFFFFF  }
0xc3: {  	_ =	shalt  }
tec
execute0_lowered:
.L_overlay_start_1:
0x0: {  	(tag) =	ssettag $0x1  }
0x1: {  	s6 =	rddreg [dreg:$0x0]  }
0x2: {  	s0 =	srdreg.scid;
	s2 =	rddreg [dreg:$0x1]  }
0x3: {  	s3 =	simm.s32 $0x0;
	s17 =	simm.s32 $0x4E20;
	s18 =	simm.s32 $0x3  }
0x4: {  	s19 =	simm.s32 $0x2710;
	s20 =	simm.s32 $0x50;
	s21 =	simm.s32 $0x1  }
0x5: {  	s22 =	simm.s32 $0x7620;
	s5 =	sand.u32 $0x1, s0;
	s0 =	stileid.u32  }
0x6: {  	s23 =	simm.s32 $0x2;
	s24 =	simm.s32 $0x4DD0;
	s7 =	smul.u32 $0x14000, s0  }
0x7: {  	[smem:$0x7FF] =	sst s3;
	s1 =	sshll.u32 s5, $0x4;
	s8 =	smul.u32 $0x140000, s5  }
0x8: {  	s9 =	smul.u32 $0x50000, s0;
	s5 =	ssub.s32 $0x2, s5;
	s1 =	sor.u32 s0, s1  }
0x9: {  	s31 =	sshrl.u32 s5, $0x1;
	s4 =	smul.u32 $0x4E2, s1;
	s1 =	rddreg [dreg:$0x2]  }
0xa: {  	_ =	strace $0x8000004A;
	s8 =	sadd.s32 s7, s8;
	s9 =	sshrl.u32 s9, $0x2  }
0xb: {  	s16 =	ssub.s32 s5, s31;
	s5 =	sadd.s32 s7, s2;
	s8 =	sshrl.u32 s8, $0x3  }
0xc: {  	s12 =	sadd.s32 s9, s2;
	s16 =	smax.u32 s16, $0x1;
	s14 =	sadd.s32 s4, s6  }
0xd: {  	s4 =	sadd.s32 $0x6AC00, s6;
	s15 =	sadd.s32 s8, s6;
	s6 =	sadd.s32 $0x2800, s12  }
0xe: {  	s7 =	sadd.s32 $0x5000, s12;
	s8 =	sadd.s32 $0x7800, s12;
	s9 =	sadd.s32 $0xA000, s12  }
0xf: {  	s10 =	sadd.s32 $0xC800, s12;
	s11 =	sadd.s32 $0xF000, s12;
	s12 =	sadd.s32 $0x11800, s12  }
0x10: {  	v0 =	vimm.f32 $0.0e+00;
	s13 =	sadd.s32 $0x7000, s14;
	s14 =	sadd.s32 $0x10E00, s14;
	s15 =	sadd.s32 $0x91E00, s15  }
.LBB2_1:
0x11: {  	s25 =	simm.s32 $0x0;
	s26 =	simm.s32 $0x200  }
.LBB2_2:
0x12: {  	p0 =	sne.s32 s26, $0x9E00;
	[tilespmem:s25+$0x4E90] =	vst v0  }
0x13: {  	[tilespmem:s25+$0x4E20] =	vst v0  }
0x14: {  	[tilespmem:s25+$0x4E30] =	vst v0  }
.Ltmp0:
0x15: {  	[tilespmem:s25+$0x4E40] =	vst v0;
	(pc) =	sbr.rel @p0 .LBB2_2-.Ltmp0, $4  }
0x16: {  	[tilespmem:s25+$0x4E50] =	vst v0  }
0x17: {  	[tilespmem:s25+$0x4E60] =	vst v0  }
0x18: {  	[tilespmem:s25+$0x4E70] =	vst v0  }
0x19: {  	[tilespmem:s25+$0x4E80] =	vst v0;
	s25 =	sshra.s32 s26, $0x2;
	s26 =	sadd.s32 $0x200, s26  }
0x1a: {  	[tilespmem:s25+$0x4E90] =	vst v0  }
0x1b: {  	[tilespmem:s25+$0x4E20] =	vst v0  }
0x1c: {  	[tilespmem:s25+$0x4E30] =	vst v0  }
0x1d: {  	[tilespmem:s25+$0x4E40] =	vst v0  }
0x1e: {  	[tilespmem:s25+$0x4E50] =	vst v0  }
0x1f: {  	[tilespmem:s25+$0x4E60] =	vst v0  }
0x20: {  	[tilespmem:s25+$0x4E70] =	vst v0  }
0x21: {  	[tilespmem:s25+$0x4E80] =	vst v0  }
0x22: {  	[spmem:s5] =	stream.linear.scatter [tilespmem:s17], [sflag:$0x3], $0x2800, $0x38;
	[tilespmem:$0x1DE20] =	vst v63  }
0x23: {  	_ =	swait.ge [sflag:s18], $0x2800  }
0x24: {  	[sflag:s18] =	ssyncset.done $0x0  }
0x25: {  	[sflag:s18] =	ssyncadd.s32 $0xFFFFD800  }
0x26: {  	[spmem:s6] =	stream.linear.scatter [tilespmem:s17], [sflag:$0x3], $0x2800, $0x38;
	[tilespmem:$0x1DE20] =	vst v63  }
0x27: {  	_ =	swait.ge [sflag:s18], $0x2800  }
0x28: {  	[sflag:s18] =	ssyncset.done $0x0  }
0x29: {  	[sflag:s18] =	ssyncadd.s32 $0xFFFFD800  }
0x2a: {  	[spmem:s7] =	stream.linear.scatter [tilespmem:s17], [sflag:$0x3], $0x2800, $0x38;
	[tilespmem:$0x1DE20] =	vst v63  }
0x2b: {  	_ =	swait.ge [sflag:s18], $0x2800  }
0x2c: {  	[sflag:s18] =	ssyncset.done $0x0  }
0x2d: {  	[sflag:s18] =	ssyncadd.s32 $0xFFFFD800  }
0x2e: {  	[spmem:s8] =	stream.linear.scatter [tilespmem:s17], [sflag:$0x3], $0x2800, $0x38;
	[tilespmem:$0x1DE20] =	vst v63  }
0x2f: {  	_ =	swait.ge [sflag:s18], $0x2800  }
0x30: {  	[sflag:s18] =	ssyncset.done $0x0  }
0x31: {  	[sflag:s18] =	ssyncadd.s32 $0xFFFFD800  }
0x32: {  	[spmem:s9] =	stream.linear.scatter [tilespmem:s17], [sflag:$0x3], $0x2800, $0x38;
	[tilespmem:$0x1DE20] =	vst v63  }
0x33: {  	_ =	swait.ge [sflag:s18], $0x2800  }
0x34: {  	[sflag:s18] =	ssyncset.done $0x0  }
0x35: {  	[sflag:s18] =	ssyncadd.s32 $0xFFFFD800  }
0x36: {  	[spmem:s10] =	stream.linear.scatter [tilespmem:s17], [sflag:$0x3], $0x2800, $0x38;
	[tilespmem:$0x1DE20] =	vst v63  }
0x37: {  	_ =	swait.ge [sflag:s18], $0x2800  }
0x38: {  	[sflag:s18] =	ssyncset.done $0x0  }
0x39: {  	[sflag:s18] =	ssyncadd.s32 $0xFFFFD800  }
0x3a: {  	[spmem:s11] =	stream.linear.scatter [tilespmem:s17], [sflag:$0x3], $0x2800, $0x38;
	[tilespmem:$0x1DE20] =	vst v63  }
0x3b: {  	_ =	swait.ge [sflag:s18], $0x2800  }
0x3c: {  	[sflag:s18] =	ssyncset.done $0x0  }
0x3d: {  	[sflag:s18] =	ssyncadd.s32 $0xFFFFD800  }
0x3e: {  	[spmem:s12] =	stream.linear.scatter [tilespmem:s17], [sflag:$0x3], $0x2800, $0x38;
	[tilespmem:$0x1DE20] =	vst v63  }
0x3f: {  	_ =	swait.ge [sflag:s18], $0x2800  }
0x40: {  	[sflag:s18] =	ssyncset.done $0x0  }
0x41: {  	[sflag:s18] =	ssyncadd.s32 $0xFFFFD800  }
0x42: {  	s26 =	simm.s32 $0x0;
	[bflag:$0x0] =	sbarrier.arrive $0xFFFF  }
0x43: {  	[tilespmem:s26], [sflag:$0x3] =	stream.linear.gather [hbm4b:s13+s26], $0x2710, $0x38;
	[tilespmem:$0x1DE20] =	vst v63  }
0x44: {  	_ =	swait.ge [sflag:s18], $0x2710  }
0x45: {  	[sflag:s18] =	ssyncset.done $0x0  }
0x46: {  	[sflag:s18] =	ssyncadd.s32 $0xFFFFD8F0  }
0x47: {  	[tilespmem:s19], [sflag:$0x3] =	stream.linear.gather [hbm4b:s14+s26], $0x2710, $0x38;
	[tilespmem:$0x1DE20] =	vst v63  }
0x48: {  	_ =	swait.ge [sflag:s18], $0x2710  }
0x49: {  	[sflag:s18] =	ssyncset.done $0x0  }
0x4a: {  	[sflag:s18] =	ssyncadd.s32 $0xFFFFD8F0  }
0x4b: {  	[tilespmem:s17], [sflag:$0x1] =	stream.indirect.gather [hbm4b:s4+s20], $0x80, s26, s20, $0xb8;
	[tilespmem:$0x1DE20] =	vst v63  }
0x4c: {  	_ =	swait.ge [sflag:s21], $0x2800  }
0x4d: {  	[sflag:s21] =	ssyncset.done $0x0  }
0x4e: {  	s28 =	simm.s32 $0x50;
	[sflag:s21] =	ssyncadd.s32 $0xFFFFD800  }
0x4f: {  	[tilespmem:s22], [sflag:$0x2] =	stream.indirect.gather [hbm4b:s4+s20], $0x80, s28, s20, $0xb8;
	[tilespmem:$0x1DE20] =	vst v63  }
0x50: {  	s29 =	simm.s32 $0x2710  }
0x51: {  	[spmem:s2] =	stream.indirect.scatter.add.f32 [tilespmem:s17], [sflag:$0x3], $0x80, s29, s20, $0xb8;
	[tilespmem:$0x1DE20] =	vst v63  }
0x52: {  	_ =	swait.ge [sflag:s18], $0x2800  }
0x53: {  	[sflag:s18] =	ssyncset.done $0x0  }
0x54: {  	[sflag:s18] =	ssyncadd.s32 $0xFFFFD800  }
0x55: {  	_ =	swait.ge [sflag:s23], $0x2800  }
0x56: {  	[sflag:s23] =	ssyncset.done $0x0  }
0x57: {  	s30 =	simm.s32 $0xA0;
	[sflag:s23] =	ssyncadd.s32 $0xFFFFD800  }
0x58: {  	[tilespmem:s17], [sflag:$0x1] =	stream.indirect.gather [hbm4b:s4+s20], $0x80, s30, s20, $0xb8;
	[tilespmem:$0x1DE20] =	vst v63  }
0x59: {  	s31 =	simm.s32 $0x2760  }
0x5a: {  	[spmem:s2] =	stream.indirect.scatter.add.f32 [tilespmem:s22], [sflag:$0x3], $0x80, s31, s20, $0xb8;
	[tilespmem:$0x1DE20] =	vst v63  }
0x5b: {  	_ =	swait.ge [sflag:s18], $0x2800  }
0x5c: {  	s25 =	simm.s32 $0x280;
	[sflag:s18] =	ssyncset.done $0x0  }
.LBB2_4:
0x5d: {  	p0 =	sne.s32 s25, $0x9880  }
0x5e: {  	[sflag:s18] =	ssyncadd.s32 $0xFFFFD800;
	s26 =	smov.u32 s25;
	s25 =	sadd.s32 $0x280, s25  }
0x5f: {  	_ = 	snop  }
0x60: {  	_ =	swait.ge [sflag:s21], $0x2800  }
0x61: {  	s26 =	sshra.s32 s26, $0x2;
	[sflag:s21] =	ssyncset.done $0x0  }
0x62: {  	s28 =	sadd.s32 $0x50, s26;
	[sflag:s21] =	ssyncadd.s32 $0xFFFFD800  }
0x63: {  	[tilespmem:s22], [sflag:$0x2] =	stream.indirect.gather [hbm4b:s4+s20], $0x80, s28, s20, $0xb8;
	[tilespmem:$0x1DE20] =	vst v63  }
0x64: {  	s28 =	sadd.s32 $0x2710, s26  }
0x65: {  	[spmem:s2] =	stream.indirect.scatter.add.f32 [tilespmem:s17], [sflag:$0x3], $0x80, s28, s20, $0xb8;
	[tilespmem:$0x1DE20] =	vst v63  }
0x66: {  	_ =	swait.ge [sflag:s18], $0x2800  }
0x67: {  	[sflag:s18] =	ssyncset.done $0x0  }
0x68: {  	[sflag:s18] =	ssyncadd.s32 $0xFFFFD800  }
0x69: {  	_ =	swait.ge [sflag:s23], $0x2800  }
0x6a: {  	[sflag:s23] =	ssyncset.done $0x0  }
0x6b: {  	s28 =	sadd.s32 $0xA0, s26;
	[sflag:s23] =	ssyncadd.s32 $0xFFFFD800  }
0x6c: {  	[tilespmem:s17], [sflag:$0x1] =	stream.indirect.gather [hbm4b:s4+s20], $0x80, s28, s20, $0xb8;
	[tilespmem:$0x1DE20] =	vst v63  }
.Ltmp1:
0x6d: {  	_ = 	snop;
	(pc) =	sbr.rel @p0 .LBB2_4-.Ltmp1, $4  }
0x6e: {  	s26 =	sadd.s32 $0x2760, s26  }
0x6f: {  	[spmem:s2] =	stream.indirect.scatter.add.f32 [tilespmem:s22], [sflag:$0x3], $0x80, s26, s20, $0xb8;
	[tilespmem:$0x1DE20] =	vst v63  }
0x70: {  	_ =	swait.ge [sflag:s18], $0x2800  }
0x71: {  	[sflag:s18] =	ssyncset.done $0x0  }
0x72: {  	[sflag:s18] =	ssyncadd.s32 $0xFFFFD800  }
0x73: {  	_ =	swait.ge [sflag:s21], $0x2800  }
0x74: {  	[sflag:s21] =	ssyncset.done $0x0  }
0x75: {  	[sflag:s21] =	ssyncadd.s32 $0xFFFFD800  }
0x76: {  	[spmem:s2] =	stream.indirect.scatter.add.f32 [tilespmem:s17], [sflag:$0x3], $0x80, s24, s20, $0xb8;
	[tilespmem:$0x1DE20] =	vst v63  }
0x77: {  	_ =	swait.ge [sflag:s18], $0x2800  }
0x78: {  	s25 =	sshll.u32 s0, $0x6;
	s3 =	sadd.s32 $0x1, s3;
	[sflag:s18] =	ssyncset.done $0x0  }
0x79: {  	s26 =	sshrl.u32 s5, $0x3;
	p0 =	sne.s32 s3, s16;
	[sflag:s18] =	ssyncadd.s32 $0xFFFFD800  }
.Ltmp2:
0x7a: {  	s25 =	sor.u32 $0x1C03, s25;
	[bflag:$0x0] =	sbarrier.arrive $0xFFFF;
	(pc) =	sbr.rel @p0 .LBB2_1-.Ltmp2, $4  }
0x7b: {  	[hbm:s15], [sflag:s25] =	dma.local [spmem:s26], $0x2800  }
0x7c: {  	_ =	swait.ge [sflag:s18], $0x2800  }
0x7d: {  	[sflag:s18] =	ssyncset.done $0x0  }
0x7e: {  	[sflag:s18] =	ssyncadd.s32 $0xFFFFD800  }
0x7f: {  	_ =	sfence.sel $0x180000  }
0x80: {  	[bflag:$0x0] =	sbarrier.arrive $0xFFFF  }
0x81: {  	p0 =	sne.s32 s0, $0x0;
	_ =	strace $0x9000004A  }
0x82: {  	s0 =	sadd.s32 @!p0 $0x100000, s1;
	[bflag:$0x2] =	sbarrier.arrive $0xFFFF  }
0x83: {  	[sflag:s0] =	ssyncadd.tile.s32 @!p0 $0x1;
	_ =	shalt  }
.Lfunc_end2:
_tile_overlayer_lowered:
.L_overlay_start_2:
0x84: {  	(tag) =	ssettag $0x2  }
0x85: {  	s0 =	rddreg [dreg:$0x0];
	s2 =	stileid.u32  }
0x86: {  	s1 =	rddreg [dreg:$0x1];
	p0 =	sne.s32 s2, $0x0  }
0x87: {  	s3 =	rddreg [dreg:$0x2];
	[bflag:$0x3] =	sbarrier.arrive $0xFFFF;
	s2 =	simm.s32 @!p0 $0x1C03  }
0x88: {  	[timem:s3], [sflag:s2] =	dma.local @!p0 [hbm:s0], s1  }
0x89: {  	s0 =	simm.s32 @!p0 $0x3  }
0x8a: {  	_ =	swait.ge @!p0 [sflag:s0], s1  }
0x8b: {  	s1 =	ssub.s32 @!p0 $0x0, s1;
	[sflag:s0] =	ssyncset.done @!p0 $0x0  }
0x8c: {  	[sflag:s0] =	ssyncadd.s32 @!p0 s1  }
0x8d: {  	[bflag:$0x3] =	sbarrier.arrive $0xFFFF  }
0x8e: {  	_ =	shalt  }

// kernel: kernel.19.cloned.1.call-start
scs
__scs_entry_jumppad:
0x0: {  	(pc) =	sbr.rel $0x88, $3  }
0x1: {  	(tag) =	ssettag $0x0;
	lr =	simm.s32 $0x1  }
0x2: {  	[smem:$0x3F8C] =	sst lr;
	_ =	strace $0xD0000000  }
0x3: {  	_ = 	snop  }
0x4: {  	_ = 	snop  }
0x5: {  	_ = 	snop  }
0x6: {  	_ = 	snop  }
0x7: {  	_ = 	snop  }
__scs_overlays_trampoline_lowered:
0x8: {  	[smem:$0x3F9B] =	sst s0  }
0x9: {  	[smem:$0x3F9C] =	sst s1  }
0xa: {  	[smem:$0x3F9D] =	sst s2  }
0xb: {  	[smem:$0x3F9E] =	sst s3  }
0xc: {  	[smem:$0x3F9F] =	sst s4  }
0xd: {  	[smem:$0x3FA0] =	sst s5  }
0xe: {  	[smem:$0x3FA1] =	sst s6  }
0xf: {  	[smem:$0x3FA2] =	sst s7  }
0x10: {  	[smem:$0x3FA3] =	sst s8  }
0x11: {  	[smem:$0x3FA4] =	sst s9;
	s0 =	simm.s32 @!p0 $0x0  }
0x12: {  	s1 =	sld [smem:$0x3F8A];
	s0 =	simm.s32 @p0 $0x1  }
0x13: {  	[smem:$0x3FA5] =	sst s0;
	s0 =	simm.s32 @!p1 $0x0  }
0x14: {  	s2 =	sld [smem:$0x3F89];
	s0 =	simm.s32 @p1 $0x1  }
0x15: {  	[smem:$0x3FA6] =	sst s0;
	s0 =	simm.s32 @!p2 $0x0  }
0x16: {  	s3 =	sld [smem:$0x3FDB];
	s0 =	simm.s32 @p2 $0x1  }
0x17: {  	s4 =	simm.s32 $0x1BF5;
	[smem:$0x3FA8] =	sst s0  }
0x18: {  	s0 =	sld [smem:$0x3F8B];
	_ =	swait.ge [sflag:s4], $0x0  }
0x19: {  	s7 =	sld [smem:$0x3F8C]  }
0x1a: {  	s8 =	sadd.s32 $0xFFFFE003, lr  }
0x1b: {  	s9 =	sadd.s32 $0xFFFFFEF7, lr;
	s5 =	simm.s32 $0xFFFFFFFF;
	p2 =	slt.u32 s8, $0xFFFFF086  }
0x1c: {  	p1 =	slt.u32 s9, $0xF7A;
	s5 =	simm.s32 @!p2 $0x0  }
0x1d: {  	s5 =	simm.s32 @p1 $0x1;
	p0 =	seq.s32 s7, s2  }
0x1e: {  	s7 =	smul.u32 @!p0 $0xF7A, s2;
	p2 =	seq.s32 @!p0 s5, $0x0  }
0x1f: {  	s9 =	smul.u32 $0xF7A, s1;
	s8 =	simm.s32 @!p0 $0x1BF5;
	p2 =	por !p2, p0  }
0x20: {  	[sflag:s8] =	ssyncset.s32 @!p0 $0xFFFFF086;
	s6 =	sadd.s32 @!p0 s3, s7;
	s7 =	simm.s32 @!p0 $0x108  }
0x21: {  	s3 =	sadd.s32 s3, s9;
	s6 =	sadd.s32 @!p0 $0x88, s6;
	s7 =	simm.s32 @p2 $0x1082  }
0x22: {  	[simem:s7], [sflag:s8] =	dma.local @!p0 [hbm:s6], $0xF7A  }
0x23: {  	s9 =	sor.u32 $0xD0000000, s2;
	s6 =	simm.s32 $0x108;
	_ =	swait.ge @!p0 [sflag:s8], $0x0  }
0x24: {  	s3 =	sadd.s32 $0x88, s3;
	s6 =	simm.s32 @!p1 $0x1082;
	[sflag:s4] =	ssyncset.s32 $0xFFFFF086  }
0x25: {  	[simem:s6], [sflag:s4] =	dma.local [hbm:s3], $0xF7A  }
0x26: {  	[smem:$0x3F8C] =	sst s1;
	(tag) =	ssettag s2;
	_ =	strace s9  }
0x27: {  	s1 =	sld [smem:$0x3F9C]  }
0x28: {  	s2 =	sld [smem:$0x3F9D]  }
0x29: {  	s4 =	sld [smem:$0x3F9F]  }
0x2a: {  	p0 =	seq.s32 s5, $0x0;
	s5 =	sld [smem:$0x3FA0]  }
0x2b: {  	s6 =	sld [smem:$0x3FA1]  }
0x2c: {  	s7 =	sld [smem:$0x3FA2]  }
0x2d: {  	s3 =	simm.s32 $0x108;
	s8 =	sld [smem:$0x3FA3]  }
0x2e: {  	s3 =	simm.s32 @!p0 $0x1082;
	s9 =	sld [smem:$0x3FA4]  }
0x2f: {  	lr =	sadd.s32 s0, s3;
	s0 =	sld [smem:$0x3F9B]  }
0x30: {  	s3 =	sld [smem:$0x3F9E]  }
0x31: {  	[smem:$0x3FA7] =	sst s10  }
0x32: {  	s10 =	sld [smem:$0x3FA5];
	_ =	sdelay $0x3  }
0x33: {  	p0 =	seq.s32 s10, $0x1;
	s10 =	sld [smem:$0x3FA7];
	_ =	sdelay $0x3  }
0x34: {  	[smem:$0x3FA7] =	sst s10  }
0x35: {  	s10 =	sld [smem:$0x3FA6];
	_ =	sdelay $0x3  }
0x36: {  	p1 =	seq.s32 s10, $0x1;
	s10 =	sld [smem:$0x3FA7];
	_ =	sdelay $0x3  }
0x37: {  	[smem:$0x3FA7] =	sst s10  }
0x38: {  	s10 =	sld [smem:$0x3FA8]  }
0x39: {  	_ = 	snop;
	(pc) =	sbr.ind lr, $3  }
0x3a: {  	_ = 	snop  }
0x3b: {  	_ = 	snop  }
0x3c: {  	p2 =	seq.s32 s10, $0x1;
	s10 =	sld [smem:$0x3FA7]  }
0x3d: {  	_ =	shalt  }
0x3e: {  	_ =	shalt  }
0x3f: {  	_ =	shalt  }
0x40: {  	_ =	shalt  }
0x41: {  	_ =	shalt  }
0x42: {  	_ =	shalt  }
0x43: {  	_ =	shalt  }
0x44: {  	_ =	shalt  }
0x45: {  	_ =	shalt  }
0x46: {  	_ =	shalt  }
0x47: {  	_ =	shalt  }
0x48: {  	_ =	shalt  }
0x49: {  	_ =	shalt  }
0x4a: {  	_ =	shalt  }
0x4b: {  	_ =	shalt  }
0x4c: {  	_ =	shalt  }
0x4d: {  	_ =	shalt  }
0x4e: {  	_ =	shalt  }
0x4f: {  	_ =	shalt  }
0x50: {  	_ =	shalt  }
0x51: {  	_ =	shalt  }
0x52: {  	_ =	shalt  }
0x53: {  	_ =	shalt  }
0x54: {  	_ =	shalt  }
0x55: {  	_ =	shalt  }
0x56: {  	_ =	shalt  }
0x57: {  	_ =	shalt  }
0x58: {  	_ =	shalt  }
0x59: {  	_ =	shalt  }
0x5a: {  	_ =	shalt  }
0x5b: {  	_ =	shalt  }
0x5c: {  	_ =	shalt  }
0x5d: {  	_ =	shalt  }
0x5e: {  	_ =	shalt  }
0x5f: {  	_ =	shalt  }
0x60: {  	_ =	shalt  }
0x61: {  	_ =	shalt  }
0x62: {  	_ =	shalt  }
0x63: {  	_ =	shalt  }
0x64: {  	_ =	shalt  }
0x65: {  	_ =	shalt  }
0x66: {  	_ =	shalt  }
0x67: {  	_ =	shalt  }
0x68: {  	_ =	shalt  }
0x69: {  	_ =	shalt  }
0x6a: {  	_ =	shalt  }
0x6b: {  	_ =	shalt  }
0x6c: {  	_ =	shalt  }
0x6d: {  	_ =	shalt  }
0x6e: {  	_ =	shalt  }
0x6f: {  	_ =	shalt  }
0x70: {  	_ =	shalt  }
0x71: {  	_ =	shalt  }
0x72: {  	_ =	shalt  }
0x73: {  	_ =	shalt  }
0x74: {  	_ =	shalt  }
0x75: {  	_ =	shalt  }
0x76: {  	_ =	shalt  }
0x77: {  	_ =	shalt  }
0x78: {  	_ =	shalt  }
0x79: {  	_ =	shalt  }
0x7a: {  	_ =	shalt  }
0x7b: {  	_ =	shalt  }
0x7c: {  	_ =	shalt  }
0x7d: {  	_ =	shalt  }
0x7e: {  	_ =	shalt  }
0x7f: {  	_ =	shalt  }
0x80: {  	_ =	shalt  }
0x81: {  	_ =	shalt  }
0x82: {  	_ =	shalt  }
0x83: {  	_ =	shalt  }
0x84: {  	_ =	shalt  }
0x85: {  	_ =	shalt  }
0x86: {  	_ =	shalt  }
0x87: {  	_ =	shalt  }
.Lfunc_end0:
.L_simem_size_0:
called_computation.2_lowered:
.L_overlay_start_0:
0x88: {  	s2 =	sld [smem:$0x3FD9]  }
0x89: {  	s3 =	sld [smem:$0x3FFE];
	_ =	sdelay $0x1  }
0x8a: {  	s1 =	srdreg.scid  }
0x8b: {  	s0 =	sand.u32 $0x1, s1  }
0x8c: {  	s16 =	sshll.u32 s0, $0xA;
	s2 =	sadd.s32 s3, s2  }
0x8d: {  	s2 =	sadd.s32 s2, s16  }
0x8e: {  	[smem:$0x3FB3] =	sst s2  }
0x8f: {  	_ = 	snop  }
0x90: {  	(tm) =	ssettm $0x1  }
0x91: {  	s17 =	sld [smem:$0x3FFB];
	_ =	sdelay $0x3  }
0x92: {  	_ =	strace s17  }
0x93: {  	s2 =	sld [smem:$0x3FFC];
	_ =	sdelay $0x3  }
0x94: {  	_ =	strace s2  }
0x95: {  	s2 =	sld [smem:$0x3FFD];
	_ =	sdelay $0x3  }
0x96: {  	_ =	strace s2  }
0x97: {  	_ =	strace $0x8FFFFFFF  }
0x98: {  	s18 =	sld [smem:$0x3FDB];
	_ =	sdelay $0x1  }
0x99: {  	s19 =	simm.s32 $_scs_section_size  }
0x9a: {  	s4 =	simm.s32 $_size__tile_overlayer_lowered;
	s5 =	simm.s32 $_tile_overlayer_lowered  }
0x9b: {  	s22 =	simm.s32 $0x1BFF;
	s21 =	sshll.u32 s5, $0x1;
	s2 =	sadd.s32 s19, s18  }
0x9c: {  	s6 =	simm.s32 $0x0;
	s20 =	sshll.u32 s4, $0x1;
	s4 =	sadd.s32 s21, s2  }
0x9d: {  	[timem:s6], [sflag:s22] =	dma.local [hbm:s4], s20  }
0x9e: {  	_ =	swait.ge [sflag:s22], s20  }
0x9f: {  	s3 =	ssub.s32 $0x0, s20;
	[sflag:s22] =	ssyncset.done $0x0  }
0xa0: {  	[sflag:s22] =	ssyncadd.s32 s3;
	_ =	sdelay $0x1  }
0xa1: {  	s23 =	simm.s32 $0x1B8B  }
0xa2: {  	_ =	swait.ge [sflag:s23], $0x1  }
0xa3: {  	[sflag:s23] =	ssyncset.done $0x0  }
0xa4: {  	s25 =	simm.s32 $0x1B8E;
	s24 =	sld [smem:$0x3FFE];
	[sflag:s23] =	ssyncadd.s32 $0xFFFFFFFF  }
0xa5: {  	s26 =	simm.s32 $execute0_lowered;
	[smem:$0x3FD2] =	sst s25  }
0xa6: {  	s4 =	sshll.u32 s26, $0x1;
	_ =	strace $0x8000004C;
	[dreg:$0x1] =	wrdreg $0xFFFFFFFF  }
0xa7: {  	s28 =	simm.s32 $_size_execute0_lowered;
	s2 =	sadd.s32 s2, s4;
	[dreg:$0x0] =	wrdreg $0x0  }
0xa8: {  	s4 =	sshll.u32 s28, $0x1;
	[dreg:$0x2] =	wrdreg s2  }
0xa9: {  	[dreg:$0x3] =	wrdreg s4  }
0xaa: {  	[dreg:$0x4] =	wrdreg $0xC0  }
0xab: {  	_ =	task [dreg:s6], $0x5FFFF  }
0xac: {  	[dreg:$0x1] =	wrdreg $0xFFFFFFFF  }
0xad: {  	[dreg:$0x0] =	wrdreg $0x60  }
0xae: {  	[dreg:$0x2] =	wrdreg s24  }
0xaf: {  	[dreg:$0x3] =	wrdreg $0x9E200  }
0xb0: {  	[dreg:$0x4] =	wrdreg $0x9  }
0xb1: {  	_ =	task.clear_ibuf [dreg:s6], $0x5FFFF;
	_ =	strace $0x9000004C  }
0xb2: {  	s29 =	simm.s32 $0x9;
	_ =	strace $0x8000004E  }
0xb3: {  	_ =	swait.ge [sflag:s29], $0x1  }
0xb4: {  	[sflag:s29] =	ssyncadd.s32 $0xFFFFFFFF  }
0xb5: {  	_ =	strace $0x9000004E  }
0xb6: {  	_ =	sfence  }
0xb7: {  	s30 =	sld [smem:$0x0];
	_ =	sdelay $0x2  }
0xb8: {  	s31 =	sshll.u32 s1, $0xD;
	s1 =	sshrl.u32 s1, $0x2  }
0xb9: {  	s3 =	sand.u32 $0x4000, s31;
	s1 =	sadd.s32 s1, s30  }
0xba: {  	s0 =	sor.u32 s3, s0;
	s1 =	sshll.u32 s1, $0x11  }
0xbb: {  	s0 =	sor.u32 s1, s0  }
0xbc: {  	s0 =	sadd.s32 $0x8F2B, s0  }
0xbd: {  	[sflag:s0] =	ssyncadd.remote.s32 $0x1  }
0xbe: {  	_ =	sfence.sel $0xFFFF  }
0xbf: {  	[dreg:$0x0] =	wrdreg $0xFFFFFFFF;
	(pc) =	sbr.abs _section_cstart, $3  }
0xc0: {  	[dreg:$0x1] =	wrdreg $0xFFFFFFFF  }
0xc1: {  	_ =	task.clear_ibuf [dreg:s6], $0x2FFFF;
	_ =	strace $0x9FFFFFFF  }
0xc2: {  	(tm) =	ssettm $0x7FFFFFFF  }
0xc3: {  	_ =	shalt  }
tec
execute0_lowered:
.L_overlay_start_1:
0x0: {  	(tag) =	ssettag $0x1  }
0x1: {  	s6 =	rddreg [dreg:$0x0]  }
0x2: {  	s0 =	srdreg.scid;
	s2 =	rddreg [dreg:$0x1]  }
0x3: {  	s3 =	simm.s32 $0x0;
	s17 =	simm.s32 $0x4E20;
	s18 =	simm.s32 $0x3  }
0x4: {  	s19 =	simm.s32 $0x2710;
	s20 =	simm.s32 $0x50;
	s21 =	simm.s32 $0x1  }
0x5: {  	s22 =	simm.s32 $0x7620;
	s5 =	sand.u32 $0x1, s0;
	s0 =	stileid.u32  }
0x6: {  	s23 =	simm.s32 $0x2;
	s24 =	simm.s32 $0x4DD0;
	s7 =	smul.u32 $0x14000, s0  }
0x7: {  	[smem:$0x7FF] =	sst s3;
	s1 =	sshll.u32 s5, $0x4;
	s8 =	smul.u32 $0x140000, s5  }
0x8: {  	s9 =	smul.u32 $0x50000, s0;
	s5 =	ssub.s32 $0x2, s5;
	s1 =	sor.u32 s0, s1  }
0x9: {  	s31 =	sshrl.u32 s5, $0x1;
	s4 =	smul.u32 $0x4E2, s1;
	s1 =	rddreg [dreg:$0x2]  }
0xa: {  	_ =	strace $0x8000004D;
	s8 =	sadd.s32 s7, s8;
	s9 =	sshrl.u32 s9, $0x2  }
0xb: {  	s16 =	ssub.s32 s5, s31;
	s5 =	sadd.s32 s7, s2;
	s8 =	sshrl.u32 s8, $0x3  }
0xc: {  	s12 =	sadd.s32 s9, s2;
	s16 =	smax.u32 s16, $0x1;
	s14 =	sadd.s32 s4, s6  }
0xd: {  	s4 =	sadd.s32 $0x6AC00, s6;
	s15 =	sadd.s32 s8, s6;
	s6 =	sadd.s32 $0x2800, s12  }
0xe: {  	s7 =	sadd.s32 $0x5000, s12;
	s8 =	sadd.s32 $0x7800, s12;
	s9 =	sadd.s32 $0xA000, s12  }
0xf: {  	s10 =	sadd.s32 $0xC800, s12;
	s11 =	sadd.s32 $0xF000, s12;
	s12 =	sadd.s32 $0x11800, s12  }
0x10: {  	v0 =	vimm.f32 $0.0e+00;
	s13 =	sadd.s32 $0x7000, s14;
	s14 =	sadd.s32 $0x10E00, s14;
	s15 =	sadd.s32 $0x109000, s15  }
.LBB2_1:
0x11: {  	s25 =	simm.s32 $0x0;
	s26 =	simm.s32 $0x200  }
.LBB2_2:
0x12: {  	p0 =	sne.s32 s26, $0x9E00;
	[tilespmem:s25+$0x4E90] =	vst v0  }
0x13: {  	[tilespmem:s25+$0x4E20] =	vst v0  }
0x14: {  	[tilespmem:s25+$0x4E30] =	vst v0  }
.Ltmp0:
0x15: {  	[tilespmem:s25+$0x4E40] =	vst v0;
	(pc) =	sbr.rel @p0 .LBB2_2-.Ltmp0, $4  }
0x16: {  	[tilespmem:s25+$0x4E50] =	vst v0  }
0x17: {  	[tilespmem:s25+$0x4E60] =	vst v0  }
0x18: {  	[tilespmem:s25+$0x4E70] =	vst v0  }
0x19: {  	[tilespmem:s25+$0x4E80] =	vst v0;
	s25 =	sshra.s32 s26, $0x2;
	s26 =	sadd.s32 $0x200, s26  }
0x1a: {  	[tilespmem:s25+$0x4E90] =	vst v0  }
0x1b: {  	[tilespmem:s25+$0x4E20] =	vst v0  }
0x1c: {  	[tilespmem:s25+$0x4E30] =	vst v0  }
0x1d: {  	[tilespmem:s25+$0x4E40] =	vst v0  }
0x1e: {  	[tilespmem:s25+$0x4E50] =	vst v0  }
0x1f: {  	[tilespmem:s25+$0x4E60] =	vst v0  }
0x20: {  	[tilespmem:s25+$0x4E70] =	vst v0  }
0x21: {  	[tilespmem:s25+$0x4E80] =	vst v0  }
0x22: {  	[spmem:s5] =	stream.linear.scatter [tilespmem:s17], [sflag:$0x3], $0x2800, $0x38;
	[tilespmem:$0x1DE20] =	vst v63  }
0x23: {  	_ =	swait.ge [sflag:s18], $0x2800  }
0x24: {  	[sflag:s18] =	ssyncset.done $0x0  }
0x25: {  	[sflag:s18] =	ssyncadd.s32 $0xFFFFD800  }
0x26: {  	[spmem:s6] =	stream.linear.scatter [tilespmem:s17], [sflag:$0x3], $0x2800, $0x38;
	[tilespmem:$0x1DE20] =	vst v63  }
0x27: {  	_ =	swait.ge [sflag:s18], $0x2800  }
0x28: {  	[sflag:s18] =	ssyncset.done $0x0  }
0x29: {  	[sflag:s18] =	ssyncadd.s32 $0xFFFFD800  }
0x2a: {  	[spmem:s7] =	stream.linear.scatter [tilespmem:s17], [sflag:$0x3], $0x2800, $0x38;
	[tilespmem:$0x1DE20] =	vst v63  }
0x2b: {  	_ =	swait.ge [sflag:s18], $0x2800  }
0x2c: {  	[sflag:s18] =	ssyncset.done $0x0  }
0x2d: {  	[sflag:s18] =	ssyncadd.s32 $0xFFFFD800  }
0x2e: {  	[spmem:s8] =	stream.linear.scatter [tilespmem:s17], [sflag:$0x3], $0x2800, $0x38;
	[tilespmem:$0x1DE20] =	vst v63  }
0x2f: {  	_ =	swait.ge [sflag:s18], $0x2800  }
0x30: {  	[sflag:s18] =	ssyncset.done $0x0  }
0x31: {  	[sflag:s18] =	ssyncadd.s32 $0xFFFFD800  }
0x32: {  	[spmem:s9] =	stream.linear.scatter [tilespmem:s17], [sflag:$0x3], $0x2800, $0x38;
	[tilespmem:$0x1DE20] =	vst v63  }
0x33: {  	_ =	swait.ge [sflag:s18], $0x2800  }
0x34: {  	[sflag:s18] =	ssyncset.done $0x0  }
0x35: {  	[sflag:s18] =	ssyncadd.s32 $0xFFFFD800  }
0x36: {  	[spmem:s10] =	stream.linear.scatter [tilespmem:s17], [sflag:$0x3], $0x2800, $0x38;
	[tilespmem:$0x1DE20] =	vst v63  }
0x37: {  	_ =	swait.ge [sflag:s18], $0x2800  }
0x38: {  	[sflag:s18] =	ssyncset.done $0x0  }
0x39: {  	[sflag:s18] =	ssyncadd.s32 $0xFFFFD800  }
0x3a: {  	[spmem:s11] =	stream.linear.scatter [tilespmem:s17], [sflag:$0x3], $0x2800, $0x38;
	[tilespmem:$0x1DE20] =	vst v63  }
0x3b: {  	_ =	swait.ge [sflag:s18], $0x2800  }
0x3c: {  	[sflag:s18] =	ssyncset.done $0x0  }
0x3d: {  	[sflag:s18] =	ssyncadd.s32 $0xFFFFD800  }
0x3e: {  	[spmem:s12] =	stream.linear.scatter [tilespmem:s17], [sflag:$0x3], $0x2800, $0x38;
	[tilespmem:$0x1DE20] =	vst v63  }
0x3f: {  	_ =	swait.ge [sflag:s18], $0x2800  }
0x40: {  	[sflag:s18] =	ssyncset.done $0x0  }
0x41: {  	[sflag:s18] =	ssyncadd.s32 $0xFFFFD800  }
0x42: {  	s26 =	simm.s32 $0x0;
	[bflag:$0x0] =	sbarrier.arrive $0xFFFF  }
0x43: {  	[tilespmem:s26], [sflag:$0x3] =	stream.linear.gather [hbm4b:s13+s26], $0x2710, $0x38;
	[tilespmem:$0x1DE20] =	vst v63  }
0x44: {  	_ =	swait.ge [sflag:s18], $0x2710  }
0x45: {  	[sflag:s18] =	ssyncset.done $0x0  }
0x46: {  	[sflag:s18] =	ssyncadd.s32 $0xFFFFD8F0  }
0x47: {  	[tilespmem:s19], [sflag:$0x3] =	stream.linear.gather [hbm4b:s14+s26], $0x2710, $0x38;
	[tilespmem:$0x1DE20] =	vst v63  }
0x48: {  	_ =	swait.ge [sflag:s18], $0x2710  }
0x49: {  	[sflag:s18] =	ssyncset.done $0x0  }
0x4a: {  	[sflag:s18] =	ssyncadd.s32 $0xFFFFD8F0  }
0x4b: {  	[tilespmem:s17], [sflag:$0x1] =	stream.indirect.gather [hbm4b:s4+s20], $0x80, s26, s20, $0xb8;
	[tilespmem:$0x1DE20] =	vst v63  }
0x4c: {  	_ =	swait.ge [sflag:s21], $0x2800  }
0x4d: {  	[sflag:s21] =	ssyncset.done $0x0  }
0x4e: {  	s28 =	simm.s32 $0x50;
	[sflag:s21] =	ssyncadd.s32 $0xFFFFD800  }
0x4f: {  	[tilespmem:s22], [sflag:$0x2] =	stream.indirect.gather [hbm4b:s4+s20], $0x80, s28, s20, $0xb8;
	[tilespmem:$0x1DE20] =	vst v63  }
0x50: {  	s29 =	simm.s32 $0x2710  }
0x51: {  	[spmem:s2] =	stream.indirect.scatter.add.f32 [tilespmem:s17], [sflag:$0x3], $0x80, s29, s20, $0xb8;
	[tilespmem:$0x1DE20] =	vst v63  }
0x52: {  	_ =	swait.ge [sflag:s18], $0x2800  }
0x53: {  	[sflag:s18] =	ssyncset.done $0x0  }
0x54: {  	[sflag:s18] =	ssyncadd.s32 $0xFFFFD800  }
0x55: {  	_ =	swait.ge [sflag:s23], $0x2800  }
0x56: {  	[sflag:s23] =	ssyncset.done $0x0  }
0x57: {  	s30 =	simm.s32 $0xA0;
	[sflag:s23] =	ssyncadd.s32 $0xFFFFD800  }
0x58: {  	[tilespmem:s17], [sflag:$0x1] =	stream.indirect.gather [hbm4b:s4+s20], $0x80, s30, s20, $0xb8;
	[tilespmem:$0x1DE20] =	vst v63  }
0x59: {  	s31 =	simm.s32 $0x2760  }
0x5a: {  	[spmem:s2] =	stream.indirect.scatter.add.f32 [tilespmem:s22], [sflag:$0x3], $0x80, s31, s20, $0xb8;
	[tilespmem:$0x1DE20] =	vst v63  }
0x5b: {  	_ =	swait.ge [sflag:s18], $0x2800  }
0x5c: {  	s25 =	simm.s32 $0x280;
	[sflag:s18] =	ssyncset.done $0x0  }
.LBB2_4:
0x5d: {  	p0 =	sne.s32 s25, $0x9880  }
0x5e: {  	[sflag:s18] =	ssyncadd.s32 $0xFFFFD800;
	s26 =	smov.u32 s25;
	s25 =	sadd.s32 $0x280, s25  }
0x5f: {  	_ = 	snop  }
0x60: {  	_ =	swait.ge [sflag:s21], $0x2800  }
0x61: {  	s26 =	sshra.s32 s26, $0x2;
	[sflag:s21] =	ssyncset.done $0x0  }
0x62: {  	s28 =	sadd.s32 $0x50, s26;
	[sflag:s21] =	ssyncadd.s32 $0xFFFFD800  }
0x63: {  	[tilespmem:s22], [sflag:$0x2] =	stream.indirect.gather [hbm4b:s4+s20], $0x80, s28, s20, $0xb8;
	[tilespmem:$0x1DE20] =	vst v63  }
0x64: {  	s28 =	sadd.s32 $0x2710, s26  }
0x65: {  	[spmem:s2] =	stream.indirect.scatter.add.f32 [tilespmem:s17], [sflag:$0x3], $0x80, s28, s20, $0xb8;
	[tilespmem:$0x1DE20] =	vst v63  }
0x66: {  	_ =	swait.ge [sflag:s18], $0x2800  }
0x67: {  	[sflag:s18] =	ssyncset.done $0x0  }
0x68: {  	[sflag:s18] =	ssyncadd.s32 $0xFFFFD800  }
0x69: {  	_ =	swait.ge [sflag:s23], $0x2800  }
0x6a: {  	[sflag:s23] =	ssyncset.done $0x0  }
0x6b: {  	s28 =	sadd.s32 $0xA0, s26;
	[sflag:s23] =	ssyncadd.s32 $0xFFFFD800  }
0x6c: {  	[tilespmem:s17], [sflag:$0x1] =	stream.indirect.gather [hbm4b:s4+s20], $0x80, s28, s20, $0xb8;
	[tilespmem:$0x1DE20] =	vst v63  }
.Ltmp1:
0x6d: {  	_ = 	snop;
	(pc) =	sbr.rel @p0 .LBB2_4-.Ltmp1, $4  }
0x6e: {  	s26 =	sadd.s32 $0x2760, s26  }
0x6f: {  	[spmem:s2] =	stream.indirect.scatter.add.f32 [tilespmem:s22], [sflag:$0x3], $0x80, s26, s20, $0xb8;
	[tilespmem:$0x1DE20] =	vst v63  }
0x70: {  	_ =	swait.ge [sflag:s18], $0x2800  }
0x71: {  	[sflag:s18] =	ssyncset.done $0x0  }
0x72: {  	[sflag:s18] =	ssyncadd.s32 $0xFFFFD800  }
0x73: {  	_ =	swait.ge [sflag:s21], $0x2800  }
0x74: {  	[sflag:s21] =	ssyncset.done $0x0  }
0x75: {  	[sflag:s21] =	ssyncadd.s32 $0xFFFFD800  }
0x76: {  	[spmem:s2] =	stream.indirect.scatter.add.f32 [tilespmem:s17], [sflag:$0x3], $0x80, s24, s20, $0xb8;
	[tilespmem:$0x1DE20] =	vst v63  }
0x77: {  	_ =	swait.ge [sflag:s18], $0x2800  }
0x78: {  	s25 =	sshll.u32 s0, $0x6;
	s3 =	sadd.s32 $0x1, s3;
	[sflag:s18] =	ssyncset.done $0x0  }
0x79: {  	s26 =	sshrl.u32 s5, $0x3;
	p0 =	sne.s32 s3, s16;
	[sflag:s18] =	ssyncadd.s32 $0xFFFFD800  }
.Ltmp2:
0x7a: {  	s25 =	sor.u32 $0x1C03, s25;
	[bflag:$0x0] =	sbarrier.arrive $0xFFFF;
	(pc) =	sbr.rel @p0 .LBB2_1-.Ltmp2, $4  }
0x7b: {  	[hbm:s15], [sflag:s25] =	dma.local [spmem:s26], $0x2800  }
0x7c: {  	_ =	swait.ge [sflag:s18], $0x2800  }
0x7d: {  	[sflag:s18] =	ssyncset.done $0x0  }
0x7e: {  	[sflag:s18] =	ssyncadd.s32 $0xFFFFD800  }
0x7f: {  	_ =	sfence.sel $0x180000  }
0x80: {  	[bflag:$0x0] =	sbarrier.arrive $0xFFFF  }
0x81: {  	p0 =	sne.s32 s0, $0x0;
	_ =	strace $0x9000004D  }
0x82: {  	s0 =	sadd.s32 @!p0 $0x100000, s1;
	[bflag:$0x2] =	sbarrier.arrive $0xFFFF  }
0x83: {  	[sflag:s0] =	ssyncadd.tile.s32 @!p0 $0x1;
	_ =	shalt  }
.Lfunc_end2:
_tile_overlayer_lowered:
.L_overlay_start_2:
0x84: {  	(tag) =	ssettag $0x2  }
0x85: {  	s0 =	rddreg [dreg:$0x0];
	s2 =	stileid.u32  }
0x86: {  	s1 =	rddreg [dreg:$0x1];
	p0 =	sne.s32 s2, $0x0  }
0x87: {  	s3 =	rddreg [dreg:$0x2];
	[bflag:$0x3] =	sbarrier.arrive $0xFFFF;
	s2 =	simm.s32 @!p0 $0x1C03  }
0x88: {  	[timem:s3], [sflag:s2] =	dma.local @!p0 [hbm:s0], s1  }
0x89: {  	s0 =	simm.s32 @!p0 $0x3  }
0x8a: {  	_ =	swait.ge @!p0 [sflag:s0], s1  }
0x8b: {  	s1 =	ssub.s32 @!p0 $0x0, s1;
	[sflag:s0] =	ssyncset.done @!p0 $0x0  }
0x8c: {  	[sflag:s0] =	ssyncadd.s32 @!p0 s1  }
0x8d: {  	[bflag:$0x3] =	sbarrier.arrive $0xFFFF  }
0x8e: {  	_ =	shalt  }

// kernel: kernel.22.cloned.1.call-start
scs
__scs_entry_jumppad:
0x0: {  	(pc) =	sbr.rel $0x88, $3  }
0x1: {  	(tag) =	ssettag $0x0;
	lr =	simm.s32 $0x1  }
0x2: {  	[smem:$0x3F8C] =	sst lr;
	_ =	strace $0xD0000000  }
0x3: {  	_ = 	snop  }
0x4: {  	_ = 	snop  }
0x5: {  	_ = 	snop  }
0x6: {  	_ = 	snop  }
0x7: {  	_ = 	snop  }
__scs_overlays_trampoline_lowered:
0x8: {  	[smem:$0x3F9B] =	sst s0  }
0x9: {  	[smem:$0x3F9C] =	sst s1  }
0xa: {  	[smem:$0x3F9D] =	sst s2  }
0xb: {  	[smem:$0x3F9E] =	sst s3  }
0xc: {  	[smem:$0x3F9F] =	sst s4  }
0xd: {  	[smem:$0x3FA0] =	sst s5  }
0xe: {  	[smem:$0x3FA1] =	sst s6  }
0xf: {  	[smem:$0x3FA2] =	sst s7  }
0x10: {  	[smem:$0x3FA3] =	sst s8  }
0x11: {  	[smem:$0x3FA4] =	sst s9;
	s0 =	simm.s32 @!p0 $0x0  }
0x12: {  	s1 =	sld [smem:$0x3F8A];
	s0 =	simm.s32 @p0 $0x1  }
0x13: {  	[smem:$0x3FA5] =	sst s0;
	s0 =	simm.s32 @!p1 $0x0  }
0x14: {  	s2 =	sld [smem:$0x3F89];
	s0 =	simm.s32 @p1 $0x1  }
0x15: {  	[smem:$0x3FA6] =	sst s0;
	s0 =	simm.s32 @!p2 $0x0  }
0x16: {  	s3 =	sld [smem:$0x3FDB];
	s0 =	simm.s32 @p2 $0x1  }
0x17: {  	s4 =	simm.s32 $0x1BF5;
	[smem:$0x3FA8] =	sst s0  }
0x18: {  	s0 =	sld [smem:$0x3F8B];
	_ =	swait.ge [sflag:s4], $0x0  }
0x19: {  	s7 =	sld [smem:$0x3F8C]  }
0x1a: {  	s8 =	sadd.s32 $0xFFFFE003, lr  }
0x1b: {  	s9 =	sadd.s32 $0xFFFFFEF7, lr;
	s5 =	simm.s32 $0xFFFFFFFF;
	p2 =	slt.u32 s8, $0xFFFFF086  }
0x1c: {  	p1 =	slt.u32 s9, $0xF7A;
	s5 =	simm.s32 @!p2 $0x0  }
0x1d: {  	s5 =	simm.s32 @p1 $0x1;
	p0 =	seq.s32 s7, s2  }
0x1e: {  	s7 =	smul.u32 @!p0 $0xF7A, s2;
	p2 =	seq.s32 @!p0 s5, $0x0  }
0x1f: {  	s9 =	smul.u32 $0xF7A, s1;
	s8 =	simm.s32 @!p0 $0x1BF5;
	p2 =	por !p2, p0  }
0x20: {  	[sflag:s8] =	ssyncset.s32 @!p0 $0xFFFFF086;
	s6 =	sadd.s32 @!p0 s3, s7;
	s7 =	simm.s32 @!p0 $0x108  }
0x21: {  	s3 =	sadd.s32 s3, s9;
	s6 =	sadd.s32 @!p0 $0x88, s6;
	s7 =	simm.s32 @p2 $0x1082  }
0x22: {  	[simem:s7], [sflag:s8] =	dma.local @!p0 [hbm:s6], $0xF7A  }
0x23: {  	s9 =	sor.u32 $0xD0000000, s2;
	s6 =	simm.s32 $0x108;
	_ =	swait.ge @!p0 [sflag:s8], $0x0  }
0x24: {  	s3 =	sadd.s32 $0x88, s3;
	s6 =	simm.s32 @!p1 $0x1082;
	[sflag:s4] =	ssyncset.s32 $0xFFFFF086  }
0x25: {  	[simem:s6], [sflag:s4] =	dma.local [hbm:s3], $0xF7A  }
0x26: {  	[smem:$0x3F8C] =	sst s1;
	(tag) =	ssettag s2;
	_ =	strace s9  }
0x27: {  	s1 =	sld [smem:$0x3F9C]  }
0x28: {  	s2 =	sld [smem:$0x3F9D]  }
0x29: {  	s4 =	sld [smem:$0x3F9F]  }
0x2a: {  	p0 =	seq.s32 s5, $0x0;
	s5 =	sld [smem:$0x3FA0]  }
0x2b: {  	s6 =	sld [smem:$0x3FA1]  }
0x2c: {  	s7 =	sld [smem:$0x3FA2]  }
0x2d: {  	s3 =	simm.s32 $0x108;
	s8 =	sld [smem:$0x3FA3]  }
0x2e: {  	s3 =	simm.s32 @!p0 $0x1082;
	s9 =	sld [smem:$0x3FA4]  }
0x2f: {  	lr =	sadd.s32 s0, s3;
	s0 =	sld [smem:$0x3F9B]  }
0x30: {  	s3 =	sld [smem:$0x3F9E]  }
0x31: {  	[smem:$0x3FA7] =	sst s10  }
0x32: {  	s10 =	sld [smem:$0x3FA5];
	_ =	sdelay $0x3  }
0x33: {  	p0 =	seq.s32 s10, $0x1;
	s10 =	sld [smem:$0x3FA7];
	_ =	sdelay $0x3  }
0x34: {  	[smem:$0x3FA7] =	sst s10  }
0x35: {  	s10 =	sld [smem:$0x3FA6];
	_ =	sdelay $0x3  }
0x36: {  	p1 =	seq.s32 s10, $0x1;
	s10 =	sld [smem:$0x3FA7];
	_ =	sdelay $0x3  }
0x37: {  	[smem:$0x3FA7] =	sst s10  }
0x38: {  	s10 =	sld [smem:$0x3FA8]  }
0x39: {  	_ = 	snop;
	(pc) =	sbr.ind lr, $3  }
0x3a: {  	_ = 	snop  }
0x3b: {  	_ = 	snop  }
0x3c: {  	p2 =	seq.s32 s10, $0x1;
	s10 =	sld [smem:$0x3FA7]  }
0x3d: {  	_ =	shalt  }
0x3e: {  	_ =	shalt  }
0x3f: {  	_ =	shalt  }
0x40: {  	_ =	shalt  }
0x41: {  	_ =	shalt  }
0x42: {  	_ =	shalt  }
0x43: {  	_ =	shalt  }
0x44: {  	_ =	shalt  }
0x45: {  	_ =	shalt  }
0x46: {  	_ =	shalt  }
0x47: {  	_ =	shalt  }
0x48: {  	_ =	shalt  }
0x49: {  	_ =	shalt  }
0x4a: {  	_ =	shalt  }
0x4b: {  	_ =	shalt  }
0x4c: {  	_ =	shalt  }
0x4d: {  	_ =	shalt  }
0x4e: {  	_ =	shalt  }
0x4f: {  	_ =	shalt  }
0x50: {  	_ =	shalt  }
0x51: {  	_ =	shalt  }
0x52: {  	_ =	shalt  }
0x53: {  	_ =	shalt  }
0x54: {  	_ =	shalt  }
0x55: {  	_ =	shalt  }
0x56: {  	_ =	shalt  }
0x57: {  	_ =	shalt  }
0x58: {  	_ =	shalt  }
0x59: {  	_ =	shalt  }
0x5a: {  	_ =	shalt  }
0x5b: {  	_ =	shalt  }
0x5c: {  	_ =	shalt  }
0x5d: {  	_ =	shalt  }
0x5e: {  	_ =	shalt  }
0x5f: {  	_ =	shalt  }
0x60: {  	_ =	shalt  }
0x61: {  	_ =	shalt  }
0x62: {  	_ =	shalt  }
0x63: {  	_ =	shalt  }
0x64: {  	_ =	shalt  }
0x65: {  	_ =	shalt  }
0x66: {  	_ =	shalt  }
0x67: {  	_ =	shalt  }
0x68: {  	_ =	shalt  }
0x69: {  	_ =	shalt  }
0x6a: {  	_ =	shalt  }
0x6b: {  	_ =	shalt  }
0x6c: {  	_ =	shalt  }
0x6d: {  	_ =	shalt  }
0x6e: {  	_ =	shalt  }
0x6f: {  	_ =	shalt  }
0x70: {  	_ =	shalt  }
0x71: {  	_ =	shalt  }
0x72: {  	_ =	shalt  }
0x73: {  	_ =	shalt  }
0x74: {  	_ =	shalt  }
0x75: {  	_ =	shalt  }
0x76: {  	_ =	shalt  }
0x77: {  	_ =	shalt  }
0x78: {  	_ =	shalt  }
0x79: {  	_ =	shalt  }
0x7a: {  	_ =	shalt  }
0x7b: {  	_ =	shalt  }
0x7c: {  	_ =	shalt  }
0x7d: {  	_ =	shalt  }
0x7e: {  	_ =	shalt  }
0x7f: {  	_ =	shalt  }
0x80: {  	_ =	shalt  }
0x81: {  	_ =	shalt  }
0x82: {  	_ =	shalt  }
0x83: {  	_ =	shalt  }
0x84: {  	_ =	shalt  }
0x85: {  	_ =	shalt  }
0x86: {  	_ =	shalt  }
0x87: {  	_ =	shalt  }
.Lfunc_end0:
.L_simem_size_0:
called_computation.3_lowered:
.L_overlay_start_0:
0x88: {  	s2 =	sld [smem:$0x3FD9]  }
0x89: {  	s3 =	sld [smem:$0x3FFE];
	_ =	sdelay $0x1  }
0x8a: {  	s1 =	srdreg.scid  }
0x8b: {  	s0 =	sand.u32 $0x1, s1  }
0x8c: {  	s16 =	sshll.u32 s0, $0xA;
	s2 =	sadd.s32 s3, s2  }
0x8d: {  	s2 =	sadd.s32 s2, s16  }
0x8e: {  	[smem:$0x3FB3] =	sst s2  }
0x8f: {  	_ = 	snop  }
0x90: {  	(tm) =	ssettm $0x1  }
0x91: {  	s17 =	sld [smem:$0x3FFB];
	_ =	sdelay $0x3  }
0x92: {  	_ =	strace s17  }
0x93: {  	s2 =	sld [smem:$0x3FFC];
	_ =	sdelay $0x3  }
0x94: {  	_ =	strace s2  }
0x95: {  	s2 =	sld [smem:$0x3FFD];
	_ =	sdelay $0x3  }
0x96: {  	_ =	strace s2  }
0x97: {  	_ =	strace $0x8FFFFFFF  }
0x98: {  	s18 =	sld [smem:$0x3FDB];
	_ =	sdelay $0x1  }
0x99: {  	s19 =	simm.s32 $_scs_section_size  }
0x9a: {  	s4 =	simm.s32 $_size__tile_overlayer_lowered;
	s5 =	simm.s32 $_tile_overlayer_lowered  }
0x9b: {  	s22 =	simm.s32 $0x1BFF;
	s21 =	sshll.u32 s5, $0x1;
	s2 =	sadd.s32 s19, s18  }
0x9c: {  	s6 =	simm.s32 $0x0;
	s20 =	sshll.u32 s4, $0x1;
	s4 =	sadd.s32 s21, s2  }
0x9d: {  	[timem:s6], [sflag:s22] =	dma.local [hbm:s4], s20  }
0x9e: {  	_ =	swait.ge [sflag:s22], s20  }
0x9f: {  	s3 =	ssub.s32 $0x0, s20;
	[sflag:s22] =	ssyncset.done $0x0  }
0xa0: {  	[sflag:s22] =	ssyncadd.s32 s3;
	_ =	sdelay $0x1  }
0xa1: {  	s23 =	simm.s32 $0x1B8B  }
0xa2: {  	_ =	swait.ge [sflag:s23], $0x1  }
0xa3: {  	[sflag:s23] =	ssyncset.done $0x0  }
0xa4: {  	s25 =	simm.s32 $0x1B8E;
	s24 =	sld [smem:$0x3FFE];
	[sflag:s23] =	ssyncadd.s32 $0xFFFFFFFF  }
0xa5: {  	s26 =	simm.s32 $execute0_lowered;
	[smem:$0x3FD2] =	sst s25  }
0xa6: {  	s4 =	sshll.u32 s26, $0x1;
	_ =	strace $0x8000004F;
	[dreg:$0x1] =	wrdreg $0xFFFFFFFF  }
0xa7: {  	s28 =	simm.s32 $_size_execute0_lowered;
	s2 =	sadd.s32 s2, s4;
	[dreg:$0x0] =	wrdreg $0x0  }
0xa8: {  	s4 =	sshll.u32 s28, $0x1;
	[dreg:$0x2] =	wrdreg s2  }
0xa9: {  	[dreg:$0x3] =	wrdreg s4  }
0xaa: {  	[dreg:$0x4] =	wrdreg $0xC0  }
0xab: {  	_ =	task [dreg:s6], $0x5FFFF  }
0xac: {  	[dreg:$0x1] =	wrdreg $0xFFFFFFFF  }
0xad: {  	[dreg:$0x0] =	wrdreg $0x60  }
0xae: {  	[dreg:$0x2] =	wrdreg s24  }
0xaf: {  	[dreg:$0x3] =	wrdreg $0x9E200  }
0xb0: {  	[dreg:$0x4] =	wrdreg $0x9  }
0xb1: {  	_ =	task.clear_ibuf [dreg:s6], $0x5FFFF;
	_ =	strace $0x9000004F  }
0xb2: {  	s29 =	simm.s32 $0x9;
	_ =	strace $0x80000051  }
0xb3: {  	_ =	swait.ge [sflag:s29], $0x1  }
0xb4: {  	[sflag:s29] =	ssyncadd.s32 $0xFFFFFFFF  }
0xb5: {  	_ =	strace $0x90000051  }
0xb6: {  	_ =	sfence  }
0xb7: {  	s30 =	sld [smem:$0x0];
	_ =	sdelay $0x2  }
0xb8: {  	s31 =	sshll.u32 s1, $0xD;
	s1 =	sshrl.u32 s1, $0x2  }
0xb9: {  	s3 =	sand.u32 $0x4000, s31;
	s1 =	sadd.s32 s1, s30  }
0xba: {  	s0 =	sor.u32 s3, s0;
	s1 =	sshll.u32 s1, $0x11  }
0xbb: {  	s0 =	sor.u32 s1, s0  }
0xbc: {  	s0 =	sadd.s32 $0x8F2B, s0  }
0xbd: {  	[sflag:s0] =	ssyncadd.remote.s32 $0x1  }
0xbe: {  	_ =	sfence.sel $0xFFFF  }
0xbf: {  	[dreg:$0x0] =	wrdreg $0xFFFFFFFF;
	(pc) =	sbr.abs _section_cstart, $3  }
0xc0: {  	[dreg:$0x1] =	wrdreg $0xFFFFFFFF  }
0xc1: {  	_ =	task.clear_ibuf [dreg:s6], $0x2FFFF;
	_ =	strace $0x9FFFFFFF  }
0xc2: {  	(tm) =	ssettm $0x7FFFFFFF  }
0xc3: {  	_ =	shalt  }
tec
execute0_lowered:
.L_overlay_start_1:
0x0: {  	(tag) =	ssettag $0x1  }
0x1: {  	s6 =	rddreg [dreg:$0x0]  }
0x2: {  	s0 =	srdreg.scid;
	s2 =	rddreg [dreg:$0x1]  }
0x3: {  	s3 =	simm.s32 $0x0;
	s17 =	simm.s32 $0x4E20;
	s18 =	simm.s32 $0x3  }
0x4: {  	s19 =	simm.s32 $0x2710;
	s20 =	simm.s32 $0x50;
	s21 =	simm.s32 $0x1  }
0x5: {  	s22 =	simm.s32 $0x7620;
	s5 =	sand.u32 $0x1, s0;
	s0 =	stileid.u32  }
0x6: {  	s23 =	simm.s32 $0x2;
	s24 =	simm.s32 $0x4DD0;
	s7 =	smul.u32 $0x14000, s0  }
0x7: {  	[smem:$0x7FF] =	sst s3;
	s1 =	sshll.u32 s5, $0x4;
	s8 =	smul.u32 $0x140000, s5  }
0x8: {  	s9 =	smul.u32 $0x50000, s0;
	s5 =	ssub.s32 $0x2, s5;
	s1 =	sor.u32 s0, s1  }
0x9: {  	s31 =	sshrl.u32 s5, $0x1;
	s4 =	smul.u32 $0x4E2, s1;
	s1 =	rddreg [dreg:$0x2]  }
0xa: {  	_ =	strace $0x80000050;
	s8 =	sadd.s32 s7, s8;
	s9 =	sshrl.u32 s9, $0x2  }
0xb: {  	s16 =	ssub.s32 s5, s31;
	s5 =	sadd.s32 s7, s2;
	s8 =	sshrl.u32 s8, $0x3  }
0xc: {  	s12 =	sadd.s32 s9, s2;
	s16 =	smax.u32 s16, $0x1;
	s14 =	sadd.s32 s4, s6  }
0xd: {  	s4 =	sadd.s32 $0x6AC00, s6;
	s15 =	sadd.s32 s8, s6;
	s6 =	sadd.s32 $0x2800, s12  }
0xe: {  	s7 =	sadd.s32 $0x5000, s12;
	s8 =	sadd.s32 $0x7800, s12;
	s9 =	sadd.s32 $0xA000, s12  }
0xf: {  	s10 =	sadd.s32 $0xC800, s12;
	s11 =	sadd.s32 $0xF000, s12;
	s12 =	sadd.s32 $0x11800, s12  }
0x10: {  	v0 =	vimm.f32 $0.0e+00;
	s13 =	sadd.s32 $0x7000, s14;
	s14 =	sadd.s32 $0x10E00, s14;
	s15 =	sadd.s32 $0x109000, s15  }
.LBB2_1:
0x11: {  	s25 =	simm.s32 $0x0;
	s26 =	simm.s32 $0x200  }
.LBB2_2:
0x12: {  	p0 =	sne.s32 s26, $0x9E00;
	[tilespmem:s25+$0x4E90] =	vst v0  }
0x13: {  	[tilespmem:s25+$0x4E20] =	vst v0  }
0x14: {  	[tilespmem:s25+$0x4E30] =	vst v0  }
.Ltmp0:
0x15: {  	[tilespmem:s25+$0x4E40] =	vst v0;
	(pc) =	sbr.rel @p0 .LBB2_2-.Ltmp0, $4  }
0x16: {  	[tilespmem:s25+$0x4E50] =	vst v0  }
0x17: {  	[tilespmem:s25+$0x4E60] =	vst v0  }
0x18: {  	[tilespmem:s25+$0x4E70] =	vst v0  }
0x19: {  	[tilespmem:s25+$0x4E80] =	vst v0;
	s25 =	sshra.s32 s26, $0x2;
	s26 =	sadd.s32 $0x200, s26  }
0x1a: {  	[tilespmem:s25+$0x4E90] =	vst v0  }
0x1b: {  	[tilespmem:s25+$0x4E20] =	vst v0  }
0x1c: {  	[tilespmem:s25+$0x4E30] =	vst v0  }
0x1d: {  	[tilespmem:s25+$0x4E40] =	vst v0  }
0x1e: {  	[tilespmem:s25+$0x4E50] =	vst v0  }
0x1f: {  	[tilespmem:s25+$0x4E60] =	vst v0  }
0x20: {  	[tilespmem:s25+$0x4E70] =	vst v0  }
0x21: {  	[tilespmem:s25+$0x4E80] =	vst v0  }
0x22: {  	[spmem:s5] =	stream.linear.scatter [tilespmem:s17], [sflag:$0x3], $0x2800, $0x38;
	[tilespmem:$0x1DE20] =	vst v63  }
0x23: {  	_ =	swait.ge [sflag:s18], $0x2800  }
0x24: {  	[sflag:s18] =	ssyncset.done $0x0  }
0x25: {  	[sflag:s18] =	ssyncadd.s32 $0xFFFFD800  }
0x26: {  	[spmem:s6] =	stream.linear.scatter [tilespmem:s17], [sflag:$0x3], $0x2800, $0x38;
	[tilespmem:$0x1DE20] =	vst v63  }
0x27: {  	_ =	swait.ge [sflag:s18], $0x2800  }
0x28: {  	[sflag:s18] =	ssyncset.done $0x0  }
0x29: {  	[sflag:s18] =	ssyncadd.s32 $0xFFFFD800  }
0x2a: {  	[spmem:s7] =	stream.linear.scatter [tilespmem:s17], [sflag:$0x3], $0x2800, $0x38;
	[tilespmem:$0x1DE20] =	vst v63  }
0x2b: {  	_ =	swait.ge [sflag:s18], $0x2800  }
0x2c: {  	[sflag:s18] =	ssyncset.done $0x0  }
0x2d: {  	[sflag:s18] =	ssyncadd.s32 $0xFFFFD800  }
0x2e: {  	[spmem:s8] =	stream.linear.scatter [tilespmem:s17], [sflag:$0x3], $0x2800, $0x38;
	[tilespmem:$0x1DE20] =	vst v63  }
0x2f: {  	_ =	swait.ge [sflag:s18], $0x2800  }
0x30: {  	[sflag:s18] =	ssyncset.done $0x0  }
0x31: {  	[sflag:s18] =	ssyncadd.s32 $0xFFFFD800  }
0x32: {  	[spmem:s9] =	stream.linear.scatter [tilespmem:s17], [sflag:$0x3], $0x2800, $0x38;
	[tilespmem:$0x1DE20] =	vst v63  }
0x33: {  	_ =	swait.ge [sflag:s18], $0x2800  }
0x34: {  	[sflag:s18] =	ssyncset.done $0x0  }
0x35: {  	[sflag:s18] =	ssyncadd.s32 $0xFFFFD800  }
0x36: {  	[spmem:s10] =	stream.linear.scatter [tilespmem:s17], [sflag:$0x3], $0x2800, $0x38;
	[tilespmem:$0x1DE20] =	vst v63  }
0x37: {  	_ =	swait.ge [sflag:s18], $0x2800  }
0x38: {  	[sflag:s18] =	ssyncset.done $0x0  }
0x39: {  	[sflag:s18] =	ssyncadd.s32 $0xFFFFD800  }
0x3a: {  	[spmem:s11] =	stream.linear.scatter [tilespmem:s17], [sflag:$0x3], $0x2800, $0x38;
	[tilespmem:$0x1DE20] =	vst v63  }
0x3b: {  	_ =	swait.ge [sflag:s18], $0x2800  }
0x3c: {  	[sflag:s18] =	ssyncset.done $0x0  }
0x3d: {  	[sflag:s18] =	ssyncadd.s32 $0xFFFFD800  }
0x3e: {  	[spmem:s12] =	stream.linear.scatter [tilespmem:s17], [sflag:$0x3], $0x2800, $0x38;
	[tilespmem:$0x1DE20] =	vst v63  }
0x3f: {  	_ =	swait.ge [sflag:s18], $0x2800  }
0x40: {  	[sflag:s18] =	ssyncset.done $0x0  }
0x41: {  	[sflag:s18] =	ssyncadd.s32 $0xFFFFD800  }
0x42: {  	s26 =	simm.s32 $0x0;
	[bflag:$0x0] =	sbarrier.arrive $0xFFFF  }
0x43: {  	[tilespmem:s26], [sflag:$0x3] =	stream.linear.gather [hbm4b:s13+s26], $0x2710, $0x38;
	[tilespmem:$0x1DE20] =	vst v63  }
0x44: {  	_ =	swait.ge [sflag:s18], $0x2710  }
0x45: {  	[sflag:s18] =	ssyncset.done $0x0  }
0x46: {  	[sflag:s18] =	ssyncadd.s32 $0xFFFFD8F0  }
0x47: {  	[tilespmem:s19], [sflag:$0x3] =	stream.linear.gather [hbm4b:s14+s26], $0x2710, $0x38;
	[tilespmem:$0x1DE20] =	vst v63  }
0x48: {  	_ =	swait.ge [sflag:s18], $0x2710  }
0x49: {  	[sflag:s18] =	ssyncset.done $0x0  }
0x4a: {  	[sflag:s18] =	ssyncadd.s32 $0xFFFFD8F0  }
0x4b: {  	[tilespmem:s17], [sflag:$0x1] =	stream.indirect.gather [hbm4b:s4+s20], $0x80, s26, s20, $0xb8;
	[tilespmem:$0x1DE20] =	vst v63  }
0x4c: {  	_ =	swait.ge [sflag:s21], $0x2800  }
0x4d: {  	[sflag:s21] =	ssyncset.done $0x0  }
0x4e: {  	s28 =	simm.s32 $0x50;
	[sflag:s21] =	ssyncadd.s32 $0xFFFFD800  }
0x4f: {  	[tilespmem:s22], [sflag:$0x2] =	stream.indirect.gather [hbm4b:s4+s20], $0x80, s28, s20, $0xb8;
	[tilespmem:$0x1DE20] =	vst v63  }
0x50: {  	s29 =	simm.s32 $0x2710  }
0x51: {  	[spmem:s2] =	stream.indirect.scatter.add.f32 [tilespmem:s17], [sflag:$0x3], $0x80, s29, s20, $0xb8;
	[tilespmem:$0x1DE20] =	vst v63  }
0x52: {  	_ =	swait.ge [sflag:s18], $0x2800  }
0x53: {  	[sflag:s18] =	ssyncset.done $0x0  }
0x54: {  	[sflag:s18] =	ssyncadd.s32 $0xFFFFD800  }
0x55: {  	_ =	swait.ge [sflag:s23], $0x2800  }
0x56: {  	[sflag:s23] =	ssyncset.done $0x0  }
0x57: {  	s30 =	simm.s32 $0xA0;
	[sflag:s23] =	ssyncadd.s32 $0xFFFFD800  }
0x58: {  	[tilespmem:s17], [sflag:$0x1] =	stream.indirect.gather [hbm4b:s4+s20], $0x80, s30, s20, $0xb8;
	[tilespmem:$0x1DE20] =	vst v63  }
0x59: {  	s31 =	simm.s32 $0x2760  }
0x5a: {  	[spmem:s2] =	stream.indirect.scatter.add.f32 [tilespmem:s22], [sflag:$0x3], $0x80, s31, s20, $0xb8;
	[tilespmem:$0x1DE20] =	vst v63  }
0x5b: {  	_ =	swait.ge [sflag:s18], $0x2800  }
0x5c: {  	s25 =	simm.s32 $0x280;
	[sflag:s18] =	ssyncset.done $0x0  }
.LBB2_4:
0x5d: {  	p0 =	sne.s32 s25, $0x9880  }
0x5e: {  	[sflag:s18] =	ssyncadd.s32 $0xFFFFD800;
	s26 =	smov.u32 s25;
	s25 =	sadd.s32 $0x280, s25  }
0x5f: {  	_ = 	snop  }
0x60: {  	_ =	swait.ge [sflag:s21], $0x2800  }
0x61: {  	s26 =	sshra.s32 s26, $0x2;
	[sflag:s21] =	ssyncset.done $0x0  }
0x62: {  	s28 =	sadd.s32 $0x50, s26;
	[sflag:s21] =	ssyncadd.s32 $0xFFFFD800  }
0x63: {  	[tilespmem:s22], [sflag:$0x2] =	stream.indirect.gather [hbm4b:s4+s20], $0x80, s28, s20, $0xb8;
	[tilespmem:$0x1DE20] =	vst v63  }
0x64: {  	s28 =	sadd.s32 $0x2710, s26  }
0x65: {  	[spmem:s2] =	stream.indirect.scatter.add.f32 [tilespmem:s17], [sflag:$0x3], $0x80, s28, s20, $0xb8;
	[tilespmem:$0x1DE20] =	vst v63  }
0x66: {  	_ =	swait.ge [sflag:s18], $0x2800  }
0x67: {  	[sflag:s18] =	ssyncset.done $0x0  }
0x68: {  	[sflag:s18] =	ssyncadd.s32 $0xFFFFD800  }
0x69: {  	_ =	swait.ge [sflag:s23], $0x2800  }
0x6a: {  	[sflag:s23] =	ssyncset.done $0x0  }
0x6b: {  	s28 =	sadd.s32 $0xA0, s26;
	[sflag:s23] =	ssyncadd.s32 $0xFFFFD800  }
0x6c: {  	[tilespmem:s17], [sflag:$0x1] =	stream.indirect.gather [hbm4b:s4+s20], $0x80, s28, s20, $0xb8;
	[tilespmem:$0x1DE20] =	vst v63  }
.Ltmp1:
0x6d: {  	_ = 	snop;
	(pc) =	sbr.rel @p0 .LBB2_4-.Ltmp1, $4  }
0x6e: {  	s26 =	sadd.s32 $0x2760, s26  }
0x6f: {  	[spmem:s2] =	stream.indirect.scatter.add.f32 [tilespmem:s22], [sflag:$0x3], $0x80, s26, s20, $0xb8;
	[tilespmem:$0x1DE20] =	vst v63  }
0x70: {  	_ =	swait.ge [sflag:s18], $0x2800  }
0x71: {  	[sflag:s18] =	ssyncset.done $0x0  }
0x72: {  	[sflag:s18] =	ssyncadd.s32 $0xFFFFD800  }
0x73: {  	_ =	swait.ge [sflag:s21], $0x2800  }
0x74: {  	[sflag:s21] =	ssyncset.done $0x0  }
0x75: {  	[sflag:s21] =	ssyncadd.s32 $0xFFFFD800  }
0x76: {  	[spmem:s2] =	stream.indirect.scatter.add.f32 [tilespmem:s17], [sflag:$0x3], $0x80, s24, s20, $0xb8;
	[tilespmem:$0x1DE20] =	vst v63  }
0x77: {  	_ =	swait.ge [sflag:s18], $0x2800  }
0x78: {  	s25 =	sshll.u32 s0, $0x6;
	s3 =	sadd.s32 $0x1, s3;
	[sflag:s18] =	ssyncset.done $0x0  }
0x79: {  	s26 =	sshrl.u32 s5, $0x3;
	p0 =	sne.s32 s3, s16;
	[sflag:s18] =	ssyncadd.s32 $0xFFFFD800  }
.Ltmp2:
0x7a: {  	s25 =	sor.u32 $0x1C03, s25;
	[bflag:$0x0] =	sbarrier.arrive $0xFFFF;
	(pc) =	sbr.rel @p0 .LBB2_1-.Ltmp2, $4  }
0x7b: {  	[hbm:s15], [sflag:s25] =	dma.local [spmem:s26], $0x2800  }
0x7c: {  	_ =	swait.ge [sflag:s18], $0x2800  }
0x7d: {  	[sflag:s18] =	ssyncset.done $0x0  }
0x7e: {  	[sflag:s18] =	ssyncadd.s32 $0xFFFFD800  }
0x7f: {  	_ =	sfence.sel $0x180000  }
0x80: {  	[bflag:$0x0] =	sbarrier.arrive $0xFFFF  }
0x81: {  	p0 =	sne.s32 s0, $0x0;
	_ =	strace $0x90000050  }
0x82: {  	s0 =	sadd.s32 @!p0 $0x100000, s1;
	[bflag:$0x2] =	sbarrier.arrive $0xFFFF  }
0x83: {  	[sflag:s0] =	ssyncadd.tile.s32 @!p0 $0x1;
	_ =	shalt  }
.Lfunc_end2:
_tile_overlayer_lowered:
.L_overlay_start_2:
0x84: {  	(tag) =	ssettag $0x2  }
0x85: {  	s0 =	rddreg [dreg:$0x0];
	s2 =	stileid.u32  }
0x86: {  	s1 =	rddreg [dreg:$0x1];
	p0 =	sne.s32 s2, $0x0  }
0x87: {  	s3 =	rddreg [dreg:$0x2];
	[bflag:$0x3] =	sbarrier.arrive $0xFFFF;
	s2 =	simm.s32 @!p0 $0x1C03  }
0x88: {  	[timem:s3], [sflag:s2] =	dma.local @!p0 [hbm:s0], s1  }
0x89: {  	s0 =	simm.s32 @!p0 $0x3  }
0x8a: {  	_ =	swait.ge @!p0 [sflag:s0], s1  }
0x8b: {  	s1 =	ssub.s32 @!p0 $0x0, s1;
	[sflag:s0] =	ssyncset.done @!p0 $0x0  }
0x8c: {  	[sflag:s0] =	ssyncadd.s32 @!p0 s1  }
0x8d: {  	[bflag:$0x3] =	sbarrier.arrive $0xFFFF  }
0x8e: {  	_ =	shalt  }

</sc_bundles>
